<compile_context>
chip_gen: v7x
topology: tpu7x:2x2x1
jax: 0.10.2.dev20260603
libtpu: 0.0.44.dev20260713+nightly
codegen_flags: <defaults>
</compile_context>

<pallas_src>
import functools

import jax
import jax.numpy as jnp
from jax import lax
from jax.experimental import pallas as pl
from jax.experimental.pallas import tpu as pltpu
from jax.experimental.pallas import tpu_sc as plsc

N = 10000
E = 320000
D = 128
H = 8
C = 16
OUT = 128
NCLS = 10

RW = 144
EB = 80
NWORK = 32
EW = E // NWORK
NB = EW // EB
NCH = N // EB
BLK = 1000
G = N // BLK

_f32 = jnp.float32



@functools.lru_cache(maxsize=None)
def _edge_pass(heads):
    mesh = plsc.VectorSubcoreMesh(core_axis_name="c", subcore_axis_name="s",
                                  num_cores=2, num_subcores=16)

    @functools.partial(
        pl.kernel,
        out_type=jax.ShapeDtypeStruct((2 * N, RW), _f32),
        mesh=mesh,
        scratch_types=[
            pltpu.VMEM((EB,), jnp.int32),
            pltpu.VMEM((EB,), jnp.int32),
            pltpu.VMEM((EB, RW), _f32),
            pltpu.VMEM((EB, 16), _f32),
            pltpu.VMEM((EB,), jnp.int32),
            pltpu.VMEM((EB,), jnp.int32),
            pltpu.VMEM((EB, RW), _f32),
            pltpu.VMEM((EB, 16), _f32),
            pltpu.VMEM((EB, RW), _f32),
            pltpu.VMEM_SHARED((N, RW), _f32),
            pltpu.SemaphoreType.DMA,
            pltpu.SemaphoreType.DMA,
        ],
        compiler_params=pltpu.CompilerParams(use_tc_tiling_on_sc=False),
    )
    def fn(x_hbm, adn_hbm, src_hbm, dst_hbm, out_hbm,
           srcA, dstA, xrA, adA, srcB, dstB, xrB, adB,
           msg, acc, semA, semB):
        cid = lax.axis_index("c")
        sid = lax.axis_index("s")
        wid = sid * 2 + cid

        def zrow(i, _):
            for j in range(RW // 16):
                msg[i, pl.ds(j * 16, 16)] = jnp.zeros((16,), _f32)
            return 0
        lax.fori_loop(0, EB, zrow, 0)

        for k in range(-(-NCH // 16)):
            cidx = k * 16 + sid

            @pl.when(cidx < NCH)
            def _(cidx=cidx):
                st = pl.multiple_of(cidx * EB, EB)
                pltpu.sync_copy(msg, acc.at[pl.ds(st, EB)])
        plsc.subcore_barrier()

        ebase = wid * EW

        def issue(b, srcv, dstv, xrows, adnrows, sem):
            base = pl.multiple_of(ebase + b * EB, EB)
            pltpu.sync_copy(src_hbm.at[pl.ds(base, EB)], srcv)
            pltpu.sync_copy(dst_hbm.at[pl.ds(base, EB)], dstv)
            pltpu.async_copy(x_hbm.at[srcv], xrows, sem)
            pltpu.async_copy(adn_hbm.at[dstv], adnrows, sem)

        def compute(xrows, adnrows, msg):
            def edge(i, _):
                al = xrows[i, pl.ds(128, 16)] + adnrows[i, :]
                ex = jnp.exp(jnp.maximum(al, 0.2 * al))
                msg[i, pl.ds(128, 16)] = ex
                if heads == 8:
                    for hh in range(8):
                        co = jnp.broadcast_to(ex[hh], (16,))
                        msg[i, pl.ds(hh * 16, 16)] = (
                            xrows[i, pl.ds(hh * 16, 16)] * co)
                else:
                    co = jnp.broadcast_to(ex[0], (16,))
                    for hh in range(8):
                        msg[i, pl.ds(hh * 16, 16)] = (
                            xrows[i, pl.ds(hh * 16, 16)] * co)
                return 0

            lax.fori_loop(0, EB, edge, 0)

        def wait_gather(srcv, dstv, xrows, adnrows, sem):
            pltpu.make_async_copy(x_hbm.at[srcv], xrows, sem).wait()
            pltpu.make_async_copy(adn_hbm.at[dstv], adnrows, sem).wait()

        def scatter(msg, dstv):
            pltpu.sync_copy(msg, acc.at[dstv], add=True)

        issue(0, srcA, dstA, xrA, adA, semA)

        def pair(p, _):
            issue(2 * p + 1, srcB, dstB, xrB, adB, semB)
            wait_gather(srcA, dstA, xrA, adA, semA)
            compute(xrA, adA, msg)
            scatter(msg, dstA)
            issue(2 * p + 2, srcA, dstA, xrA, adA, semA)
            wait_gather(srcB, dstB, xrB, adB, semB)
            compute(xrB, adB, msg)
            scatter(msg, dstB)
            return 0

        lax.fori_loop(0, (NB - 1) // 2, pair, 0)
        wait_gather(srcA, dstA, xrA, adA, semA)
        compute(xrA, adA, msg)
        scatter(msg, dstA)
        plsc.subcore_barrier()

        for k in range(-(-NCH // 16)):
            cidx = k * 16 + sid

            @pl.when(cidx < NCH)
            def _(cidx=cidx):
                st = pl.multiple_of(cidx * EB, EB)
                so = pl.multiple_of(cid * N + cidx * EB, EB)
                pltpu.sync_copy(acc.at[pl.ds(st, EB)],
                                out_hbm.at[pl.ds(so, EB)])

    return fn



def _dot(a, b):
    return jnp.dot(a, b, preferred_element_type=_f32)


def _dense0(h, W_emb, b_emb, W0, A0x, A0d):
    def body(h_ref, we_ref, be_ref, w0_ref, ax_ref, ad_ref,
             h1_ref, x0_ref, adn_ref):
        h1 = _dot(h_ref[...], we_ref[...]) + be_ref[...]
        x0 = _dot(h1, w0_ref[...])
        h1_ref[...] = h1
        x0_ref[...] = jnp.concatenate([x0, _dot(x0, ax_ref[...])], axis=1)
        adn_ref[...] = _dot(x0, ad_ref[...])

    return pl.pallas_call(
        body, grid=(G,),
        in_specs=[
            pl.BlockSpec((BLK, 128), lambda i: (i, 0)),
            pl.BlockSpec((128, 128), lambda i: (0, 0)),
            pl.BlockSpec((1, 128), lambda i: (0, 0)),
            pl.BlockSpec((128, 128), lambda i: (0, 0)),
            pl.BlockSpec((128, 16), lambda i: (0, 0)),
            pl.BlockSpec((128, 16), lambda i: (0, 0)),
        ],
        out_specs=[
            pl.BlockSpec((BLK, 128), lambda i: (i, 0)),
            pl.BlockSpec((BLK, RW), lambda i: (i, 0)),
            pl.BlockSpec((BLK, 16), lambda i: (i, 0)),
        ],
        out_shape=[
            jax.ShapeDtypeStruct((N, 128), _f32),
            jax.ShapeDtypeStruct((N, RW), _f32),
            jax.ShapeDtypeStruct((N, 16), _f32),
        ],
    )(h, W_emb, b_emb, W0, A0x, A0d)


def _combine(P, SEL, b, heads):
    def body(p0_ref, p1_ref, sel_ref, b_ref, out_ref, st_ref):
        i = pl.program_id(0)
        acc = p0_ref[...] + p1_ref[...]
        if heads == 8:
            den = acc[:, 128:136]
            rec = jnp.where(den > 0, 1.0 / den, 0.0)
            full = _dot(rec, sel_ref[...])
        else:
            den = acc[:, 128:129]
            full = jnp.where(den > 0, 1.0 / den, 0.0)
        t = acc[:, :128] * full + b_ref[...]
        out_ref[...] = t
        s1 = jnp.sum(t, axis=0, keepdims=True)
        s2 = jnp.sum(t * t, axis=0, keepdims=True)
        st = jnp.concatenate([s1, s2, jnp.zeros((6, 128), _f32)], axis=0)

        @pl.when(i == 0)
        def _():
            st_ref[...] = st

        @pl.when(i > 0)
        def _():
            st_ref[...] += st

    return pl.pallas_call(
        body, grid=(G,),
        in_specs=[
            pl.BlockSpec((BLK, RW), lambda i: (i, 0)),
            pl.BlockSpec((BLK, RW), lambda i: (i + G, 0)),
            pl.BlockSpec((8, 128), lambda i: (0, 0)),
            pl.BlockSpec((1, 128), lambda i: (0, 0)),
        ],
        out_specs=[
            pl.BlockSpec((BLK, 128), lambda i: (i, 0)),
            pl.BlockSpec((8, 128), lambda i: (0, 0)),
        ],
        out_shape=[
            jax.ShapeDtypeStruct((N, 128), _f32),
            jax.ShapeDtypeStruct((8, 128), _f32),
        ],
    )(P, P, SEL, b)


def _apply(out0, stats, g, bt, hin, W, AX, AD):
    def body(o_ref, st_ref, g_ref, bt_ref, hin_ref, w_ref, ax_ref, ad_ref,
             h2_ref, x_ref, adn_ref):
        mu = st_ref[0:1, :] * (1.0 / N)
        var = st_ref[1:2, :] * (1.0 / N) - mu * mu
        t = (o_ref[...] - mu) * lax.rsqrt(var + 1e-5) * g_ref[...] + bt_ref[...]
        t = jnp.where(t > 0, t, jnp.exp(jnp.minimum(t, 0.0)) - 1.0)
        h2 = hin_ref[...] + t
        x1 = _dot(h2, w_ref[...])
        h2_ref[...] = h2
        x_ref[...] = jnp.concatenate([x1, _dot(x1, ax_ref[...])], axis=1)
        adn_ref[...] = _dot(x1, ad_ref[...])

    return pl.pallas_call(
        body, grid=(G,),
        in_specs=[
            pl.BlockSpec((BLK, 128), lambda i: (i, 0)),
            pl.BlockSpec((8, 128), lambda i: (0, 0)),
            pl.BlockSpec((1, 128), lambda i: (0, 0)),
            pl.BlockSpec((1, 128), lambda i: (0, 0)),
            pl.BlockSpec((BLK, 128), lambda i: (i, 0)),
            pl.BlockSpec((128, 128), lambda i: (0, 0)),
            pl.BlockSpec((128, 16), lambda i: (0, 0)),
            pl.BlockSpec((128, 16), lambda i: (0, 0)),
        ],
        out_specs=[
            pl.BlockSpec((BLK, 128), lambda i: (i, 0)),
            pl.BlockSpec((BLK, RW), lambda i: (i, 0)),
            pl.BlockSpec((BLK, 16), lambda i: (i, 0)),
        ],
        out_shape=[
            jax.ShapeDtypeStruct((N, 128), _f32),
            jax.ShapeDtypeStruct((N, RW), _f32),
            jax.ShapeDtypeStruct((N, 16), _f32),
        ],
    )(out0, stats, g, bt, hin, W, AX, AD)


def _final(out1, stats, g, bt, hin, Wm_pad, bm_pad):
    def body(o_ref, st_ref, g_ref, bt_ref, hin_ref, wm_ref, bm_ref, lg_ref):
        mu = st_ref[0:1, :] * (1.0 / N)
        var = st_ref[1:2, :] * (1.0 / N) - mu * mu
        t = (o_ref[...] - mu) * lax.rsqrt(var + 1e-5) * g_ref[...] + bt_ref[...]
        t = jnp.where(t > 0, t, jnp.exp(jnp.minimum(t, 0.0)) - 1.0)
        h3 = hin_ref[...] + t
        lg_ref[...] = _dot(h3, wm_ref[...]) + bm_ref[...]

    return pl.pallas_call(
        body, grid=(G,),
        in_specs=[
            pl.BlockSpec((BLK, 128), lambda i: (i, 0)),
            pl.BlockSpec((8, 128), lambda i: (0, 0)),
            pl.BlockSpec((1, 128), lambda i: (0, 0)),
            pl.BlockSpec((1, 128), lambda i: (0, 0)),
            pl.BlockSpec((BLK, 128), lambda i: (i, 0)),
            pl.BlockSpec((128, 128), lambda i: (0, 0)),
            pl.BlockSpec((1, 128), lambda i: (0, 0)),
        ],
        out_specs=pl.BlockSpec((BLK, 128), lambda i: (i, 0)),
        out_shape=jax.ShapeDtypeStruct((N, 128), _f32),
    )(out1, stats, g, bt, hin, Wm_pad, bm_pad)



def kernel(h, edge_index, e, W_emb, b_emb, W0, as0, ad0, b0, g0, bt0,
           W1, as1, ad1, b1, g1, bt1, Wm, bm):
    src = edge_index[0].astype(jnp.int32)
    dst = edge_index[1].astype(jnp.int32)

    eyeH = jnp.eye(H, dtype=_f32)
    As0 = (as0[:, :, None] * eyeH[:, None, :]).reshape(H * C, H)
    Ad0 = (ad0[:, :, None] * eyeH[:, None, :]).reshape(H * C, H)
    A0x = jnp.concatenate([As0, Ad0], axis=1)
    A0d = jnp.concatenate([Ad0, As0], axis=1)
    z14 = jnp.zeros((OUT, 14), _f32)
    A1x = jnp.concatenate([as1.T, ad1.T, z14], axis=1)
    A1d = jnp.concatenate([ad1.T, as1.T, z14], axis=1)
    SEL = jnp.repeat(jnp.eye(H, dtype=_f32), C, axis=1)
    Wm_pad = jnp.zeros((OUT, 128), _f32).at[:, :NCLS].set(Wm)
    bm_pad = jnp.zeros((1, 128), _f32).at[0, :NCLS].set(bm)

    h1, X0, ADN0 = _dense0(h, W_emb, b_emb.reshape(1, 128), W0, A0x, A0d)
    P0 = _edge_pass(8)(X0, ADN0, src, dst)
    out0, st0 = _combine(P0, SEL, b0.reshape(1, 128), 8)
    h2, X1, ADN1 = _apply(out0, st0, g0.reshape(1, 128), bt0.reshape(1, 128),
                          h1, W1, A1x, A1d)
    P1 = _edge_pass(1)(X1, ADN1, src, dst)
    out1, st1 = _combine(P1, SEL, b1.reshape(1, 128), 1)
    lg = _final(out1, st1, g1.reshape(1, 128), bt1.reshape(1, 128),
                h2, Wm_pad, bm_pad)
    return lg[:, :NCLS]

# --- scband reference (transcript-rebuilt; emitter-appended) ---
"""Pipeline reference for scband-gatnet-pyg-62088047231388 (READ-ONLY COPY).

The authoritative reference and input builder live on the scoring server;
editing this copy changes nothing except your own understanding.
"""

import jax, jax.numpy as jnp
import numpy as np

N = 10000
E = 320000
D = 128
H = 8
C = 16
OUT = 128
NC = 10


def setup_inputs(seed: int = 0) -> dict:
    key = jax.random.key(seed)
    ks = jax.random.split(key, 24)
    inp = {}
    inp["h"] = jax.random.normal(ks[0], (N, D), dtype=jnp.float32)
    inp["edge_index"] = jax.random.randint(ks[1], (2, E), 0, N)
    inp["e"] = jax.random.normal(ks[2], (E, 4), dtype=jnp.float32)
    s = 1.0 / np.sqrt(D)
    inp["W_emb"] = jax.random.uniform(ks[3], (D, H * C), jnp.float32, -s, s)
    inp["b_emb"] = jax.random.uniform(ks[4], (H * C,), jnp.float32, -s, s)
    # GAT layer 0: in=128, heads=8, out_per_head=16
    inp["W0"] = jax.random.normal(ks[5], (H * C, H * C), dtype=jnp.float32) * s
    inp["as0"] = jax.random.normal(ks[6], (H, C), dtype=jnp.float32) * s
    inp["ad0"] = jax.random.normal(ks[7], (H, C), dtype=jnp.float32) * s
    inp["b0"] = jnp.zeros((H * C,), dtype=jnp.float32)
    inp["g0"] = jnp.ones((H * C,), dtype=jnp.float32)
    inp["bt0"] = jnp.zeros((H * C,), dtype=jnp.float32)
    # GAT layer 1: in=128, heads=1, out_per_head=128
    inp["W1"] = jax.random.normal(ks[8], (H * C, OUT), dtype=jnp.float32) * s
    inp["as1"] = jax.random.normal(ks[9], (1, OUT), dtype=jnp.float32) * s
    inp["ad1"] = jax.random.normal(ks[10], (1, OUT), dtype=jnp.float32) * s
    inp["b1"] = jnp.zeros((OUT,), dtype=jnp.float32)
    inp["g1"] = jnp.ones((OUT,), dtype=jnp.float32)
    inp["bt1"] = jnp.zeros((OUT,), dtype=jnp.float32)
    so = 1.0 / np.sqrt(OUT)
    inp["Wm"] = jax.random.uniform(ks[11], (OUT, NC), jnp.float32, -so, so)
    inp["bm"] = jax.random.uniform(ks[12], (NC,), jnp.float32, -so, so)
    return inp


def _gat_layer(h, edge_index, W, a_src, a_dst, b, heads, ch):
    n = h.shape[0]
    x = (h @ W).reshape(n, heads, ch)
    alpha_src = (x * a_src[None]).sum(-1)  # [N, H]
    alpha_dst = (x * a_dst[None]).sum(-1)  # [N, H]
    src = edge_index[0]
    dst = edge_index[1]
    alpha = alpha_src[src] + alpha_dst[dst]  # [E, H]
    alpha = jax.nn.leaky_relu(alpha, 0.2)
    m = jax.ops.segment_max(alpha, dst, num_segments=n)
    m = jnp.where(jnp.isfinite(m), m, 0.0)
    ex = jnp.exp(alpha - m[dst])
    ssum = jax.ops.segment_sum(ex, dst, num_segments=n)
    coef = ex / (ssum[dst] + 1e-16)
    msg = x[src] * coef[..., None]  # [E, H, C]
    out = jax.ops.segment_sum(msg, dst, num_segments=n)
    return out.reshape(n, heads * ch) + b


def _bn(h, g, b):
    mu = h.mean(0)
    var = h.var(0)
    return (h - mu) / jnp.sqrt(var + 1e-5) * g + b


def reference(h, edge_index, e, W_emb, b_emb, W0, as0, ad0, b0, g0, bt0, W1, as1, ad1, b1, g1, bt1, Wm, bm):
    # embedding_h (dropout p=0 is identity; pos_enc disabled)
    h = h @ W_emb + b_emb
    # layer 0
    h_in = h
    h = _gat_layer(h, edge_index, W0, as0, ad0, b0, H, C)
    h = _bn(h, g0, bt0)
    h = jax.nn.elu(h)
    h = h_in + h
    # layer 1 (heads=1)
    h_in = h
    h = _gat_layer(h, edge_index, W1, as1, ad1, b1, 1, OUT)
    h = _bn(h, g1, bt1)
    h = jax.nn.elu(h)
    h = h_in + h
    # MLP readout
    return h @ Wm + bm

if __name__ == "__main__":
    import jax
    _d = setup_inputs()
    print(jax.jit(kernel)(*tuple(_d.values())))

</pallas_src>

<mosaic_0001>
#map = affine_map<(d0, d1) -> (0, 0)>
#map1 = affine_map<(d0, d1) -> (0)>
module attributes {stable_mosaic.version = 14 : i64} {
  func.func @fn(%arg0: i32, %arg1: i32, %arg2: memref<10000x144xf32, #tpu.memory_space<hbm>>, %arg3: memref<10000x16xf32, #tpu.memory_space<hbm>>, %arg4: memref<320000xi32, #tpu.memory_space<hbm>>, %arg5: memref<320000xi32, #tpu.memory_space<hbm>>, %arg6: memref<20000x144xf32, #tpu.memory_space<hbm>>, %arg7: memref<80xi32, #tpu.memory_space<vmem>>, %arg8: memref<80xi32, #tpu.memory_space<vmem>>, %arg9: memref<80x144xf32, #tpu.memory_space<vmem>>, %arg10: memref<80x16xf32, #tpu.memory_space<vmem>>, %arg11: memref<80xi32, #tpu.memory_space<vmem>>, %arg12: memref<80xi32, #tpu.memory_space<vmem>>, %arg13: memref<80x144xf32, #tpu.memory_space<vmem>>, %arg14: memref<80x16xf32, #tpu.memory_space<vmem>>, %arg15: memref<80x144xf32, #tpu.memory_space<vmem>>, %arg16: memref<10000x144xf32, #tpu.memory_space<vmem_shared>>, %arg17: memref<!tpu.dma_semaphore, #tpu.memory_space<semaphore_mem>>, %arg18: memref<!tpu.dma_semaphore, #tpu.memory_space<semaphore_mem>>) attributes {dimension_semantics = [#tpu.dimension_semantics<core_parallel>, #tpu.dimension_semantics<subcore_parallel>], iteration_bounds = array<i64: 2, 16>, scalar_prefetch = 0 : i64, scratch_operands = 12 : i64, tpu.core_type = #tpu.core_type<sc_vector_subcore>, window_params = [{transform_indices = #map}, {transform_indices = #map}, {transform_indices = #map1}, {transform_indices = #map1}, {transform_indices = #map}]} {
    %mul3A = arith.constant 2 : i32
    %mul3A_0 = arith.muli %arg1, %mul3A : i32
    %add3A = arith.addi %mul3A_0, %arg0 : i32
    %scan3A = arith.constant 0 : i32
    %scan3A_1 = arith.constant 0 : i32
    %scan3A_2 = arith.constant 80 : i32
    %scan3A_3 = arith.addi %scan3A_1, %scan3A_2 : i32
    %scan3A_4 = arith.constant 1 : i32
    %scan3A_5 = scf.for %scan3A_145 = %scan3A_1 to %scan3A_3 step %scan3A_4 iter_args(%scan3A_146 = %scan3A) -> (i32)  : i32 {
      %broadcast_in_dim3A = arith.constant 0.000000e+00 : f32
      %broadcast_in_dim3A_147 = vector.broadcast %broadcast_in_dim3A : f32 to vector<16xf32>
      %swap3A = arith.index_cast %scan3A_145 : i32 to index
      %swap3A_148 = arith.constant 0 : index
      %swap3A_149 = tpu.vector_load %arg15[%swap3A, %swap3A_148] {strides = array<i32>} : memref<80x144xf32, #tpu.memory_space<vmem>>, vector<1x16xf32>,
      %swap3A_150 = vector.shape_cast %swap3A_149 : vector<1x16xf32> to vector<16xf32>
      %swap3A_151 = vector.shape_cast %broadcast_in_dim3A_147 : vector<16xf32> to vector<1x16xf32>
      tpu.vector_store %arg15[%swap3A, %swap3A_148], %swap3A_151 {strides = array<i32>} : memref<80x144xf32, #tpu.memory_space<vmem>>, vector<1x16xf32>,
      %broadcast_in_dim3A_152 = arith.constant 0.000000e+00 : f32
      %broadcast_in_dim3A_153 = vector.broadcast %broadcast_in_dim3A_152 : f32 to vector<16xf32>
      %swap3A_154 = arith.index_cast %scan3A_145 : i32 to index
      %swap3A_155 = arith.constant 16 : index
      %swap3A_156 = tpu.vector_load %arg15[%swap3A_154, %swap3A_155] {strides = array<i32>} : memref<80x144xf32, #tpu.memory_space<vmem>>, vector<1x16xf32>,
      %swap3A_157 = vector.shape_cast %swap3A_156 : vector<1x16xf32> to vector<16xf32>
      %swap3A_158 = vector.shape_cast %broadcast_in_dim3A_153 : vector<16xf32> to vector<1x16xf32>
      tpu.vector_store %arg15[%swap3A_154, %swap3A_155], %swap3A_158 {strides = array<i32>} : memref<80x144xf32, #tpu.memory_space<vmem>>, vector<1x16xf32>,
      %broadcast_in_dim3A_159 = arith.constant 0.000000e+00 : f32
      %broadcast_in_dim3A_160 = vector.broadcast %broadcast_in_dim3A_159 : f32 to vector<16xf32>
      %swap3A_161 = arith.index_cast %scan3A_145 : i32 to index
      %swap3A_162 = arith.constant 32 : index
      %swap3A_163 = tpu.vector_load %arg15[%swap3A_161, %swap3A_162] {strides = array<i32>} : memref<80x144xf32, #tpu.memory_space<vmem>>, vector<1x16xf32>,
      %swap3A_164 = vector.shape_cast %swap3A_163 : vector<1x16xf32> to vector<16xf32>
      %swap3A_165 = vector.shape_cast %broadcast_in_dim3A_160 : vector<16xf32> to vector<1x16xf32>
      tpu.vector_store %arg15[%swap3A_161, %swap3A_162], %swap3A_165 {strides = array<i32>} : memref<80x144xf32, #tpu.memory_space<vmem>>, vector<1x16xf32>,
      %broadcast_in_dim3A_166 = arith.constant 0.000000e+00 : f32
      %broadcast_in_dim3A_167 = vector.broadcast %broadcast_in_dim3A_166 : f32 to vector<16xf32>
      %swap3A_168 = arith.index_cast %scan3A_145 : i32 to index
      %swap3A_169 = arith.constant 48 : index
      %swap3A_170 = tpu.vector_load %arg15[%swap3A_168, %swap3A_169] {strides = array<i32>} : memref<80x144xf32, #tpu.memory_space<vmem>>, vector<1x16xf32>,
      %swap3A_171 = vector.shape_cast %swap3A_170 : vector<1x16xf32> to vector<16xf32>
      %swap3A_172 = vector.shape_cast %broadcast_in_dim3A_167 : vector<16xf32> to vector<1x16xf32>
      tpu.vector_store %arg15[%swap3A_168, %swap3A_169], %swap3A_172 {strides = array<i32>} : memref<80x144xf32, #tpu.memory_space<vmem>>, vector<1x16xf32>,
      %broadcast_in_dim3A_173 = arith.constant 0.000000e+00 : f32
      %broadcast_in_dim3A_174 = vector.broadcast %broadcast_in_dim3A_173 : f32 to vector<16xf32>
      %swap3A_175 = arith.index_cast %scan3A_145 : i32 to index
      %swap3A_176 = arith.constant 64 : index
      %swap3A_177 = tpu.vector_load %arg15[%swap3A_175, %swap3A_176] {strides = array<i32>} : memref<80x144xf32, #tpu.memory_space<vmem>>, vector<1x16xf32>,
      %swap3A_178 = vector.shape_cast %swap3A_177 : vector<1x16xf32> to vector<16xf32>
      %swap3A_179 = vector.shape_cast %broadcast_in_dim3A_174 : vector<16xf32> to vector<1x16xf32>
      tpu.vector_store %arg15[%swap3A_175, %swap3A_176], %swap3A_179 {strides = array<i32>} : memref<80x144xf32, #tpu.memory_space<vmem>>, vector<1x16xf32>,
      %broadcast_in_dim3A_180 = arith.constant 0.000000e+00 : f32
      %broadcast_in_dim3A_181 = vector.broadcast %broadcast_in_dim3A_180 : f32 to vector<16xf32>
      %swap3A_182 = arith.index_cast %scan3A_145 : i32 to index
      %swap3A_183 = arith.constant 80 : index
      %swap3A_184 = tpu.vector_load %arg15[%swap3A_182, %swap3A_183] {strides = array<i32>} : memref<80x144xf32, #tpu.memory_space<vmem>>, vector<1x16xf32>,
      %swap3A_185 = vector.shape_cast %swap3A_184 : vector<1x16xf32> to vector<16xf32>
      %swap3A_186 = vector.shape_cast %broadcast_in_dim3A_181 : vector<16xf32> to vector<1x16xf32>
      tpu.vector_store %arg15[%swap3A_182, %swap3A_183], %swap3A_186 {strides = array<i32>} : memref<80x144xf32, #tpu.memory_space<vmem>>, vector<1x16xf32>,
      %broadcast_in_dim3A_187 = arith.constant 0.000000e+00 : f32
      %broadcast_in_dim3A_188 = vector.broadcast %broadcast_in_dim3A_187 : f32 to vector<16xf32>
      %swap3A_189 = arith.index_cast %scan3A_145 : i32 to index
      %swap3A_190 = arith.constant 96 : index
      %swap3A_191 = tpu.vector_load %arg15[%swap3A_189, %swap3A_190] {strides = array<i32>} : memref<80x144xf32, #tpu.memory_space<vmem>>, vector<1x16xf32>,
      %swap3A_192 = vector.shape_cast %swap3A_191 : vector<1x16xf32> to vector<16xf32>
      %swap3A_193 = vector.shape_cast %broadcast_in_dim3A_188 : vector<16xf32> to vector<1x16xf32>
      tpu.vector_store %arg15[%swap3A_189, %swap3A_190], %swap3A_193 {strides = array<i32>} : memref<80x144xf32, #tpu.memory_space<vmem>>, vector<1x16xf32>,
      %broadcast_in_dim3A_194 = arith.constant 0.000000e+00 : f32
      %broadcast_in_dim3A_195 = vector.broadcast %broadcast_in_dim3A_194 : f32 to vector<16xf32>
      %swap3A_196 = arith.index_cast %scan3A_145 : i32 to index
      %swap3A_197 = arith.constant 112 : index
      %swap3A_198 = tpu.vector_load %arg15[%swap3A_196, %swap3A_197] {strides = array<i32>} : memref<80x144xf32, #tpu.memory_space<vmem>>, vector<1x16xf32>,
      %swap3A_199 = vector.shape_cast %swap3A_198 : vector<1x16xf32> to vector<16xf32>
      %swap3A_200 = vector.shape_cast %broadcast_in_dim3A_195 : vector<16xf32> to vector<1x16xf32>
      tpu.vector_store %arg15[%swap3A_196, %swap3A_197], %swap3A_200 {strides = array<i32>} : memref<80x144xf32, #tpu.memory_space<vmem>>, vector<1x16xf32>,
      %broadcast_in_dim3A_201 = arith.constant 0.000000e+00 : f32
      %broadcast_in_dim3A_202 = vector.broadcast %broadcast_in_dim3A_201 : f32 to vector<16xf32>
      %swap3A_203 = arith.index_cast %scan3A_145 : i32 to index
      %swap3A_204 = arith.constant 128 : index
      %swap3A_205 = tpu.vector_load %arg15[%swap3A_203, %swap3A_204] {strides = array<i32>} : memref<80x144xf32, #tpu.memory_space<vmem>>, vector<1x16xf32>,
      %swap3A_206 = vector.shape_cast %swap3A_205 : vector<1x16xf32> to vector<16xf32>
      %swap3A_207 = vector.shape_cast %broadcast_in_dim3A_202 : vector<16xf32> to vector<1x16xf32>
      tpu.vector_store %arg15[%swap3A_203, %swap3A_204], %swap3A_207 {strides = array<i32>} : memref<80x144xf32, #tpu.memory_space<vmem>>, vector<1x16xf32>,
      %scan3A_208 = arith.constant 0 : i32
      scf.yield %scan3A_208 : i32
    }
    %scan3A_6 = arith.constant 80 : i32
    %add3A_7 = arith.constant 0 : i32
    %add3A_8 = arith.addi %add3A_7, %arg1 : i32
    %lt3A = arith.constant 125 : i32
    %lt3A_9 = arith.cmpi slt, %add3A_8, %lt3A : i32
    %convert_element_type3A = arith.extui %lt3A_9 : i1 to i32
    %cond3A = arith.constant 0 : i32
    %cond3A_10 = arith.cmpi ne, %convert_element_type3A, %cond3A : i32
    scf.if %cond3A_10 {
      %mul3A_145 = arith.constant 80 : i32
      %mul3A_146 = arith.muli %add3A_8, %mul3A_145 : i32
      %multiple_of3A_147 = tpu.assume_multiple %mul3A_146, 80 : i32
      "tpu.region"() ({
        %run_scoped3A = tpu.sem_alloc : memref<!tpu.dma_semaphore, #tpu.memory_space<semaphore_mem>>
        %dma_start3A_148 = arith.constant 0 : i32
        %dma_start3A_149 = tpu.memref_slice %arg16[%multiple_of3A_147, %dma_start3A_148] : memref<10000x144xf32, #tpu.memory_space<vmem_shared>> -> memref<80x144xf32, #tpu.memory_space<vmem_shared>>
        %dma_start3A_150 = arith.constant 0 : i32
        %dma_start3A_151 = tpu.memref_slice %arg16[%multiple_of3A_147, %dma_start3A_150] : memref<10000x144xf32, #tpu.memory_space<vmem_shared>> -> memref<80x144xf32, #tpu.memory_space<vmem_shared>>
        tpu.enqueue_dma source(%arg15 : memref<80x144xf32, #tpu.memory_space<vmem>>) target(%dma_start3A_151 : memref<80x144xf32, #tpu.memory_space<vmem_shared>>) target_semaphore(%run_scoped3A : memref<!tpu.dma_semaphore, #tpu.memory_space<semaphore_mem>>)
        %dma_wait3A_152 = arith.constant 0 : i32
        %dma_wait3A_153 = tpu.memref_slice %arg16[%multiple_of3A_147, %dma_wait3A_152] : memref<10000x144xf32, #tpu.memory_space<vmem_shared>> -> memref<80x144xf32, #tpu.memory_space<vmem_shared>>
        %dma_wait3A_154 = arith.constant 0 : i32
        %dma_wait3A_155 = tpu.memref_slice %arg16[%multiple_of3A_147, %dma_wait3A_154] : memref<10000x144xf32, #tpu.memory_space<vmem_shared>> -> memref<80x144xf32, #tpu.memory_space<vmem_shared>>
        tpu.wait_dma2 semaphore(%run_scoped3A : memref<!tpu.dma_semaphore, #tpu.memory_space<semaphore_mem>>) src(%arg15 : memref<80x144xf32, #tpu.memory_space<vmem>>) dst(%dma_wait3A_155 : memref<80x144xf32, #tpu.memory_space<vmem_shared>>)
        tpu.yield
      }) : () -> ()
    } else {
    }
    %add3A_11 = arith.constant 16 : i32
    %add3A_12 = arith.addi %add3A_11, %arg1 : i32
    %lt3A_13 = arith.constant 125 : i32
    %lt3A_14 = arith.cmpi slt, %add3A_12, %lt3A_13 : i32
    %convert_element_type3A_15 = arith.extui %lt3A_14 : i1 to i32
    %cond3A_16 = arith.constant 0 : i32
    %cond3A_17 = arith.cmpi ne, %convert_element_type3A_15, %cond3A_16 : i32
    scf.if %cond3A_17 {
      %mul3A_145 = arith.constant 80 : i32
      %mul3A_146 = arith.muli %add3A_12, %mul3A_145 : i32
      %multiple_of3A_147 = tpu.assume_multiple %mul3A_146, 80 : i32
      "tpu.region"() ({
        %run_scoped3A = tpu.sem_alloc : memref<!tpu.dma_semaphore, #tpu.memory_space<semaphore_mem>>
        %dma_start3A_148 = arith.constant 0 : i32
        %dma_start3A_149 = tpu.memref_slice %arg16[%multiple_of3A_147, %dma_start3A_148] : memref<10000x144xf32, #tpu.memory_space<vmem_shared>> -> memref<80x144xf32, #tpu.memory_space<vmem_shared>>
        %dma_start3A_150 = arith.constant 0 : i32
        %dma_start3A_151 = tpu.memref_slice %arg16[%multiple_of3A_147, %dma_start3A_150] : memref<10000x144xf32, #tpu.memory_space<vmem_shared>> -> memref<80x144xf32, #tpu.memory_space<vmem_shared>>
        tpu.enqueue_dma source(%arg15 : memref<80x144xf32, #tpu.memory_space<vmem>>) target(%dma_start3A_151 : memref<80x144xf32, #tpu.memory_space<vmem_shared>>) target_semaphore(%run_scoped3A : memref<!tpu.dma_semaphore, #tpu.memory_space<semaphore_mem>>)
        %dma_wait3A_152 = arith.constant 0 : i32
        %dma_wait3A_153 = tpu.memref_slice %arg16[%multiple_of3A_147, %dma_wait3A_152] : memref<10000x144xf32, #tpu.memory_space<vmem_shared>> -> memref<80x144xf32, #tpu.memory_space<vmem_shared>>
        %dma_wait3A_154 = arith.constant 0 : i32
        %dma_wait3A_155 = tpu.memref_slice %arg16[%multiple_of3A_147, %dma_wait3A_154] : memref<10000x144xf32, #tpu.memory_space<vmem_shared>> -> memref<80x144xf32, #tpu.memory_space<vmem_shared>>
        tpu.wait_dma2 semaphore(%run_scoped3A : memref<!tpu.dma_semaphore, #tpu.memory_space<semaphore_mem>>) src(%arg15 : memref<80x144xf32, #tpu.memory_space<vmem>>) dst(%dma_wait3A_155 : memref<80x144xf32, #tpu.memory_space<vmem_shared>>)
        tpu.yield
      }) : () -> ()
    } else {
    }
    %add3A_18 = arith.constant 32 : i32
    %add3A_19 = arith.addi %add3A_18, %arg1 : i32
    %lt3A_20 = arith.constant 125 : i32
    %lt3A_21 = arith.cmpi slt, %add3A_19, %lt3A_20 : i32
    %convert_element_type3A_22 = arith.extui %lt3A_21 : i1 to i32
    %cond3A_23 = arith.constant 0 : i32
    %cond3A_24 = arith.cmpi ne, %convert_element_type3A_22, %cond3A_23 : i32
    scf.if %cond3A_24 {
      %mul3A_145 = arith.constant 80 : i32
      %mul3A_146 = arith.muli %add3A_19, %mul3A_145 : i32
      %multiple_of3A_147 = tpu.assume_multiple %mul3A_146, 80 : i32
      "tpu.region"() ({
        %run_scoped3A = tpu.sem_alloc : memref<!tpu.dma_semaphore, #tpu.memory_space<semaphore_mem>>
        %dma_start3A_148 = arith.constant 0 : i32
        %dma_start3A_149 = tpu.memref_slice %arg16[%multiple_of3A_147, %dma_start3A_148] : memref<10000x144xf32, #tpu.memory_space<vmem_shared>> -> memref<80x144xf32, #tpu.memory_space<vmem_shared>>
        %dma_start3A_150 = arith.constant 0 : i32
        %dma_start3A_151 = tpu.memref_slice %arg16[%multiple_of3A_147, %dma_start3A_150] : memref<10000x144xf32, #tpu.memory_space<vmem_shared>> -> memref<80x144xf32, #tpu.memory_space<vmem_shared>>
        tpu.enqueue_dma source(%arg15 : memref<80x144xf32, #tpu.memory_space<vmem>>) target(%dma_start3A_151 : memref<80x144xf32, #tpu.memory_space<vmem_shared>>) target_semaphore(%run_scoped3A : memref<!tpu.dma_semaphore, #tpu.memory_space<semaphore_mem>>)
        %dma_wait3A_152 = arith.constant 0 : i32
        %dma_wait3A_153 = tpu.memref_slice %arg16[%multiple_of3A_147, %dma_wait3A_152] : memref<10000x144xf32, #tpu.memory_space<vmem_shared>> -> memref<80x144xf32, #tpu.memory_space<vmem_shared>>
        %dma_wait3A_154 = arith.constant 0 : i32
        %dma_wait3A_155 = tpu.memref_slice %arg16[%multiple_of3A_147, %dma_wait3A_154] : memref<10000x144xf32, #tpu.memory_space<vmem_shared>> -> memref<80x144xf32, #tpu.memory_space<vmem_shared>>
        tpu.wait_dma2 semaphore(%run_scoped3A : memref<!tpu.dma_semaphore, #tpu.memory_space<semaphore_mem>>) src(%arg15 : memref<80x144xf32, #tpu.memory_space<vmem>>) dst(%dma_wait3A_155 : memref<80x144xf32, #tpu.memory_space<vmem_shared>>)
        tpu.yield
      }) : () -> ()
    } else {
    }
    %add3A_25 = arith.constant 48 : i32
    %add3A_26 = arith.addi %add3A_25, %arg1 : i32
    %lt3A_27 = arith.constant 125 : i32
    %lt3A_28 = arith.cmpi slt, %add3A_26, %lt3A_27 : i32
    %convert_element_type3A_29 = arith.extui %lt3A_28 : i1 to i32
    %cond3A_30 = arith.constant 0 : i32
    %cond3A_31 = arith.cmpi ne, %convert_element_type3A_29, %cond3A_30 : i32
    scf.if %cond3A_31 {
      %mul3A_145 = arith.constant 80 : i32
      %mul3A_146 = arith.muli %add3A_26, %mul3A_145 : i32
      %multiple_of3A_147 = tpu.assume_multiple %mul3A_146, 80 : i32
      "tpu.region"() ({
        %run_scoped3A = tpu.sem_alloc : memref<!tpu.dma_semaphore, #tpu.memory_space<semaphore_mem>>
        %dma_start3A_148 = arith.constant 0 : i32
        %dma_start3A_149 = tpu.memref_slice %arg16[%multiple_of3A_147, %dma_start3A_148] : memref<10000x144xf32, #tpu.memory_space<vmem_shared>> -> memref<80x144xf32, #tpu.memory_space<vmem_shared>>
        %dma_start3A_150 = arith.constant 0 : i32
        %dma_start3A_151 = tpu.memref_slice %arg16[%multiple_of3A_147, %dma_start3A_150] : memref<10000x144xf32, #tpu.memory_space<vmem_shared>> -> memref<80x144xf32, #tpu.memory_space<vmem_shared>>
        tpu.enqueue_dma source(%arg15 : memref<80x144xf32, #tpu.memory_space<vmem>>) target(%dma_start3A_151 : memref<80x144xf32, #tpu.memory_space<vmem_shared>>) target_semaphore(%run_scoped3A : memref<!tpu.dma_semaphore, #tpu.memory_space<semaphore_mem>>)
        %dma_wait3A_152 = arith.constant 0 : i32
        %dma_wait3A_153 = tpu.memref_slice %arg16[%multiple_of3A_147, %dma_wait3A_152] : memref<10000x144xf32, #tpu.memory_space<vmem_shared>> -> memref<80x144xf32, #tpu.memory_space<vmem_shared>>
        %dma_wait3A_154 = arith.constant 0 : i32
        %dma_wait3A_155 = tpu.memref_slice %arg16[%multiple_of3A_147, %dma_wait3A_154] : memref<10000x144xf32, #tpu.memory_space<vmem_shared>> -> memref<80x144xf32, #tpu.memory_space<vmem_shared>>
        tpu.wait_dma2 semaphore(%run_scoped3A : memref<!tpu.dma_semaphore, #tpu.memory_space<semaphore_mem>>) src(%arg15 : memref<80x144xf32, #tpu.memory_space<vmem>>) dst(%dma_wait3A_155 : memref<80x144xf32, #tpu.memory_space<vmem_shared>>)
        tpu.yield
      }) : () -> ()
    } else {
    }
    %add3A_32 = arith.constant 64 : i32
    %add3A_33 = arith.addi %add3A_32, %arg1 : i32
    %lt3A_34 = arith.constant 125 : i32
    %lt3A_35 = arith.cmpi slt, %add3A_33, %lt3A_34 : i32
    %convert_element_type3A_36 = arith.extui %lt3A_35 : i1 to i32
    %cond3A_37 = arith.constant 0 : i32
    %cond3A_38 = arith.cmpi ne, %convert_element_type3A_36, %cond3A_37 : i32
    scf.if %cond3A_38 {
      %mul3A_145 = arith.constant 80 : i32
      %mul3A_146 = arith.muli %add3A_33, %mul3A_145 : i32
      %multiple_of3A_147 = tpu.assume_multiple %mul3A_146, 80 : i32
      "tpu.region"() ({
        %run_scoped3A = tpu.sem_alloc : memref<!tpu.dma_semaphore, #tpu.memory_space<semaphore_mem>>
        %dma_start3A_148 = arith.constant 0 : i32
        %dma_start3A_149 = tpu.memref_slice %arg16[%multiple_of3A_147, %dma_start3A_148] : memref<10000x144xf32, #tpu.memory_space<vmem_shared>> -> memref<80x144xf32, #tpu.memory_space<vmem_shared>>
        %dma_start3A_150 = arith.constant 0 : i32
        %dma_start3A_151 = tpu.memref_slice %arg16[%multiple_of3A_147, %dma_start3A_150] : memref<10000x144xf32, #tpu.memory_space<vmem_shared>> -> memref<80x144xf32, #tpu.memory_space<vmem_shared>>
        tpu.enqueue_dma source(%arg15 : memref<80x144xf32, #tpu.memory_space<vmem>>) target(%dma_start3A_151 : memref<80x144xf32, #tpu.memory_space<vmem_shared>>) target_semaphore(%run_scoped3A : memref<!tpu.dma_semaphore, #tpu.memory_space<semaphore_mem>>)
        %dma_wait3A_152 = arith.constant 0 : i32
        %dma_wait3A_153 = tpu.memref_slice %arg16[%multiple_of3A_147, %dma_wait3A_152] : memref<10000x144xf32, #tpu.memory_space<vmem_shared>> -> memref<80x144xf32, #tpu.memory_space<vmem_shared>>
        %dma_wait3A_154 = arith.constant 0 : i32
        %dma_wait3A_155 = tpu.memref_slice %arg16[%multiple_of3A_147, %dma_wait3A_154] : memref<10000x144xf32, #tpu.memory_space<vmem_shared>> -> memref<80x144xf32, #tpu.memory_space<vmem_shared>>
        tpu.wait_dma2 semaphore(%run_scoped3A : memref<!tpu.dma_semaphore, #tpu.memory_space<semaphore_mem>>) src(%arg15 : memref<80x144xf32, #tpu.memory_space<vmem>>) dst(%dma_wait3A_155 : memref<80x144xf32, #tpu.memory_space<vmem_shared>>)
        tpu.yield
      }) : () -> ()
    } else {
    }
    %add3A_39 = arith.constant 80 : i32
    %add3A_40 = arith.addi %add3A_39, %arg1 : i32
    %lt3A_41 = arith.constant 125 : i32
    %lt3A_42 = arith.cmpi slt, %add3A_40, %lt3A_41 : i32
    %convert_element_type3A_43 = arith.extui %lt3A_42 : i1 to i32
    %cond3A_44 = arith.constant 0 : i32
    %cond3A_45 = arith.cmpi ne, %convert_element_type3A_43, %cond3A_44 : i32
    scf.if %cond3A_45 {
      %mul3A_145 = arith.constant 80 : i32
      %mul3A_146 = arith.muli %add3A_40, %mul3A_145 : i32
      %multiple_of3A_147 = tpu.assume_multiple %mul3A_146, 80 : i32
      "tpu.region"() ({
        %run_scoped3A = tpu.sem_alloc : memref<!tpu.dma_semaphore, #tpu.memory_space<semaphore_mem>>
        %dma_start3A_148 = arith.constant 0 : i32
        %dma_start3A_149 = tpu.memref_slice %arg16[%multiple_of3A_147, %dma_start3A_148] : memref<10000x144xf32, #tpu.memory_space<vmem_shared>> -> memref<80x144xf32, #tpu.memory_space<vmem_shared>>
        %dma_start3A_150 = arith.constant 0 : i32
        %dma_start3A_151 = tpu.memref_slice %arg16[%multiple_of3A_147, %dma_start3A_150] : memref<10000x144xf32, #tpu.memory_space<vmem_shared>> -> memref<80x144xf32, #tpu.memory_space<vmem_shared>>
        tpu.enqueue_dma source(%arg15 : memref<80x144xf32, #tpu.memory_space<vmem>>) target(%dma_start3A_151 : memref<80x144xf32, #tpu.memory_space<vmem_shared>>) target_semaphore(%run_scoped3A : memref<!tpu.dma_semaphore, #tpu.memory_space<semaphore_mem>>)
        %dma_wait3A_152 = arith.constant 0 : i32
        %dma_wait3A_153 = tpu.memref_slice %arg16[%multiple_of3A_147, %dma_wait3A_152] : memref<10000x144xf32, #tpu.memory_space<vmem_shared>> -> memref<80x144xf32, #tpu.memory_space<vmem_shared>>
        %dma_wait3A_154 = arith.constant 0 : i32
        %dma_wait3A_155 = tpu.memref_slice %arg16[%multiple_of3A_147, %dma_wait3A_154] : memref<10000x144xf32, #tpu.memory_space<vmem_shared>> -> memref<80x144xf32, #tpu.memory_space<vmem_shared>>
        tpu.wait_dma2 semaphore(%run_scoped3A : memref<!tpu.dma_semaphore, #tpu.memory_space<semaphore_mem>>) src(%arg15 : memref<80x144xf32, #tpu.memory_space<vmem>>) dst(%dma_wait3A_155 : memref<80x144xf32, #tpu.memory_space<vmem_shared>>)
        tpu.yield
      }) : () -> ()
    } else {
    }
    %add3A_46 = arith.constant 96 : i32
    %add3A_47 = arith.addi %add3A_46, %arg1 : i32
    %lt3A_48 = arith.constant 125 : i32
    %lt3A_49 = arith.cmpi slt, %add3A_47, %lt3A_48 : i32
    %convert_element_type3A_50 = arith.extui %lt3A_49 : i1 to i32
    %cond3A_51 = arith.constant 0 : i32
    %cond3A_52 = arith.cmpi ne, %convert_element_type3A_50, %cond3A_51 : i32
    scf.if %cond3A_52 {
      %mul3A_145 = arith.constant 80 : i32
      %mul3A_146 = arith.muli %add3A_47, %mul3A_145 : i32
      %multiple_of3A_147 = tpu.assume_multiple %mul3A_146, 80 : i32
      "tpu.region"() ({
        %run_scoped3A = tpu.sem_alloc : memref<!tpu.dma_semaphore, #tpu.memory_space<semaphore_mem>>
        %dma_start3A_148 = arith.constant 0 : i32
        %dma_start3A_149 = tpu.memref_slice %arg16[%multiple_of3A_147, %dma_start3A_148] : memref<10000x144xf32, #tpu.memory_space<vmem_shared>> -> memref<80x144xf32, #tpu.memory_space<vmem_shared>>
        %dma_start3A_150 = arith.constant 0 : i32
        %dma_start3A_151 = tpu.memref_slice %arg16[%multiple_of3A_147, %dma_start3A_150] : memref<10000x144xf32, #tpu.memory_space<vmem_shared>> -> memref<80x144xf32, #tpu.memory_space<vmem_shared>>
        tpu.enqueue_dma source(%arg15 : memref<80x144xf32, #tpu.memory_space<vmem>>) target(%dma_start3A_151 : memref<80x144xf32, #tpu.memory_space<vmem_shared>>) target_semaphore(%run_scoped3A : memref<!tpu.dma_semaphore, #tpu.memory_space<semaphore_mem>>)
        %dma_wait3A_152 = arith.constant 0 : i32
        %dma_wait3A_153 = tpu.memref_slice %arg16[%multiple_of3A_147, %dma_wait3A_152] : memref<10000x144xf32, #tpu.memory_space<vmem_shared>> -> memref<80x144xf32, #tpu.memory_space<vmem_shared>>
        %dma_wait3A_154 = arith.constant 0 : i32
        %dma_wait3A_155 = tpu.memref_slice %arg16[%multiple_of3A_147, %dma_wait3A_154] : memref<10000x144xf32, #tpu.memory_space<vmem_shared>> -> memref<80x144xf32, #tpu.memory_space<vmem_shared>>
        tpu.wait_dma2 semaphore(%run_scoped3A : memref<!tpu.dma_semaphore, #tpu.memory_space<semaphore_mem>>) src(%arg15 : memref<80x144xf32, #tpu.memory_space<vmem>>) dst(%dma_wait3A_155 : memref<80x144xf32, #tpu.memory_space<vmem_shared>>)
        tpu.yield
      }) : () -> ()
    } else {
    }
    %add3A_53 = arith.constant 112 : i32
    %add3A_54 = arith.addi %add3A_53, %arg1 : i32
    %lt3A_55 = arith.constant 125 : i32
    %lt3A_56 = arith.cmpi slt, %add3A_54, %lt3A_55 : i32
    %convert_element_type3A_57 = arith.extui %lt3A_56 : i1 to i32
    %cond3A_58 = arith.constant 0 : i32
    %cond3A_59 = arith.cmpi ne, %convert_element_type3A_57, %cond3A_58 : i32
    scf.if %cond3A_59 {
      %mul3A_145 = arith.constant 80 : i32
      %mul3A_146 = arith.muli %add3A_54, %mul3A_145 : i32
      %multiple_of3A_147 = tpu.assume_multiple %mul3A_146, 80 : i32
      "tpu.region"() ({
        %run_scoped3A = tpu.sem_alloc : memref<!tpu.dma_semaphore, #tpu.memory_space<semaphore_mem>>
        %dma_start3A_148 = arith.constant 0 : i32
        %dma_start3A_149 = tpu.memref_slice %arg16[%multiple_of3A_147, %dma_start3A_148] : memref<10000x144xf32, #tpu.memory_space<vmem_shared>> -> memref<80x144xf32, #tpu.memory_space<vmem_shared>>
        %dma_start3A_150 = arith.constant 0 : i32
        %dma_start3A_151 = tpu.memref_slice %arg16[%multiple_of3A_147, %dma_start3A_150] : memref<10000x144xf32, #tpu.memory_space<vmem_shared>> -> memref<80x144xf32, #tpu.memory_space<vmem_shared>>
        tpu.enqueue_dma source(%arg15 : memref<80x144xf32, #tpu.memory_space<vmem>>) target(%dma_start3A_151 : memref<80x144xf32, #tpu.memory_space<vmem_shared>>) target_semaphore(%run_scoped3A : memref<!tpu.dma_semaphore, #tpu.memory_space<semaphore_mem>>)
        %dma_wait3A_152 = arith.constant 0 : i32
        %dma_wait3A_153 = tpu.memref_slice %arg16[%multiple_of3A_147, %dma_wait3A_152] : memref<10000x144xf32, #tpu.memory_space<vmem_shared>> -> memref<80x144xf32, #tpu.memory_space<vmem_shared>>
        %dma_wait3A_154 = arith.constant 0 : i32
        %dma_wait3A_155 = tpu.memref_slice %arg16[%multiple_of3A_147, %dma_wait3A_154] : memref<10000x144xf32, #tpu.memory_space<vmem_shared>> -> memref<80x144xf32, #tpu.memory_space<vmem_shared>>
        tpu.wait_dma2 semaphore(%run_scoped3A : memref<!tpu.dma_semaphore, #tpu.memory_space<semaphore_mem>>) src(%arg15 : memref<80x144xf32, #tpu.memory_space<vmem>>) dst(%dma_wait3A_155 : memref<80x144xf32, #tpu.memory_space<vmem_shared>>)
        tpu.yield
      }) : () -> ()
    } else {
    }
    %barrier3A = arith.constant 0 : index
    tpu.barrier barrier_id(%barrier3A)
    %mul3A_60 = arith.constant 10000 : i32
    %mul3A_61 = arith.muli %add3A, %mul3A_60 : i32
    %add3A_62 = arith.constant 0 : i32
    %add3A_63 = arith.addi %mul3A_61, %add3A_62 : i32
    %multiple_of3A = tpu.assume_multiple %add3A_63, 80 : i32
    "tpu.region"() ({
      %run_scoped3A = tpu.sem_alloc : memref<!tpu.dma_semaphore, #tpu.memory_space<semaphore_mem>>
      %dma_start3A_145 = tpu.memref_slice %arg4[%multiple_of3A] : memref<320000xi32, #tpu.memory_space<hbm>> -> memref<80xi32, #tpu.memory_space<hbm>>
      %dma_start3A_146 = tpu.memref_slice %arg4[%multiple_of3A] : memref<320000xi32, #tpu.memory_space<hbm>> -> memref<80xi32, #tpu.memory_space<hbm>>
      tpu.enqueue_dma source(%dma_start3A_146 : memref<80xi32, #tpu.memory_space<hbm>>) target(%arg7 : memref<80xi32, #tpu.memory_space<vmem>>) target_semaphore(%run_scoped3A : memref<!tpu.dma_semaphore, #tpu.memory_space<semaphore_mem>>)
      %dma_wait3A_147 = tpu.memref_slice %arg4[%multiple_of3A] : memref<320000xi32, #tpu.memory_space<hbm>> -> memref<80xi32, #tpu.memory_space<hbm>>
      %dma_wait3A_148 = tpu.memref_slice %arg4[%multiple_of3A] : memref<320000xi32, #tpu.memory_space<hbm>> -> memref<80xi32, #tpu.memory_space<hbm>>
      tpu.wait_dma2 semaphore(%run_scoped3A : memref<!tpu.dma_semaphore, #tpu.memory_space<semaphore_mem>>) src(%dma_wait3A_148 : memref<80xi32, #tpu.memory_space<hbm>>) dst(%arg7 : memref<80xi32, #tpu.memory_space<vmem>>)
      tpu.yield
    }) : () -> ()
    "tpu.region"() ({
      %run_scoped3A = tpu.sem_alloc : memref<!tpu.dma_semaphore, #tpu.memory_space<semaphore_mem>>
      %dma_start3A_145 = tpu.memref_slice %arg5[%multiple_of3A] : memref<320000xi32, #tpu.memory_space<hbm>> -> memref<80xi32, #tpu.memory_space<hbm>>
      %dma_start3A_146 = tpu.memref_slice %arg5[%multiple_of3A] : memref<320000xi32, #tpu.memory_space<hbm>> -> memref<80xi32, #tpu.memory_space<hbm>>
      tpu.enqueue_dma source(%dma_start3A_146 : memref<80xi32, #tpu.memory_space<hbm>>) target(%arg8 : memref<80xi32, #tpu.memory_space<vmem>>) target_semaphore(%run_scoped3A : memref<!tpu.dma_semaphore, #tpu.memory_space<semaphore_mem>>)
      %dma_wait3A_147 = tpu.memref_slice %arg5[%multiple_of3A] : memref<320000xi32, #tpu.memory_space<hbm>> -> memref<80xi32, #tpu.memory_space<hbm>>
      %dma_wait3A_148 = tpu.memref_slice %arg5[%multiple_of3A] : memref<320000xi32, #tpu.memory_space<hbm>> -> memref<80xi32, #tpu.memory_space<hbm>>
      tpu.wait_dma2 semaphore(%run_scoped3A : memref<!tpu.dma_semaphore, #tpu.memory_space<semaphore_mem>>) src(%dma_wait3A_148 : memref<80xi32, #tpu.memory_space<hbm>>) dst(%arg8 : memref<80xi32, #tpu.memory_space<vmem>>)
      tpu.yield
    }) : () -> ()
    %dma_start3A = arith.constant 0 : i32
    %dma_start3A_64 = arith.constant 0 : i32
    %dma_start3A_65 = tpu.memref_slice %arg2[%dma_start3A, %dma_start3A_64] : memref<10000x144xf32, #tpu.memory_space<hbm>> -> memref<10000x144xf32, #tpu.memory_space<hbm>>
    tpu.enqueue_indirect_dma source(%dma_start3A_65 : memref<10000x144xf32, #tpu.memory_space<hbm>>) target(%arg9 : memref<80x144xf32, #tpu.memory_space<vmem>>) offsets(%arg7 : memref<80xi32, #tpu.memory_space<vmem>>) semaphore(%arg17 : memref<!tpu.dma_semaphore, #tpu.memory_space<semaphore_mem>>)
    %dma_start3A_66 = arith.constant 0 : i32
    %dma_start3A_67 = arith.constant 0 : i32
    %dma_start3A_68 = tpu.memref_slice %arg3[%dma_start3A_66, %dma_start3A_67] : memref<10000x16xf32, #tpu.memory_space<hbm>> -> memref<10000x16xf32, #tpu.memory_space<hbm>>
    tpu.enqueue_indirect_dma source(%dma_start3A_68 : memref<10000x16xf32, #tpu.memory_space<hbm>>) target(%arg10 : memref<80x16xf32, #tpu.memory_space<vmem>>) offsets(%arg8 : memref<80xi32, #tpu.memory_space<vmem>>) semaphore(%arg17 : memref<!tpu.dma_semaphore, #tpu.memory_space<semaphore_mem>>)
    %scan3A_69 = arith.constant 0 : i32
    %scan3A_70 = arith.constant 0 : i32
    %scan3A_71 = arith.constant 62 : i32
    %scan3A_72 = arith.addi %scan3A_70, %scan3A_71 : i32
    %scan3A_73 = arith.constant 1 : i32
    %scan3A_74 = scf.for %scan3A_145 = %scan3A_70 to %scan3A_72 step %scan3A_73 iter_args(%scan3A_146 = %scan3A_69) -> (i32)  : i32 {
      %mul3A_147 = arith.constant 2 : i32
      %mul3A_148 = arith.muli %mul3A_147, %scan3A_145 : i32
      %add3A_149 = arith.constant 1 : i32
      %add3A_150 = arith.addi %mul3A_148, %add3A_149 : i32
      %mul3A_151 = arith.constant 80 : i32
      %mul3A_152 = arith.muli %add3A_150, %mul3A_151 : i32
      %add3A_153 = arith.addi %mul3A_61, %mul3A_152 : i32
      %multiple_of3A_154 = tpu.assume_multiple %add3A_153, 80 : i32
      "tpu.region"() ({
        %run_scoped3A = tpu.sem_alloc : memref<!tpu.dma_semaphore, #tpu.memory_space<semaphore_mem>>
        %dma_start3A_202 = tpu.memref_slice %arg4[%multiple_of3A_154] : memref<320000xi32, #tpu.memory_space<hbm>> -> memref<80xi32, #tpu.memory_space<hbm>>
        %dma_start3A_203 = tpu.memref_slice %arg4[%multiple_of3A_154] : memref<320000xi32, #tpu.memory_space<hbm>> -> memref<80xi32, #tpu.memory_space<hbm>>
        tpu.enqueue_dma source(%dma_start3A_203 : memref<80xi32, #tpu.memory_space<hbm>>) target(%arg11 : memref<80xi32, #tpu.memory_space<vmem>>) target_semaphore(%run_scoped3A : memref<!tpu.dma_semaphore, #tpu.memory_space<semaphore_mem>>)
        %dma_wait3A_204 = tpu.memref_slice %arg4[%multiple_of3A_154] : memref<320000xi32, #tpu.memory_space<hbm>> -> memref<80xi32, #tpu.memory_space<hbm>>
        %dma_wait3A_205 = tpu.memref_slice %arg4[%multiple_of3A_154] : memref<320000xi32, #tpu.memory_space<hbm>> -> memref<80xi32, #tpu.memory_space<hbm>>
        tpu.wait_dma2 semaphore(%run_scoped3A : memref<!tpu.dma_semaphore, #tpu.memory_space<semaphore_mem>>) src(%dma_wait3A_205 : memref<80xi32, #tpu.memory_space<hbm>>) dst(%arg11 : memref<80xi32, #tpu.memory_space<vmem>>)
        tpu.yield
      }) : () -> ()
      "tpu.region"() ({
        %run_scoped3A = tpu.sem_alloc : memref<!tpu.dma_semaphore, #tpu.memory_space<semaphore_mem>>
        %dma_start3A_202 = tpu.memref_slice %arg5[%multiple_of3A_154] : memref<320000xi32, #tpu.memory_space<hbm>> -> memref<80xi32, #tpu.memory_space<hbm>>
        %dma_start3A_203 = tpu.memref_slice %arg5[%multiple_of3A_154] : memref<320000xi32, #tpu.memory_space<hbm>> -> memref<80xi32, #tpu.memory_space<hbm>>
        tpu.enqueue_dma source(%dma_start3A_203 : memref<80xi32, #tpu.memory_space<hbm>>) target(%arg12 : memref<80xi32, #tpu.memory_space<vmem>>) target_semaphore(%run_scoped3A : memref<!tpu.dma_semaphore, #tpu.memory_space<semaphore_mem>>)
        %dma_wait3A_204 = tpu.memref_slice %arg5[%multiple_of3A_154] : memref<320000xi32, #tpu.memory_space<hbm>> -> memref<80xi32, #tpu.memory_space<hbm>>
        %dma_wait3A_205 = tpu.memref_slice %arg5[%multiple_of3A_154] : memref<320000xi32, #tpu.memory_space<hbm>> -> memref<80xi32, #tpu.memory_space<hbm>>
        tpu.wait_dma2 semaphore(%run_scoped3A : memref<!tpu.dma_semaphore, #tpu.memory_space<semaphore_mem>>) src(%dma_wait3A_205 : memref<80xi32, #tpu.memory_space<hbm>>) dst(%arg12 : memref<80xi32, #tpu.memory_space<vmem>>)
        tpu.yield
      }) : () -> ()
      %dma_start3A_155 = arith.constant 0 : i32
      %dma_start3A_156 = arith.constant 0 : i32
      %dma_start3A_157 = tpu.memref_slice %arg2[%dma_start3A_155, %dma_start3A_156] : memref<10000x144xf32, #tpu.memory_space<hbm>> -> memref<10000x144xf32, #tpu.memory_space<hbm>>
      tpu.enqueue_indirect_dma source(%dma_start3A_157 : memref<10000x144xf32, #tpu.memory_space<hbm>>) target(%arg13 : memref<80x144xf32, #tpu.memory_space<vmem>>) offsets(%arg11 : memref<80xi32, #tpu.memory_space<vmem>>) semaphore(%arg18 : memref<!tpu.dma_semaphore, #tpu.memory_space<semaphore_mem>>)
      %dma_start3A_158 = arith.constant 0 : i32
      %dma_start3A_159 = arith.constant 0 : i32
      %dma_start3A_160 = tpu.memref_slice %arg3[%dma_start3A_158, %dma_start3A_159] : memref<10000x16xf32, #tpu.memory_space<hbm>> -> memref<10000x16xf32, #tpu.memory_space<hbm>>
      tpu.enqueue_indirect_dma source(%dma_start3A_160 : memref<10000x16xf32, #tpu.memory_space<hbm>>) target(%arg14 : memref<80x16xf32, #tpu.memory_space<vmem>>) offsets(%arg12 : memref<80xi32, #tpu.memory_space<vmem>>) semaphore(%arg18 : memref<!tpu.dma_semaphore, #tpu.memory_space<semaphore_mem>>)
      %dma_wait3A_161 = arith.constant 0 : i32
      %dma_wait3A_162 = arith.constant 0 : i32
      %dma_wait3A_163 = tpu.memref_slice %arg2[%dma_wait3A_161, %dma_wait3A_162] : memref<10000x144xf32, #tpu.memory_space<hbm>> -> memref<10000x144xf32, #tpu.memory_space<hbm>>
      tpu.wait_indirect_dma semaphore(%arg17 : memref<!tpu.dma_semaphore, #tpu.memory_space<semaphore_mem>>) src(%dma_wait3A_163 : memref<10000x144xf32, #tpu.memory_space<hbm>>) dst(%arg9 : memref<80x144xf32, #tpu.memory_space<vmem>>)
      %dma_wait3A_164 = arith.constant 0 : i32
      %dma_wait3A_165 = arith.constant 0 : i32
      %dma_wait3A_166 = tpu.memref_slice %arg3[%dma_wait3A_164, %dma_wait3A_165] : memref<10000x16xf32, #tpu.memory_space<hbm>> -> memref<10000x16xf32, #tpu.memory_space<hbm>>
      tpu.wait_indirect_dma semaphore(%arg17 : memref<!tpu.dma_semaphore, #tpu.memory_space<semaphore_mem>>) src(%dma_wait3A_166 : memref<10000x16xf32, #tpu.memory_space<hbm>>) dst(%arg10 : memref<80x16xf32, #tpu.memory_space<vmem>>)
      %scan3A_167 = arith.constant 0 : i32
      %scan3A_168 = arith.constant 0 : i32
      %scan3A_169 = arith.constant 80 : i32
      %scan3A_170 = arith.addi %scan3A_168, %scan3A_169 : i32
      %scan3A_171 = arith.constant 1 : i32
      %scan3A_172 = scf.for %scan3A_202 = %scan3A_168 to %scan3A_170 step %scan3A_171 iter_args(%scan3A_203 = %scan3A_167) -> (i32)  : i32 {
        %get3A = arith.index_cast %scan3A_202 : i32 to index
        %get3A_204 = arith.constant 128 : index
        %get3A_205 = tpu.vector_load %arg9[%get3A, %get3A_204] {strides = array<i32>} : memref<80x144xf32, #tpu.memory_space<vmem>>, vector<1x16xf32>,
        %get3A_206 = vector.shape_cast %get3A_205 : vector<1x16xf32> to vector<16xf32>
        %get3A_207 = arith.index_cast %scan3A_202 : i32 to index
        %get3A_208 = arith.constant 0 : index
        %get3A_209 = tpu.vector_load %arg10[%get3A_207, %get3A_208] {strides = array<i32>} : memref<80x16xf32, #tpu.memory_space<vmem>>, vector<1x16xf32>,
        %get3A_210 = vector.shape_cast %get3A_209 : vector<1x16xf32> to vector<16xf32>
        %add3A_211 = arith.addf %get3A_206, %get3A_210 : vector<16xf32>
        %mul3A_212 = arith.constant 2.000000e-01 : f32
        %mul3A_213 = vector.broadcast %mul3A_212 : f32 to vector<16xf32>
        %mul3A_214 = arith.mulf %mul3A_213, %add3A_211 : vector<16xf32>
        %max3A = arith.maximumf %add3A_211, %mul3A_214 : vector<16xf32>
        %exp3A = math.exp %max3A : vector<16xf32>
        %swap3A = arith.index_cast %scan3A_202 : i32 to index
        %swap3A_215 = arith.constant 128 : index
        %swap3A_216 = tpu.vector_load %arg15[%swap3A, %swap3A_215] {strides = array<i32>} : memref<80x144xf32, #tpu.memory_space<vmem>>, vector<1x16xf32>,
        %swap3A_217 = vector.shape_cast %swap3A_216 : vector<1x16xf32> to vector<16xf32>
        %swap3A_218 = vector.shape_cast %exp3A : vector<16xf32> to vector<1x16xf32>
        tpu.vector_store %arg15[%swap3A, %swap3A_215], %swap3A_218 {strides = array<i32>} : memref<80x144xf32, #tpu.memory_space<vmem>>, vector<1x16xf32>,
        %slice3A = vector.extract_strided_slice %exp3A {offsets = [0], sizes = [1], strides = [1]} : vector<16xf32> to vector<1xf32>
        %squeeze3A = vector.extract %slice3A[0] : f32 from vector<1xf32>
        %broadcast_in_dim3A = vector.broadcast %squeeze3A : f32 to vector<16xf32>
        %get3A_219 = arith.index_cast %scan3A_202 : i32 to index
        %get3A_220 = arith.constant 0 : index
        %get3A_221 = tpu.vector_load %arg9[%get3A_219, %get3A_220] {strides = array<i32>} : memref<80x144xf32, #tpu.memory_space<vmem>>, vector<1x16xf32>,
        %get3A_222 = vector.shape_cast %get3A_221 : vector<1x16xf32> to vector<16xf32>
        %mul3A_223 = arith.mulf %get3A_222, %broadcast_in_dim3A : vector<16xf32>
        %swap3A_224 = arith.index_cast %scan3A_202 : i32 to index
        %swap3A_225 = arith.constant 0 : index
        %swap3A_226 = tpu.vector_load %arg15[%swap3A_224, %swap3A_225] {strides = array<i32>} : memref<80x144xf32, #tpu.memory_space<vmem>>, vector<1x16xf32>,
        %swap3A_227 = vector.shape_cast %swap3A_226 : vector<1x16xf32> to vector<16xf32>
        %swap3A_228 = vector.shape_cast %mul3A_223 : vector<16xf32> to vector<1x16xf32>
        tpu.vector_store %arg15[%swap3A_224, %swap3A_225], %swap3A_228 {strides = array<i32>} : memref<80x144xf32, #tpu.memory_space<vmem>>, vector<1x16xf32>,
        %slice3A_229 = vector.extract_strided_slice %exp3A {offsets = [1], sizes = [1], strides = [1]} : vector<16xf32> to vector<1xf32>
        %squeeze3A_230 = vector.extract %slice3A_229[0] : f32 from vector<1xf32>
        %broadcast_in_dim3A_231 = vector.broadcast %squeeze3A_230 : f32 to vector<16xf32>
        %get3A_232 = arith.index_cast %scan3A_202 : i32 to index
        %get3A_233 = arith.constant 16 : index
        %get3A_234 = tpu.vector_load %arg9[%get3A_232, %get3A_233] {strides = array<i32>} : memref<80x144xf32, #tpu.memory_space<vmem>>, vector<1x16xf32>,
        %get3A_235 = vector.shape_cast %get3A_234 : vector<1x16xf32> to vector<16xf32>
        %mul3A_236 = arith.mulf %get3A_235, %broadcast_in_dim3A_231 : vector<16xf32>
        %swap3A_237 = arith.index_cast %scan3A_202 : i32 to index
        %swap3A_238 = arith.constant 16 : index
        %swap3A_239 = tpu.vector_load %arg15[%swap3A_237, %swap3A_238] {strides = array<i32>} : memref<80x144xf32, #tpu.memory_space<vmem>>, vector<1x16xf32>,
        %swap3A_240 = vector.shape_cast %swap3A_239 : vector<1x16xf32> to vector<16xf32>
        %swap3A_241 = vector.shape_cast %mul3A_236 : vector<16xf32> to vector<1x16xf32>
        tpu.vector_store %arg15[%swap3A_237, %swap3A_238], %swap3A_241 {strides = array<i32>} : memref<80x144xf32, #tpu.memory_space<vmem>>, vector<1x16xf32>,
        %slice3A_242 = vector.extract_strided_slice %exp3A {offsets = [2], sizes = [1], strides = [1]} : vector<16xf32> to vector<1xf32>
        %squeeze3A_243 = vector.extract %slice3A_242[0] : f32 from vector<1xf32>
        %broadcast_in_dim3A_244 = vector.broadcast %squeeze3A_243 : f32 to vector<16xf32>
        %get3A_245 = arith.index_cast %scan3A_202 : i32 to index
        %get3A_246 = arith.constant 32 : index
        %get3A_247 = tpu.vector_load %arg9[%get3A_245, %get3A_246] {strides = array<i32>} : memref<80x144xf32, #tpu.memory_space<vmem>>, vector<1x16xf32>,
        %get3A_248 = vector.shape_cast %get3A_247 : vector<1x16xf32> to vector<16xf32>
        %mul3A_249 = arith.mulf %get3A_248, %broadcast_in_dim3A_244 : vector<16xf32>
        %swap3A_250 = arith.index_cast %scan3A_202 : i32 to index
        %swap3A_251 = arith.constant 32 : index
        %swap3A_252 = tpu.vector_load %arg15[%swap3A_250, %swap3A_251] {strides = array<i32>} : memref<80x144xf32, #tpu.memory_space<vmem>>, vector<1x16xf32>,
        %swap3A_253 = vector.shape_cast %swap3A_252 : vector<1x16xf32> to vector<16xf32>
        %swap3A_254 = vector.shape_cast %mul3A_249 : vector<16xf32> to vector<1x16xf32>
        tpu.vector_store %arg15[%swap3A_250, %swap3A_251], %swap3A_254 {strides = array<i32>} : memref<80x144xf32, #tpu.memory_space<vmem>>, vector<1x16xf32>,
        %slice3A_255 = vector.extract_strided_slice %exp3A {offsets = [3], sizes = [1], strides = [1]} : vector<16xf32> to vector<1xf32>
        %squeeze3A_256 = vector.extract %slice3A_255[0] : f32 from vector<1xf32>
        %broadcast_in_dim3A_257 = vector.broadcast %squeeze3A_256 : f32 to vector<16xf32>
        %get3A_258 = arith.index_cast %scan3A_202 : i32 to index
        %get3A_259 = arith.constant 48 : index
        %get3A_260 = tpu.vector_load %arg9[%get3A_258, %get3A_259] {strides = array<i32>} : memref<80x144xf32, #tpu.memory_space<vmem>>, vector<1x16xf32>,
        %get3A_261 = vector.shape_cast %get3A_260 : vector<1x16xf32> to vector<16xf32>
        %mul3A_262 = arith.mulf %get3A_261, %broadcast_in_dim3A_257 : vector<16xf32>
        %swap3A_263 = arith.index_cast %scan3A_202 : i32 to index
        %swap3A_264 = arith.constant 48 : index
        %swap3A_265 = tpu.vector_load %arg15[%swap3A_263, %swap3A_264] {strides = array<i32>} : memref<80x144xf32, #tpu.memory_space<vmem>>, vector<1x16xf32>,
        %swap3A_266 = vector.shape_cast %swap3A_265 : vector<1x16xf32> to vector<16xf32>
        %swap3A_267 = vector.shape_cast %mul3A_262 : vector<16xf32> to vector<1x16xf32>
        tpu.vector_store %arg15[%swap3A_263, %swap3A_264], %swap3A_267 {strides = array<i32>} : memref<80x144xf32, #tpu.memory_space<vmem>>, vector<1x16xf32>,
        %slice3A_268 = vector.extract_strided_slice %exp3A {offsets = [4], sizes = [1], strides = [1]} : vector<16xf32> to vector<1xf32>
        %squeeze3A_269 = vector.extract %slice3A_268[0] : f32 from vector<1xf32>
        %broadcast_in_dim3A_270 = vector.broadcast %squeeze3A_269 : f32 to vector<16xf32>
        %get3A_271 = arith.index_cast %scan3A_202 : i32 to index
        %get3A_272 = arith.constant 64 : index
        %get3A_273 = tpu.vector_load %arg9[%get3A_271, %get3A_272] {strides = array<i32>} : memref<80x144xf32, #tpu.memory_space<vmem>>, vector<1x16xf32>,
        %get3A_274 = vector.shape_cast %get3A_273 : vector<1x16xf32> to vector<16xf32>
        %mul3A_275 = arith.mulf %get3A_274, %broadcast_in_dim3A_270 : vector<16xf32>
        %swap3A_276 = arith.index_cast %scan3A_202 : i32 to index
        %swap3A_277 = arith.constant 64 : index
        %swap3A_278 = tpu.vector_load %arg15[%swap3A_276, %swap3A_277] {strides = array<i32>} : memref<80x144xf32, #tpu.memory_space<vmem>>, vector<1x16xf32>,
        %swap3A_279 = vector.shape_cast %swap3A_278 : vector<1x16xf32> to vector<16xf32>
        %swap3A_280 = vector.shape_cast %mul3A_275 : vector<16xf32> to vector<1x16xf32>
        tpu.vector_store %arg15[%swap3A_276, %swap3A_277], %swap3A_280 {strides = array<i32>} : memref<80x144xf32, #tpu.memory_space<vmem>>, vector<1x16xf32>,
        %slice3A_281 = vector.extract_strided_slice %exp3A {offsets = [5], sizes = [1], strides = [1]} : vector<16xf32> to vector<1xf32>
        %squeeze3A_282 = vector.extract %slice3A_281[0] : f32 from vector<1xf32>
        %broadcast_in_dim3A_283 = vector.broadcast %squeeze3A_282 : f32 to vector<16xf32>
        %get3A_284 = arith.index_cast %scan3A_202 : i32 to index
        %get3A_285 = arith.constant 80 : index
        %get3A_286 = tpu.vector_load %arg9[%get3A_284, %get3A_285] {strides = array<i32>} : memref<80x144xf32, #tpu.memory_space<vmem>>, vector<1x16xf32>,
        %get3A_287 = vector.shape_cast %get3A_286 : vector<1x16xf32> to vector<16xf32>
        %mul3A_288 = arith.mulf %get3A_287, %broadcast_in_dim3A_283 : vector<16xf32>
        %swap3A_289 = arith.index_cast %scan3A_202 : i32 to index
        %swap3A_290 = arith.constant 80 : index
        %swap3A_291 = tpu.vector_load %arg15[%swap3A_289, %swap3A_290] {strides = array<i32>} : memref<80x144xf32, #tpu.memory_space<vmem>>, vector<1x16xf32>,
        %swap3A_292 = vector.shape_cast %swap3A_291 : vector<1x16xf32> to vector<16xf32>
        %swap3A_293 = vector.shape_cast %mul3A_288 : vector<16xf32> to vector<1x16xf32>
        tpu.vector_store %arg15[%swap3A_289, %swap3A_290], %swap3A_293 {strides = array<i32>} : memref<80x144xf32, #tpu.memory_space<vmem>>, vector<1x16xf32>,
        %slice3A_294 = vector.extract_strided_slice %exp3A {offsets = [6], sizes = [1], strides = [1]} : vector<16xf32> to vector<1xf32>
        %squeeze3A_295 = vector.extract %slice3A_294[0] : f32 from vector<1xf32>
        %broadcast_in_dim3A_296 = vector.broadcast %squeeze3A_295 : f32 to vector<16xf32>
        %get3A_297 = arith.index_cast %scan3A_202 : i32 to index
        %get3A_298 = arith.constant 96 : index
        %get3A_299 = tpu.vector_load %arg9[%get3A_297, %get3A_298] {strides = array<i32>} : memref<80x144xf32, #tpu.memory_space<vmem>>, vector<1x16xf32>,
        %get3A_300 = vector.shape_cast %get3A_299 : vector<1x16xf32> to vector<16xf32>
        %mul3A_301 = arith.mulf %get3A_300, %broadcast_in_dim3A_296 : vector<16xf32>
        %swap3A_302 = arith.index_cast %scan3A_202 : i32 to index
        %swap3A_303 = arith.constant 96 : index
        %swap3A_304 = tpu.vector_load %arg15[%swap3A_302, %swap3A_303] {strides = array<i32>} : memref<80x144xf32, #tpu.memory_space<vmem>>, vector<1x16xf32>,
        %swap3A_305 = vector.shape_cast %swap3A_304 : vector<1x16xf32> to vector<16xf32>
        %swap3A_306 = vector.shape_cast %mul3A_301 : vector<16xf32> to vector<1x16xf32>
        tpu.vector_store %arg15[%swap3A_302, %swap3A_303], %swap3A_306 {strides = array<i32>} : memref<80x144xf32, #tpu.memory_space<vmem>>, vector<1x16xf32>,
        %slice3A_307 = vector.extract_strided_slice %exp3A {offsets = [7], sizes = [1], strides = [1]} : vector<16xf32> to vector<1xf32>
        %squeeze3A_308 = vector.extract %slice3A_307[0] : f32 from vector<1xf32>
        %broadcast_in_dim3A_309 = vector.broadcast %squeeze3A_308 : f32 to vector<16xf32>
        %get3A_310 = arith.index_cast %scan3A_202 : i32 to index
        %get3A_311 = arith.constant 112 : index
        %get3A_312 = tpu.vector_load %arg9[%get3A_310, %get3A_311] {strides = array<i32>} : memref<80x144xf32, #tpu.memory_space<vmem>>, vector<1x16xf32>,
        %get3A_313 = vector.shape_cast %get3A_312 : vector<1x16xf32> to vector<16xf32>
        %mul3A_314 = arith.mulf %get3A_313, %broadcast_in_dim3A_309 : vector<16xf32>
        %swap3A_315 = arith.index_cast %scan3A_202 : i32 to index
        %swap3A_316 = arith.constant 112 : index
        %swap3A_317 = tpu.vector_load %arg15[%swap3A_315, %swap3A_316] {strides = array<i32>} : memref<80x144xf32, #tpu.memory_space<vmem>>, vector<1x16xf32>,
        %swap3A_318 = vector.shape_cast %swap3A_317 : vector<1x16xf32> to vector<16xf32>
        %swap3A_319 = vector.shape_cast %mul3A_314 : vector<16xf32> to vector<1x16xf32>
        tpu.vector_store %arg15[%swap3A_315, %swap3A_316], %swap3A_319 {strides = array<i32>} : memref<80x144xf32, #tpu.memory_space<vmem>>, vector<1x16xf32>,
        %scan3A_320 = arith.constant 0 : i32
        scf.yield %scan3A_320 : i32
      }
      %scan3A_173 = arith.constant 80 : i32
      "tpu.region"() ({
        %run_scoped3A = tpu.sem_alloc : memref<!tpu.dma_semaphore, #tpu.memory_space<semaphore_mem>>
        %dma_start3A_202 = arith.constant 0 : i32
        %dma_start3A_203 = arith.constant 0 : i32
        %dma_start3A_204 = tpu.memref_slice %arg16[%dma_start3A_202, %dma_start3A_203] : memref<10000x144xf32, #tpu.memory_space<vmem_shared>> -> memref<10000x144xf32, #tpu.memory_space<vmem_shared>>
        tpu.enqueue_indirect_dma source(%arg15 : memref<80x144xf32, #tpu.memory_space<vmem>>) target(%dma_start3A_204 : memref<10000x144xf32, #tpu.memory_space<vmem_shared>>) offsets(%arg8 : memref<80xi32, #tpu.memory_space<vmem>>) semaphore(%run_scoped3A : memref<!tpu.dma_semaphore, #tpu.memory_space<semaphore_mem>>) {add = true}
        %dma_wait3A_205 = arith.constant 0 : i32
        %dma_wait3A_206 = arith.constant 0 : i32
        %dma_wait3A_207 = tpu.memref_slice %arg16[%dma_wait3A_205, %dma_wait3A_206] : memref<10000x144xf32, #tpu.memory_space<vmem_shared>> -> memref<10000x144xf32, #tpu.memory_space<vmem_shared>>
        tpu.wait_indirect_dma semaphore(%run_scoped3A : memref<!tpu.dma_semaphore, #tpu.memory_space<semaphore_mem>>) src(%arg15 : memref<80x144xf32, #tpu.memory_space<vmem>>) dst(%dma_wait3A_207 : memref<10000x144xf32, #tpu.memory_space<vmem_shared>>)
        tpu.yield
      }) : () -> ()
      %mul3A_174 = arith.constant 2 : i32
      %mul3A_175 = arith.muli %mul3A_174, %scan3A_145 : i32
      %add3A_176 = arith.constant 2 : i32
      %add3A_177 = arith.addi %mul3A_175, %add3A_176 : i32
      %mul3A_178 = arith.constant 80 : i32
      %mul3A_179 = arith.muli %add3A_177, %mul3A_178 : i32
      %add3A_180 = arith.addi %mul3A_61, %mul3A_179 : i32
      %multiple_of3A_181 = tpu.assume_multiple %add3A_180, 80 : i32
      "tpu.region"() ({
        %run_scoped3A = tpu.sem_alloc : memref<!tpu.dma_semaphore, #tpu.memory_space<semaphore_mem>>
        %dma_start3A_202 = tpu.memref_slice %arg4[%multiple_of3A_181] : memref<320000xi32, #tpu.memory_space<hbm>> -> memref<80xi32, #tpu.memory_space<hbm>>
        %dma_start3A_203 = tpu.memref_slice %arg4[%multiple_of3A_181] : memref<320000xi32, #tpu.memory_space<hbm>> -> memref<80xi32, #tpu.memory_space<hbm>>
        tpu.enqueue_dma source(%dma_start3A_203 : memref<80xi32, #tpu.memory_space<hbm>>) target(%arg7 : memref<80xi32, #tpu.memory_space<vmem>>) target_semaphore(%run_scoped3A : memref<!tpu.dma_semaphore, #tpu.memory_space<semaphore_mem>>)
        %dma_wait3A_204 = tpu.memref_slice %arg4[%multiple_of3A_181] : memref<320000xi32, #tpu.memory_space<hbm>> -> memref<80xi32, #tpu.memory_space<hbm>>
        %dma_wait3A_205 = tpu.memref_slice %arg4[%multiple_of3A_181] : memref<320000xi32, #tpu.memory_space<hbm>> -> memref<80xi32, #tpu.memory_space<hbm>>
        tpu.wait_dma2 semaphore(%run_scoped3A : memref<!tpu.dma_semaphore, #tpu.memory_space<semaphore_mem>>) src(%dma_wait3A_205 : memref<80xi32, #tpu.memory_space<hbm>>) dst(%arg7 : memref<80xi32, #tpu.memory_space<vmem>>)
        tpu.yield
      }) : () -> ()
      "tpu.region"() ({
        %run_scoped3A = tpu.sem_alloc : memref<!tpu.dma_semaphore, #tpu.memory_space<semaphore_mem>>
        %dma_start3A_202 = tpu.memref_slice %arg5[%multiple_of3A_181] : memref<320000xi32, #tpu.memory_space<hbm>> -> memref<80xi32, #tpu.memory_space<hbm>>
        %dma_start3A_203 = tpu.memref_slice %arg5[%multiple_of3A_181] : memref<320000xi32, #tpu.memory_space<hbm>> -> memref<80xi32, #tpu.memory_space<hbm>>
        tpu.enqueue_dma source(%dma_start3A_203 : memref<80xi32, #tpu.memory_space<hbm>>) target(%arg8 : memref<80xi32, #tpu.memory_space<vmem>>) target_semaphore(%run_scoped3A : memref<!tpu.dma_semaphore, #tpu.memory_space<semaphore_mem>>)
        %dma_wait3A_204 = tpu.memref_slice %arg5[%multiple_of3A_181] : memref<320000xi32, #tpu.memory_space<hbm>> -> memref<80xi32, #tpu.memory_space<hbm>>
        %dma_wait3A_205 = tpu.memref_slice %arg5[%multiple_of3A_181] : memref<320000xi32, #tpu.memory_space<hbm>> -> memref<80xi32, #tpu.memory_space<hbm>>
        tpu.wait_dma2 semaphore(%run_scoped3A : memref<!tpu.dma_semaphore, #tpu.memory_space<semaphore_mem>>) src(%dma_wait3A_205 : memref<80xi32, #tpu.memory_space<hbm>>) dst(%arg8 : memref<80xi32, #tpu.memory_space<vmem>>)
        tpu.yield
      }) : () -> ()
      %dma_start3A_182 = arith.constant 0 : i32
      %dma_start3A_183 = arith.constant 0 : i32
      %dma_start3A_184 = tpu.memref_slice %arg2[%dma_start3A_182, %dma_start3A_183] : memref<10000x144xf32, #tpu.memory_space<hbm>> -> memref<10000x144xf32, #tpu.memory_space<hbm>>
      tpu.enqueue_indirect_dma source(%dma_start3A_184 : memref<10000x144xf32, #tpu.memory_space<hbm>>) target(%arg9 : memref<80x144xf32, #tpu.memory_space<vmem>>) offsets(%arg7 : memref<80xi32, #tpu.memory_space<vmem>>) semaphore(%arg17 : memref<!tpu.dma_semaphore, #tpu.memory_space<semaphore_mem>>)
      %dma_start3A_185 = arith.constant 0 : i32
      %dma_start3A_186 = arith.constant 0 : i32
      %dma_start3A_187 = tpu.memref_slice %arg3[%dma_start3A_185, %dma_start3A_186] : memref<10000x16xf32, #tpu.memory_space<hbm>> -> memref<10000x16xf32, #tpu.memory_space<hbm>>
      tpu.enqueue_indirect_dma source(%dma_start3A_187 : memref<10000x16xf32, #tpu.memory_space<hbm>>) target(%arg10 : memref<80x16xf32, #tpu.memory_space<vmem>>) offsets(%arg8 : memref<80xi32, #tpu.memory_space<vmem>>) semaphore(%arg17 : memref<!tpu.dma_semaphore, #tpu.memory_space<semaphore_mem>>)
      %dma_wait3A_188 = arith.constant 0 : i32
      %dma_wait3A_189 = arith.constant 0 : i32
      %dma_wait3A_190 = tpu.memref_slice %arg2[%dma_wait3A_188, %dma_wait3A_189] : memref<10000x144xf32, #tpu.memory_space<hbm>> -> memref<10000x144xf32, #tpu.memory_space<hbm>>
      tpu.wait_indirect_dma semaphore(%arg18 : memref<!tpu.dma_semaphore, #tpu.memory_space<semaphore_mem>>) src(%dma_wait3A_190 : memref<10000x144xf32, #tpu.memory_space<hbm>>) dst(%arg13 : memref<80x144xf32, #tpu.memory_space<vmem>>)
      %dma_wait3A_191 = arith.constant 0 : i32
      %dma_wait3A_192 = arith.constant 0 : i32
      %dma_wait3A_193 = tpu.memref_slice %arg3[%dma_wait3A_191, %dma_wait3A_192] : memref<10000x16xf32, #tpu.memory_space<hbm>> -> memref<10000x16xf32, #tpu.memory_space<hbm>>
      tpu.wait_indirect_dma semaphore(%arg18 : memref<!tpu.dma_semaphore, #tpu.memory_space<semaphore_mem>>) src(%dma_wait3A_193 : memref<10000x16xf32, #tpu.memory_space<hbm>>) dst(%arg14 : memref<80x16xf32, #tpu.memory_space<vmem>>)
      %scan3A_194 = arith.constant 0 : i32
      %scan3A_195 = arith.constant 0 : i32
      %scan3A_196 = arith.constant 80 : i32
      %scan3A_197 = arith.addi %scan3A_195, %scan3A_196 : i32
      %scan3A_198 = arith.constant 1 : i32
      %scan3A_199 = scf.for %scan3A_202 = %scan3A_195 to %scan3A_197 step %scan3A_198 iter_args(%scan3A_203 = %scan3A_194) -> (i32)  : i32 {
        %get3A = arith.index_cast %scan3A_202 : i32 to index
        %get3A_204 = arith.constant 128 : index
        %get3A_205 = tpu.vector_load %arg13[%get3A, %get3A_204] {strides = array<i32>} : memref<80x144xf32, #tpu.memory_space<vmem>>, vector<1x16xf32>,
        %get3A_206 = vector.shape_cast %get3A_205 : vector<1x16xf32> to vector<16xf32>
        %get3A_207 = arith.index_cast %scan3A_202 : i32 to index
        %get3A_208 = arith.constant 0 : index
        %get3A_209 = tpu.vector_load %arg14[%get3A_207, %get3A_208] {strides = array<i32>} : memref<80x16xf32, #tpu.memory_space<vmem>>, vector<1x16xf32>,
        %get3A_210 = vector.shape_cast %get3A_209 : vector<1x16xf32> to vector<16xf32>
        %add3A_211 = arith.addf %get3A_206, %get3A_210 : vector<16xf32>
        %mul3A_212 = arith.constant 2.000000e-01 : f32
        %mul3A_213 = vector.broadcast %mul3A_212 : f32 to vector<16xf32>
        %mul3A_214 = arith.mulf %mul3A_213, %add3A_211 : vector<16xf32>
        %max3A = arith.maximumf %add3A_211, %mul3A_214 : vector<16xf32>
        %exp3A = math.exp %max3A : vector<16xf32>
        %swap3A = arith.index_cast %scan3A_202 : i32 to index
        %swap3A_215 = arith.constant 128 : index
        %swap3A_216 = tpu.vector_load %arg15[%swap3A, %swap3A_215] {strides = array<i32>} : memref<80x144xf32, #tpu.memory_space<vmem>>, vector<1x16xf32>,
        %swap3A_217 = vector.shape_cast %swap3A_216 : vector<1x16xf32> to vector<16xf32>
        %swap3A_218 = vector.shape_cast %exp3A : vector<16xf32> to vector<1x16xf32>
        tpu.vector_store %arg15[%swap3A, %swap3A_215], %swap3A_218 {strides = array<i32>} : memref<80x144xf32, #tpu.memory_space<vmem>>, vector<1x16xf32>,
        %slice3A = vector.extract_strided_slice %exp3A {offsets = [0], sizes = [1], strides = [1]} : vector<16xf32> to vector<1xf32>
        %squeeze3A = vector.extract %slice3A[0] : f32 from vector<1xf32>
        %broadcast_in_dim3A = vector.broadcast %squeeze3A : f32 to vector<16xf32>
        %get3A_219 = arith.index_cast %scan3A_202 : i32 to index
        %get3A_220 = arith.constant 0 : index
        %get3A_221 = tpu.vector_load %arg13[%get3A_219, %get3A_220] {strides = array<i32>} : memref<80x144xf32, #tpu.memory_space<vmem>>, vector<1x16xf32>,
        %get3A_222 = vector.shape_cast %get3A_221 : vector<1x16xf32> to vector<16xf32>
        %mul3A_223 = arith.mulf %get3A_222, %broadcast_in_dim3A : vector<16xf32>
        %swap3A_224 = arith.index_cast %scan3A_202 : i32 to index
        %swap3A_225 = arith.constant 0 : index
        %swap3A_226 = tpu.vector_load %arg15[%swap3A_224, %swap3A_225] {strides = array<i32>} : memref<80x144xf32, #tpu.memory_space<vmem>>, vector<1x16xf32>,
        %swap3A_227 = vector.shape_cast %swap3A_226 : vector<1x16xf32> to vector<16xf32>
        %swap3A_228 = vector.shape_cast %mul3A_223 : vector<16xf32> to vector<1x16xf32>
        tpu.vector_store %arg15[%swap3A_224, %swap3A_225], %swap3A_228 {strides = array<i32>} : memref<80x144xf32, #tpu.memory_space<vmem>>, vector<1x16xf32>,
        %slice3A_229 = vector.extract_strided_slice %exp3A {offsets = [1], sizes = [1], strides = [1]} : vector<16xf32> to vector<1xf32>
        %squeeze3A_230 = vector.extract %slice3A_229[0] : f32 from vector<1xf32>
        %broadcast_in_dim3A_231 = vector.broadcast %squeeze3A_230 : f32 to vector<16xf32>
        %get3A_232 = arith.index_cast %scan3A_202 : i32 to index
        %get3A_233 = arith.constant 16 : index
        %get3A_234 = tpu.vector_load %arg13[%get3A_232, %get3A_233] {strides = array<i32>} : memref<80x144xf32, #tpu.memory_space<vmem>>, vector<1x16xf32>,
        %get3A_235 = vector.shape_cast %get3A_234 : vector<1x16xf32> to vector<16xf32>
        %mul3A_236 = arith.mulf %get3A_235, %broadcast_in_dim3A_231 : vector<16xf32>
        %swap3A_237 = arith.index_cast %scan3A_202 : i32 to index
        %swap3A_238 = arith.constant 16 : index
        %swap3A_239 = tpu.vector_load %arg15[%swap3A_237, %swap3A_238] {strides = array<i32>} : memref<80x144xf32, #tpu.memory_space<vmem>>, vector<1x16xf32>,
        %swap3A_240 = vector.shape_cast %swap3A_239 : vector<1x16xf32> to vector<16xf32>
        %swap3A_241 = vector.shape_cast %mul3A_236 : vector<16xf32> to vector<1x16xf32>
        tpu.vector_store %arg15[%swap3A_237, %swap3A_238], %swap3A_241 {strides = array<i32>} : memref<80x144xf32, #tpu.memory_space<vmem>>, vector<1x16xf32>,
        %slice3A_242 = vector.extract_strided_slice %exp3A {offsets = [2], sizes = [1], strides = [1]} : vector<16xf32> to vector<1xf32>
        %squeeze3A_243 = vector.extract %slice3A_242[0] : f32 from vector<1xf32>
        %broadcast_in_dim3A_244 = vector.broadcast %squeeze3A_243 : f32 to vector<16xf32>
        %get3A_245 = arith.index_cast %scan3A_202 : i32 to index
        %get3A_246 = arith.constant 32 : index
        %get3A_247 = tpu.vector_load %arg13[%get3A_245, %get3A_246] {strides = array<i32>} : memref<80x144xf32, #tpu.memory_space<vmem>>, vector<1x16xf32>,
        %get3A_248 = vector.shape_cast %get3A_247 : vector<1x16xf32> to vector<16xf32>
        %mul3A_249 = arith.mulf %get3A_248, %broadcast_in_dim3A_244 : vector<16xf32>
        %swap3A_250 = arith.index_cast %scan3A_202 : i32 to index
        %swap3A_251 = arith.constant 32 : index
        %swap3A_252 = tpu.vector_load %arg15[%swap3A_250, %swap3A_251] {strides = array<i32>} : memref<80x144xf32, #tpu.memory_space<vmem>>, vector<1x16xf32>,
        %swap3A_253 = vector.shape_cast %swap3A_252 : vector<1x16xf32> to vector<16xf32>
        %swap3A_254 = vector.shape_cast %mul3A_249 : vector<16xf32> to vector<1x16xf32>
        tpu.vector_store %arg15[%swap3A_250, %swap3A_251], %swap3A_254 {strides = array<i32>} : memref<80x144xf32, #tpu.memory_space<vmem>>, vector<1x16xf32>,
        %slice3A_255 = vector.extract_strided_slice %exp3A {offsets = [3], sizes = [1], strides = [1]} : vector<16xf32> to vector<1xf32>
        %squeeze3A_256 = vector.extract %slice3A_255[0] : f32 from vector<1xf32>
        %broadcast_in_dim3A_257 = vector.broadcast %squeeze3A_256 : f32 to vector<16xf32>
        %get3A_258 = arith.index_cast %scan3A_202 : i32 to index
        %get3A_259 = arith.constant 48 : index
        %get3A_260 = tpu.vector_load %arg13[%get3A_258, %get3A_259] {strides = array<i32>} : memref<80x144xf32, #tpu.memory_space<vmem>>, vector<1x16xf32>,
        %get3A_261 = vector.shape_cast %get3A_260 : vector<1x16xf32> to vector<16xf32>
        %mul3A_262 = arith.mulf %get3A_261, %broadcast_in_dim3A_257 : vector<16xf32>
        %swap3A_263 = arith.index_cast %scan3A_202 : i32 to index
        %swap3A_264 = arith.constant 48 : index
        %swap3A_265 = tpu.vector_load %arg15[%swap3A_263, %swap3A_264] {strides = array<i32>} : memref<80x144xf32, #tpu.memory_space<vmem>>, vector<1x16xf32>,
        %swap3A_266 = vector.shape_cast %swap3A_265 : vector<1x16xf32> to vector<16xf32>
        %swap3A_267 = vector.shape_cast %mul3A_262 : vector<16xf32> to vector<1x16xf32>
        tpu.vector_store %arg15[%swap3A_263, %swap3A_264], %swap3A_267 {strides = array<i32>} : memref<80x144xf32, #tpu.memory_space<vmem>>, vector<1x16xf32>,
        %slice3A_268 = vector.extract_strided_slice %exp3A {offsets = [4], sizes = [1], strides = [1]} : vector<16xf32> to vector<1xf32>
        %squeeze3A_269 = vector.extract %slice3A_268[0] : f32 from vector<1xf32>
        %broadcast_in_dim3A_270 = vector.broadcast %squeeze3A_269 : f32 to vector<16xf32>
        %get3A_271 = arith.index_cast %scan3A_202 : i32 to index
        %get3A_272 = arith.constant 64 : index
        %get3A_273 = tpu.vector_load %arg13[%get3A_271, %get3A_272] {strides = array<i32>} : memref<80x144xf32, #tpu.memory_space<vmem>>, vector<1x16xf32>,
        %get3A_274 = vector.shape_cast %get3A_273 : vector<1x16xf32> to vector<16xf32>
        %mul3A_275 = arith.mulf %get3A_274, %broadcast_in_dim3A_270 : vector<16xf32>
        %swap3A_276 = arith.index_cast %scan3A_202 : i32 to index
        %swap3A_277 = arith.constant 64 : index
        %swap3A_278 = tpu.vector_load %arg15[%swap3A_276, %swap3A_277] {strides = array<i32>} : memref<80x144xf32, #tpu.memory_space<vmem>>, vector<1x16xf32>,
        %swap3A_279 = vector.shape_cast %swap3A_278 : vector<1x16xf32> to vector<16xf32>
        %swap3A_280 = vector.shape_cast %mul3A_275 : vector<16xf32> to vector<1x16xf32>
        tpu.vector_store %arg15[%swap3A_276, %swap3A_277], %swap3A_280 {strides = array<i32>} : memref<80x144xf32, #tpu.memory_space<vmem>>, vector<1x16xf32>,
        %slice3A_281 = vector.extract_strided_slice %exp3A {offsets = [5], sizes = [1], strides = [1]} : vector<16xf32> to vector<1xf32>
        %squeeze3A_282 = vector.extract %slice3A_281[0] : f32 from vector<1xf32>
        %broadcast_in_dim3A_283 = vector.broadcast %squeeze3A_282 : f32 to vector<16xf32>
        %get3A_284 = arith.index_cast %scan3A_202 : i32 to index
        %get3A_285 = arith.constant 80 : index
        %get3A_286 = tpu.vector_load %arg13[%get3A_284, %get3A_285] {strides = array<i32>} : memref<80x144xf32, #tpu.memory_space<vmem>>, vector<1x16xf32>,
        %get3A_287 = vector.shape_cast %get3A_286 : vector<1x16xf32> to vector<16xf32>
        %mul3A_288 = arith.mulf %get3A_287, %broadcast_in_dim3A_283 : vector<16xf32>
        %swap3A_289 = arith.index_cast %scan3A_202 : i32 to index
        %swap3A_290 = arith.constant 80 : index
        %swap3A_291 = tpu.vector_load %arg15[%swap3A_289, %swap3A_290] {strides = array<i32>} : memref<80x144xf32, #tpu.memory_space<vmem>>, vector<1x16xf32>,
        %swap3A_292 = vector.shape_cast %swap3A_291 : vector<1x16xf32> to vector<16xf32>
        %swap3A_293 = vector.shape_cast %mul3A_288 : vector<16xf32> to vector<1x16xf32>
        tpu.vector_store %arg15[%swap3A_289, %swap3A_290], %swap3A_293 {strides = array<i32>} : memref<80x144xf32, #tpu.memory_space<vmem>>, vector<1x16xf32>,
        %slice3A_294 = vector.extract_strided_slice %exp3A {offsets = [6], sizes = [1], strides = [1]} : vector<16xf32> to vector<1xf32>
        %squeeze3A_295 = vector.extract %slice3A_294[0] : f32 from vector<1xf32>
        %broadcast_in_dim3A_296 = vector.broadcast %squeeze3A_295 : f32 to vector<16xf32>
        %get3A_297 = arith.index_cast %scan3A_202 : i32 to index
        %get3A_298 = arith.constant 96 : index
        %get3A_299 = tpu.vector_load %arg13[%get3A_297, %get3A_298] {strides = array<i32>} : memref<80x144xf32, #tpu.memory_space<vmem>>, vector<1x16xf32>,
        %get3A_300 = vector.shape_cast %get3A_299 : vector<1x16xf32> to vector<16xf32>
        %mul3A_301 = arith.mulf %get3A_300, %broadcast_in_dim3A_296 : vector<16xf32>
        %swap3A_302 = arith.index_cast %scan3A_202 : i32 to index
        %swap3A_303 = arith.constant 96 : index
        %swap3A_304 = tpu.vector_load %arg15[%swap3A_302, %swap3A_303] {strides = array<i32>} : memref<80x144xf32, #tpu.memory_space<vmem>>, vector<1x16xf32>,
        %swap3A_305 = vector.shape_cast %swap3A_304 : vector<1x16xf32> to vector<16xf32>
        %swap3A_306 = vector.shape_cast %mul3A_301 : vector<16xf32> to vector<1x16xf32>
        tpu.vector_store %arg15[%swap3A_302, %swap3A_303], %swap3A_306 {strides = array<i32>} : memref<80x144xf32, #tpu.memory_space<vmem>>, vector<1x16xf32>,
        %slice3A_307 = vector.extract_strided_slice %exp3A {offsets = [7], sizes = [1], strides = [1]} : vector<16xf32> to vector<1xf32>
        %squeeze3A_308 = vector.extract %slice3A_307[0] : f32 from vector<1xf32>
        %broadcast_in_dim3A_309 = vector.broadcast %squeeze3A_308 : f32 to vector<16xf32>
        %get3A_310 = arith.index_cast %scan3A_202 : i32 to index
        %get3A_311 = arith.constant 112 : index
        %get3A_312 = tpu.vector_load %arg13[%get3A_310, %get3A_311] {strides = array<i32>} : memref<80x144xf32, #tpu.memory_space<vmem>>, vector<1x16xf32>,
        %get3A_313 = vector.shape_cast %get3A_312 : vector<1x16xf32> to vector<16xf32>
        %mul3A_314 = arith.mulf %get3A_313, %broadcast_in_dim3A_309 : vector<16xf32>
        %swap3A_315 = arith.index_cast %scan3A_202 : i32 to index
        %swap3A_316 = arith.constant 112 : index
        %swap3A_317 = tpu.vector_load %arg15[%swap3A_315, %swap3A_316] {strides = array<i32>} : memref<80x144xf32, #tpu.memory_space<vmem>>, vector<1x16xf32>,
        %swap3A_318 = vector.shape_cast %swap3A_317 : vector<1x16xf32> to vector<16xf32>
        %swap3A_319 = vector.shape_cast %mul3A_314 : vector<16xf32> to vector<1x16xf32>
        tpu.vector_store %arg15[%swap3A_315, %swap3A_316], %swap3A_319 {strides = array<i32>} : memref<80x144xf32, #tpu.memory_space<vmem>>, vector<1x16xf32>,
        %scan3A_320 = arith.constant 0 : i32
        scf.yield %scan3A_320 : i32
      }
      %scan3A_200 = arith.constant 80 : i32
      "tpu.region"() ({
        %run_scoped3A = tpu.sem_alloc : memref<!tpu.dma_semaphore, #tpu.memory_space<semaphore_mem>>
        %dma_start3A_202 = arith.constant 0 : i32
        %dma_start3A_203 = arith.constant 0 : i32
        %dma_start3A_204 = tpu.memref_slice %arg16[%dma_start3A_202, %dma_start3A_203] : memref<10000x144xf32, #tpu.memory_space<vmem_shared>> -> memref<10000x144xf32, #tpu.memory_space<vmem_shared>>
        tpu.enqueue_indirect_dma source(%arg15 : memref<80x144xf32, #tpu.memory_space<vmem>>) target(%dma_start3A_204 : memref<10000x144xf32, #tpu.memory_space<vmem_shared>>) offsets(%arg12 : memref<80xi32, #tpu.memory_space<vmem>>) semaphore(%run_scoped3A : memref<!tpu.dma_semaphore, #tpu.memory_space<semaphore_mem>>) {add = true}
        %dma_wait3A_205 = arith.constant 0 : i32
        %dma_wait3A_206 = arith.constant 0 : i32
        %dma_wait3A_207 = tpu.memref_slice %arg16[%dma_wait3A_205, %dma_wait3A_206] : memref<10000x144xf32, #tpu.memory_space<vmem_shared>> -> memref<10000x144xf32, #tpu.memory_space<vmem_shared>>
        tpu.wait_indirect_dma semaphore(%run_scoped3A : memref<!tpu.dma_semaphore, #tpu.memory_space<semaphore_mem>>) src(%arg15 : memref<80x144xf32, #tpu.memory_space<vmem>>) dst(%dma_wait3A_207 : memref<10000x144xf32, #tpu.memory_space<vmem_shared>>)
        tpu.yield
      }) : () -> ()
      %scan3A_201 = arith.constant 0 : i32
      scf.yield %scan3A_201 : i32
    }
    %scan3A_75 = arith.constant 62 : i32
    %dma_wait3A = arith.constant 0 : i32
    %dma_wait3A_76 = arith.constant 0 : i32
    %dma_wait3A_77 = tpu.memref_slice %arg2[%dma_wait3A, %dma_wait3A_76] : memref<10000x144xf32, #tpu.memory_space<hbm>> -> memref<10000x144xf32, #tpu.memory_space<hbm>>
    tpu.wait_indirect_dma semaphore(%arg17 : memref<!tpu.dma_semaphore, #tpu.memory_space<semaphore_mem>>) src(%dma_wait3A_77 : memref<10000x144xf32, #tpu.memory_space<hbm>>) dst(%arg9 : memref<80x144xf32, #tpu.memory_space<vmem>>)
    %dma_wait3A_78 = arith.constant 0 : i32
    %dma_wait3A_79 = arith.constant 0 : i32
    %dma_wait3A_80 = tpu.memref_slice %arg3[%dma_wait3A_78, %dma_wait3A_79] : memref<10000x16xf32, #tpu.memory_space<hbm>> -> memref<10000x16xf32, #tpu.memory_space<hbm>>
    tpu.wait_indirect_dma semaphore(%arg17 : memref<!tpu.dma_semaphore, #tpu.memory_space<semaphore_mem>>) src(%dma_wait3A_80 : memref<10000x16xf32, #tpu.memory_space<hbm>>) dst(%arg10 : memref<80x16xf32, #tpu.memory_space<vmem>>)
    %scan3A_81 = arith.constant 0 : i32
    %scan3A_82 = arith.constant 0 : i32
    %scan3A_83 = arith.constant 80 : i32
    %scan3A_84 = arith.addi %scan3A_82, %scan3A_83 : i32
    %scan3A_85 = arith.constant 1 : i32
    %scan3A_86 = scf.for %scan3A_145 = %scan3A_82 to %scan3A_84 step %scan3A_85 iter_args(%scan3A_146 = %scan3A_81) -> (i32)  : i32 {
      %get3A = arith.index_cast %scan3A_145 : i32 to index
      %get3A_147 = arith.constant 128 : index
      %get3A_148 = tpu.vector_load %arg9[%get3A, %get3A_147] {strides = array<i32>} : memref<80x144xf32, #tpu.memory_space<vmem>>, vector<1x16xf32>,
      %get3A_149 = vector.shape_cast %get3A_148 : vector<1x16xf32> to vector<16xf32>
      %get3A_150 = arith.index_cast %scan3A_145 : i32 to index
      %get3A_151 = arith.constant 0 : index
      %get3A_152 = tpu.vector_load %arg10[%get3A_150, %get3A_151] {strides = array<i32>} : memref<80x16xf32, #tpu.memory_space<vmem>>, vector<1x16xf32>,
      %get3A_153 = vector.shape_cast %get3A_152 : vector<1x16xf32> to vector<16xf32>
      %add3A_154 = arith.addf %get3A_149, %get3A_153 : vector<16xf32>
      %mul3A_155 = arith.constant 2.000000e-01 : f32
      %mul3A_156 = vector.broadcast %mul3A_155 : f32 to vector<16xf32>
      %mul3A_157 = arith.mulf %mul3A_156, %add3A_154 : vector<16xf32>
      %max3A = arith.maximumf %add3A_154, %mul3A_157 : vector<16xf32>
      %exp3A = math.exp %max3A : vector<16xf32>
      %swap3A = arith.index_cast %scan3A_145 : i32 to index
      %swap3A_158 = arith.constant 128 : index
      %swap3A_159 = tpu.vector_load %arg15[%swap3A, %swap3A_158] {strides = array<i32>} : memref<80x144xf32, #tpu.memory_space<vmem>>, vector<1x16xf32>,
      %swap3A_160 = vector.shape_cast %swap3A_159 : vector<1x16xf32> to vector<16xf32>
      %swap3A_161 = vector.shape_cast %exp3A : vector<16xf32> to vector<1x16xf32>
      tpu.vector_store %arg15[%swap3A, %swap3A_158], %swap3A_161 {strides = array<i32>} : memref<80x144xf32, #tpu.memory_space<vmem>>, vector<1x16xf32>,
      %slice3A = vector.extract_strided_slice %exp3A {offsets = [0], sizes = [1], strides = [1]} : vector<16xf32> to vector<1xf32>
      %squeeze3A = vector.extract %slice3A[0] : f32 from vector<1xf32>
      %broadcast_in_dim3A = vector.broadcast %squeeze3A : f32 to vector<16xf32>
      %get3A_162 = arith.index_cast %scan3A_145 : i32 to index
      %get3A_163 = arith.constant 0 : index
      %get3A_164 = tpu.vector_load %arg9[%get3A_162, %get3A_163] {strides = array<i32>} : memref<80x144xf32, #tpu.memory_space<vmem>>, vector<1x16xf32>,
      %get3A_165 = vector.shape_cast %get3A_164 : vector<1x16xf32> to vector<16xf32>
      %mul3A_166 = arith.mulf %get3A_165, %broadcast_in_dim3A : vector<16xf32>
      %swap3A_167 = arith.index_cast %scan3A_145 : i32 to index
      %swap3A_168 = arith.constant 0 : index
      %swap3A_169 = tpu.vector_load %arg15[%swap3A_167, %swap3A_168] {strides = array<i32>} : memref<80x144xf32, #tpu.memory_space<vmem>>, vector<1x16xf32>,
      %swap3A_170 = vector.shape_cast %swap3A_169 : vector<1x16xf32> to vector<16xf32>
      %swap3A_171 = vector.shape_cast %mul3A_166 : vector<16xf32> to vector<1x16xf32>
      tpu.vector_store %arg15[%swap3A_167, %swap3A_168], %swap3A_171 {strides = array<i32>} : memref<80x144xf32, #tpu.memory_space<vmem>>, vector<1x16xf32>,
      %slice3A_172 = vector.extract_strided_slice %exp3A {offsets = [1], sizes = [1], strides = [1]} : vector<16xf32> to vector<1xf32>
      %squeeze3A_173 = vector.extract %slice3A_172[0] : f32 from vector<1xf32>
      %broadcast_in_dim3A_174 = vector.broadcast %squeeze3A_173 : f32 to vector<16xf32>
      %get3A_175 = arith.index_cast %scan3A_145 : i32 to index
      %get3A_176 = arith.constant 16 : index
      %get3A_177 = tpu.vector_load %arg9[%get3A_175, %get3A_176] {strides = array<i32>} : memref<80x144xf32, #tpu.memory_space<vmem>>, vector<1x16xf32>,
      %get3A_178 = vector.shape_cast %get3A_177 : vector<1x16xf32> to vector<16xf32>
      %mul3A_179 = arith.mulf %get3A_178, %broadcast_in_dim3A_174 : vector<16xf32>
      %swap3A_180 = arith.index_cast %scan3A_145 : i32 to index
      %swap3A_181 = arith.constant 16 : index
      %swap3A_182 = tpu.vector_load %arg15[%swap3A_180, %swap3A_181] {strides = array<i32>} : memref<80x144xf32, #tpu.memory_space<vmem>>, vector<1x16xf32>,
      %swap3A_183 = vector.shape_cast %swap3A_182 : vector<1x16xf32> to vector<16xf32>
      %swap3A_184 = vector.shape_cast %mul3A_179 : vector<16xf32> to vector<1x16xf32>
      tpu.vector_store %arg15[%swap3A_180, %swap3A_181], %swap3A_184 {strides = array<i32>} : memref<80x144xf32, #tpu.memory_space<vmem>>, vector<1x16xf32>,
      %slice3A_185 = vector.extract_strided_slice %exp3A {offsets = [2], sizes = [1], strides = [1]} : vector<16xf32> to vector<1xf32>
      %squeeze3A_186 = vector.extract %slice3A_185[0] : f32 from vector<1xf32>
      %broadcast_in_dim3A_187 = vector.broadcast %squeeze3A_186 : f32 to vector<16xf32>
      %get3A_188 = arith.index_cast %scan3A_145 : i32 to index
      %get3A_189 = arith.constant 32 : index
      %get3A_190 = tpu.vector_load %arg9[%get3A_188, %get3A_189] {strides = array<i32>} : memref<80x144xf32, #tpu.memory_space<vmem>>, vector<1x16xf32>,
      %get3A_191 = vector.shape_cast %get3A_190 : vector<1x16xf32> to vector<16xf32>
      %mul3A_192 = arith.mulf %get3A_191, %broadcast_in_dim3A_187 : vector<16xf32>
      %swap3A_193 = arith.index_cast %scan3A_145 : i32 to index
      %swap3A_194 = arith.constant 32 : index
      %swap3A_195 = tpu.vector_load %arg15[%swap3A_193, %swap3A_194] {strides = array<i32>} : memref<80x144xf32, #tpu.memory_space<vmem>>, vector<1x16xf32>,
      %swap3A_196 = vector.shape_cast %swap3A_195 : vector<1x16xf32> to vector<16xf32>
      %swap3A_197 = vector.shape_cast %mul3A_192 : vector<16xf32> to vector<1x16xf32>
      tpu.vector_store %arg15[%swap3A_193, %swap3A_194], %swap3A_197 {strides = array<i32>} : memref<80x144xf32, #tpu.memory_space<vmem>>, vector<1x16xf32>,
      %slice3A_198 = vector.extract_strided_slice %exp3A {offsets = [3], sizes = [1], strides = [1]} : vector<16xf32> to vector<1xf32>
      %squeeze3A_199 = vector.extract %slice3A_198[0] : f32 from vector<1xf32>
      %broadcast_in_dim3A_200 = vector.broadcast %squeeze3A_199 : f32 to vector<16xf32>
      %get3A_201 = arith.index_cast %scan3A_145 : i32 to index
      %get3A_202 = arith.constant 48 : index
      %get3A_203 = tpu.vector_load %arg9[%get3A_201, %get3A_202] {strides = array<i32>} : memref<80x144xf32, #tpu.memory_space<vmem>>, vector<1x16xf32>,
      %get3A_204 = vector.shape_cast %get3A_203 : vector<1x16xf32> to vector<16xf32>
      %mul3A_205 = arith.mulf %get3A_204, %broadcast_in_dim3A_200 : vector<16xf32>
      %swap3A_206 = arith.index_cast %scan3A_145 : i32 to index
      %swap3A_207 = arith.constant 48 : index
      %swap3A_208 = tpu.vector_load %arg15[%swap3A_206, %swap3A_207] {strides = array<i32>} : memref<80x144xf32, #tpu.memory_space<vmem>>, vector<1x16xf32>,
      %swap3A_209 = vector.shape_cast %swap3A_208 : vector<1x16xf32> to vector<16xf32>
      %swap3A_210 = vector.shape_cast %mul3A_205 : vector<16xf32> to vector<1x16xf32>
      tpu.vector_store %arg15[%swap3A_206, %swap3A_207], %swap3A_210 {strides = array<i32>} : memref<80x144xf32, #tpu.memory_space<vmem>>, vector<1x16xf32>,
      %slice3A_211 = vector.extract_strided_slice %exp3A {offsets = [4], sizes = [1], strides = [1]} : vector<16xf32> to vector<1xf32>
      %squeeze3A_212 = vector.extract %slice3A_211[0] : f32 from vector<1xf32>
      %broadcast_in_dim3A_213 = vector.broadcast %squeeze3A_212 : f32 to vector<16xf32>
      %get3A_214 = arith.index_cast %scan3A_145 : i32 to index
      %get3A_215 = arith.constant 64 : index
      %get3A_216 = tpu.vector_load %arg9[%get3A_214, %get3A_215] {strides = array<i32>} : memref<80x144xf32, #tpu.memory_space<vmem>>, vector<1x16xf32>,
      %get3A_217 = vector.shape_cast %get3A_216 : vector<1x16xf32> to vector<16xf32>
      %mul3A_218 = arith.mulf %get3A_217, %broadcast_in_dim3A_213 : vector<16xf32>
      %swap3A_219 = arith.index_cast %scan3A_145 : i32 to index
      %swap3A_220 = arith.constant 64 : index
      %swap3A_221 = tpu.vector_load %arg15[%swap3A_219, %swap3A_220] {strides = array<i32>} : memref<80x144xf32, #tpu.memory_space<vmem>>, vector<1x16xf32>,
      %swap3A_222 = vector.shape_cast %swap3A_221 : vector<1x16xf32> to vector<16xf32>
      %swap3A_223 = vector.shape_cast %mul3A_218 : vector<16xf32> to vector<1x16xf32>
      tpu.vector_store %arg15[%swap3A_219, %swap3A_220], %swap3A_223 {strides = array<i32>} : memref<80x144xf32, #tpu.memory_space<vmem>>, vector<1x16xf32>,
      %slice3A_224 = vector.extract_strided_slice %exp3A {offsets = [5], sizes = [1], strides = [1]} : vector<16xf32> to vector<1xf32>
      %squeeze3A_225 = vector.extract %slice3A_224[0] : f32 from vector<1xf32>
      %broadcast_in_dim3A_226 = vector.broadcast %squeeze3A_225 : f32 to vector<16xf32>
      %get3A_227 = arith.index_cast %scan3A_145 : i32 to index
      %get3A_228 = arith.constant 80 : index
      %get3A_229 = tpu.vector_load %arg9[%get3A_227, %get3A_228] {strides = array<i32>} : memref<80x144xf32, #tpu.memory_space<vmem>>, vector<1x16xf32>,
      %get3A_230 = vector.shape_cast %get3A_229 : vector<1x16xf32> to vector<16xf32>
      %mul3A_231 = arith.mulf %get3A_230, %broadcast_in_dim3A_226 : vector<16xf32>
      %swap3A_232 = arith.index_cast %scan3A_145 : i32 to index
      %swap3A_233 = arith.constant 80 : index
      %swap3A_234 = tpu.vector_load %arg15[%swap3A_232, %swap3A_233] {strides = array<i32>} : memref<80x144xf32, #tpu.memory_space<vmem>>, vector<1x16xf32>,
      %swap3A_235 = vector.shape_cast %swap3A_234 : vector<1x16xf32> to vector<16xf32>
      %swap3A_236 = vector.shape_cast %mul3A_231 : vector<16xf32> to vector<1x16xf32>
      tpu.vector_store %arg15[%swap3A_232, %swap3A_233], %swap3A_236 {strides = array<i32>} : memref<80x144xf32, #tpu.memory_space<vmem>>, vector<1x16xf32>,
      %slice3A_237 = vector.extract_strided_slice %exp3A {offsets = [6], sizes = [1], strides = [1]} : vector<16xf32> to vector<1xf32>
      %squeeze3A_238 = vector.extract %slice3A_237[0] : f32 from vector<1xf32>
      %broadcast_in_dim3A_239 = vector.broadcast %squeeze3A_238 : f32 to vector<16xf32>
      %get3A_240 = arith.index_cast %scan3A_145 : i32 to index
      %get3A_241 = arith.constant 96 : index
      %get3A_242 = tpu.vector_load %arg9[%get3A_240, %get3A_241] {strides = array<i32>} : memref<80x144xf32, #tpu.memory_space<vmem>>, vector<1x16xf32>,
      %get3A_243 = vector.shape_cast %get3A_242 : vector<1x16xf32> to vector<16xf32>
      %mul3A_244 = arith.mulf %get3A_243, %broadcast_in_dim3A_239 : vector<16xf32>
      %swap3A_245 = arith.index_cast %scan3A_145 : i32 to index
      %swap3A_246 = arith.constant 96 : index
      %swap3A_247 = tpu.vector_load %arg15[%swap3A_245, %swap3A_246] {strides = array<i32>} : memref<80x144xf32, #tpu.memory_space<vmem>>, vector<1x16xf32>,
      %swap3A_248 = vector.shape_cast %swap3A_247 : vector<1x16xf32> to vector<16xf32>
      %swap3A_249 = vector.shape_cast %mul3A_244 : vector<16xf32> to vector<1x16xf32>
      tpu.vector_store %arg15[%swap3A_245, %swap3A_246], %swap3A_249 {strides = array<i32>} : memref<80x144xf32, #tpu.memory_space<vmem>>, vector<1x16xf32>,
      %slice3A_250 = vector.extract_strided_slice %exp3A {offsets = [7], sizes = [1], strides = [1]} : vector<16xf32> to vector<1xf32>
      %squeeze3A_251 = vector.extract %slice3A_250[0] : f32 from vector<1xf32>
      %broadcast_in_dim3A_252 = vector.broadcast %squeeze3A_251 : f32 to vector<16xf32>
      %get3A_253 = arith.index_cast %scan3A_145 : i32 to index
      %get3A_254 = arith.constant 112 : index
      %get3A_255 = tpu.vector_load %arg9[%get3A_253, %get3A_254] {strides = array<i32>} : memref<80x144xf32, #tpu.memory_space<vmem>>, vector<1x16xf32>,
      %get3A_256 = vector.shape_cast %get3A_255 : vector<1x16xf32> to vector<16xf32>
      %mul3A_257 = arith.mulf %get3A_256, %broadcast_in_dim3A_252 : vector<16xf32>
      %swap3A_258 = arith.index_cast %scan3A_145 : i32 to index
      %swap3A_259 = arith.constant 112 : index
      %swap3A_260 = tpu.vector_load %arg15[%swap3A_258, %swap3A_259] {strides = array<i32>} : memref<80x144xf32, #tpu.memory_space<vmem>>, vector<1x16xf32>,
      %swap3A_261 = vector.shape_cast %swap3A_260 : vector<1x16xf32> to vector<16xf32>
      %swap3A_262 = vector.shape_cast %mul3A_257 : vector<16xf32> to vector<1x16xf32>
      tpu.vector_store %arg15[%swap3A_258, %swap3A_259], %swap3A_262 {strides = array<i32>} : memref<80x144xf32, #tpu.memory_space<vmem>>, vector<1x16xf32>,
      %scan3A_263 = arith.constant 0 : i32
      scf.yield %scan3A_263 : i32
    }
    %scan3A_87 = arith.constant 80 : i32
    "tpu.region"() ({
      %run_scoped3A = tpu.sem_alloc : memref<!tpu.dma_semaphore, #tpu.memory_space<semaphore_mem>>
      %dma_start3A_145 = arith.constant 0 : i32
      %dma_start3A_146 = arith.constant 0 : i32
      %dma_start3A_147 = tpu.memref_slice %arg16[%dma_start3A_145, %dma_start3A_146] : memref<10000x144xf32, #tpu.memory_space<vmem_shared>> -> memref<10000x144xf32, #tpu.memory_space<vmem_shared>>
      tpu.enqueue_indirect_dma source(%arg15 : memref<80x144xf32, #tpu.memory_space<vmem>>) target(%dma_start3A_147 : memref<10000x144xf32, #tpu.memory_space<vmem_shared>>) offsets(%arg8 : memref<80xi32, #tpu.memory_space<vmem>>) semaphore(%run_scoped3A : memref<!tpu.dma_semaphore, #tpu.memory_space<semaphore_mem>>) {add = true}
      %dma_wait3A_148 = arith.constant 0 : i32
      %dma_wait3A_149 = arith.constant 0 : i32
      %dma_wait3A_150 = tpu.memref_slice %arg16[%dma_wait3A_148, %dma_wait3A_149] : memref<10000x144xf32, #tpu.memory_space<vmem_shared>> -> memref<10000x144xf32, #tpu.memory_space<vmem_shared>>
      tpu.wait_indirect_dma semaphore(%run_scoped3A : memref<!tpu.dma_semaphore, #tpu.memory_space<semaphore_mem>>) src(%arg15 : memref<80x144xf32, #tpu.memory_space<vmem>>) dst(%dma_wait3A_150 : memref<10000x144xf32, #tpu.memory_space<vmem_shared>>)
      tpu.yield
    }) : () -> ()
    %barrier3A_88 = arith.constant 0 : index
    tpu.barrier barrier_id(%barrier3A_88)
    %add3A_89 = arith.constant 0 : i32
    %add3A_90 = arith.addi %add3A_89, %arg1 : i32
    %lt3A_91 = arith.constant 125 : i32
    %lt3A_92 = arith.cmpi slt, %add3A_90, %lt3A_91 : i32
    %convert_element_type3A_93 = arith.extui %lt3A_92 : i1 to i32
    %cond3A_94 = arith.constant 0 : i32
    %cond3A_95 = arith.cmpi ne, %convert_element_type3A_93, %cond3A_94 : i32
    scf.if %cond3A_95 {
      %mul3A_145 = arith.constant 80 : i32
      %mul3A_146 = arith.muli %add3A_90, %mul3A_145 : i32
      %multiple_of3A_147 = tpu.assume_multiple %mul3A_146, 80 : i32
      %mul3A_148 = arith.constant 10000 : i32
      %mul3A_149 = arith.muli %arg0, %mul3A_148 : i32
      %mul3A_150 = arith.constant 80 : i32
      %mul3A_151 = arith.muli %add3A_90, %mul3A_150 : i32
      %add3A_152 = arith.addi %mul3A_149, %mul3A_151 : i32
      %multiple_of3A_153 = tpu.assume_multiple %add3A_152, 80 : i32
      "tpu.region"() ({
        %run_scoped3A = tpu.sem_alloc : memref<!tpu.dma_semaphore, #tpu.memory_space<semaphore_mem>>
        %dma_start3A_154 = arith.constant 0 : i32
        %dma_start3A_155 = tpu.memref_slice %arg6[%multiple_of3A_153, %dma_start3A_154] : memref<20000x144xf32, #tpu.memory_space<hbm>> -> memref<80x144xf32, #tpu.memory_space<hbm>>
        %dma_start3A_156 = arith.constant 0 : i32
        %dma_start3A_157 = tpu.memref_slice %arg16[%multiple_of3A_147, %dma_start3A_156] : memref<10000x144xf32, #tpu.memory_space<vmem_shared>> -> memref<80x144xf32, #tpu.memory_space<vmem_shared>>
        tpu.enqueue_dma source(%dma_start3A_157 : memref<80x144xf32, #tpu.memory_space<vmem_shared>>) target(%dma_start3A_155 : memref<80x144xf32, #tpu.memory_space<hbm>>) target_semaphore(%run_scoped3A : memref<!tpu.dma_semaphore, #tpu.memory_space<semaphore_mem>>)
        %dma_wait3A_158 = arith.constant 0 : i32
        %dma_wait3A_159 = tpu.memref_slice %arg6[%multiple_of3A_153, %dma_wait3A_158] : memref<20000x144xf32, #tpu.memory_space<hbm>> -> memref<80x144xf32, #tpu.memory_space<hbm>>
        %dma_wait3A_160 = arith.constant 0 : i32
        %dma_wait3A_161 = tpu.memref_slice %arg16[%multiple_of3A_147, %dma_wait3A_160] : memref<10000x144xf32, #tpu.memory_space<vmem_shared>> -> memref<80x144xf32, #tpu.memory_space<vmem_shared>>
        tpu.wait_dma2 semaphore(%run_scoped3A : memref<!tpu.dma_semaphore, #tpu.memory_space<semaphore_mem>>) src(%dma_wait3A_161 : memref<80x144xf32, #tpu.memory_space<vmem_shared>>) dst(%dma_wait3A_159 : memref<80x144xf32, #tpu.memory_space<hbm>>)
        tpu.yield
      }) : () -> ()
    } else {
    }
    %add3A_96 = arith.constant 16 : i32
    %add3A_97 = arith.addi %add3A_96, %arg1 : i32
    %lt3A_98 = arith.constant 125 : i32
    %lt3A_99 = arith.cmpi slt, %add3A_97, %lt3A_98 : i32
    %convert_element_type3A_100 = arith.extui %lt3A_99 : i1 to i32
    %cond3A_101 = arith.constant 0 : i32
    %cond3A_102 = arith.cmpi ne, %convert_element_type3A_100, %cond3A_101 : i32
    scf.if %cond3A_102 {
      %mul3A_145 = arith.constant 80 : i32
      %mul3A_146 = arith.muli %add3A_97, %mul3A_145 : i32
      %multiple_of3A_147 = tpu.assume_multiple %mul3A_146, 80 : i32
      %mul3A_148 = arith.constant 10000 : i32
      %mul3A_149 = arith.muli %arg0, %mul3A_148 : i32
      %mul3A_150 = arith.constant 80 : i32
      %mul3A_151 = arith.muli %add3A_97, %mul3A_150 : i32
      %add3A_152 = arith.addi %mul3A_149, %mul3A_151 : i32
      %multiple_of3A_153 = tpu.assume_multiple %add3A_152, 80 : i32
      "tpu.region"() ({
        %run_scoped3A = tpu.sem_alloc : memref<!tpu.dma_semaphore, #tpu.memory_space<semaphore_mem>>
        %dma_start3A_154 = arith.constant 0 : i32
        %dma_start3A_155 = tpu.memref_slice %arg6[%multiple_of3A_153, %dma_start3A_154] : memref<20000x144xf32, #tpu.memory_space<hbm>> -> memref<80x144xf32, #tpu.memory_space<hbm>>
        %dma_start3A_156 = arith.constant 0 : i32
        %dma_start3A_157 = tpu.memref_slice %arg16[%multiple_of3A_147, %dma_start3A_156] : memref<10000x144xf32, #tpu.memory_space<vmem_shared>> -> memref<80x144xf32, #tpu.memory_space<vmem_shared>>
        tpu.enqueue_dma source(%dma_start3A_157 : memref<80x144xf32, #tpu.memory_space<vmem_shared>>) target(%dma_start3A_155 : memref<80x144xf32, #tpu.memory_space<hbm>>) target_semaphore(%run_scoped3A : memref<!tpu.dma_semaphore, #tpu.memory_space<semaphore_mem>>)
        %dma_wait3A_158 = arith.constant 0 : i32
        %dma_wait3A_159 = tpu.memref_slice %arg6[%multiple_of3A_153, %dma_wait3A_158] : memref<20000x144xf32, #tpu.memory_space<hbm>> -> memref<80x144xf32, #tpu.memory_space<hbm>>
        %dma_wait3A_160 = arith.constant 0 : i32
        %dma_wait3A_161 = tpu.memref_slice %arg16[%multiple_of3A_147, %dma_wait3A_160] : memref<10000x144xf32, #tpu.memory_space<vmem_shared>> -> memref<80x144xf32, #tpu.memory_space<vmem_shared>>
        tpu.wait_dma2 semaphore(%run_scoped3A : memref<!tpu.dma_semaphore, #tpu.memory_space<semaphore_mem>>) src(%dma_wait3A_161 : memref<80x144xf32, #tpu.memory_space<vmem_shared>>) dst(%dma_wait3A_159 : memref<80x144xf32, #tpu.memory_space<hbm>>)
        tpu.yield
      }) : () -> ()
    } else {
    }
    %add3A_103 = arith.constant 32 : i32
    %add3A_104 = arith.addi %add3A_103, %arg1 : i32
    %lt3A_105 = arith.constant 125 : i32
    %lt3A_106 = arith.cmpi slt, %add3A_104, %lt3A_105 : i32
    %convert_element_type3A_107 = arith.extui %lt3A_106 : i1 to i32
    %cond3A_108 = arith.constant 0 : i32
    %cond3A_109 = arith.cmpi ne, %convert_element_type3A_107, %cond3A_108 : i32
    scf.if %cond3A_109 {
      %mul3A_145 = arith.constant 80 : i32
      %mul3A_146 = arith.muli %add3A_104, %mul3A_145 : i32
      %multiple_of3A_147 = tpu.assume_multiple %mul3A_146, 80 : i32
      %mul3A_148 = arith.constant 10000 : i32
      %mul3A_149 = arith.muli %arg0, %mul3A_148 : i32
      %mul3A_150 = arith.constant 80 : i32
      %mul3A_151 = arith.muli %add3A_104, %mul3A_150 : i32
      %add3A_152 = arith.addi %mul3A_149, %mul3A_151 : i32
      %multiple_of3A_153 = tpu.assume_multiple %add3A_152, 80 : i32
      "tpu.region"() ({
        %run_scoped3A = tpu.sem_alloc : memref<!tpu.dma_semaphore, #tpu.memory_space<semaphore_mem>>
        %dma_start3A_154 = arith.constant 0 : i32
        %dma_start3A_155 = tpu.memref_slice %arg6[%multiple_of3A_153, %dma_start3A_154] : memref<20000x144xf32, #tpu.memory_space<hbm>> -> memref<80x144xf32, #tpu.memory_space<hbm>>
        %dma_start3A_156 = arith.constant 0 : i32
        %dma_start3A_157 = tpu.memref_slice %arg16[%multiple_of3A_147, %dma_start3A_156] : memref<10000x144xf32, #tpu.memory_space<vmem_shared>> -> memref<80x144xf32, #tpu.memory_space<vmem_shared>>
        tpu.enqueue_dma source(%dma_start3A_157 : memref<80x144xf32, #tpu.memory_space<vmem_shared>>) target(%dma_start3A_155 : memref<80x144xf32, #tpu.memory_space<hbm>>) target_semaphore(%run_scoped3A : memref<!tpu.dma_semaphore, #tpu.memory_space<semaphore_mem>>)
        %dma_wait3A_158 = arith.constant 0 : i32
        %dma_wait3A_159 = tpu.memref_slice %arg6[%multiple_of3A_153, %dma_wait3A_158] : memref<20000x144xf32, #tpu.memory_space<hbm>> -> memref<80x144xf32, #tpu.memory_space<hbm>>
        %dma_wait3A_160 = arith.constant 0 : i32
        %dma_wait3A_161 = tpu.memref_slice %arg16[%multiple_of3A_147, %dma_wait3A_160] : memref<10000x144xf32, #tpu.memory_space<vmem_shared>> -> memref<80x144xf32, #tpu.memory_space<vmem_shared>>
        tpu.wait_dma2 semaphore(%run_scoped3A : memref<!tpu.dma_semaphore, #tpu.memory_space<semaphore_mem>>) src(%dma_wait3A_161 : memref<80x144xf32, #tpu.memory_space<vmem_shared>>) dst(%dma_wait3A_159 : memref<80x144xf32, #tpu.memory_space<hbm>>)
        tpu.yield
      }) : () -> ()
    } else {
    }
    %add3A_110 = arith.constant 48 : i32
    %add3A_111 = arith.addi %add3A_110, %arg1 : i32
    %lt3A_112 = arith.constant 125 : i32
    %lt3A_113 = arith.cmpi slt, %add3A_111, %lt3A_112 : i32
    %convert_element_type3A_114 = arith.extui %lt3A_113 : i1 to i32
    %cond3A_115 = arith.constant 0 : i32
    %cond3A_116 = arith.cmpi ne, %convert_element_type3A_114, %cond3A_115 : i32
    scf.if %cond3A_116 {
      %mul3A_145 = arith.constant 80 : i32
      %mul3A_146 = arith.muli %add3A_111, %mul3A_145 : i32
      %multiple_of3A_147 = tpu.assume_multiple %mul3A_146, 80 : i32
      %mul3A_148 = arith.constant 10000 : i32
      %mul3A_149 = arith.muli %arg0, %mul3A_148 : i32
      %mul3A_150 = arith.constant 80 : i32
      %mul3A_151 = arith.muli %add3A_111, %mul3A_150 : i32
      %add3A_152 = arith.addi %mul3A_149, %mul3A_151 : i32
      %multiple_of3A_153 = tpu.assume_multiple %add3A_152, 80 : i32
      "tpu.region"() ({
        %run_scoped3A = tpu.sem_alloc : memref<!tpu.dma_semaphore, #tpu.memory_space<semaphore_mem>>
        %dma_start3A_154 = arith.constant 0 : i32
        %dma_start3A_155 = tpu.memref_slice %arg6[%multiple_of3A_153, %dma_start3A_154] : memref<20000x144xf32, #tpu.memory_space<hbm>> -> memref<80x144xf32, #tpu.memory_space<hbm>>
        %dma_start3A_156 = arith.constant 0 : i32
        %dma_start3A_157 = tpu.memref_slice %arg16[%multiple_of3A_147, %dma_start3A_156] : memref<10000x144xf32, #tpu.memory_space<vmem_shared>> -> memref<80x144xf32, #tpu.memory_space<vmem_shared>>
        tpu.enqueue_dma source(%dma_start3A_157 : memref<80x144xf32, #tpu.memory_space<vmem_shared>>) target(%dma_start3A_155 : memref<80x144xf32, #tpu.memory_space<hbm>>) target_semaphore(%run_scoped3A : memref<!tpu.dma_semaphore, #tpu.memory_space<semaphore_mem>>)
        %dma_wait3A_158 = arith.constant 0 : i32
        %dma_wait3A_159 = tpu.memref_slice %arg6[%multiple_of3A_153, %dma_wait3A_158] : memref<20000x144xf32, #tpu.memory_space<hbm>> -> memref<80x144xf32, #tpu.memory_space<hbm>>
        %dma_wait3A_160 = arith.constant 0 : i32
        %dma_wait3A_161 = tpu.memref_slice %arg16[%multiple_of3A_147, %dma_wait3A_160] : memref<10000x144xf32, #tpu.memory_space<vmem_shared>> -> memref<80x144xf32, #tpu.memory_space<vmem_shared>>
        tpu.wait_dma2 semaphore(%run_scoped3A : memref<!tpu.dma_semaphore, #tpu.memory_space<semaphore_mem>>) src(%dma_wait3A_161 : memref<80x144xf32, #tpu.memory_space<vmem_shared>>) dst(%dma_wait3A_159 : memref<80x144xf32, #tpu.memory_space<hbm>>)
        tpu.yield
      }) : () -> ()
    } else {
    }
    %add3A_117 = arith.constant 64 : i32
    %add3A_118 = arith.addi %add3A_117, %arg1 : i32
    %lt3A_119 = arith.constant 125 : i32
    %lt3A_120 = arith.cmpi slt, %add3A_118, %lt3A_119 : i32
    %convert_element_type3A_121 = arith.extui %lt3A_120 : i1 to i32
    %cond3A_122 = arith.constant 0 : i32
    %cond3A_123 = arith.cmpi ne, %convert_element_type3A_121, %cond3A_122 : i32
    scf.if %cond3A_123 {
      %mul3A_145 = arith.constant 80 : i32
      %mul3A_146 = arith.muli %add3A_118, %mul3A_145 : i32
      %multiple_of3A_147 = tpu.assume_multiple %mul3A_146, 80 : i32
      %mul3A_148 = arith.constant 10000 : i32
      %mul3A_149 = arith.muli %arg0, %mul3A_148 : i32
      %mul3A_150 = arith.constant 80 : i32
      %mul3A_151 = arith.muli %add3A_118, %mul3A_150 : i32
      %add3A_152 = arith.addi %mul3A_149, %mul3A_151 : i32
      %multiple_of3A_153 = tpu.assume_multiple %add3A_152, 80 : i32
      "tpu.region"() ({
        %run_scoped3A = tpu.sem_alloc : memref<!tpu.dma_semaphore, #tpu.memory_space<semaphore_mem>>
        %dma_start3A_154 = arith.constant 0 : i32
        %dma_start3A_155 = tpu.memref_slice %arg6[%multiple_of3A_153, %dma_start3A_154] : memref<20000x144xf32, #tpu.memory_space<hbm>> -> memref<80x144xf32, #tpu.memory_space<hbm>>
        %dma_start3A_156 = arith.constant 0 : i32
        %dma_start3A_157 = tpu.memref_slice %arg16[%multiple_of3A_147, %dma_start3A_156] : memref<10000x144xf32, #tpu.memory_space<vmem_shared>> -> memref<80x144xf32, #tpu.memory_space<vmem_shared>>
        tpu.enqueue_dma source(%dma_start3A_157 : memref<80x144xf32, #tpu.memory_space<vmem_shared>>) target(%dma_start3A_155 : memref<80x144xf32, #tpu.memory_space<hbm>>) target_semaphore(%run_scoped3A : memref<!tpu.dma_semaphore, #tpu.memory_space<semaphore_mem>>)
        %dma_wait3A_158 = arith.constant 0 : i32
        %dma_wait3A_159 = tpu.memref_slice %arg6[%multiple_of3A_153, %dma_wait3A_158] : memref<20000x144xf32, #tpu.memory_space<hbm>> -> memref<80x144xf32, #tpu.memory_space<hbm>>
        %dma_wait3A_160 = arith.constant 0 : i32
        %dma_wait3A_161 = tpu.memref_slice %arg16[%multiple_of3A_147, %dma_wait3A_160] : memref<10000x144xf32, #tpu.memory_space<vmem_shared>> -> memref<80x144xf32, #tpu.memory_space<vmem_shared>>
        tpu.wait_dma2 semaphore(%run_scoped3A : memref<!tpu.dma_semaphore, #tpu.memory_space<semaphore_mem>>) src(%dma_wait3A_161 : memref<80x144xf32, #tpu.memory_space<vmem_shared>>) dst(%dma_wait3A_159 : memref<80x144xf32, #tpu.memory_space<hbm>>)
        tpu.yield
      }) : () -> ()
    } else {
    }
    %add3A_124 = arith.constant 80 : i32
    %add3A_125 = arith.addi %add3A_124, %arg1 : i32
    %lt3A_126 = arith.constant 125 : i32
    %lt3A_127 = arith.cmpi slt, %add3A_125, %lt3A_126 : i32
    %convert_element_type3A_128 = arith.extui %lt3A_127 : i1 to i32
    %cond3A_129 = arith.constant 0 : i32
    %cond3A_130 = arith.cmpi ne, %convert_element_type3A_128, %cond3A_129 : i32
    scf.if %cond3A_130 {
      %mul3A_145 = arith.constant 80 : i32
      %mul3A_146 = arith.muli %add3A_125, %mul3A_145 : i32
      %multiple_of3A_147 = tpu.assume_multiple %mul3A_146, 80 : i32
      %mul3A_148 = arith.constant 10000 : i32
      %mul3A_149 = arith.muli %arg0, %mul3A_148 : i32
      %mul3A_150 = arith.constant 80 : i32
      %mul3A_151 = arith.muli %add3A_125, %mul3A_150 : i32
      %add3A_152 = arith.addi %mul3A_149, %mul3A_151 : i32
      %multiple_of3A_153 = tpu.assume_multiple %add3A_152, 80 : i32
      "tpu.region"() ({
        %run_scoped3A = tpu.sem_alloc : memref<!tpu.dma_semaphore, #tpu.memory_space<semaphore_mem>>
        %dma_start3A_154 = arith.constant 0 : i32
        %dma_start3A_155 = tpu.memref_slice %arg6[%multiple_of3A_153, %dma_start3A_154] : memref<20000x144xf32, #tpu.memory_space<hbm>> -> memref<80x144xf32, #tpu.memory_space<hbm>>
        %dma_start3A_156 = arith.constant 0 : i32
        %dma_start3A_157 = tpu.memref_slice %arg16[%multiple_of3A_147, %dma_start3A_156] : memref<10000x144xf32, #tpu.memory_space<vmem_shared>> -> memref<80x144xf32, #tpu.memory_space<vmem_shared>>
        tpu.enqueue_dma source(%dma_start3A_157 : memref<80x144xf32, #tpu.memory_space<vmem_shared>>) target(%dma_start3A_155 : memref<80x144xf32, #tpu.memory_space<hbm>>) target_semaphore(%run_scoped3A : memref<!tpu.dma_semaphore, #tpu.memory_space<semaphore_mem>>)
        %dma_wait3A_158 = arith.constant 0 : i32
        %dma_wait3A_159 = tpu.memref_slice %arg6[%multiple_of3A_153, %dma_wait3A_158] : memref<20000x144xf32, #tpu.memory_space<hbm>> -> memref<80x144xf32, #tpu.memory_space<hbm>>
        %dma_wait3A_160 = arith.constant 0 : i32
        %dma_wait3A_161 = tpu.memref_slice %arg16[%multiple_of3A_147, %dma_wait3A_160] : memref<10000x144xf32, #tpu.memory_space<vmem_shared>> -> memref<80x144xf32, #tpu.memory_space<vmem_shared>>
        tpu.wait_dma2 semaphore(%run_scoped3A : memref<!tpu.dma_semaphore, #tpu.memory_space<semaphore_mem>>) src(%dma_wait3A_161 : memref<80x144xf32, #tpu.memory_space<vmem_shared>>) dst(%dma_wait3A_159 : memref<80x144xf32, #tpu.memory_space<hbm>>)
        tpu.yield
      }) : () -> ()
    } else {
    }
    %add3A_131 = arith.constant 96 : i32
    %add3A_132 = arith.addi %add3A_131, %arg1 : i32
    %lt3A_133 = arith.constant 125 : i32
    %lt3A_134 = arith.cmpi slt, %add3A_132, %lt3A_133 : i32
    %convert_element_type3A_135 = arith.extui %lt3A_134 : i1 to i32
    %cond3A_136 = arith.constant 0 : i32
    %cond3A_137 = arith.cmpi ne, %convert_element_type3A_135, %cond3A_136 : i32
    scf.if %cond3A_137 {
      %mul3A_145 = arith.constant 80 : i32
      %mul3A_146 = arith.muli %add3A_132, %mul3A_145 : i32
      %multiple_of3A_147 = tpu.assume_multiple %mul3A_146, 80 : i32
      %mul3A_148 = arith.constant 10000 : i32
      %mul3A_149 = arith.muli %arg0, %mul3A_148 : i32
      %mul3A_150 = arith.constant 80 : i32
      %mul3A_151 = arith.muli %add3A_132, %mul3A_150 : i32
      %add3A_152 = arith.addi %mul3A_149, %mul3A_151 : i32
      %multiple_of3A_153 = tpu.assume_multiple %add3A_152, 80 : i32
      "tpu.region"() ({
        %run_scoped3A = tpu.sem_alloc : memref<!tpu.dma_semaphore, #tpu.memory_space<semaphore_mem>>
        %dma_start3A_154 = arith.constant 0 : i32
        %dma_start3A_155 = tpu.memref_slice %arg6[%multiple_of3A_153, %dma_start3A_154] : memref<20000x144xf32, #tpu.memory_space<hbm>> -> memref<80x144xf32, #tpu.memory_space<hbm>>
        %dma_start3A_156 = arith.constant 0 : i32
        %dma_start3A_157 = tpu.memref_slice %arg16[%multiple_of3A_147, %dma_start3A_156] : memref<10000x144xf32, #tpu.memory_space<vmem_shared>> -> memref<80x144xf32, #tpu.memory_space<vmem_shared>>
        tpu.enqueue_dma source(%dma_start3A_157 : memref<80x144xf32, #tpu.memory_space<vmem_shared>>) target(%dma_start3A_155 : memref<80x144xf32, #tpu.memory_space<hbm>>) target_semaphore(%run_scoped3A : memref<!tpu.dma_semaphore, #tpu.memory_space<semaphore_mem>>)
        %dma_wait3A_158 = arith.constant 0 : i32
        %dma_wait3A_159 = tpu.memref_slice %arg6[%multiple_of3A_153, %dma_wait3A_158] : memref<20000x144xf32, #tpu.memory_space<hbm>> -> memref<80x144xf32, #tpu.memory_space<hbm>>
        %dma_wait3A_160 = arith.constant 0 : i32
        %dma_wait3A_161 = tpu.memref_slice %arg16[%multiple_of3A_147, %dma_wait3A_160] : memref<10000x144xf32, #tpu.memory_space<vmem_shared>> -> memref<80x144xf32, #tpu.memory_space<vmem_shared>>
        tpu.wait_dma2 semaphore(%run_scoped3A : memref<!tpu.dma_semaphore, #tpu.memory_space<semaphore_mem>>) src(%dma_wait3A_161 : memref<80x144xf32, #tpu.memory_space<vmem_shared>>) dst(%dma_wait3A_159 : memref<80x144xf32, #tpu.memory_space<hbm>>)
        tpu.yield
      }) : () -> ()
    } else {
    }
    %add3A_138 = arith.constant 112 : i32
    %add3A_139 = arith.addi %add3A_138, %arg1 : i32
    %lt3A_140 = arith.constant 125 : i32
    %lt3A_141 = arith.cmpi slt, %add3A_139, %lt3A_140 : i32
    %convert_element_type3A_142 = arith.extui %lt3A_141 : i1 to i32
    %cond3A_143 = arith.constant 0 : i32
    %cond3A_144 = arith.cmpi ne, %convert_element_type3A_142, %cond3A_143 : i32
    scf.if %cond3A_144 {
      %mul3A_145 = arith.constant 80 : i32
      %mul3A_146 = arith.muli %add3A_139, %mul3A_145 : i32
      %multiple_of3A_147 = tpu.assume_multiple %mul3A_146, 80 : i32
      %mul3A_148 = arith.constant 10000 : i32
      %mul3A_149 = arith.muli %arg0, %mul3A_148 : i32
      %mul3A_150 = arith.constant 80 : i32
      %mul3A_151 = arith.muli %add3A_139, %mul3A_150 : i32
      %add3A_152 = arith.addi %mul3A_149, %mul3A_151 : i32
      %multiple_of3A_153 = tpu.assume_multiple %add3A_152, 80 : i32
      "tpu.region"() ({
        %run_scoped3A = tpu.sem_alloc : memref<!tpu.dma_semaphore, #tpu.memory_space<semaphore_mem>>
        %dma_start3A_154 = arith.constant 0 : i32
        %dma_start3A_155 = tpu.memref_slice %arg6[%multiple_of3A_153, %dma_start3A_154] : memref<20000x144xf32, #tpu.memory_space<hbm>> -> memref<80x144xf32, #tpu.memory_space<hbm>>
        %dma_start3A_156 = arith.constant 0 : i32
        %dma_start3A_157 = tpu.memref_slice %arg16[%multiple_of3A_147, %dma_start3A_156] : memref<10000x144xf32, #tpu.memory_space<vmem_shared>> -> memref<80x144xf32, #tpu.memory_space<vmem_shared>>
        tpu.enqueue_dma source(%dma_start3A_157 : memref<80x144xf32, #tpu.memory_space<vmem_shared>>) target(%dma_start3A_155 : memref<80x144xf32, #tpu.memory_space<hbm>>) target_semaphore(%run_scoped3A : memref<!tpu.dma_semaphore, #tpu.memory_space<semaphore_mem>>)
        %dma_wait3A_158 = arith.constant 0 : i32
        %dma_wait3A_159 = tpu.memref_slice %arg6[%multiple_of3A_153, %dma_wait3A_158] : memref<20000x144xf32, #tpu.memory_space<hbm>> -> memref<80x144xf32, #tpu.memory_space<hbm>>
        %dma_wait3A_160 = arith.constant 0 : i32
        %dma_wait3A_161 = tpu.memref_slice %arg16[%multiple_of3A_147, %dma_wait3A_160] : memref<10000x144xf32, #tpu.memory_space<vmem_shared>> -> memref<80x144xf32, #tpu.memory_space<vmem_shared>>
        tpu.wait_dma2 semaphore(%run_scoped3A : memref<!tpu.dma_semaphore, #tpu.memory_space<semaphore_mem>>) src(%dma_wait3A_161 : memref<80x144xf32, #tpu.memory_space<vmem_shared>>) dst(%dma_wait3A_159 : memref<80x144xf32, #tpu.memory_space<hbm>>)
        tpu.yield
      }) : () -> ()
    } else {
    }
    return
  }
}

#map = affine_map<(d0, d1) -> (0, 0)>
#map1 = affine_map<(d0, d1) -> (0)>
module attributes {stable_mosaic.version = 14 : i64} {
  func.func @fn(%arg0: i32, %arg1: i32, %arg2: memref<10000x144xf32, #tpu.memory_space<hbm>>, %arg3: memref<10000x16xf32, #tpu.memory_space<hbm>>, %arg4: memref<320000xi32, #tpu.memory_space<hbm>>, %arg5: memref<320000xi32, #tpu.memory_space<hbm>>, %arg6: memref<20000x144xf32, #tpu.memory_space<hbm>>, %arg7: memref<80xi32, #tpu.memory_space<vmem>>, %arg8: memref<80xi32, #tpu.memory_space<vmem>>, %arg9: memref<80x144xf32, #tpu.memory_space<vmem>>, %arg10: memref<80x16xf32, #tpu.memory_space<vmem>>, %arg11: memref<80xi32, #tpu.memory_space<vmem>>, %arg12: memref<80xi32, #tpu.memory_space<vmem>>, %arg13: memref<80x144xf32, #tpu.memory_space<vmem>>, %arg14: memref<80x16xf32, #tpu.memory_space<vmem>>, %arg15: memref<80x144xf32, #tpu.memory_space<vmem>>, %arg16: memref<10000x144xf32, #tpu.memory_space<vmem_shared>>, %arg17: memref<!tpu.dma_semaphore, #tpu.memory_space<semaphore_mem>>, %arg18: memref<!tpu.dma_semaphore, #tpu.memory_space<semaphore_mem>>) attributes {dimension_semantics = [#tpu.dimension_semantics<core_parallel>, #tpu.dimension_semantics<subcore_parallel>], iteration_bounds = array<i64: 2, 16>, scalar_prefetch = 0 : i64, scratch_operands = 12 : i64, tpu.core_type = #tpu.core_type<sc_vector_subcore>, window_params = [{transform_indices = #map}, {transform_indices = #map}, {transform_indices = #map1}, {transform_indices = #map1}, {transform_indices = #map}]} {
    %mul3A = arith.constant 2 : i32
    %mul3A_0 = arith.muli %arg1, %mul3A : i32
    %add3A = arith.addi %mul3A_0, %arg0 : i32
    %scan3A = arith.constant 0 : i32
    %scan3A_1 = arith.constant 0 : i32
    %scan3A_2 = arith.constant 80 : i32
    %scan3A_3 = arith.addi %scan3A_1, %scan3A_2 : i32
    %scan3A_4 = arith.constant 1 : i32
    %scan3A_5 = scf.for %scan3A_145 = %scan3A_1 to %scan3A_3 step %scan3A_4 iter_args(%scan3A_146 = %scan3A) -> (i32)  : i32 {
      %broadcast_in_dim3A = arith.constant 0.000000e+00 : f32
      %broadcast_in_dim3A_147 = vector.broadcast %broadcast_in_dim3A : f32 to vector<16xf32>
      %swap3A = arith.index_cast %scan3A_145 : i32 to index
      %swap3A_148 = arith.constant 0 : index
      %swap3A_149 = tpu.vector_load %arg15[%swap3A, %swap3A_148] {strides = array<i32>} : memref<80x144xf32, #tpu.memory_space<vmem>>, vector<1x16xf32>,
      %swap3A_150 = vector.shape_cast %swap3A_149 : vector<1x16xf32> to vector<16xf32>
      %swap3A_151 = vector.shape_cast %broadcast_in_dim3A_147 : vector<16xf32> to vector<1x16xf32>
      tpu.vector_store %arg15[%swap3A, %swap3A_148], %swap3A_151 {strides = array<i32>} : memref<80x144xf32, #tpu.memory_space<vmem>>, vector<1x16xf32>,
      %broadcast_in_dim3A_152 = arith.constant 0.000000e+00 : f32
      %broadcast_in_dim3A_153 = vector.broadcast %broadcast_in_dim3A_152 : f32 to vector<16xf32>
      %swap3A_154 = arith.index_cast %scan3A_145 : i32 to index
      %swap3A_155 = arith.constant 16 : index
      %swap3A_156 = tpu.vector_load %arg15[%swap3A_154, %swap3A_155] {strides = array<i32>} : memref<80x144xf32, #tpu.memory_space<vmem>>, vector<1x16xf32>,
      %swap3A_157 = vector.shape_cast %swap3A_156 : vector<1x16xf32> to vector<16xf32>
      %swap3A_158 = vector.shape_cast %broadcast_in_dim3A_153 : vector<16xf32> to vector<1x16xf32>
      tpu.vector_store %arg15[%swap3A_154, %swap3A_155], %swap3A_158 {strides = array<i32>} : memref<80x144xf32, #tpu.memory_space<vmem>>, vector<1x16xf32>,
      %broadcast_in_dim3A_159 = arith.constant 0.000000e+00 : f32
      %broadcast_in_dim3A_160 = vector.broadcast %broadcast_in_dim3A_159 : f32 to vector<16xf32>
      %swap3A_161 = arith.index_cast %scan3A_145 : i32 to index
      %swap3A_162 = arith.constant 32 : index
      %swap3A_163 = tpu.vector_load %arg15[%swap3A_161, %swap3A_162] {strides = array<i32>} : memref<80x144xf32, #tpu.memory_space<vmem>>, vector<1x16xf32>,
      %swap3A_164 = vector.shape_cast %swap3A_163 : vector<1x16xf32> to vector<16xf32>
      %swap3A_165 = vector.shape_cast %broadcast_in_dim3A_160 : vector<16xf32> to vector<1x16xf32>
      tpu.vector_store %arg15[%swap3A_161, %swap3A_162], %swap3A_165 {strides = array<i32>} : memref<80x144xf32, #tpu.memory_space<vmem>>, vector<1x16xf32>,
      %broadcast_in_dim3A_166 = arith.constant 0.000000e+00 : f32
      %broadcast_in_dim3A_167 = vector.broadcast %broadcast_in_dim3A_166 : f32 to vector<16xf32>
      %swap3A_168 = arith.index_cast %scan3A_145 : i32 to index
      %swap3A_169 = arith.constant 48 : index
      %swap3A_170 = tpu.vector_load %arg15[%swap3A_168, %swap3A_169] {strides = array<i32>} : memref<80x144xf32, #tpu.memory_space<vmem>>, vector<1x16xf32>,
      %swap3A_171 = vector.shape_cast %swap3A_170 : vector<1x16xf32> to vector<16xf32>
      %swap3A_172 = vector.shape_cast %broadcast_in_dim3A_167 : vector<16xf32> to vector<1x16xf32>
      tpu.vector_store %arg15[%swap3A_168, %swap3A_169], %swap3A_172 {strides = array<i32>} : memref<80x144xf32, #tpu.memory_space<vmem>>, vector<1x16xf32>,
      %broadcast_in_dim3A_173 = arith.constant 0.000000e+00 : f32
      %broadcast_in_dim3A_174 = vector.broadcast %broadcast_in_dim3A_173 : f32 to vector<16xf32>
      %swap3A_175 = arith.index_cast %scan3A_145 : i32 to index
      %swap3A_176 = arith.constant 64 : index
      %swap3A_177 = tpu.vector_load %arg15[%swap3A_175, %swap3A_176] {strides = array<i32>} : memref<80x144xf32, #tpu.memory_space<vmem>>, vector<1x16xf32>,
      %swap3A_178 = vector.shape_cast %swap3A_177 : vector<1x16xf32> to vector<16xf32>
      %swap3A_179 = vector.shape_cast %broadcast_in_dim3A_174 : vector<16xf32> to vector<1x16xf32>
      tpu.vector_store %arg15[%swap3A_175, %swap3A_176], %swap3A_179 {strides = array<i32>} : memref<80x144xf32, #tpu.memory_space<vmem>>, vector<1x16xf32>,
      %broadcast_in_dim3A_180 = arith.constant 0.000000e+00 : f32
      %broadcast_in_dim3A_181 = vector.broadcast %broadcast_in_dim3A_180 : f32 to vector<16xf32>
      %swap3A_182 = arith.index_cast %scan3A_145 : i32 to index
      %swap3A_183 = arith.constant 80 : index
      %swap3A_184 = tpu.vector_load %arg15[%swap3A_182, %swap3A_183] {strides = array<i32>} : memref<80x144xf32, #tpu.memory_space<vmem>>, vector<1x16xf32>,
      %swap3A_185 = vector.shape_cast %swap3A_184 : vector<1x16xf32> to vector<16xf32>
      %swap3A_186 = vector.shape_cast %broadcast_in_dim3A_181 : vector<16xf32> to vector<1x16xf32>
      tpu.vector_store %arg15[%swap3A_182, %swap3A_183], %swap3A_186 {strides = array<i32>} : memref<80x144xf32, #tpu.memory_space<vmem>>, vector<1x16xf32>,
      %broadcast_in_dim3A_187 = arith.constant 0.000000e+00 : f32
      %broadcast_in_dim3A_188 = vector.broadcast %broadcast_in_dim3A_187 : f32 to vector<16xf32>
      %swap3A_189 = arith.index_cast %scan3A_145 : i32 to index
      %swap3A_190 = arith.constant 96 : index
      %swap3A_191 = tpu.vector_load %arg15[%swap3A_189, %swap3A_190] {strides = array<i32>} : memref<80x144xf32, #tpu.memory_space<vmem>>, vector<1x16xf32>,
      %swap3A_192 = vector.shape_cast %swap3A_191 : vector<1x16xf32> to vector<16xf32>
      %swap3A_193 = vector.shape_cast %broadcast_in_dim3A_188 : vector<16xf32> to vector<1x16xf32>
      tpu.vector_store %arg15[%swap3A_189, %swap3A_190], %swap3A_193 {strides = array<i32>} : memref<80x144xf32, #tpu.memory_space<vmem>>, vector<1x16xf32>,
      %broadcast_in_dim3A_194 = arith.constant 0.000000e+00 : f32
      %broadcast_in_dim3A_195 = vector.broadcast %broadcast_in_dim3A_194 : f32 to vector<16xf32>
      %swap3A_196 = arith.index_cast %scan3A_145 : i32 to index
      %swap3A_197 = arith.constant 112 : index
      %swap3A_198 = tpu.vector_load %arg15[%swap3A_196, %swap3A_197] {strides = array<i32>} : memref<80x144xf32, #tpu.memory_space<vmem>>, vector<1x16xf32>,
      %swap3A_199 = vector.shape_cast %swap3A_198 : vector<1x16xf32> to vector<16xf32>
      %swap3A_200 = vector.shape_cast %broadcast_in_dim3A_195 : vector<16xf32> to vector<1x16xf32>
      tpu.vector_store %arg15[%swap3A_196, %swap3A_197], %swap3A_200 {strides = array<i32>} : memref<80x144xf32, #tpu.memory_space<vmem>>, vector<1x16xf32>,
      %broadcast_in_dim3A_201 = arith.constant 0.000000e+00 : f32
      %broadcast_in_dim3A_202 = vector.broadcast %broadcast_in_dim3A_201 : f32 to vector<16xf32>
      %swap3A_203 = arith.index_cast %scan3A_145 : i32 to index
      %swap3A_204 = arith.constant 128 : index
      %swap3A_205 = tpu.vector_load %arg15[%swap3A_203, %swap3A_204] {strides = array<i32>} : memref<80x144xf32, #tpu.memory_space<vmem>>, vector<1x16xf32>,
      %swap3A_206 = vector.shape_cast %swap3A_205 : vector<1x16xf32> to vector<16xf32>
      %swap3A_207 = vector.shape_cast %broadcast_in_dim3A_202 : vector<16xf32> to vector<1x16xf32>
      tpu.vector_store %arg15[%swap3A_203, %swap3A_204], %swap3A_207 {strides = array<i32>} : memref<80x144xf32, #tpu.memory_space<vmem>>, vector<1x16xf32>,
      %scan3A_208 = arith.constant 0 : i32
      scf.yield %scan3A_208 : i32
    }
    %scan3A_6 = arith.constant 80 : i32
    %add3A_7 = arith.constant 0 : i32
    %add3A_8 = arith.addi %add3A_7, %arg1 : i32
    %lt3A = arith.constant 125 : i32
    %lt3A_9 = arith.cmpi slt, %add3A_8, %lt3A : i32
    %convert_element_type3A = arith.extui %lt3A_9 : i1 to i32
    %cond3A = arith.constant 0 : i32
    %cond3A_10 = arith.cmpi ne, %convert_element_type3A, %cond3A : i32
    scf.if %cond3A_10 {
      %mul3A_145 = arith.constant 80 : i32
      %mul3A_146 = arith.muli %add3A_8, %mul3A_145 : i32
      %multiple_of3A_147 = tpu.assume_multiple %mul3A_146, 80 : i32
      "tpu.region"() ({
        %run_scoped3A = tpu.sem_alloc : memref<!tpu.dma_semaphore, #tpu.memory_space<semaphore_mem>>
        %dma_start3A_148 = arith.constant 0 : i32
        %dma_start3A_149 = tpu.memref_slice %arg16[%multiple_of3A_147, %dma_start3A_148] : memref<10000x144xf32, #tpu.memory_space<vmem_shared>> -> memref<80x144xf32, #tpu.memory_space<vmem_shared>>
        %dma_start3A_150 = arith.constant 0 : i32
        %dma_start3A_151 = tpu.memref_slice %arg16[%multiple_of3A_147, %dma_start3A_150] : memref<10000x144xf32, #tpu.memory_space<vmem_shared>> -> memref<80x144xf32, #tpu.memory_space<vmem_shared>>
        tpu.enqueue_dma source(%arg15 : memref<80x144xf32, #tpu.memory_space<vmem>>) target(%dma_start3A_151 : memref<80x144xf32, #tpu.memory_space<vmem_shared>>) target_semaphore(%run_scoped3A : memref<!tpu.dma_semaphore, #tpu.memory_space<semaphore_mem>>)
        %dma_wait3A_152 = arith.constant 0 : i32
        %dma_wait3A_153 = tpu.memref_slice %arg16[%multiple_of3A_147, %dma_wait3A_152] : memref<10000x144xf32, #tpu.memory_space<vmem_shared>> -> memref<80x144xf32, #tpu.memory_space<vmem_shared>>
        %dma_wait3A_154 = arith.constant 0 : i32
        %dma_wait3A_155 = tpu.memref_slice %arg16[%multiple_of3A_147, %dma_wait3A_154] : memref<10000x144xf32, #tpu.memory_space<vmem_shared>> -> memref<80x144xf32, #tpu.memory_space<vmem_shared>>
        tpu.wait_dma2 semaphore(%run_scoped3A : memref<!tpu.dma_semaphore, #tpu.memory_space<semaphore_mem>>) src(%arg15 : memref<80x144xf32, #tpu.memory_space<vmem>>) dst(%dma_wait3A_155 : memref<80x144xf32, #tpu.memory_space<vmem_shared>>)
        tpu.yield
      }) : () -> ()
    } else {
    }
    %add3A_11 = arith.constant 16 : i32
    %add3A_12 = arith.addi %add3A_11, %arg1 : i32
    %lt3A_13 = arith.constant 125 : i32
    %lt3A_14 = arith.cmpi slt, %add3A_12, %lt3A_13 : i32
    %convert_element_type3A_15 = arith.extui %lt3A_14 : i1 to i32
    %cond3A_16 = arith.constant 0 : i32
    %cond3A_17 = arith.cmpi ne, %convert_element_type3A_15, %cond3A_16 : i32
    scf.if %cond3A_17 {
      %mul3A_145 = arith.constant 80 : i32
      %mul3A_146 = arith.muli %add3A_12, %mul3A_145 : i32
      %multiple_of3A_147 = tpu.assume_multiple %mul3A_146, 80 : i32
      "tpu.region"() ({
        %run_scoped3A = tpu.sem_alloc : memref<!tpu.dma_semaphore, #tpu.memory_space<semaphore_mem>>
        %dma_start3A_148 = arith.constant 0 : i32
        %dma_start3A_149 = tpu.memref_slice %arg16[%multiple_of3A_147, %dma_start3A_148] : memref<10000x144xf32, #tpu.memory_space<vmem_shared>> -> memref<80x144xf32, #tpu.memory_space<vmem_shared>>
        %dma_start3A_150 = arith.constant 0 : i32
        %dma_start3A_151 = tpu.memref_slice %arg16[%multiple_of3A_147, %dma_start3A_150] : memref<10000x144xf32, #tpu.memory_space<vmem_shared>> -> memref<80x144xf32, #tpu.memory_space<vmem_shared>>
        tpu.enqueue_dma source(%arg15 : memref<80x144xf32, #tpu.memory_space<vmem>>) target(%dma_start3A_151 : memref<80x144xf32, #tpu.memory_space<vmem_shared>>) target_semaphore(%run_scoped3A : memref<!tpu.dma_semaphore, #tpu.memory_space<semaphore_mem>>)
        %dma_wait3A_152 = arith.constant 0 : i32
        %dma_wait3A_153 = tpu.memref_slice %arg16[%multiple_of3A_147, %dma_wait3A_152] : memref<10000x144xf32, #tpu.memory_space<vmem_shared>> -> memref<80x144xf32, #tpu.memory_space<vmem_shared>>
        %dma_wait3A_154 = arith.constant 0 : i32
        %dma_wait3A_155 = tpu.memref_slice %arg16[%multiple_of3A_147, %dma_wait3A_154] : memref<10000x144xf32, #tpu.memory_space<vmem_shared>> -> memref<80x144xf32, #tpu.memory_space<vmem_shared>>
        tpu.wait_dma2 semaphore(%run_scoped3A : memref<!tpu.dma_semaphore, #tpu.memory_space<semaphore_mem>>) src(%arg15 : memref<80x144xf32, #tpu.memory_space<vmem>>) dst(%dma_wait3A_155 : memref<80x144xf32, #tpu.memory_space<vmem_shared>>)
        tpu.yield
      }) : () -> ()
    } else {
    }
    %add3A_18 = arith.constant 32 : i32
    %add3A_19 = arith.addi %add3A_18, %arg1 : i32
    %lt3A_20 = arith.constant 125 : i32
    %lt3A_21 = arith.cmpi slt, %add3A_19, %lt3A_20 : i32
    %convert_element_type3A_22 = arith.extui %lt3A_21 : i1 to i32
    %cond3A_23 = arith.constant 0 : i32
    %cond3A_24 = arith.cmpi ne, %convert_element_type3A_22, %cond3A_23 : i32
    scf.if %cond3A_24 {
      %mul3A_145 = arith.constant 80 : i32
      %mul3A_146 = arith.muli %add3A_19, %mul3A_145 : i32
      %multiple_of3A_147 = tpu.assume_multiple %mul3A_146, 80 : i32
      "tpu.region"() ({
        %run_scoped3A = tpu.sem_alloc : memref<!tpu.dma_semaphore, #tpu.memory_space<semaphore_mem>>
        %dma_start3A_148 = arith.constant 0 : i32
        %dma_start3A_149 = tpu.memref_slice %arg16[%multiple_of3A_147, %dma_start3A_148] : memref<10000x144xf32, #tpu.memory_space<vmem_shared>> -> memref<80x144xf32, #tpu.memory_space<vmem_shared>>
        %dma_start3A_150 = arith.constant 0 : i32
        %dma_start3A_151 = tpu.memref_slice %arg16[%multiple_of3A_147, %dma_start3A_150] : memref<10000x144xf32, #tpu.memory_space<vmem_shared>> -> memref<80x144xf32, #tpu.memory_space<vmem_shared>>
        tpu.enqueue_dma source(%arg15 : memref<80x144xf32, #tpu.memory_space<vmem>>) target(%dma_start3A_151 : memref<80x144xf32, #tpu.memory_space<vmem_shared>>) target_semaphore(%run_scoped3A : memref<!tpu.dma_semaphore, #tpu.memory_space<semaphore_mem>>)
        %dma_wait3A_152 = arith.constant 0 : i32
        %dma_wait3A_153 = tpu.memref_slice %arg16[%multiple_of3A_147, %dma_wait3A_152] : memref<10000x144xf32, #tpu.memory_space<vmem_shared>> -> memref<80x144xf32, #tpu.memory_space<vmem_shared>>
        %dma_wait3A_154 = arith.constant 0 : i32
        %dma_wait3A_155 = tpu.memref_slice %arg16[%multiple_of3A_147, %dma_wait3A_154] : memref<10000x144xf32, #tpu.memory_space<vmem_shared>> -> memref<80x144xf32, #tpu.memory_space<vmem_shared>>
        tpu.wait_dma2 semaphore(%run_scoped3A : memref<!tpu.dma_semaphore, #tpu.memory_space<semaphore_mem>>) src(%arg15 : memref<80x144xf32, #tpu.memory_space<vmem>>) dst(%dma_wait3A_155 : memref<80x144xf32, #tpu.memory_space<vmem_shared>>)
        tpu.yield
      }) : () -> ()
    } else {
    }
    %add3A_25 = arith.constant 48 : i32
    %add3A_26 = arith.addi %add3A_25, %arg1 : i32
    %lt3A_27 = arith.constant 125 : i32
    %lt3A_28 = arith.cmpi slt, %add3A_26, %lt3A_27 : i32
    %convert_element_type3A_29 = arith.extui %lt3A_28 : i1 to i32
    %cond3A_30 = arith.constant 0 : i32
    %cond3A_31 = arith.cmpi ne, %convert_element_type3A_29, %cond3A_30 : i32
    scf.if %cond3A_31 {
      %mul3A_145 = arith.constant 80 : i32
      %mul3A_146 = arith.muli %add3A_26, %mul3A_145 : i32
      %multiple_of3A_147 = tpu.assume_multiple %mul3A_146, 80 : i32
      "tpu.region"() ({
        %run_scoped3A = tpu.sem_alloc : memref<!tpu.dma_semaphore, #tpu.memory_space<semaphore_mem>>
        %dma_start3A_148 = arith.constant 0 : i32
        %dma_start3A_149 = tpu.memref_slice %arg16[%multiple_of3A_147, %dma_start3A_148] : memref<10000x144xf32, #tpu.memory_space<vmem_shared>> -> memref<80x144xf32, #tpu.memory_space<vmem_shared>>
        %dma_start3A_150 = arith.constant 0 : i32
        %dma_start3A_151 = tpu.memref_slice %arg16[%multiple_of3A_147, %dma_start3A_150] : memref<10000x144xf32, #tpu.memory_space<vmem_shared>> -> memref<80x144xf32, #tpu.memory_space<vmem_shared>>
        tpu.enqueue_dma source(%arg15 : memref<80x144xf32, #tpu.memory_space<vmem>>) target(%dma_start3A_151 : memref<80x144xf32, #tpu.memory_space<vmem_shared>>) target_semaphore(%run_scoped3A : memref<!tpu.dma_semaphore, #tpu.memory_space<semaphore_mem>>)
        %dma_wait3A_152 = arith.constant 0 : i32
        %dma_wait3A_153 = tpu.memref_slice %arg16[%multiple_of3A_147, %dma_wait3A_152] : memref<10000x144xf32, #tpu.memory_space<vmem_shared>> -> memref<80x144xf32, #tpu.memory_space<vmem_shared>>
        %dma_wait3A_154 = arith.constant 0 : i32
        %dma_wait3A_155 = tpu.memref_slice %arg16[%multiple_of3A_147, %dma_wait3A_154] : memref<10000x144xf32, #tpu.memory_space<vmem_shared>> -> memref<80x144xf32, #tpu.memory_space<vmem_shared>>
        tpu.wait_dma2 semaphore(%run_scoped3A : memref<!tpu.dma_semaphore, #tpu.memory_space<semaphore_mem>>) src(%arg15 : memref<80x144xf32, #tpu.memory_space<vmem>>) dst(%dma_wait3A_155 : memref<80x144xf32, #tpu.memory_space<vmem_shared>>)
        tpu.yield
      }) : () -> ()
    } else {
    }
    %add3A_32 = arith.constant 64 : i32
    %add3A_33 = arith.addi %add3A_32, %arg1 : i32
    %lt3A_34 = arith.constant 125 : i32
    %lt3A_35 = arith.cmpi slt, %add3A_33, %lt3A_34 : i32
    %convert_element_type3A_36 = arith.extui %lt3A_35 : i1 to i32
    %cond3A_37 = arith.constant 0 : i32
    %cond3A_38 = arith.cmpi ne, %convert_element_type3A_36, %cond3A_37 : i32
    scf.if %cond3A_38 {
      %mul3A_145 = arith.constant 80 : i32
      %mul3A_146 = arith.muli %add3A_33, %mul3A_145 : i32
      %multiple_of3A_147 = tpu.assume_multiple %mul3A_146, 80 : i32
      "tpu.region"() ({
        %run_scoped3A = tpu.sem_alloc : memref<!tpu.dma_semaphore, #tpu.memory_space<semaphore_mem>>
        %dma_start3A_148 = arith.constant 0 : i32
        %dma_start3A_149 = tpu.memref_slice %arg16[%multiple_of3A_147, %dma_start3A_148] : memref<10000x144xf32, #tpu.memory_space<vmem_shared>> -> memref<80x144xf32, #tpu.memory_space<vmem_shared>>
        %dma_start3A_150 = arith.constant 0 : i32
        %dma_start3A_151 = tpu.memref_slice %arg16[%multiple_of3A_147, %dma_start3A_150] : memref<10000x144xf32, #tpu.memory_space<vmem_shared>> -> memref<80x144xf32, #tpu.memory_space<vmem_shared>>
        tpu.enqueue_dma source(%arg15 : memref<80x144xf32, #tpu.memory_space<vmem>>) target(%dma_start3A_151 : memref<80x144xf32, #tpu.memory_space<vmem_shared>>) target_semaphore(%run_scoped3A : memref<!tpu.dma_semaphore, #tpu.memory_space<semaphore_mem>>)
        %dma_wait3A_152 = arith.constant 0 : i32
        %dma_wait3A_153 = tpu.memref_slice %arg16[%multiple_of3A_147, %dma_wait3A_152] : memref<10000x144xf32, #tpu.memory_space<vmem_shared>> -> memref<80x144xf32, #tpu.memory_space<vmem_shared>>
        %dma_wait3A_154 = arith.constant 0 : i32
        %dma_wait3A_155 = tpu.memref_slice %arg16[%multiple_of3A_147, %dma_wait3A_154] : memref<10000x144xf32, #tpu.memory_space<vmem_shared>> -> memref<80x144xf32, #tpu.memory_space<vmem_shared>>
        tpu.wait_dma2 semaphore(%run_scoped3A : memref<!tpu.dma_semaphore, #tpu.memory_space<semaphore_mem>>) src(%arg15 : memref<80x144xf32, #tpu.memory_space<vmem>>) dst(%dma_wait3A_155 : memref<80x144xf32, #tpu.memory_space<vmem_shared>>)
        tpu.yield
      }) : () -> ()
    } else {
    }
    %add3A_39 = arith.constant 80 : i32
    %add3A_40 = arith.addi %add3A_39, %arg1 : i32
    %lt3A_41 = arith.constant 125 : i32
    %lt3A_42 = arith.cmpi slt, %add3A_40, %lt3A_41 : i32
    %convert_element_type3A_43 = arith.extui %lt3A_42 : i1 to i32
    %cond3A_44 = arith.constant 0 : i32
    %cond3A_45 = arith.cmpi ne, %convert_element_type3A_43, %cond3A_44 : i32
    scf.if %cond3A_45 {
      %mul3A_145 = arith.constant 80 : i32
      %mul3A_146 = arith.muli %add3A_40, %mul3A_145 : i32
      %multiple_of3A_147 = tpu.assume_multiple %mul3A_146, 80 : i32
      "tpu.region"() ({
        %run_scoped3A = tpu.sem_alloc : memref<!tpu.dma_semaphore, #tpu.memory_space<semaphore_mem>>
        %dma_start3A_148 = arith.constant 0 : i32
        %dma_start3A_149 = tpu.memref_slice %arg16[%multiple_of3A_147, %dma_start3A_148] : memref<10000x144xf32, #tpu.memory_space<vmem_shared>> -> memref<80x144xf32, #tpu.memory_space<vmem_shared>>
        %dma_start3A_150 = arith.constant 0 : i32
        %dma_start3A_151 = tpu.memref_slice %arg16[%multiple_of3A_147, %dma_start3A_150] : memref<10000x144xf32, #tpu.memory_space<vmem_shared>> -> memref<80x144xf32, #tpu.memory_space<vmem_shared>>
        tpu.enqueue_dma source(%arg15 : memref<80x144xf32, #tpu.memory_space<vmem>>) target(%dma_start3A_151 : memref<80x144xf32, #tpu.memory_space<vmem_shared>>) target_semaphore(%run_scoped3A : memref<!tpu.dma_semaphore, #tpu.memory_space<semaphore_mem>>)
        %dma_wait3A_152 = arith.constant 0 : i32
        %dma_wait3A_153 = tpu.memref_slice %arg16[%multiple_of3A_147, %dma_wait3A_152] : memref<10000x144xf32, #tpu.memory_space<vmem_shared>> -> memref<80x144xf32, #tpu.memory_space<vmem_shared>>
        %dma_wait3A_154 = arith.constant 0 : i32
        %dma_wait3A_155 = tpu.memref_slice %arg16[%multiple_of3A_147, %dma_wait3A_154] : memref<10000x144xf32, #tpu.memory_space<vmem_shared>> -> memref<80x144xf32, #tpu.memory_space<vmem_shared>>
        tpu.wait_dma2 semaphore(%run_scoped3A : memref<!tpu.dma_semaphore, #tpu.memory_space<semaphore_mem>>) src(%arg15 : memref<80x144xf32, #tpu.memory_space<vmem>>) dst(%dma_wait3A_155 : memref<80x144xf32, #tpu.memory_space<vmem_shared>>)
        tpu.yield
      }) : () -> ()
    } else {
    }
    %add3A_46 = arith.constant 96 : i32
    %add3A_47 = arith.addi %add3A_46, %arg1 : i32
    %lt3A_48 = arith.constant 125 : i32
    %lt3A_49 = arith.cmpi slt, %add3A_47, %lt3A_48 : i32
    %convert_element_type3A_50 = arith.extui %lt3A_49 : i1 to i32
    %cond3A_51 = arith.constant 0 : i32
    %cond3A_52 = arith.cmpi ne, %convert_element_type3A_50, %cond3A_51 : i32
    scf.if %cond3A_52 {
      %mul3A_145 = arith.constant 80 : i32
      %mul3A_146 = arith.muli %add3A_47, %mul3A_145 : i32
      %multiple_of3A_147 = tpu.assume_multiple %mul3A_146, 80 : i32
      "tpu.region"() ({
        %run_scoped3A = tpu.sem_alloc : memref<!tpu.dma_semaphore, #tpu.memory_space<semaphore_mem>>
        %dma_start3A_148 = arith.constant 0 : i32
        %dma_start3A_149 = tpu.memref_slice %arg16[%multiple_of3A_147, %dma_start3A_148] : memref<10000x144xf32, #tpu.memory_space<vmem_shared>> -> memref<80x144xf32, #tpu.memory_space<vmem_shared>>
        %dma_start3A_150 = arith.constant 0 : i32
        %dma_start3A_151 = tpu.memref_slice %arg16[%multiple_of3A_147, %dma_start3A_150] : memref<10000x144xf32, #tpu.memory_space<vmem_shared>> -> memref<80x144xf32, #tpu.memory_space<vmem_shared>>
        tpu.enqueue_dma source(%arg15 : memref<80x144xf32, #tpu.memory_space<vmem>>) target(%dma_start3A_151 : memref<80x144xf32, #tpu.memory_space<vmem_shared>>) target_semaphore(%run_scoped3A : memref<!tpu.dma_semaphore, #tpu.memory_space<semaphore_mem>>)
        %dma_wait3A_152 = arith.constant 0 : i32
        %dma_wait3A_153 = tpu.memref_slice %arg16[%multiple_of3A_147, %dma_wait3A_152] : memref<10000x144xf32, #tpu.memory_space<vmem_shared>> -> memref<80x144xf32, #tpu.memory_space<vmem_shared>>
        %dma_wait3A_154 = arith.constant 0 : i32
        %dma_wait3A_155 = tpu.memref_slice %arg16[%multiple_of3A_147, %dma_wait3A_154] : memref<10000x144xf32, #tpu.memory_space<vmem_shared>> -> memref<80x144xf32, #tpu.memory_space<vmem_shared>>
        tpu.wait_dma2 semaphore(%run_scoped3A : memref<!tpu.dma_semaphore, #tpu.memory_space<semaphore_mem>>) src(%arg15 : memref<80x144xf32, #tpu.memory_space<vmem>>) dst(%dma_wait3A_155 : memref<80x144xf32, #tpu.memory_space<vmem_shared>>)
        tpu.yield
      }) : () -> ()
    } else {
    }
    %add3A_53 = arith.constant 112 : i32
    %add3A_54 = arith.addi %add3A_53, %arg1 : i32
    %lt3A_55 = arith.constant 125 : i32
    %lt3A_56 = arith.cmpi slt, %add3A_54, %lt3A_55 : i32
    %convert_element_type3A_57 = arith.extui %lt3A_56 : i1 to i32
    %cond3A_58 = arith.constant 0 : i32
    %cond3A_59 = arith.cmpi ne, %convert_element_type3A_57, %cond3A_58 : i32
    scf.if %cond3A_59 {
      %mul3A_145 = arith.constant 80 : i32
      %mul3A_146 = arith.muli %add3A_54, %mul3A_145 : i32
      %multiple_of3A_147 = tpu.assume_multiple %mul3A_146, 80 : i32
      "tpu.region"() ({
        %run_scoped3A = tpu.sem_alloc : memref<!tpu.dma_semaphore, #tpu.memory_space<semaphore_mem>>
        %dma_start3A_148 = arith.constant 0 : i32
        %dma_start3A_149 = tpu.memref_slice %arg16[%multiple_of3A_147, %dma_start3A_148] : memref<10000x144xf32, #tpu.memory_space<vmem_shared>> -> memref<80x144xf32, #tpu.memory_space<vmem_shared>>
        %dma_start3A_150 = arith.constant 0 : i32
        %dma_start3A_151 = tpu.memref_slice %arg16[%multiple_of3A_147, %dma_start3A_150] : memref<10000x144xf32, #tpu.memory_space<vmem_shared>> -> memref<80x144xf32, #tpu.memory_space<vmem_shared>>
        tpu.enqueue_dma source(%arg15 : memref<80x144xf32, #tpu.memory_space<vmem>>) target(%dma_start3A_151 : memref<80x144xf32, #tpu.memory_space<vmem_shared>>) target_semaphore(%run_scoped3A : memref<!tpu.dma_semaphore, #tpu.memory_space<semaphore_mem>>)
        %dma_wait3A_152 = arith.constant 0 : i32
        %dma_wait3A_153 = tpu.memref_slice %arg16[%multiple_of3A_147, %dma_wait3A_152] : memref<10000x144xf32, #tpu.memory_space<vmem_shared>> -> memref<80x144xf32, #tpu.memory_space<vmem_shared>>
        %dma_wait3A_154 = arith.constant 0 : i32
        %dma_wait3A_155 = tpu.memref_slice %arg16[%multiple_of3A_147, %dma_wait3A_154] : memref<10000x144xf32, #tpu.memory_space<vmem_shared>> -> memref<80x144xf32, #tpu.memory_space<vmem_shared>>
        tpu.wait_dma2 semaphore(%run_scoped3A : memref<!tpu.dma_semaphore, #tpu.memory_space<semaphore_mem>>) src(%arg15 : memref<80x144xf32, #tpu.memory_space<vmem>>) dst(%dma_wait3A_155 : memref<80x144xf32, #tpu.memory_space<vmem_shared>>)
        tpu.yield
      }) : () -> ()
    } else {
    }
    %barrier3A = arith.constant 0 : index
    tpu.barrier barrier_id(%barrier3A)
    %mul3A_60 = arith.constant 10000 : i32
    %mul3A_61 = arith.muli %add3A, %mul3A_60 : i32
    %add3A_62 = arith.constant 0 : i32
    %add3A_63 = arith.addi %mul3A_61, %add3A_62 : i32
    %multiple_of3A = tpu.assume_multiple %add3A_63, 80 : i32
    "tpu.region"() ({
      %run_scoped3A = tpu.sem_alloc : memref<!tpu.dma_semaphore, #tpu.memory_space<semaphore_mem>>
      %dma_start3A_145 = tpu.memref_slice %arg4[%multiple_of3A] : memref<320000xi32, #tpu.memory_space<hbm>> -> memref<80xi32, #tpu.memory_space<hbm>>
      %dma_start3A_146 = tpu.memref_slice %arg4[%multiple_of3A] : memref<320000xi32, #tpu.memory_space<hbm>> -> memref<80xi32, #tpu.memory_space<hbm>>
      tpu.enqueue_dma source(%dma_start3A_146 : memref<80xi32, #tpu.memory_space<hbm>>) target(%arg7 : memref<80xi32, #tpu.memory_space<vmem>>) target_semaphore(%run_scoped3A : memref<!tpu.dma_semaphore, #tpu.memory_space<semaphore_mem>>)
      %dma_wait3A_147 = tpu.memref_slice %arg4[%multiple_of3A] : memref<320000xi32, #tpu.memory_space<hbm>> -> memref<80xi32, #tpu.memory_space<hbm>>
      %dma_wait3A_148 = tpu.memref_slice %arg4[%multiple_of3A] : memref<320000xi32, #tpu.memory_space<hbm>> -> memref<80xi32, #tpu.memory_space<hbm>>
      tpu.wait_dma2 semaphore(%run_scoped3A : memref<!tpu.dma_semaphore, #tpu.memory_space<semaphore_mem>>) src(%dma_wait3A_148 : memref<80xi32, #tpu.memory_space<hbm>>) dst(%arg7 : memref<80xi32, #tpu.memory_space<vmem>>)
      tpu.yield
    }) : () -> ()
    "tpu.region"() ({
      %run_scoped3A = tpu.sem_alloc : memref<!tpu.dma_semaphore, #tpu.memory_space<semaphore_mem>>
      %dma_start3A_145 = tpu.memref_slice %arg5[%multiple_of3A] : memref<320000xi32, #tpu.memory_space<hbm>> -> memref<80xi32, #tpu.memory_space<hbm>>
      %dma_start3A_146 = tpu.memref_slice %arg5[%multiple_of3A] : memref<320000xi32, #tpu.memory_space<hbm>> -> memref<80xi32, #tpu.memory_space<hbm>>
      tpu.enqueue_dma source(%dma_start3A_146 : memref<80xi32, #tpu.memory_space<hbm>>) target(%arg8 : memref<80xi32, #tpu.memory_space<vmem>>) target_semaphore(%run_scoped3A : memref<!tpu.dma_semaphore, #tpu.memory_space<semaphore_mem>>)
      %dma_wait3A_147 = tpu.memref_slice %arg5[%multiple_of3A] : memref<320000xi32, #tpu.memory_space<hbm>> -> memref<80xi32, #tpu.memory_space<hbm>>
      %dma_wait3A_148 = tpu.memref_slice %arg5[%multiple_of3A] : memref<320000xi32, #tpu.memory_space<hbm>> -> memref<80xi32, #tpu.memory_space<hbm>>
      tpu.wait_dma2 semaphore(%run_scoped3A : memref<!tpu.dma_semaphore, #tpu.memory_space<semaphore_mem>>) src(%dma_wait3A_148 : memref<80xi32, #tpu.memory_space<hbm>>) dst(%arg8 : memref<80xi32, #tpu.memory_space<vmem>>)
      tpu.yield
    }) : () -> ()
    %dma_start3A = arith.constant 0 : i32
    %dma_start3A_64 = arith.constant 0 : i32
    %dma_start3A_65 = tpu.memref_slice %arg2[%dma_start3A, %dma_start3A_64] : memref<10000x144xf32, #tpu.memory_space<hbm>> -> memref<10000x144xf32, #tpu.memory_space<hbm>>
    tpu.enqueue_indirect_dma source(%dma_start3A_65 : memref<10000x144xf32, #tpu.memory_space<hbm>>) target(%arg9 : memref<80x144xf32, #tpu.memory_space<vmem>>) offsets(%arg7 : memref<80xi32, #tpu.memory_space<vmem>>) semaphore(%arg17 : memref<!tpu.dma_semaphore, #tpu.memory_space<semaphore_mem>>)
    %dma_start3A_66 = arith.constant 0 : i32
    %dma_start3A_67 = arith.constant 0 : i32
    %dma_start3A_68 = tpu.memref_slice %arg3[%dma_start3A_66, %dma_start3A_67] : memref<10000x16xf32, #tpu.memory_space<hbm>> -> memref<10000x16xf32, #tpu.memory_space<hbm>>
    tpu.enqueue_indirect_dma source(%dma_start3A_68 : memref<10000x16xf32, #tpu.memory_space<hbm>>) target(%arg10 : memref<80x16xf32, #tpu.memory_space<vmem>>) offsets(%arg8 : memref<80xi32, #tpu.memory_space<vmem>>) semaphore(%arg17 : memref<!tpu.dma_semaphore, #tpu.memory_space<semaphore_mem>>)
    %scan3A_69 = arith.constant 0 : i32
    %scan3A_70 = arith.constant 0 : i32
    %scan3A_71 = arith.constant 62 : i32
    %scan3A_72 = arith.addi %scan3A_70, %scan3A_71 : i32
    %scan3A_73 = arith.constant 1 : i32
    %scan3A_74 = scf.for %scan3A_145 = %scan3A_70 to %scan3A_72 step %scan3A_73 iter_args(%scan3A_146 = %scan3A_69) -> (i32)  : i32 {
      %mul3A_147 = arith.constant 2 : i32
      %mul3A_148 = arith.muli %mul3A_147, %scan3A_145 : i32
      %add3A_149 = arith.constant 1 : i32
      %add3A_150 = arith.addi %mul3A_148, %add3A_149 : i32
      %mul3A_151 = arith.constant 80 : i32
      %mul3A_152 = arith.muli %add3A_150, %mul3A_151 : i32
      %add3A_153 = arith.addi %mul3A_61, %mul3A_152 : i32
      %multiple_of3A_154 = tpu.assume_multiple %add3A_153, 80 : i32
      "tpu.region"() ({
        %run_scoped3A = tpu.sem_alloc : memref<!tpu.dma_semaphore, #tpu.memory_space<semaphore_mem>>
        %dma_start3A_202 = tpu.memref_slice %arg4[%multiple_of3A_154] : memref<320000xi32, #tpu.memory_space<hbm>> -> memref<80xi32, #tpu.memory_space<hbm>>
        %dma_start3A_203 = tpu.memref_slice %arg4[%multiple_of3A_154] : memref<320000xi32, #tpu.memory_space<hbm>> -> memref<80xi32, #tpu.memory_space<hbm>>
        tpu.enqueue_dma source(%dma_start3A_203 : memref<80xi32, #tpu.memory_space<hbm>>) target(%arg11 : memref<80xi32, #tpu.memory_space<vmem>>) target_semaphore(%run_scoped3A : memref<!tpu.dma_semaphore, #tpu.memory_space<semaphore_mem>>)
        %dma_wait3A_204 = tpu.memref_slice %arg4[%multiple_of3A_154] : memref<320000xi32, #tpu.memory_space<hbm>> -> memref<80xi32, #tpu.memory_space<hbm>>
        %dma_wait3A_205 = tpu.memref_slice %arg4[%multiple_of3A_154] : memref<320000xi32, #tpu.memory_space<hbm>> -> memref<80xi32, #tpu.memory_space<hbm>>
        tpu.wait_dma2 semaphore(%run_scoped3A : memref<!tpu.dma_semaphore, #tpu.memory_space<semaphore_mem>>) src(%dma_wait3A_205 : memref<80xi32, #tpu.memory_space<hbm>>) dst(%arg11 : memref<80xi32, #tpu.memory_space<vmem>>)
        tpu.yield
      }) : () -> ()
      "tpu.region"() ({
        %run_scoped3A = tpu.sem_alloc : memref<!tpu.dma_semaphore, #tpu.memory_space<semaphore_mem>>
        %dma_start3A_202 = tpu.memref_slice %arg5[%multiple_of3A_154] : memref<320000xi32, #tpu.memory_space<hbm>> -> memref<80xi32, #tpu.memory_space<hbm>>
        %dma_start3A_203 = tpu.memref_slice %arg5[%multiple_of3A_154] : memref<320000xi32, #tpu.memory_space<hbm>> -> memref<80xi32, #tpu.memory_space<hbm>>
        tpu.enqueue_dma source(%dma_start3A_203 : memref<80xi32, #tpu.memory_space<hbm>>) target(%arg12 : memref<80xi32, #tpu.memory_space<vmem>>) target_semaphore(%run_scoped3A : memref<!tpu.dma_semaphore, #tpu.memory_space<semaphore_mem>>)
        %dma_wait3A_204 = tpu.memref_slice %arg5[%multiple_of3A_154] : memref<320000xi32, #tpu.memory_space<hbm>> -> memref<80xi32, #tpu.memory_space<hbm>>
        %dma_wait3A_205 = tpu.memref_slice %arg5[%multiple_of3A_154] : memref<320000xi32, #tpu.memory_space<hbm>> -> memref<80xi32, #tpu.memory_space<hbm>>
        tpu.wait_dma2 semaphore(%run_scoped3A : memref<!tpu.dma_semaphore, #tpu.memory_space<semaphore_mem>>) src(%dma_wait3A_205 : memref<80xi32, #tpu.memory_space<hbm>>) dst(%arg12 : memref<80xi32, #tpu.memory_space<vmem>>)
        tpu.yield
      }) : () -> ()
      %dma_start3A_155 = arith.constant 0 : i32
      %dma_start3A_156 = arith.constant 0 : i32
      %dma_start3A_157 = tpu.memref_slice %arg2[%dma_start3A_155, %dma_start3A_156] : memref<10000x144xf32, #tpu.memory_space<hbm>> -> memref<10000x144xf32, #tpu.memory_space<hbm>>
      tpu.enqueue_indirect_dma source(%dma_start3A_157 : memref<10000x144xf32, #tpu.memory_space<hbm>>) target(%arg13 : memref<80x144xf32, #tpu.memory_space<vmem>>) offsets(%arg11 : memref<80xi32, #tpu.memory_space<vmem>>) semaphore(%arg18 : memref<!tpu.dma_semaphore, #tpu.memory_space<semaphore_mem>>)
      %dma_start3A_158 = arith.constant 0 : i32
      %dma_start3A_159 = arith.constant 0 : i32
      %dma_start3A_160 = tpu.memref_slice %arg3[%dma_start3A_158, %dma_start3A_159] : memref<10000x16xf32, #tpu.memory_space<hbm>> -> memref<10000x16xf32, #tpu.memory_space<hbm>>
      tpu.enqueue_indirect_dma source(%dma_start3A_160 : memref<10000x16xf32, #tpu.memory_space<hbm>>) target(%arg14 : memref<80x16xf32, #tpu.memory_space<vmem>>) offsets(%arg12 : memref<80xi32, #tpu.memory_space<vmem>>) semaphore(%arg18 : memref<!tpu.dma_semaphore, #tpu.memory_space<semaphore_mem>>)
      %dma_wait3A_161 = arith.constant 0 : i32
      %dma_wait3A_162 = arith.constant 0 : i32
      %dma_wait3A_163 = tpu.memref_slice %arg2[%dma_wait3A_161, %dma_wait3A_162] : memref<10000x144xf32, #tpu.memory_space<hbm>> -> memref<10000x144xf32, #tpu.memory_space<hbm>>
      tpu.wait_indirect_dma semaphore(%arg17 : memref<!tpu.dma_semaphore, #tpu.memory_space<semaphore_mem>>) src(%dma_wait3A_163 : memref<10000x144xf32, #tpu.memory_space<hbm>>) dst(%arg9 : memref<80x144xf32, #tpu.memory_space<vmem>>)
      %dma_wait3A_164 = arith.constant 0 : i32
      %dma_wait3A_165 = arith.constant 0 : i32
      %dma_wait3A_166 = tpu.memref_slice %arg3[%dma_wait3A_164, %dma_wait3A_165] : memref<10000x16xf32, #tpu.memory_space<hbm>> -> memref<10000x16xf32, #tpu.memory_space<hbm>>
      tpu.wait_indirect_dma semaphore(%arg17 : memref<!tpu.dma_semaphore, #tpu.memory_space<semaphore_mem>>) src(%dma_wait3A_166 : memref<10000x16xf32, #tpu.memory_space<hbm>>) dst(%arg10 : memref<80x16xf32, #tpu.memory_space<vmem>>)
      %scan3A_167 = arith.constant 0 : i32
      %scan3A_168 = arith.constant 0 : i32
      %scan3A_169 = arith.constant 80 : i32
      %scan3A_170 = arith.addi %scan3A_168, %scan3A_169 : i32
      %scan3A_171 = arith.constant 1 : i32
      %scan3A_172 = scf.for %scan3A_202 = %scan3A_168 to %scan3A_170 step %scan3A_171 iter_args(%scan3A_203 = %scan3A_167) -> (i32)  : i32 {
        %get3A = arith.index_cast %scan3A_202 : i32 to index
        %get3A_204 = arith.constant 128 : index
        %get3A_205 = tpu.vector_load %arg9[%get3A, %get3A_204] {strides = array<i32>} : memref<80x144xf32, #tpu.memory_space<vmem>>, vector<1x16xf32>,
        %get3A_206 = vector.shape_cast %get3A_205 : vector<1x16xf32> to vector<16xf32>
        %get3A_207 = arith.index_cast %scan3A_202 : i32 to index
        %get3A_208 = arith.constant 0 : index
        %get3A_209 = tpu.vector_load %arg10[%get3A_207, %get3A_208] {strides = array<i32>} : memref<80x16xf32, #tpu.memory_space<vmem>>, vector<1x16xf32>,
        %get3A_210 = vector.shape_cast %get3A_209 : vector<1x16xf32> to vector<16xf32>
        %add3A_211 = arith.addf %get3A_206, %get3A_210 : vector<16xf32>
        %mul3A_212 = arith.constant 2.000000e-01 : f32
        %mul3A_213 = vector.broadcast %mul3A_212 : f32 to vector<16xf32>
        %mul3A_214 = arith.mulf %mul3A_213, %add3A_211 : vector<16xf32>
        %max3A = arith.maximumf %add3A_211, %mul3A_214 : vector<16xf32>
        %exp3A = math.exp %max3A : vector<16xf32>
        %swap3A = arith.index_cast %scan3A_202 : i32 to index
        %swap3A_215 = arith.constant 128 : index
        %swap3A_216 = tpu.vector_load %arg15[%swap3A, %swap3A_215] {strides = array<i32>} : memref<80x144xf32, #tpu.memory_space<vmem>>, vector<1x16xf32>,
        %swap3A_217 = vector.shape_cast %swap3A_216 : vector<1x16xf32> to vector<16xf32>
        %swap3A_218 = vector.shape_cast %exp3A : vector<16xf32> to vector<1x16xf32>
        tpu.vector_store %arg15[%swap3A, %swap3A_215], %swap3A_218 {strides = array<i32>} : memref<80x144xf32, #tpu.memory_space<vmem>>, vector<1x16xf32>,
        %slice3A = vector.extract_strided_slice %exp3A {offsets = [0], sizes = [1], strides = [1]} : vector<16xf32> to vector<1xf32>
        %squeeze3A = vector.extract %slice3A[0] : f32 from vector<1xf32>
        %broadcast_in_dim3A = vector.broadcast %squeeze3A : f32 to vector<16xf32>
        %get3A_219 = arith.index_cast %scan3A_202 : i32 to index
        %get3A_220 = arith.constant 0 : index
        %get3A_221 = tpu.vector_load %arg9[%get3A_219, %get3A_220] {strides = array<i32>} : memref<80x144xf32, #tpu.memory_space<vmem>>, vector<1x16xf32>,
        %get3A_222 = vector.shape_cast %get3A_221 : vector<1x16xf32> to vector<16xf32>
        %mul3A_223 = arith.mulf %get3A_222, %broadcast_in_dim3A : vector<16xf32>
        %swap3A_224 = arith.index_cast %scan3A_202 : i32 to index
        %swap3A_225 = arith.constant 0 : index
        %swap3A_226 = tpu.vector_load %arg15[%swap3A_224, %swap3A_225] {strides = array<i32>} : memref<80x144xf32, #tpu.memory_space<vmem>>, vector<1x16xf32>,
        %swap3A_227 = vector.shape_cast %swap3A_226 : vector<1x16xf32> to vector<16xf32>
        %swap3A_228 = vector.shape_cast %mul3A_223 : vector<16xf32> to vector<1x16xf32>
        tpu.vector_store %arg15[%swap3A_224, %swap3A_225], %swap3A_228 {strides = array<i32>} : memref<80x144xf32, #tpu.memory_space<vmem>>, vector<1x16xf32>,
        %get3A_229 = arith.index_cast %scan3A_202 : i32 to index
        %get3A_230 = arith.constant 16 : index
        %get3A_231 = tpu.vector_load %arg9[%get3A_229, %get3A_230] {strides = array<i32>} : memref<80x144xf32, #tpu.memory_space<vmem>>, vector<1x16xf32>,
        %get3A_232 = vector.shape_cast %get3A_231 : vector<1x16xf32> to vector<16xf32>
        %mul3A_233 = arith.mulf %get3A_232, %broadcast_in_dim3A : vector<16xf32>
        %swap3A_234 = arith.index_cast %scan3A_202 : i32 to index
        %swap3A_235 = arith.constant 16 : index
        %swap3A_236 = tpu.vector_load %arg15[%swap3A_234, %swap3A_235] {strides = array<i32>} : memref<80x144xf32, #tpu.memory_space<vmem>>, vector<1x16xf32>,
        %swap3A_237 = vector.shape_cast %swap3A_236 : vector<1x16xf32> to vector<16xf32>
        %swap3A_238 = vector.shape_cast %mul3A_233 : vector<16xf32> to vector<1x16xf32>
        tpu.vector_store %arg15[%swap3A_234, %swap3A_235], %swap3A_238 {strides = array<i32>} : memref<80x144xf32, #tpu.memory_space<vmem>>, vector<1x16xf32>,
        %get3A_239 = arith.index_cast %scan3A_202 : i32 to index
        %get3A_240 = arith.constant 32 : index
        %get3A_241 = tpu.vector_load %arg9[%get3A_239, %get3A_240] {strides = array<i32>} : memref<80x144xf32, #tpu.memory_space<vmem>>, vector<1x16xf32>,
        %get3A_242 = vector.shape_cast %get3A_241 : vector<1x16xf32> to vector<16xf32>
        %mul3A_243 = arith.mulf %get3A_242, %broadcast_in_dim3A : vector<16xf32>
        %swap3A_244 = arith.index_cast %scan3A_202 : i32 to index
        %swap3A_245 = arith.constant 32 : index
        %swap3A_246 = tpu.vector_load %arg15[%swap3A_244, %swap3A_245] {strides = array<i32>} : memref<80x144xf32, #tpu.memory_space<vmem>>, vector<1x16xf32>,
        %swap3A_247 = vector.shape_cast %swap3A_246 : vector<1x16xf32> to vector<16xf32>
        %swap3A_248 = vector.shape_cast %mul3A_243 : vector<16xf32> to vector<1x16xf32>
        tpu.vector_store %arg15[%swap3A_244, %swap3A_245], %swap3A_248 {strides = array<i32>} : memref<80x144xf32, #tpu.memory_space<vmem>>, vector<1x16xf32>,
        %get3A_249 = arith.index_cast %scan3A_202 : i32 to index
        %get3A_250 = arith.constant 48 : index
        %get3A_251 = tpu.vector_load %arg9[%get3A_249, %get3A_250] {strides = array<i32>} : memref<80x144xf32, #tpu.memory_space<vmem>>, vector<1x16xf32>,
        %get3A_252 = vector.shape_cast %get3A_251 : vector<1x16xf32> to vector<16xf32>
        %mul3A_253 = arith.mulf %get3A_252, %broadcast_in_dim3A : vector<16xf32>
        %swap3A_254 = arith.index_cast %scan3A_202 : i32 to index
        %swap3A_255 = arith.constant 48 : index
        %swap3A_256 = tpu.vector_load %arg15[%swap3A_254, %swap3A_255] {strides = array<i32>} : memref<80x144xf32, #tpu.memory_space<vmem>>, vector<1x16xf32>,
        %swap3A_257 = vector.shape_cast %swap3A_256 : vector<1x16xf32> to vector<16xf32>
        %swap3A_258 = vector.shape_cast %mul3A_253 : vector<16xf32> to vector<1x16xf32>
        tpu.vector_store %arg15[%swap3A_254, %swap3A_255], %swap3A_258 {strides = array<i32>} : memref<80x144xf32, #tpu.memory_space<vmem>>, vector<1x16xf32>,
        %get3A_259 = arith.index_cast %scan3A_202 : i32 to index
        %get3A_260 = arith.constant 64 : index
        %get3A_261 = tpu.vector_load %arg9[%get3A_259, %get3A_260] {strides = array<i32>} : memref<80x144xf32, #tpu.memory_space<vmem>>, vector<1x16xf32>,
        %get3A_262 = vector.shape_cast %get3A_261 : vector<1x16xf32> to vector<16xf32>
        %mul3A_263 = arith.mulf %get3A_262, %broadcast_in_dim3A : vector<16xf32>
        %swap3A_264 = arith.index_cast %scan3A_202 : i32 to index
        %swap3A_265 = arith.constant 64 : index
        %swap3A_266 = tpu.vector_load %arg15[%swap3A_264, %swap3A_265] {strides = array<i32>} : memref<80x144xf32, #tpu.memory_space<vmem>>, vector<1x16xf32>,
        %swap3A_267 = vector.shape_cast %swap3A_266 : vector<1x16xf32> to vector<16xf32>
        %swap3A_268 = vector.shape_cast %mul3A_263 : vector<16xf32> to vector<1x16xf32>
        tpu.vector_store %arg15[%swap3A_264, %swap3A_265], %swap3A_268 {strides = array<i32>} : memref<80x144xf32, #tpu.memory_space<vmem>>, vector<1x16xf32>,
        %get3A_269 = arith.index_cast %scan3A_202 : i32 to index
        %get3A_270 = arith.constant 80 : index
        %get3A_271 = tpu.vector_load %arg9[%get3A_269, %get3A_270] {strides = array<i32>} : memref<80x144xf32, #tpu.memory_space<vmem>>, vector<1x16xf32>,
        %get3A_272 = vector.shape_cast %get3A_271 : vector<1x16xf32> to vector<16xf32>
        %mul3A_273 = arith.mulf %get3A_272, %broadcast_in_dim3A : vector<16xf32>
        %swap3A_274 = arith.index_cast %scan3A_202 : i32 to index
        %swap3A_275 = arith.constant 80 : index
        %swap3A_276 = tpu.vector_load %arg15[%swap3A_274, %swap3A_275] {strides = array<i32>} : memref<80x144xf32, #tpu.memory_space<vmem>>, vector<1x16xf32>,
        %swap3A_277 = vector.shape_cast %swap3A_276 : vector<1x16xf32> to vector<16xf32>
        %swap3A_278 = vector.shape_cast %mul3A_273 : vector<16xf32> to vector<1x16xf32>
        tpu.vector_store %arg15[%swap3A_274, %swap3A_275], %swap3A_278 {strides = array<i32>} : memref<80x144xf32, #tpu.memory_space<vmem>>, vector<1x16xf32>,
        %get3A_279 = arith.index_cast %scan3A_202 : i32 to index
        %get3A_280 = arith.constant 96 : index
        %get3A_281 = tpu.vector_load %arg9[%get3A_279, %get3A_280] {strides = array<i32>} : memref<80x144xf32, #tpu.memory_space<vmem>>, vector<1x16xf32>,
        %get3A_282 = vector.shape_cast %get3A_281 : vector<1x16xf32> to vector<16xf32>
        %mul3A_283 = arith.mulf %get3A_282, %broadcast_in_dim3A : vector<16xf32>
        %swap3A_284 = arith.index_cast %scan3A_202 : i32 to index
        %swap3A_285 = arith.constant 96 : index
        %swap3A_286 = tpu.vector_load %arg15[%swap3A_284, %swap3A_285] {strides = array<i32>} : memref<80x144xf32, #tpu.memory_space<vmem>>, vector<1x16xf32>,
        %swap3A_287 = vector.shape_cast %swap3A_286 : vector<1x16xf32> to vector<16xf32>
        %swap3A_288 = vector.shape_cast %mul3A_283 : vector<16xf32> to vector<1x16xf32>
        tpu.vector_store %arg15[%swap3A_284, %swap3A_285], %swap3A_288 {strides = array<i32>} : memref<80x144xf32, #tpu.memory_space<vmem>>, vector<1x16xf32>,
        %get3A_289 = arith.index_cast %scan3A_202 : i32 to index
        %get3A_290 = arith.constant 112 : index
        %get3A_291 = tpu.vector_load %arg9[%get3A_289, %get3A_290] {strides = array<i32>} : memref<80x144xf32, #tpu.memory_space<vmem>>, vector<1x16xf32>,
        %get3A_292 = vector.shape_cast %get3A_291 : vector<1x16xf32> to vector<16xf32>
        %mul3A_293 = arith.mulf %get3A_292, %broadcast_in_dim3A : vector<16xf32>
        %swap3A_294 = arith.index_cast %scan3A_202 : i32 to index
        %swap3A_295 = arith.constant 112 : index
        %swap3A_296 = tpu.vector_load %arg15[%swap3A_294, %swap3A_295] {strides = array<i32>} : memref<80x144xf32, #tpu.memory_space<vmem>>, vector<1x16xf32>,
        %swap3A_297 = vector.shape_cast %swap3A_296 : vector<1x16xf32> to vector<16xf32>
        %swap3A_298 = vector.shape_cast %mul3A_293 : vector<16xf32> to vector<1x16xf32>
        tpu.vector_store %arg15[%swap3A_294, %swap3A_295], %swap3A_298 {strides = array<i32>} : memref<80x144xf32, #tpu.memory_space<vmem>>, vector<1x16xf32>,
        %scan3A_299 = arith.constant 0 : i32
        scf.yield %scan3A_299 : i32
      }
      %scan3A_173 = arith.constant 80 : i32
      "tpu.region"() ({
        %run_scoped3A = tpu.sem_alloc : memref<!tpu.dma_semaphore, #tpu.memory_space<semaphore_mem>>
        %dma_start3A_202 = arith.constant 0 : i32
        %dma_start3A_203 = arith.constant 0 : i32
        %dma_start3A_204 = tpu.memref_slice %arg16[%dma_start3A_202, %dma_start3A_203] : memref<10000x144xf32, #tpu.memory_space<vmem_shared>> -> memref<10000x144xf32, #tpu.memory_space<vmem_shared>>
        tpu.enqueue_indirect_dma source(%arg15 : memref<80x144xf32, #tpu.memory_space<vmem>>) target(%dma_start3A_204 : memref<10000x144xf32, #tpu.memory_space<vmem_shared>>) offsets(%arg8 : memref<80xi32, #tpu.memory_space<vmem>>) semaphore(%run_scoped3A : memref<!tpu.dma_semaphore, #tpu.memory_space<semaphore_mem>>) {add = true}
        %dma_wait3A_205 = arith.constant 0 : i32
        %dma_wait3A_206 = arith.constant 0 : i32
        %dma_wait3A_207 = tpu.memref_slice %arg16[%dma_wait3A_205, %dma_wait3A_206] : memref<10000x144xf32, #tpu.memory_space<vmem_shared>> -> memref<10000x144xf32, #tpu.memory_space<vmem_shared>>
        tpu.wait_indirect_dma semaphore(%run_scoped3A : memref<!tpu.dma_semaphore, #tpu.memory_space<semaphore_mem>>) src(%arg15 : memref<80x144xf32, #tpu.memory_space<vmem>>) dst(%dma_wait3A_207 : memref<10000x144xf32, #tpu.memory_space<vmem_shared>>)
        tpu.yield
      }) : () -> ()
      %mul3A_174 = arith.constant 2 : i32
      %mul3A_175 = arith.muli %mul3A_174, %scan3A_145 : i32
      %add3A_176 = arith.constant 2 : i32
      %add3A_177 = arith.addi %mul3A_175, %add3A_176 : i32
      %mul3A_178 = arith.constant 80 : i32
      %mul3A_179 = arith.muli %add3A_177, %mul3A_178 : i32
      %add3A_180 = arith.addi %mul3A_61, %mul3A_179 : i32
      %multiple_of3A_181 = tpu.assume_multiple %add3A_180, 80 : i32
      "tpu.region"() ({
        %run_scoped3A = tpu.sem_alloc : memref<!tpu.dma_semaphore, #tpu.memory_space<semaphore_mem>>
        %dma_start3A_202 = tpu.memref_slice %arg4[%multiple_of3A_181] : memref<320000xi32, #tpu.memory_space<hbm>> -> memref<80xi32, #tpu.memory_space<hbm>>
        %dma_start3A_203 = tpu.memref_slice %arg4[%multiple_of3A_181] : memref<320000xi32, #tpu.memory_space<hbm>> -> memref<80xi32, #tpu.memory_space<hbm>>
        tpu.enqueue_dma source(%dma_start3A_203 : memref<80xi32, #tpu.memory_space<hbm>>) target(%arg7 : memref<80xi32, #tpu.memory_space<vmem>>) target_semaphore(%run_scoped3A : memref<!tpu.dma_semaphore, #tpu.memory_space<semaphore_mem>>)
        %dma_wait3A_204 = tpu.memref_slice %arg4[%multiple_of3A_181] : memref<320000xi32, #tpu.memory_space<hbm>> -> memref<80xi32, #tpu.memory_space<hbm>>
        %dma_wait3A_205 = tpu.memref_slice %arg4[%multiple_of3A_181] : memref<320000xi32, #tpu.memory_space<hbm>> -> memref<80xi32, #tpu.memory_space<hbm>>
        tpu.wait_dma2 semaphore(%run_scoped3A : memref<!tpu.dma_semaphore, #tpu.memory_space<semaphore_mem>>) src(%dma_wait3A_205 : memref<80xi32, #tpu.memory_space<hbm>>) dst(%arg7 : memref<80xi32, #tpu.memory_space<vmem>>)
        tpu.yield
      }) : () -> ()
      "tpu.region"() ({
        %run_scoped3A = tpu.sem_alloc : memref<!tpu.dma_semaphore, #tpu.memory_space<semaphore_mem>>
        %dma_start3A_202 = tpu.memref_slice %arg5[%multiple_of3A_181] : memref<320000xi32, #tpu.memory_space<hbm>> -> memref<80xi32, #tpu.memory_space<hbm>>
        %dma_start3A_203 = tpu.memref_slice %arg5[%multiple_of3A_181] : memref<320000xi32, #tpu.memory_space<hbm>> -> memref<80xi32, #tpu.memory_space<hbm>>
        tpu.enqueue_dma source(%dma_start3A_203 : memref<80xi32, #tpu.memory_space<hbm>>) target(%arg8 : memref<80xi32, #tpu.memory_space<vmem>>) target_semaphore(%run_scoped3A : memref<!tpu.dma_semaphore, #tpu.memory_space<semaphore_mem>>)
        %dma_wait3A_204 = tpu.memref_slice %arg5[%multiple_of3A_181] : memref<320000xi32, #tpu.memory_space<hbm>> -> memref<80xi32, #tpu.memory_space<hbm>>
        %dma_wait3A_205 = tpu.memref_slice %arg5[%multiple_of3A_181] : memref<320000xi32, #tpu.memory_space<hbm>> -> memref<80xi32, #tpu.memory_space<hbm>>
        tpu.wait_dma2 semaphore(%run_scoped3A : memref<!tpu.dma_semaphore, #tpu.memory_space<semaphore_mem>>) src(%dma_wait3A_205 : memref<80xi32, #tpu.memory_space<hbm>>) dst(%arg8 : memref<80xi32, #tpu.memory_space<vmem>>)
        tpu.yield
      }) : () -> ()
      %dma_start3A_182 = arith.constant 0 : i32
      %dma_start3A_183 = arith.constant 0 : i32
      %dma_start3A_184 = tpu.memref_slice %arg2[%dma_start3A_182, %dma_start3A_183] : memref<10000x144xf32, #tpu.memory_space<hbm>> -> memref<10000x144xf32, #tpu.memory_space<hbm>>
      tpu.enqueue_indirect_dma source(%dma_start3A_184 : memref<10000x144xf32, #tpu.memory_space<hbm>>) target(%arg9 : memref<80x144xf32, #tpu.memory_space<vmem>>) offsets(%arg7 : memref<80xi32, #tpu.memory_space<vmem>>) semaphore(%arg17 : memref<!tpu.dma_semaphore, #tpu.memory_space<semaphore_mem>>)
      %dma_start3A_185 = arith.constant 0 : i32
      %dma_start3A_186 = arith.constant 0 : i32
      %dma_start3A_187 = tpu.memref_slice %arg3[%dma_start3A_185, %dma_start3A_186] : memref<10000x16xf32, #tpu.memory_space<hbm>> -> memref<10000x16xf32, #tpu.memory_space<hbm>>
      tpu.enqueue_indirect_dma source(%dma_start3A_187 : memref<10000x16xf32, #tpu.memory_space<hbm>>) target(%arg10 : memref<80x16xf32, #tpu.memory_space<vmem>>) offsets(%arg8 : memref<80xi32, #tpu.memory_space<vmem>>) semaphore(%arg17 : memref<!tpu.dma_semaphore, #tpu.memory_space<semaphore_mem>>)
      %dma_wait3A_188 = arith.constant 0 : i32
      %dma_wait3A_189 = arith.constant 0 : i32
      %dma_wait3A_190 = tpu.memref_slice %arg2[%dma_wait3A_188, %dma_wait3A_189] : memref<10000x144xf32, #tpu.memory_space<hbm>> -> memref<10000x144xf32, #tpu.memory_space<hbm>>
      tpu.wait_indirect_dma semaphore(%arg18 : memref<!tpu.dma_semaphore, #tpu.memory_space<semaphore_mem>>) src(%dma_wait3A_190 : memref<10000x144xf32, #tpu.memory_space<hbm>>) dst(%arg13 : memref<80x144xf32, #tpu.memory_space<vmem>>)
      %dma_wait3A_191 = arith.constant 0 : i32
      %dma_wait3A_192 = arith.constant 0 : i32
      %dma_wait3A_193 = tpu.memref_slice %arg3[%dma_wait3A_191, %dma_wait3A_192] : memref<10000x16xf32, #tpu.memory_space<hbm>> -> memref<10000x16xf32, #tpu.memory_space<hbm>>
      tpu.wait_indirect_dma semaphore(%arg18 : memref<!tpu.dma_semaphore, #tpu.memory_space<semaphore_mem>>) src(%dma_wait3A_193 : memref<10000x16xf32, #tpu.memory_space<hbm>>) dst(%arg14 : memref<80x16xf32, #tpu.memory_space<vmem>>)
      %scan3A_194 = arith.constant 0 : i32
      %scan3A_195 = arith.constant 0 : i32
      %scan3A_196 = arith.constant 80 : i32
      %scan3A_197 = arith.addi %scan3A_195, %scan3A_196 : i32
      %scan3A_198 = arith.constant 1 : i32
      %scan3A_199 = scf.for %scan3A_202 = %scan3A_195 to %scan3A_197 step %scan3A_198 iter_args(%scan3A_203 = %scan3A_194) -> (i32)  : i32 {
        %get3A = arith.index_cast %scan3A_202 : i32 to index
        %get3A_204 = arith.constant 128 : index
        %get3A_205 = tpu.vector_load %arg13[%get3A, %get3A_204] {strides = array<i32>} : memref<80x144xf32, #tpu.memory_space<vmem>>, vector<1x16xf32>,
        %get3A_206 = vector.shape_cast %get3A_205 : vector<1x16xf32> to vector<16xf32>
        %get3A_207 = arith.index_cast %scan3A_202 : i32 to index
        %get3A_208 = arith.constant 0 : index
        %get3A_209 = tpu.vector_load %arg14[%get3A_207, %get3A_208] {strides = array<i32>} : memref<80x16xf32, #tpu.memory_space<vmem>>, vector<1x16xf32>,
        %get3A_210 = vector.shape_cast %get3A_209 : vector<1x16xf32> to vector<16xf32>
        %add3A_211 = arith.addf %get3A_206, %get3A_210 : vector<16xf32>
        %mul3A_212 = arith.constant 2.000000e-01 : f32
        %mul3A_213 = vector.broadcast %mul3A_212 : f32 to vector<16xf32>
        %mul3A_214 = arith.mulf %mul3A_213, %add3A_211 : vector<16xf32>
        %max3A = arith.maximumf %add3A_211, %mul3A_214 : vector<16xf32>
        %exp3A = math.exp %max3A : vector<16xf32>
        %swap3A = arith.index_cast %scan3A_202 : i32 to index
        %swap3A_215 = arith.constant 128 : index
        %swap3A_216 = tpu.vector_load %arg15[%swap3A, %swap3A_215] {strides = array<i32>} : memref<80x144xf32, #tpu.memory_space<vmem>>, vector<1x16xf32>,
        %swap3A_217 = vector.shape_cast %swap3A_216 : vector<1x16xf32> to vector<16xf32>
        %swap3A_218 = vector.shape_cast %exp3A : vector<16xf32> to vector<1x16xf32>
        tpu.vector_store %arg15[%swap3A, %swap3A_215], %swap3A_218 {strides = array<i32>} : memref<80x144xf32, #tpu.memory_space<vmem>>, vector<1x16xf32>,
        %slice3A = vector.extract_strided_slice %exp3A {offsets = [0], sizes = [1], strides = [1]} : vector<16xf32> to vector<1xf32>
        %squeeze3A = vector.extract %slice3A[0] : f32 from vector<1xf32>
        %broadcast_in_dim3A = vector.broadcast %squeeze3A : f32 to vector<16xf32>
        %get3A_219 = arith.index_cast %scan3A_202 : i32 to index
        %get3A_220 = arith.constant 0 : index
        %get3A_221 = tpu.vector_load %arg13[%get3A_219, %get3A_220] {strides = array<i32>} : memref<80x144xf32, #tpu.memory_space<vmem>>, vector<1x16xf32>,
        %get3A_222 = vector.shape_cast %get3A_221 : vector<1x16xf32> to vector<16xf32>
        %mul3A_223 = arith.mulf %get3A_222, %broadcast_in_dim3A : vector<16xf32>
        %swap3A_224 = arith.index_cast %scan3A_202 : i32 to index
        %swap3A_225 = arith.constant 0 : index
        %swap3A_226 = tpu.vector_load %arg15[%swap3A_224, %swap3A_225] {strides = array<i32>} : memref<80x144xf32, #tpu.memory_space<vmem>>, vector<1x16xf32>,
        %swap3A_227 = vector.shape_cast %swap3A_226 : vector<1x16xf32> to vector<16xf32>
        %swap3A_228 = vector.shape_cast %mul3A_223 : vector<16xf32> to vector<1x16xf32>
        tpu.vector_store %arg15[%swap3A_224, %swap3A_225], %swap3A_228 {strides = array<i32>} : memref<80x144xf32, #tpu.memory_space<vmem>>, vector<1x16xf32>,
        %get3A_229 = arith.index_cast %scan3A_202 : i32 to index
        %get3A_230 = arith.constant 16 : index
        %get3A_231 = tpu.vector_load %arg13[%get3A_229, %get3A_230] {strides = array<i32>} : memref<80x144xf32, #tpu.memory_space<vmem>>, vector<1x16xf32>,
        %get3A_232 = vector.shape_cast %get3A_231 : vector<1x16xf32> to vector<16xf32>
        %mul3A_233 = arith.mulf %get3A_232, %broadcast_in_dim3A : vector<16xf32>
        %swap3A_234 = arith.index_cast %scan3A_202 : i32 to index
        %swap3A_235 = arith.constant 16 : index
        %swap3A_236 = tpu.vector_load %arg15[%swap3A_234, %swap3A_235] {strides = array<i32>} : memref<80x144xf32, #tpu.memory_space<vmem>>, vector<1x16xf32>,
        %swap3A_237 = vector.shape_cast %swap3A_236 : vector<1x16xf32> to vector<16xf32>
        %swap3A_238 = vector.shape_cast %mul3A_233 : vector<16xf32> to vector<1x16xf32>
        tpu.vector_store %arg15[%swap3A_234, %swap3A_235], %swap3A_238 {strides = array<i32>} : memref<80x144xf32, #tpu.memory_space<vmem>>, vector<1x16xf32>,
        %get3A_239 = arith.index_cast %scan3A_202 : i32 to index
        %get3A_240 = arith.constant 32 : index
        %get3A_241 = tpu.vector_load %arg13[%get3A_239, %get3A_240] {strides = array<i32>} : memref<80x144xf32, #tpu.memory_space<vmem>>, vector<1x16xf32>,
        %get3A_242 = vector.shape_cast %get3A_241 : vector<1x16xf32> to vector<16xf32>
        %mul3A_243 = arith.mulf %get3A_242, %broadcast_in_dim3A : vector<16xf32>
        %swap3A_244 = arith.index_cast %scan3A_202 : i32 to index
        %swap3A_245 = arith.constant 32 : index
        %swap3A_246 = tpu.vector_load %arg15[%swap3A_244, %swap3A_245] {strides = array<i32>} : memref<80x144xf32, #tpu.memory_space<vmem>>, vector<1x16xf32>,
        %swap3A_247 = vector.shape_cast %swap3A_246 : vector<1x16xf32> to vector<16xf32>
        %swap3A_248 = vector.shape_cast %mul3A_243 : vector<16xf32> to vector<1x16xf32>
        tpu.vector_store %arg15[%swap3A_244, %swap3A_245], %swap3A_248 {strides = array<i32>} : memref<80x144xf32, #tpu.memory_space<vmem>>, vector<1x16xf32>,
        %get3A_249 = arith.index_cast %scan3A_202 : i32 to index
        %get3A_250 = arith.constant 48 : index
        %get3A_251 = tpu.vector_load %arg13[%get3A_249, %get3A_250] {strides = array<i32>} : memref<80x144xf32, #tpu.memory_space<vmem>>, vector<1x16xf32>,
        %get3A_252 = vector.shape_cast %get3A_251 : vector<1x16xf32> to vector<16xf32>
        %mul3A_253 = arith.mulf %get3A_252, %broadcast_in_dim3A : vector<16xf32>
        %swap3A_254 = arith.index_cast %scan3A_202 : i32 to index
        %swap3A_255 = arith.constant 48 : index
        %swap3A_256 = tpu.vector_load %arg15[%swap3A_254, %swap3A_255] {strides = array<i32>} : memref<80x144xf32, #tpu.memory_space<vmem>>, vector<1x16xf32>,
        %swap3A_257 = vector.shape_cast %swap3A_256 : vector<1x16xf32> to vector<16xf32>
        %swap3A_258 = vector.shape_cast %mul3A_253 : vector<16xf32> to vector<1x16xf32>
        tpu.vector_store %arg15[%swap3A_254, %swap3A_255], %swap3A_258 {strides = array<i32>} : memref<80x144xf32, #tpu.memory_space<vmem>>, vector<1x16xf32>,
        %get3A_259 = arith.index_cast %scan3A_202 : i32 to index
        %get3A_260 = arith.constant 64 : index
        %get3A_261 = tpu.vector_load %arg13[%get3A_259, %get3A_260] {strides = array<i32>} : memref<80x144xf32, #tpu.memory_space<vmem>>, vector<1x16xf32>,
        %get3A_262 = vector.shape_cast %get3A_261 : vector<1x16xf32> to vector<16xf32>
        %mul3A_263 = arith.mulf %get3A_262, %broadcast_in_dim3A : vector<16xf32>
        %swap3A_264 = arith.index_cast %scan3A_202 : i32 to index
        %swap3A_265 = arith.constant 64 : index
        %swap3A_266 = tpu.vector_load %arg15[%swap3A_264, %swap3A_265] {strides = array<i32>} : memref<80x144xf32, #tpu.memory_space<vmem>>, vector<1x16xf32>,
        %swap3A_267 = vector.shape_cast %swap3A_266 : vector<1x16xf32> to vector<16xf32>
        %swap3A_268 = vector.shape_cast %mul3A_263 : vector<16xf32> to vector<1x16xf32>
        tpu.vector_store %arg15[%swap3A_264, %swap3A_265], %swap3A_268 {strides = array<i32>} : memref<80x144xf32, #tpu.memory_space<vmem>>, vector<1x16xf32>,
        %get3A_269 = arith.index_cast %scan3A_202 : i32 to index
        %get3A_270 = arith.constant 80 : index
        %get3A_271 = tpu.vector_load %arg13[%get3A_269, %get3A_270] {strides = array<i32>} : memref<80x144xf32, #tpu.memory_space<vmem>>, vector<1x16xf32>,
        %get3A_272 = vector.shape_cast %get3A_271 : vector<1x16xf32> to vector<16xf32>
        %mul3A_273 = arith.mulf %get3A_272, %broadcast_in_dim3A : vector<16xf32>
        %swap3A_274 = arith.index_cast %scan3A_202 : i32 to index
        %swap3A_275 = arith.constant 80 : index
        %swap3A_276 = tpu.vector_load %arg15[%swap3A_274, %swap3A_275] {strides = array<i32>} : memref<80x144xf32, #tpu.memory_space<vmem>>, vector<1x16xf32>,
        %swap3A_277 = vector.shape_cast %swap3A_276 : vector<1x16xf32> to vector<16xf32>
        %swap3A_278 = vector.shape_cast %mul3A_273 : vector<16xf32> to vector<1x16xf32>
        tpu.vector_store %arg15[%swap3A_274, %swap3A_275], %swap3A_278 {strides = array<i32>} : memref<80x144xf32, #tpu.memory_space<vmem>>, vector<1x16xf32>,
        %get3A_279 = arith.index_cast %scan3A_202 : i32 to index
        %get3A_280 = arith.constant 96 : index
        %get3A_281 = tpu.vector_load %arg13[%get3A_279, %get3A_280] {strides = array<i32>} : memref<80x144xf32, #tpu.memory_space<vmem>>, vector<1x16xf32>,
        %get3A_282 = vector.shape_cast %get3A_281 : vector<1x16xf32> to vector<16xf32>
        %mul3A_283 = arith.mulf %get3A_282, %broadcast_in_dim3A : vector<16xf32>
        %swap3A_284 = arith.index_cast %scan3A_202 : i32 to index
        %swap3A_285 = arith.constant 96 : index
        %swap3A_286 = tpu.vector_load %arg15[%swap3A_284, %swap3A_285] {strides = array<i32>} : memref<80x144xf32, #tpu.memory_space<vmem>>, vector<1x16xf32>,
        %swap3A_287 = vector.shape_cast %swap3A_286 : vector<1x16xf32> to vector<16xf32>
        %swap3A_288 = vector.shape_cast %mul3A_283 : vector<16xf32> to vector<1x16xf32>
        tpu.vector_store %arg15[%swap3A_284, %swap3A_285], %swap3A_288 {strides = array<i32>} : memref<80x144xf32, #tpu.memory_space<vmem>>, vector<1x16xf32>,
        %get3A_289 = arith.index_cast %scan3A_202 : i32 to index
        %get3A_290 = arith.constant 112 : index
        %get3A_291 = tpu.vector_load %arg13[%get3A_289, %get3A_290] {strides = array<i32>} : memref<80x144xf32, #tpu.memory_space<vmem>>, vector<1x16xf32>,
        %get3A_292 = vector.shape_cast %get3A_291 : vector<1x16xf32> to vector<16xf32>
        %mul3A_293 = arith.mulf %get3A_292, %broadcast_in_dim3A : vector<16xf32>
        %swap3A_294 = arith.index_cast %scan3A_202 : i32 to index
        %swap3A_295 = arith.constant 112 : index
        %swap3A_296 = tpu.vector_load %arg15[%swap3A_294, %swap3A_295] {strides = array<i32>} : memref<80x144xf32, #tpu.memory_space<vmem>>, vector<1x16xf32>,
        %swap3A_297 = vector.shape_cast %swap3A_296 : vector<1x16xf32> to vector<16xf32>
        %swap3A_298 = vector.shape_cast %mul3A_293 : vector<16xf32> to vector<1x16xf32>
        tpu.vector_store %arg15[%swap3A_294, %swap3A_295], %swap3A_298 {strides = array<i32>} : memref<80x144xf32, #tpu.memory_space<vmem>>, vector<1x16xf32>,
        %scan3A_299 = arith.constant 0 : i32
        scf.yield %scan3A_299 : i32
      }
      %scan3A_200 = arith.constant 80 : i32
      "tpu.region"() ({
        %run_scoped3A = tpu.sem_alloc : memref<!tpu.dma_semaphore, #tpu.memory_space<semaphore_mem>>
        %dma_start3A_202 = arith.constant 0 : i32
        %dma_start3A_203 = arith.constant 0 : i32
        %dma_start3A_204 = tpu.memref_slice %arg16[%dma_start3A_202, %dma_start3A_203] : memref<10000x144xf32, #tpu.memory_space<vmem_shared>> -> memref<10000x144xf32, #tpu.memory_space<vmem_shared>>
        tpu.enqueue_indirect_dma source(%arg15 : memref<80x144xf32, #tpu.memory_space<vmem>>) target(%dma_start3A_204 : memref<10000x144xf32, #tpu.memory_space<vmem_shared>>) offsets(%arg12 : memref<80xi32, #tpu.memory_space<vmem>>) semaphore(%run_scoped3A : memref<!tpu.dma_semaphore, #tpu.memory_space<semaphore_mem>>) {add = true}
        %dma_wait3A_205 = arith.constant 0 : i32
        %dma_wait3A_206 = arith.constant 0 : i32
        %dma_wait3A_207 = tpu.memref_slice %arg16[%dma_wait3A_205, %dma_wait3A_206] : memref<10000x144xf32, #tpu.memory_space<vmem_shared>> -> memref<10000x144xf32, #tpu.memory_space<vmem_shared>>
        tpu.wait_indirect_dma semaphore(%run_scoped3A : memref<!tpu.dma_semaphore, #tpu.memory_space<semaphore_mem>>) src(%arg15 : memref<80x144xf32, #tpu.memory_space<vmem>>) dst(%dma_wait3A_207 : memref<10000x144xf32, #tpu.memory_space<vmem_shared>>)
        tpu.yield
      }) : () -> ()
      %scan3A_201 = arith.constant 0 : i32
      scf.yield %scan3A_201 : i32
    }
    %scan3A_75 = arith.constant 62 : i32
    %dma_wait3A = arith.constant 0 : i32
    %dma_wait3A_76 = arith.constant 0 : i32
    %dma_wait3A_77 = tpu.memref_slice %arg2[%dma_wait3A, %dma_wait3A_76] : memref<10000x144xf32, #tpu.memory_space<hbm>> -> memref<10000x144xf32, #tpu.memory_space<hbm>>
    tpu.wait_indirect_dma semaphore(%arg17 : memref<!tpu.dma_semaphore, #tpu.memory_space<semaphore_mem>>) src(%dma_wait3A_77 : memref<10000x144xf32, #tpu.memory_space<hbm>>) dst(%arg9 : memref<80x144xf32, #tpu.memory_space<vmem>>)
    %dma_wait3A_78 = arith.constant 0 : i32
    %dma_wait3A_79 = arith.constant 0 : i32
    %dma_wait3A_80 = tpu.memref_slice %arg3[%dma_wait3A_78, %dma_wait3A_79] : memref<10000x16xf32, #tpu.memory_space<hbm>> -> memref<10000x16xf32, #tpu.memory_space<hbm>>
    tpu.wait_indirect_dma semaphore(%arg17 : memref<!tpu.dma_semaphore, #tpu.memory_space<semaphore_mem>>) src(%dma_wait3A_80 : memref<10000x16xf32, #tpu.memory_space<hbm>>) dst(%arg10 : memref<80x16xf32, #tpu.memory_space<vmem>>)
    %scan3A_81 = arith.constant 0 : i32
    %scan3A_82 = arith.constant 0 : i32
    %scan3A_83 = arith.constant 80 : i32
    %scan3A_84 = arith.addi %scan3A_82, %scan3A_83 : i32
    %scan3A_85 = arith.constant 1 : i32
    %scan3A_86 = scf.for %scan3A_145 = %scan3A_82 to %scan3A_84 step %scan3A_85 iter_args(%scan3A_146 = %scan3A_81) -> (i32)  : i32 {
      %get3A = arith.index_cast %scan3A_145 : i32 to index
      %get3A_147 = arith.constant 128 : index
      %get3A_148 = tpu.vector_load %arg9[%get3A, %get3A_147] {strides = array<i32>} : memref<80x144xf32, #tpu.memory_space<vmem>>, vector<1x16xf32>,
      %get3A_149 = vector.shape_cast %get3A_148 : vector<1x16xf32> to vector<16xf32>
      %get3A_150 = arith.index_cast %scan3A_145 : i32 to index
      %get3A_151 = arith.constant 0 : index
      %get3A_152 = tpu.vector_load %arg10[%get3A_150, %get3A_151] {strides = array<i32>} : memref<80x16xf32, #tpu.memory_space<vmem>>, vector<1x16xf32>,
      %get3A_153 = vector.shape_cast %get3A_152 : vector<1x16xf32> to vector<16xf32>
      %add3A_154 = arith.addf %get3A_149, %get3A_153 : vector<16xf32>
      %mul3A_155 = arith.constant 2.000000e-01 : f32
      %mul3A_156 = vector.broadcast %mul3A_155 : f32 to vector<16xf32>
      %mul3A_157 = arith.mulf %mul3A_156, %add3A_154 : vector<16xf32>
      %max3A = arith.maximumf %add3A_154, %mul3A_157 : vector<16xf32>
      %exp3A = math.exp %max3A : vector<16xf32>
      %swap3A = arith.index_cast %scan3A_145 : i32 to index
      %swap3A_158 = arith.constant 128 : index
      %swap3A_159 = tpu.vector_load %arg15[%swap3A, %swap3A_158] {strides = array<i32>} : memref<80x144xf32, #tpu.memory_space<vmem>>, vector<1x16xf32>,
      %swap3A_160 = vector.shape_cast %swap3A_159 : vector<1x16xf32> to vector<16xf32>
      %swap3A_161 = vector.shape_cast %exp3A : vector<16xf32> to vector<1x16xf32>
      tpu.vector_store %arg15[%swap3A, %swap3A_158], %swap3A_161 {strides = array<i32>} : memref<80x144xf32, #tpu.memory_space<vmem>>, vector<1x16xf32>,
      %slice3A = vector.extract_strided_slice %exp3A {offsets = [0], sizes = [1], strides = [1]} : vector<16xf32> to vector<1xf32>
      %squeeze3A = vector.extract %slice3A[0] : f32 from vector<1xf32>
      %broadcast_in_dim3A = vector.broadcast %squeeze3A : f32 to vector<16xf32>
      %get3A_162 = arith.index_cast %scan3A_145 : i32 to index
      %get3A_163 = arith.constant 0 : index
      %get3A_164 = tpu.vector_load %arg9[%get3A_162, %get3A_163] {strides = array<i32>} : memref<80x144xf32, #tpu.memory_space<vmem>>, vector<1x16xf32>,
      %get3A_165 = vector.shape_cast %get3A_164 : vector<1x16xf32> to vector<16xf32>
      %mul3A_166 = arith.mulf %get3A_165, %broadcast_in_dim3A : vector<16xf32>
      %swap3A_167 = arith.index_cast %scan3A_145 : i32 to index
      %swap3A_168 = arith.constant 0 : index
      %swap3A_169 = tpu.vector_load %arg15[%swap3A_167, %swap3A_168] {strides = array<i32>} : memref<80x144xf32, #tpu.memory_space<vmem>>, vector<1x16xf32>,
      %swap3A_170 = vector.shape_cast %swap3A_169 : vector<1x16xf32> to vector<16xf32>
      %swap3A_171 = vector.shape_cast %mul3A_166 : vector<16xf32> to vector<1x16xf32>
      tpu.vector_store %arg15[%swap3A_167, %swap3A_168], %swap3A_171 {strides = array<i32>} : memref<80x144xf32, #tpu.memory_space<vmem>>, vector<1x16xf32>,
      %get3A_172 = arith.index_cast %scan3A_145 : i32 to index
      %get3A_173 = arith.constant 16 : index
      %get3A_174 = tpu.vector_load %arg9[%get3A_172, %get3A_173] {strides = array<i32>} : memref<80x144xf32, #tpu.memory_space<vmem>>, vector<1x16xf32>,
      %get3A_175 = vector.shape_cast %get3A_174 : vector<1x16xf32> to vector<16xf32>
      %mul3A_176 = arith.mulf %get3A_175, %broadcast_in_dim3A : vector<16xf32>
      %swap3A_177 = arith.index_cast %scan3A_145 : i32 to index
      %swap3A_178 = arith.constant 16 : index
      %swap3A_179 = tpu.vector_load %arg15[%swap3A_177, %swap3A_178] {strides = array<i32>} : memref<80x144xf32, #tpu.memory_space<vmem>>, vector<1x16xf32>,
      %swap3A_180 = vector.shape_cast %swap3A_179 : vector<1x16xf32> to vector<16xf32>
      %swap3A_181 = vector.shape_cast %mul3A_176 : vector<16xf32> to vector<1x16xf32>
      tpu.vector_store %arg15[%swap3A_177, %swap3A_178], %swap3A_181 {strides = array<i32>} : memref<80x144xf32, #tpu.memory_space<vmem>>, vector<1x16xf32>,
      %get3A_182 = arith.index_cast %scan3A_145 : i32 to index
      %get3A_183 = arith.constant 32 : index
      %get3A_184 = tpu.vector_load %arg9[%get3A_182, %get3A_183] {strides = array<i32>} : memref<80x144xf32, #tpu.memory_space<vmem>>, vector<1x16xf32>,
      %get3A_185 = vector.shape_cast %get3A_184 : vector<1x16xf32> to vector<16xf32>
      %mul3A_186 = arith.mulf %get3A_185, %broadcast_in_dim3A : vector<16xf32>
      %swap3A_187 = arith.index_cast %scan3A_145 : i32 to index
      %swap3A_188 = arith.constant 32 : index
      %swap3A_189 = tpu.vector_load %arg15[%swap3A_187, %swap3A_188] {strides = array<i32>} : memref<80x144xf32, #tpu.memory_space<vmem>>, vector<1x16xf32>,
      %swap3A_190 = vector.shape_cast %swap3A_189 : vector<1x16xf32> to vector<16xf32>
      %swap3A_191 = vector.shape_cast %mul3A_186 : vector<16xf32> to vector<1x16xf32>
      tpu.vector_store %arg15[%swap3A_187, %swap3A_188], %swap3A_191 {strides = array<i32>} : memref<80x144xf32, #tpu.memory_space<vmem>>, vector<1x16xf32>,
      %get3A_192 = arith.index_cast %scan3A_145 : i32 to index
      %get3A_193 = arith.constant 48 : index
      %get3A_194 = tpu.vector_load %arg9[%get3A_192, %get3A_193] {strides = array<i32>} : memref<80x144xf32, #tpu.memory_space<vmem>>, vector<1x16xf32>,
      %get3A_195 = vector.shape_cast %get3A_194 : vector<1x16xf32> to vector<16xf32>
      %mul3A_196 = arith.mulf %get3A_195, %broadcast_in_dim3A : vector<16xf32>
      %swap3A_197 = arith.index_cast %scan3A_145 : i32 to index
      %swap3A_198 = arith.constant 48 : index
      %swap3A_199 = tpu.vector_load %arg15[%swap3A_197, %swap3A_198] {strides = array<i32>} : memref<80x144xf32, #tpu.memory_space<vmem>>, vector<1x16xf32>,
      %swap3A_200 = vector.shape_cast %swap3A_199 : vector<1x16xf32> to vector<16xf32>
      %swap3A_201 = vector.shape_cast %mul3A_196 : vector<16xf32> to vector<1x16xf32>
      tpu.vector_store %arg15[%swap3A_197, %swap3A_198], %swap3A_201 {strides = array<i32>} : memref<80x144xf32, #tpu.memory_space<vmem>>, vector<1x16xf32>,
      %get3A_202 = arith.index_cast %scan3A_145 : i32 to index
      %get3A_203 = arith.constant 64 : index
      %get3A_204 = tpu.vector_load %arg9[%get3A_202, %get3A_203] {strides = array<i32>} : memref<80x144xf32, #tpu.memory_space<vmem>>, vector<1x16xf32>,
      %get3A_205 = vector.shape_cast %get3A_204 : vector<1x16xf32> to vector<16xf32>
      %mul3A_206 = arith.mulf %get3A_205, %broadcast_in_dim3A : vector<16xf32>
      %swap3A_207 = arith.index_cast %scan3A_145 : i32 to index
      %swap3A_208 = arith.constant 64 : index
      %swap3A_209 = tpu.vector_load %arg15[%swap3A_207, %swap3A_208] {strides = array<i32>} : memref<80x144xf32, #tpu.memory_space<vmem>>, vector<1x16xf32>,
      %swap3A_210 = vector.shape_cast %swap3A_209 : vector<1x16xf32> to vector<16xf32>
      %swap3A_211 = vector.shape_cast %mul3A_206 : vector<16xf32> to vector<1x16xf32>
      tpu.vector_store %arg15[%swap3A_207, %swap3A_208], %swap3A_211 {strides = array<i32>} : memref<80x144xf32, #tpu.memory_space<vmem>>, vector<1x16xf32>,
      %get3A_212 = arith.index_cast %scan3A_145 : i32 to index
      %get3A_213 = arith.constant 80 : index
      %get3A_214 = tpu.vector_load %arg9[%get3A_212, %get3A_213] {strides = array<i32>} : memref<80x144xf32, #tpu.memory_space<vmem>>, vector<1x16xf32>,
      %get3A_215 = vector.shape_cast %get3A_214 : vector<1x16xf32> to vector<16xf32>
      %mul3A_216 = arith.mulf %get3A_215, %broadcast_in_dim3A : vector<16xf32>
      %swap3A_217 = arith.index_cast %scan3A_145 : i32 to index
      %swap3A_218 = arith.constant 80 : index
      %swap3A_219 = tpu.vector_load %arg15[%swap3A_217, %swap3A_218] {strides = array<i32>} : memref<80x144xf32, #tpu.memory_space<vmem>>, vector<1x16xf32>,
      %swap3A_220 = vector.shape_cast %swap3A_219 : vector<1x16xf32> to vector<16xf32>
      %swap3A_221 = vector.shape_cast %mul3A_216 : vector<16xf32> to vector<1x16xf32>
      tpu.vector_store %arg15[%swap3A_217, %swap3A_218], %swap3A_221 {strides = array<i32>} : memref<80x144xf32, #tpu.memory_space<vmem>>, vector<1x16xf32>,
      %get3A_222 = arith.index_cast %scan3A_145 : i32 to index
      %get3A_223 = arith.constant 96 : index
      %get3A_224 = tpu.vector_load %arg9[%get3A_222, %get3A_223] {strides = array<i32>} : memref<80x144xf32, #tpu.memory_space<vmem>>, vector<1x16xf32>,
      %get3A_225 = vector.shape_cast %get3A_224 : vector<1x16xf32> to vector<16xf32>
      %mul3A_226 = arith.mulf %get3A_225, %broadcast_in_dim3A : vector<16xf32>
      %swap3A_227 = arith.index_cast %scan3A_145 : i32 to index
      %swap3A_228 = arith.constant 96 : index
      %swap3A_229 = tpu.vector_load %arg15[%swap3A_227, %swap3A_228] {strides = array<i32>} : memref<80x144xf32, #tpu.memory_space<vmem>>, vector<1x16xf32>,
      %swap3A_230 = vector.shape_cast %swap3A_229 : vector<1x16xf32> to vector<16xf32>
      %swap3A_231 = vector.shape_cast %mul3A_226 : vector<16xf32> to vector<1x16xf32>
      tpu.vector_store %arg15[%swap3A_227, %swap3A_228], %swap3A_231 {strides = array<i32>} : memref<80x144xf32, #tpu.memory_space<vmem>>, vector<1x16xf32>,
      %get3A_232 = arith.index_cast %scan3A_145 : i32 to index
      %get3A_233 = arith.constant 112 : index
      %get3A_234 = tpu.vector_load %arg9[%get3A_232, %get3A_233] {strides = array<i32>} : memref<80x144xf32, #tpu.memory_space<vmem>>, vector<1x16xf32>,
      %get3A_235 = vector.shape_cast %get3A_234 : vector<1x16xf32> to vector<16xf32>
      %mul3A_236 = arith.mulf %get3A_235, %broadcast_in_dim3A : vector<16xf32>
      %swap3A_237 = arith.index_cast %scan3A_145 : i32 to index
      %swap3A_238 = arith.constant 112 : index
      %swap3A_239 = tpu.vector_load %arg15[%swap3A_237, %swap3A_238] {strides = array<i32>} : memref<80x144xf32, #tpu.memory_space<vmem>>, vector<1x16xf32>,
      %swap3A_240 = vector.shape_cast %swap3A_239 : vector<1x16xf32> to vector<16xf32>
      %swap3A_241 = vector.shape_cast %mul3A_236 : vector<16xf32> to vector<1x16xf32>
      tpu.vector_store %arg15[%swap3A_237, %swap3A_238], %swap3A_241 {strides = array<i32>} : memref<80x144xf32, #tpu.memory_space<vmem>>, vector<1x16xf32>,
      %scan3A_242 = arith.constant 0 : i32
      scf.yield %scan3A_242 : i32
    }
    %scan3A_87 = arith.constant 80 : i32
    "tpu.region"() ({
      %run_scoped3A = tpu.sem_alloc : memref<!tpu.dma_semaphore, #tpu.memory_space<semaphore_mem>>
      %dma_start3A_145 = arith.constant 0 : i32
      %dma_start3A_146 = arith.constant 0 : i32
      %dma_start3A_147 = tpu.memref_slice %arg16[%dma_start3A_145, %dma_start3A_146] : memref<10000x144xf32, #tpu.memory_space<vmem_shared>> -> memref<10000x144xf32, #tpu.memory_space<vmem_shared>>
      tpu.enqueue_indirect_dma source(%arg15 : memref<80x144xf32, #tpu.memory_space<vmem>>) target(%dma_start3A_147 : memref<10000x144xf32, #tpu.memory_space<vmem_shared>>) offsets(%arg8 : memref<80xi32, #tpu.memory_space<vmem>>) semaphore(%run_scoped3A : memref<!tpu.dma_semaphore, #tpu.memory_space<semaphore_mem>>) {add = true}
      %dma_wait3A_148 = arith.constant 0 : i32
      %dma_wait3A_149 = arith.constant 0 : i32
      %dma_wait3A_150 = tpu.memref_slice %arg16[%dma_wait3A_148, %dma_wait3A_149] : memref<10000x144xf32, #tpu.memory_space<vmem_shared>> -> memref<10000x144xf32, #tpu.memory_space<vmem_shared>>
      tpu.wait_indirect_dma semaphore(%run_scoped3A : memref<!tpu.dma_semaphore, #tpu.memory_space<semaphore_mem>>) src(%arg15 : memref<80x144xf32, #tpu.memory_space<vmem>>) dst(%dma_wait3A_150 : memref<10000x144xf32, #tpu.memory_space<vmem_shared>>)
      tpu.yield
    }) : () -> ()
    %barrier3A_88 = arith.constant 0 : index
    tpu.barrier barrier_id(%barrier3A_88)
    %add3A_89 = arith.constant 0 : i32
    %add3A_90 = arith.addi %add3A_89, %arg1 : i32
    %lt3A_91 = arith.constant 125 : i32
    %lt3A_92 = arith.cmpi slt, %add3A_90, %lt3A_91 : i32
    %convert_element_type3A_93 = arith.extui %lt3A_92 : i1 to i32
    %cond3A_94 = arith.constant 0 : i32
    %cond3A_95 = arith.cmpi ne, %convert_element_type3A_93, %cond3A_94 : i32
    scf.if %cond3A_95 {
      %mul3A_145 = arith.constant 80 : i32
      %mul3A_146 = arith.muli %add3A_90, %mul3A_145 : i32
      %multiple_of3A_147 = tpu.assume_multiple %mul3A_146, 80 : i32
      %mul3A_148 = arith.constant 10000 : i32
      %mul3A_149 = arith.muli %arg0, %mul3A_148 : i32
      %mul3A_150 = arith.constant 80 : i32
      %mul3A_151 = arith.muli %add3A_90, %mul3A_150 : i32
      %add3A_152 = arith.addi %mul3A_149, %mul3A_151 : i32
      %multiple_of3A_153 = tpu.assume_multiple %add3A_152, 80 : i32
      "tpu.region"() ({
        %run_scoped3A = tpu.sem_alloc : memref<!tpu.dma_semaphore, #tpu.memory_space<semaphore_mem>>
        %dma_start3A_154 = arith.constant 0 : i32
        %dma_start3A_155 = tpu.memref_slice %arg6[%multiple_of3A_153, %dma_start3A_154] : memref<20000x144xf32, #tpu.memory_space<hbm>> -> memref<80x144xf32, #tpu.memory_space<hbm>>
        %dma_start3A_156 = arith.constant 0 : i32
        %dma_start3A_157 = tpu.memref_slice %arg16[%multiple_of3A_147, %dma_start3A_156] : memref<10000x144xf32, #tpu.memory_space<vmem_shared>> -> memref<80x144xf32, #tpu.memory_space<vmem_shared>>
        tpu.enqueue_dma source(%dma_start3A_157 : memref<80x144xf32, #tpu.memory_space<vmem_shared>>) target(%dma_start3A_155 : memref<80x144xf32, #tpu.memory_space<hbm>>) target_semaphore(%run_scoped3A : memref<!tpu.dma_semaphore, #tpu.memory_space<semaphore_mem>>)
        %dma_wait3A_158 = arith.constant 0 : i32
        %dma_wait3A_159 = tpu.memref_slice %arg6[%multiple_of3A_153, %dma_wait3A_158] : memref<20000x144xf32, #tpu.memory_space<hbm>> -> memref<80x144xf32, #tpu.memory_space<hbm>>
        %dma_wait3A_160 = arith.constant 0 : i32
        %dma_wait3A_161 = tpu.memref_slice %arg16[%multiple_of3A_147, %dma_wait3A_160] : memref<10000x144xf32, #tpu.memory_space<vmem_shared>> -> memref<80x144xf32, #tpu.memory_space<vmem_shared>>
        tpu.wait_dma2 semaphore(%run_scoped3A : memref<!tpu.dma_semaphore, #tpu.memory_space<semaphore_mem>>) src(%dma_wait3A_161 : memref<80x144xf32, #tpu.memory_space<vmem_shared>>) dst(%dma_wait3A_159 : memref<80x144xf32, #tpu.memory_space<hbm>>)
        tpu.yield
      }) : () -> ()
    } else {
    }
    %add3A_96 = arith.constant 16 : i32
    %add3A_97 = arith.addi %add3A_96, %arg1 : i32
    %lt3A_98 = arith.constant 125 : i32
    %lt3A_99 = arith.cmpi slt, %add3A_97, %lt3A_98 : i32
    %convert_element_type3A_100 = arith.extui %lt3A_99 : i1 to i32
    %cond3A_101 = arith.constant 0 : i32
    %cond3A_102 = arith.cmpi ne, %convert_element_type3A_100, %cond3A_101 : i32
    scf.if %cond3A_102 {
      %mul3A_145 = arith.constant 80 : i32
      %mul3A_146 = arith.muli %add3A_97, %mul3A_145 : i32
      %multiple_of3A_147 = tpu.assume_multiple %mul3A_146, 80 : i32
      %mul3A_148 = arith.constant 10000 : i32
      %mul3A_149 = arith.muli %arg0, %mul3A_148 : i32
      %mul3A_150 = arith.constant 80 : i32
      %mul3A_151 = arith.muli %add3A_97, %mul3A_150 : i32
      %add3A_152 = arith.addi %mul3A_149, %mul3A_151 : i32
      %multiple_of3A_153 = tpu.assume_multiple %add3A_152, 80 : i32
      "tpu.region"() ({
        %run_scoped3A = tpu.sem_alloc : memref<!tpu.dma_semaphore, #tpu.memory_space<semaphore_mem>>
        %dma_start3A_154 = arith.constant 0 : i32
        %dma_start3A_155 = tpu.memref_slice %arg6[%multiple_of3A_153, %dma_start3A_154] : memref<20000x144xf32, #tpu.memory_space<hbm>> -> memref<80x144xf32, #tpu.memory_space<hbm>>
        %dma_start3A_156 = arith.constant 0 : i32
        %dma_start3A_157 = tpu.memref_slice %arg16[%multiple_of3A_147, %dma_start3A_156] : memref<10000x144xf32, #tpu.memory_space<vmem_shared>> -> memref<80x144xf32, #tpu.memory_space<vmem_shared>>
        tpu.enqueue_dma source(%dma_start3A_157 : memref<80x144xf32, #tpu.memory_space<vmem_shared>>) target(%dma_start3A_155 : memref<80x144xf32, #tpu.memory_space<hbm>>) target_semaphore(%run_scoped3A : memref<!tpu.dma_semaphore, #tpu.memory_space<semaphore_mem>>)
        %dma_wait3A_158 = arith.constant 0 : i32
        %dma_wait3A_159 = tpu.memref_slice %arg6[%multiple_of3A_153, %dma_wait3A_158] : memref<20000x144xf32, #tpu.memory_space<hbm>> -> memref<80x144xf32, #tpu.memory_space<hbm>>
        %dma_wait3A_160 = arith.constant 0 : i32
        %dma_wait3A_161 = tpu.memref_slice %arg16[%multiple_of3A_147, %dma_wait3A_160] : memref<10000x144xf32, #tpu.memory_space<vmem_shared>> -> memref<80x144xf32, #tpu.memory_space<vmem_shared>>
        tpu.wait_dma2 semaphore(%run_scoped3A : memref<!tpu.dma_semaphore, #tpu.memory_space<semaphore_mem>>) src(%dma_wait3A_161 : memref<80x144xf32, #tpu.memory_space<vmem_shared>>) dst(%dma_wait3A_159 : memref<80x144xf32, #tpu.memory_space<hbm>>)
        tpu.yield
      }) : () -> ()
    } else {
    }
    %add3A_103 = arith.constant 32 : i32
    %add3A_104 = arith.addi %add3A_103, %arg1 : i32
    %lt3A_105 = arith.constant 125 : i32
    %lt3A_106 = arith.cmpi slt, %add3A_104, %lt3A_105 : i32
    %convert_element_type3A_107 = arith.extui %lt3A_106 : i1 to i32
    %cond3A_108 = arith.constant 0 : i32
    %cond3A_109 = arith.cmpi ne, %convert_element_type3A_107, %cond3A_108 : i32
    scf.if %cond3A_109 {
      %mul3A_145 = arith.constant 80 : i32
      %mul3A_146 = arith.muli %add3A_104, %mul3A_145 : i32
      %multiple_of3A_147 = tpu.assume_multiple %mul3A_146, 80 : i32
      %mul3A_148 = arith.constant 10000 : i32
      %mul3A_149 = arith.muli %arg0, %mul3A_148 : i32
      %mul3A_150 = arith.constant 80 : i32
      %mul3A_151 = arith.muli %add3A_104, %mul3A_150 : i32
      %add3A_152 = arith.addi %mul3A_149, %mul3A_151 : i32
      %multiple_of3A_153 = tpu.assume_multiple %add3A_152, 80 : i32
      "tpu.region"() ({
        %run_scoped3A = tpu.sem_alloc : memref<!tpu.dma_semaphore, #tpu.memory_space<semaphore_mem>>
        %dma_start3A_154 = arith.constant 0 : i32
        %dma_start3A_155 = tpu.memref_slice %arg6[%multiple_of3A_153, %dma_start3A_154] : memref<20000x144xf32, #tpu.memory_space<hbm>> -> memref<80x144xf32, #tpu.memory_space<hbm>>
        %dma_start3A_156 = arith.constant 0 : i32
        %dma_start3A_157 = tpu.memref_slice %arg16[%multiple_of3A_147, %dma_start3A_156] : memref<10000x144xf32, #tpu.memory_space<vmem_shared>> -> memref<80x144xf32, #tpu.memory_space<vmem_shared>>
        tpu.enqueue_dma source(%dma_start3A_157 : memref<80x144xf32, #tpu.memory_space<vmem_shared>>) target(%dma_start3A_155 : memref<80x144xf32, #tpu.memory_space<hbm>>) target_semaphore(%run_scoped3A : memref<!tpu.dma_semaphore, #tpu.memory_space<semaphore_mem>>)
        %dma_wait3A_158 = arith.constant 0 : i32
        %dma_wait3A_159 = tpu.memref_slice %arg6[%multiple_of3A_153, %dma_wait3A_158] : memref<20000x144xf32, #tpu.memory_space<hbm>> -> memref<80x144xf32, #tpu.memory_space<hbm>>
        %dma_wait3A_160 = arith.constant 0 : i32
        %dma_wait3A_161 = tpu.memref_slice %arg16[%multiple_of3A_147, %dma_wait3A_160] : memref<10000x144xf32, #tpu.memory_space<vmem_shared>> -> memref<80x144xf32, #tpu.memory_space<vmem_shared>>
        tpu.wait_dma2 semaphore(%run_scoped3A : memref<!tpu.dma_semaphore, #tpu.memory_space<semaphore_mem>>) src(%dma_wait3A_161 : memref<80x144xf32, #tpu.memory_space<vmem_shared>>) dst(%dma_wait3A_159 : memref<80x144xf32, #tpu.memory_space<hbm>>)
        tpu.yield
      }) : () -> ()
    } else {
    }
    %add3A_110 = arith.constant 48 : i32
    %add3A_111 = arith.addi %add3A_110, %arg1 : i32
    %lt3A_112 = arith.constant 125 : i32
    %lt3A_113 = arith.cmpi slt, %add3A_111, %lt3A_112 : i32
    %convert_element_type3A_114 = arith.extui %lt3A_113 : i1 to i32
    %cond3A_115 = arith.constant 0 : i32
    %cond3A_116 = arith.cmpi ne, %convert_element_type3A_114, %cond3A_115 : i32
    scf.if %cond3A_116 {
      %mul3A_145 = arith.constant 80 : i32
      %mul3A_146 = arith.muli %add3A_111, %mul3A_145 : i32
      %multiple_of3A_147 = tpu.assume_multiple %mul3A_146, 80 : i32
      %mul3A_148 = arith.constant 10000 : i32
      %mul3A_149 = arith.muli %arg0, %mul3A_148 : i32
      %mul3A_150 = arith.constant 80 : i32
      %mul3A_151 = arith.muli %add3A_111, %mul3A_150 : i32
      %add3A_152 = arith.addi %mul3A_149, %mul3A_151 : i32
      %multiple_of3A_153 = tpu.assume_multiple %add3A_152, 80 : i32
      "tpu.region"() ({
        %run_scoped3A = tpu.sem_alloc : memref<!tpu.dma_semaphore, #tpu.memory_space<semaphore_mem>>
        %dma_start3A_154 = arith.constant 0 : i32
        %dma_start3A_155 = tpu.memref_slice %arg6[%multiple_of3A_153, %dma_start3A_154] : memref<20000x144xf32, #tpu.memory_space<hbm>> -> memref<80x144xf32, #tpu.memory_space<hbm>>
        %dma_start3A_156 = arith.constant 0 : i32
        %dma_start3A_157 = tpu.memref_slice %arg16[%multiple_of3A_147, %dma_start3A_156] : memref<10000x144xf32, #tpu.memory_space<vmem_shared>> -> memref<80x144xf32, #tpu.memory_space<vmem_shared>>
        tpu.enqueue_dma source(%dma_start3A_157 : memref<80x144xf32, #tpu.memory_space<vmem_shared>>) target(%dma_start3A_155 : memref<80x144xf32, #tpu.memory_space<hbm>>) target_semaphore(%run_scoped3A : memref<!tpu.dma_semaphore, #tpu.memory_space<semaphore_mem>>)
        %dma_wait3A_158 = arith.constant 0 : i32
        %dma_wait3A_159 = tpu.memref_slice %arg6[%multiple_of3A_153, %dma_wait3A_158] : memref<20000x144xf32, #tpu.memory_space<hbm>> -> memref<80x144xf32, #tpu.memory_space<hbm>>
        %dma_wait3A_160 = arith.constant 0 : i32
        %dma_wait3A_161 = tpu.memref_slice %arg16[%multiple_of3A_147, %dma_wait3A_160] : memref<10000x144xf32, #tpu.memory_space<vmem_shared>> -> memref<80x144xf32, #tpu.memory_space<vmem_shared>>
        tpu.wait_dma2 semaphore(%run_scoped3A : memref<!tpu.dma_semaphore, #tpu.memory_space<semaphore_mem>>) src(%dma_wait3A_161 : memref<80x144xf32, #tpu.memory_space<vmem_shared>>) dst(%dma_wait3A_159 : memref<80x144xf32, #tpu.memory_space<hbm>>)
        tpu.yield
      }) : () -> ()
    } else {
    }
    %add3A_117 = arith.constant 64 : i32
    %add3A_118 = arith.addi %add3A_117, %arg1 : i32
    %lt3A_119 = arith.constant 125 : i32
    %lt3A_120 = arith.cmpi slt, %add3A_118, %lt3A_119 : i32
    %convert_element_type3A_121 = arith.extui %lt3A_120 : i1 to i32
    %cond3A_122 = arith.constant 0 : i32
    %cond3A_123 = arith.cmpi ne, %convert_element_type3A_121, %cond3A_122 : i32
    scf.if %cond3A_123 {
      %mul3A_145 = arith.constant 80 : i32
      %mul3A_146 = arith.muli %add3A_118, %mul3A_145 : i32
      %multiple_of3A_147 = tpu.assume_multiple %mul3A_146, 80 : i32
      %mul3A_148 = arith.constant 10000 : i32
      %mul3A_149 = arith.muli %arg0, %mul3A_148 : i32
      %mul3A_150 = arith.constant 80 : i32
      %mul3A_151 = arith.muli %add3A_118, %mul3A_150 : i32
      %add3A_152 = arith.addi %mul3A_149, %mul3A_151 : i32
      %multiple_of3A_153 = tpu.assume_multiple %add3A_152, 80 : i32
      "tpu.region"() ({
        %run_scoped3A = tpu.sem_alloc : memref<!tpu.dma_semaphore, #tpu.memory_space<semaphore_mem>>
        %dma_start3A_154 = arith.constant 0 : i32
        %dma_start3A_155 = tpu.memref_slice %arg6[%multiple_of3A_153, %dma_start3A_154] : memref<20000x144xf32, #tpu.memory_space<hbm>> -> memref<80x144xf32, #tpu.memory_space<hbm>>
        %dma_start3A_156 = arith.constant 0 : i32
        %dma_start3A_157 = tpu.memref_slice %arg16[%multiple_of3A_147, %dma_start3A_156] : memref<10000x144xf32, #tpu.memory_space<vmem_shared>> -> memref<80x144xf32, #tpu.memory_space<vmem_shared>>
        tpu.enqueue_dma source(%dma_start3A_157 : memref<80x144xf32, #tpu.memory_space<vmem_shared>>) target(%dma_start3A_155 : memref<80x144xf32, #tpu.memory_space<hbm>>) target_semaphore(%run_scoped3A : memref<!tpu.dma_semaphore, #tpu.memory_space<semaphore_mem>>)
        %dma_wait3A_158 = arith.constant 0 : i32
        %dma_wait3A_159 = tpu.memref_slice %arg6[%multiple_of3A_153, %dma_wait3A_158] : memref<20000x144xf32, #tpu.memory_space<hbm>> -> memref<80x144xf32, #tpu.memory_space<hbm>>
        %dma_wait3A_160 = arith.constant 0 : i32
        %dma_wait3A_161 = tpu.memref_slice %arg16[%multiple_of3A_147, %dma_wait3A_160] : memref<10000x144xf32, #tpu.memory_space<vmem_shared>> -> memref<80x144xf32, #tpu.memory_space<vmem_shared>>
        tpu.wait_dma2 semaphore(%run_scoped3A : memref<!tpu.dma_semaphore, #tpu.memory_space<semaphore_mem>>) src(%dma_wait3A_161 : memref<80x144xf32, #tpu.memory_space<vmem_shared>>) dst(%dma_wait3A_159 : memref<80x144xf32, #tpu.memory_space<hbm>>)
        tpu.yield
      }) : () -> ()
    } else {
    }
    %add3A_124 = arith.constant 80 : i32
    %add3A_125 = arith.addi %add3A_124, %arg1 : i32
    %lt3A_126 = arith.constant 125 : i32
    %lt3A_127 = arith.cmpi slt, %add3A_125, %lt3A_126 : i32
    %convert_element_type3A_128 = arith.extui %lt3A_127 : i1 to i32
    %cond3A_129 = arith.constant 0 : i32
    %cond3A_130 = arith.cmpi ne, %convert_element_type3A_128, %cond3A_129 : i32
    scf.if %cond3A_130 {
      %mul3A_145 = arith.constant 80 : i32
      %mul3A_146 = arith.muli %add3A_125, %mul3A_145 : i32
      %multiple_of3A_147 = tpu.assume_multiple %mul3A_146, 80 : i32
      %mul3A_148 = arith.constant 10000 : i32
      %mul3A_149 = arith.muli %arg0, %mul3A_148 : i32
      %mul3A_150 = arith.constant 80 : i32
      %mul3A_151 = arith.muli %add3A_125, %mul3A_150 : i32
      %add3A_152 = arith.addi %mul3A_149, %mul3A_151 : i32
      %multiple_of3A_153 = tpu.assume_multiple %add3A_152, 80 : i32
      "tpu.region"() ({
        %run_scoped3A = tpu.sem_alloc : memref<!tpu.dma_semaphore, #tpu.memory_space<semaphore_mem>>
        %dma_start3A_154 = arith.constant 0 : i32
        %dma_start3A_155 = tpu.memref_slice %arg6[%multiple_of3A_153, %dma_start3A_154] : memref<20000x144xf32, #tpu.memory_space<hbm>> -> memref<80x144xf32, #tpu.memory_space<hbm>>
        %dma_start3A_156 = arith.constant 0 : i32
        %dma_start3A_157 = tpu.memref_slice %arg16[%multiple_of3A_147, %dma_start3A_156] : memref<10000x144xf32, #tpu.memory_space<vmem_shared>> -> memref<80x144xf32, #tpu.memory_space<vmem_shared>>
        tpu.enqueue_dma source(%dma_start3A_157 : memref<80x144xf32, #tpu.memory_space<vmem_shared>>) target(%dma_start3A_155 : memref<80x144xf32, #tpu.memory_space<hbm>>) target_semaphore(%run_scoped3A : memref<!tpu.dma_semaphore, #tpu.memory_space<semaphore_mem>>)
        %dma_wait3A_158 = arith.constant 0 : i32
        %dma_wait3A_159 = tpu.memref_slice %arg6[%multiple_of3A_153, %dma_wait3A_158] : memref<20000x144xf32, #tpu.memory_space<hbm>> -> memref<80x144xf32, #tpu.memory_space<hbm>>
        %dma_wait3A_160 = arith.constant 0 : i32
        %dma_wait3A_161 = tpu.memref_slice %arg16[%multiple_of3A_147, %dma_wait3A_160] : memref<10000x144xf32, #tpu.memory_space<vmem_shared>> -> memref<80x144xf32, #tpu.memory_space<vmem_shared>>
        tpu.wait_dma2 semaphore(%run_scoped3A : memref<!tpu.dma_semaphore, #tpu.memory_space<semaphore_mem>>) src(%dma_wait3A_161 : memref<80x144xf32, #tpu.memory_space<vmem_shared>>) dst(%dma_wait3A_159 : memref<80x144xf32, #tpu.memory_space<hbm>>)
        tpu.yield
      }) : () -> ()
    } else {
    }
    %add3A_131 = arith.constant 96 : i32
    %add3A_132 = arith.addi %add3A_131, %arg1 : i32
    %lt3A_133 = arith.constant 125 : i32
    %lt3A_134 = arith.cmpi slt, %add3A_132, %lt3A_133 : i32
    %convert_element_type3A_135 = arith.extui %lt3A_134 : i1 to i32
    %cond3A_136 = arith.constant 0 : i32
    %cond3A_137 = arith.cmpi ne, %convert_element_type3A_135, %cond3A_136 : i32
    scf.if %cond3A_137 {
      %mul3A_145 = arith.constant 80 : i32
      %mul3A_146 = arith.muli %add3A_132, %mul3A_145 : i32
      %multiple_of3A_147 = tpu.assume_multiple %mul3A_146, 80 : i32
      %mul3A_148 = arith.constant 10000 : i32
      %mul3A_149 = arith.muli %arg0, %mul3A_148 : i32
      %mul3A_150 = arith.constant 80 : i32
      %mul3A_151 = arith.muli %add3A_132, %mul3A_150 : i32
      %add3A_152 = arith.addi %mul3A_149, %mul3A_151 : i32
      %multiple_of3A_153 = tpu.assume_multiple %add3A_152, 80 : i32
      "tpu.region"() ({
        %run_scoped3A = tpu.sem_alloc : memref<!tpu.dma_semaphore, #tpu.memory_space<semaphore_mem>>
        %dma_start3A_154 = arith.constant 0 : i32
        %dma_start3A_155 = tpu.memref_slice %arg6[%multiple_of3A_153, %dma_start3A_154] : memref<20000x144xf32, #tpu.memory_space<hbm>> -> memref<80x144xf32, #tpu.memory_space<hbm>>
        %dma_start3A_156 = arith.constant 0 : i32
        %dma_start3A_157 = tpu.memref_slice %arg16[%multiple_of3A_147, %dma_start3A_156] : memref<10000x144xf32, #tpu.memory_space<vmem_shared>> -> memref<80x144xf32, #tpu.memory_space<vmem_shared>>
        tpu.enqueue_dma source(%dma_start3A_157 : memref<80x144xf32, #tpu.memory_space<vmem_shared>>) target(%dma_start3A_155 : memref<80x144xf32, #tpu.memory_space<hbm>>) target_semaphore(%run_scoped3A : memref<!tpu.dma_semaphore, #tpu.memory_space<semaphore_mem>>)
        %dma_wait3A_158 = arith.constant 0 : i32
        %dma_wait3A_159 = tpu.memref_slice %arg6[%multiple_of3A_153, %dma_wait3A_158] : memref<20000x144xf32, #tpu.memory_space<hbm>> -> memref<80x144xf32, #tpu.memory_space<hbm>>
        %dma_wait3A_160 = arith.constant 0 : i32
        %dma_wait3A_161 = tpu.memref_slice %arg16[%multiple_of3A_147, %dma_wait3A_160] : memref<10000x144xf32, #tpu.memory_space<vmem_shared>> -> memref<80x144xf32, #tpu.memory_space<vmem_shared>>
        tpu.wait_dma2 semaphore(%run_scoped3A : memref<!tpu.dma_semaphore, #tpu.memory_space<semaphore_mem>>) src(%dma_wait3A_161 : memref<80x144xf32, #tpu.memory_space<vmem_shared>>) dst(%dma_wait3A_159 : memref<80x144xf32, #tpu.memory_space<hbm>>)
        tpu.yield
      }) : () -> ()
    } else {
    }
    %add3A_138 = arith.constant 112 : i32
    %add3A_139 = arith.addi %add3A_138, %arg1 : i32
    %lt3A_140 = arith.constant 125 : i32
    %lt3A_141 = arith.cmpi slt, %add3A_139, %lt3A_140 : i32
    %convert_element_type3A_142 = arith.extui %lt3A_141 : i1 to i32
    %cond3A_143 = arith.constant 0 : i32
    %cond3A_144 = arith.cmpi ne, %convert_element_type3A_142, %cond3A_143 : i32
    scf.if %cond3A_144 {
      %mul3A_145 = arith.constant 80 : i32
      %mul3A_146 = arith.muli %add3A_139, %mul3A_145 : i32
      %multiple_of3A_147 = tpu.assume_multiple %mul3A_146, 80 : i32
      %mul3A_148 = arith.constant 10000 : i32
      %mul3A_149 = arith.muli %arg0, %mul3A_148 : i32
      %mul3A_150 = arith.constant 80 : i32
      %mul3A_151 = arith.muli %add3A_139, %mul3A_150 : i32
      %add3A_152 = arith.addi %mul3A_149, %mul3A_151 : i32
      %multiple_of3A_153 = tpu.assume_multiple %add3A_152, 80 : i32
      "tpu.region"() ({
        %run_scoped3A = tpu.sem_alloc : memref<!tpu.dma_semaphore, #tpu.memory_space<semaphore_mem>>
        %dma_start3A_154 = arith.constant 0 : i32
        %dma_start3A_155 = tpu.memref_slice %arg6[%multiple_of3A_153, %dma_start3A_154] : memref<20000x144xf32, #tpu.memory_space<hbm>> -> memref<80x144xf32, #tpu.memory_space<hbm>>
        %dma_start3A_156 = arith.constant 0 : i32
        %dma_start3A_157 = tpu.memref_slice %arg16[%multiple_of3A_147, %dma_start3A_156] : memref<10000x144xf32, #tpu.memory_space<vmem_shared>> -> memref<80x144xf32, #tpu.memory_space<vmem_shared>>
        tpu.enqueue_dma source(%dma_start3A_157 : memref<80x144xf32, #tpu.memory_space<vmem_shared>>) target(%dma_start3A_155 : memref<80x144xf32, #tpu.memory_space<hbm>>) target_semaphore(%run_scoped3A : memref<!tpu.dma_semaphore, #tpu.memory_space<semaphore_mem>>)
        %dma_wait3A_158 = arith.constant 0 : i32
        %dma_wait3A_159 = tpu.memref_slice %arg6[%multiple_of3A_153, %dma_wait3A_158] : memref<20000x144xf32, #tpu.memory_space<hbm>> -> memref<80x144xf32, #tpu.memory_space<hbm>>
        %dma_wait3A_160 = arith.constant 0 : i32
        %dma_wait3A_161 = tpu.memref_slice %arg16[%multiple_of3A_147, %dma_wait3A_160] : memref<10000x144xf32, #tpu.memory_space<vmem_shared>> -> memref<80x144xf32, #tpu.memory_space<vmem_shared>>
        tpu.wait_dma2 semaphore(%run_scoped3A : memref<!tpu.dma_semaphore, #tpu.memory_space<semaphore_mem>>) src(%dma_wait3A_161 : memref<80x144xf32, #tpu.memory_space<vmem_shared>>) dst(%dma_wait3A_159 : memref<80x144xf32, #tpu.memory_space<hbm>>)
        tpu.yield
      }) : () -> ()
    } else {
    }
    return
  }
}

module attributes {stable_mosaic.version = 14 : i64} {
  func.func @body(%arg0: i32, %arg1: memref<1000x128xf32, #tpu.memory_space<vmem>>, %arg2: memref<128x128xf32, #tpu.memory_space<vmem>>, %arg3: memref<1x128xf32, #tpu.memory_space<vmem>>, %arg4: memref<128x128xf32, #tpu.memory_space<vmem>>, %arg5: memref<128x16xf32, #tpu.memory_space<vmem>>, %arg6: memref<128x16xf32, #tpu.memory_space<vmem>>, %arg7: memref<1000x128xf32, #tpu.memory_space<vmem>>, %arg8: memref<1000x144xf32, #tpu.memory_space<vmem>>, %arg9: memref<1000x16xf32, #tpu.memory_space<vmem>>) attributes {dimension_semantics = [#tpu.dimension_semantics<arbitrary>], iteration_bounds = array<i64: 10>, scalar_prefetch = 0 : i64, scratch_operands = 0 : i64, tpu.core_type = #tpu.core_type<tc>, window_params = [{transform_indices = @transform_0, window_bounds = array<i64: 1000, 128>}, {pipeline_mode = #tpu.pipeline_mode<synchronous>, transform_indices = @transform_1, window_bounds = array<i64: 128, 128>}, {pipeline_mode = #tpu.pipeline_mode<synchronous>, transform_indices = @transform_2, window_bounds = array<i64: 1, 128>}, {pipeline_mode = #tpu.pipeline_mode<synchronous>, transform_indices = @transform_3, window_bounds = array<i64: 128, 128>}, {pipeline_mode = #tpu.pipeline_mode<synchronous>, transform_indices = @transform_4, window_bounds = array<i64: 128, 16>}, {pipeline_mode = #tpu.pipeline_mode<synchronous>, transform_indices = @transform_5, window_bounds = array<i64: 128, 16>}, {transform_indices = @transform_6, window_bounds = array<i64: 1000, 128>}, {transform_indices = @transform_7, window_bounds = array<i64: 1000, 144>}, {transform_indices = @transform_8, window_bounds = array<i64: 1000, 16>}]} {
    %get3A = arith.constant 0 : index
    %get3A_0 = arith.constant 0 : index
    %get3A_1 = vector.load %arg1[%get3A, %get3A_0] : memref<1000x128xf32, #tpu.memory_space<vmem>>, vector<1000x128xf32>
    %get3A_2 = arith.constant 0 : index
    %get3A_3 = arith.constant 0 : index
    %get3A_4 = vector.load %arg2[%get3A_2, %get3A_3] : memref<128x128xf32, #tpu.memory_space<vmem>>, vector<128x128xf32>
    %dot_general3A = arith.constant dense<0.000000e+00> : vector<1000x128xf32>
    %dot_general3A_5 = tpu.matmul %get3A_1, %get3A_4, %dot_general3A {dimension_numbers = #tpu.dot_dimension_numbers<[1], [0], [0], [1], [0, 0, 1, 1], [], []>, transpose_lhs_hint = false} : vector<1000x128xf32>, vector<128x128xf32>, vector<1000x128xf32> -> vector<1000x128xf32>
    %get3A_6 = arith.constant 0 : index
    %get3A_7 = arith.constant 0 : index
    %get3A_8 = vector.load %arg3[%get3A_6, %get3A_7] : memref<1x128xf32, #tpu.memory_space<vmem>>, vector<1x128xf32>
    %add3A = vector.broadcast %get3A_8 : vector<1x128xf32> to vector<1000x128xf32>
    %add3A_9 = arith.addf %dot_general3A_5, %add3A : vector<1000x128xf32>
    %get3A_10 = arith.constant 0 : index
    %get3A_11 = arith.constant 0 : index
    %get3A_12 = vector.load %arg4[%get3A_10, %get3A_11] : memref<128x128xf32, #tpu.memory_space<vmem>>, vector<128x128xf32>
    %dot_general3A_13 = arith.constant dense<0.000000e+00> : vector<1000x128xf32>
    %dot_general3A_14 = tpu.matmul %add3A_9, %get3A_12, %dot_general3A_13 {dimension_numbers = #tpu.dot_dimension_numbers<[1], [0], [0], [1], [0, 0, 1, 1], [], []>, transpose_lhs_hint = false} : vector<1000x128xf32>, vector<128x128xf32>, vector<1000x128xf32> -> vector<1000x128xf32>
    %swap3A = arith.constant 0 : index
    %swap3A_15 = arith.constant 0 : index
    %swap3A_16 = vector.load %arg7[%swap3A, %swap3A_15] : memref<1000x128xf32, #tpu.memory_space<vmem>>, vector<1000x128xf32>
    tpu.vector_store %arg7[%swap3A, %swap3A_15], %add3A_9 {strides = array<i32>} : memref<1000x128xf32, #tpu.memory_space<vmem>>, vector<1000x128xf32>,
    %get3A_17 = arith.constant 0 : index
    %get3A_18 = arith.constant 0 : index
    %get3A_19 = vector.load %arg5[%get3A_17, %get3A_18] : memref<128x16xf32, #tpu.memory_space<vmem>>, vector<128x16xf32>
    %dot_general3A_20 = arith.constant dense<0.000000e+00> : vector<1000x16xf32>
    %dot_general3A_21 = tpu.matmul %dot_general3A_14, %get3A_19, %dot_general3A_20 {dimension_numbers = #tpu.dot_dimension_numbers<[1], [0], [0], [1], [0, 0, 1, 1], [], []>, transpose_lhs_hint = false} : vector<1000x128xf32>, vector<128x16xf32>, vector<1000x16xf32> -> vector<1000x16xf32>
    %concatenate3A = tpu.concatenate %dot_general3A_14, %dot_general3A_21 in 1 : vector<1000x128xf32>, vector<1000x16xf32> -> vector<1000x144xf32>
    %swap3A_22 = arith.constant 0 : index
    %swap3A_23 = arith.constant 0 : index
    %swap3A_24 = vector.load %arg8[%swap3A_22, %swap3A_23] : memref<1000x144xf32, #tpu.memory_space<vmem>>, vector<1000x144xf32>
    tpu.vector_store %arg8[%swap3A_22, %swap3A_23], %concatenate3A {strides = array<i32>} : memref<1000x144xf32, #tpu.memory_space<vmem>>, vector<1000x144xf32>,
    %get3A_25 = arith.constant 0 : index
    %get3A_26 = arith.constant 0 : index
    %get3A_27 = vector.load %arg6[%get3A_25, %get3A_26] : memref<128x16xf32, #tpu.memory_space<vmem>>, vector<128x16xf32>
    %dot_general3A_28 = arith.constant dense<0.000000e+00> : vector<1000x16xf32>
    %dot_general3A_29 = tpu.matmul %dot_general3A_14, %get3A_27, %dot_general3A_28 {dimension_numbers = #tpu.dot_dimension_numbers<[1], [0], [0], [1], [0, 0, 1, 1], [], []>, transpose_lhs_hint = false} : vector<1000x128xf32>, vector<128x16xf32>, vector<1000x16xf32> -> vector<1000x16xf32>
    %swap3A_30 = arith.constant 0 : index
    %swap3A_31 = arith.constant 0 : index
    %swap3A_32 = vector.load %arg9[%swap3A_30, %swap3A_31] : memref<1000x16xf32, #tpu.memory_space<vmem>>, vector<1000x16xf32>
    tpu.vector_store %arg9[%swap3A_30, %swap3A_31], %dot_general3A_29 {strides = array<i32>} : memref<1000x16xf32, #tpu.memory_space<vmem>>, vector<1000x16xf32>,
    return
  }
  func.func @transform_0(%arg0: i32) -> (i32, i32) {
    %c0_i32 = arith.constant 0 : i32
    %c0_i32_0 = arith.constant 0 : i32
    return %arg0, %c0_i32 : i32, i32
  }
  func.func @transform_1(%arg0: i32) -> (i32, i32) {
    %c0_i32 = arith.constant 0 : i32
    %c0_i32_0 = arith.constant 0 : i32
    %c0_i32_1 = arith.constant 0 : i32
    return %c0_i32, %c0_i32_0 : i32, i32
  }
  func.func @transform_2(%arg0: i32) -> (i32, i32) {
    %c0_i32 = arith.constant 0 : i32
    %c0_i32_0 = arith.constant 0 : i32
    %c0_i32_1 = arith.constant 0 : i32
    return %c0_i32, %c0_i32_0 : i32, i32
  }
  func.func @transform_3(%arg0: i32) -> (i32, i32) {
    %c0_i32 = arith.constant 0 : i32
    %c0_i32_0 = arith.constant 0 : i32
    %c0_i32_1 = arith.constant 0 : i32
    return %c0_i32, %c0_i32_0 : i32, i32
  }
  func.func @transform_4(%arg0: i32) -> (i32, i32) {
    %c0_i32 = arith.constant 0 : i32
    %c0_i32_0 = arith.constant 0 : i32
    %c0_i32_1 = arith.constant 0 : i32
    return %c0_i32, %c0_i32_0 : i32, i32
  }
  func.func @transform_5(%arg0: i32) -> (i32, i32) {
    %c0_i32 = arith.constant 0 : i32
    %c0_i32_0 = arith.constant 0 : i32
    %c0_i32_1 = arith.constant 0 : i32
    return %c0_i32, %c0_i32_0 : i32, i32
  }
  func.func @transform_6(%arg0: i32) -> (i32, i32) {
    %c0_i32 = arith.constant 0 : i32
    %c0_i32_0 = arith.constant 0 : i32
    return %arg0, %c0_i32 : i32, i32
  }
  func.func @transform_7(%arg0: i32) -> (i32, i32) {
    %c0_i32 = arith.constant 0 : i32
    %c0_i32_0 = arith.constant 0 : i32
    return %arg0, %c0_i32 : i32, i32
  }
  func.func @transform_8(%arg0: i32) -> (i32, i32) {
    %c0_i32 = arith.constant 0 : i32
    %c0_i32_0 = arith.constant 0 : i32
    return %arg0, %c0_i32 : i32, i32
  }
}

module attributes {stable_mosaic.version = 14 : i64} {
  func.func @body(%arg0: i32, %arg1: memref<1000x144xf32, #tpu.memory_space<vmem>>, %arg2: memref<1000x144xf32, #tpu.memory_space<vmem>>, %arg3: memref<8x128xf32, #tpu.memory_space<vmem>>, %arg4: memref<1x128xf32, #tpu.memory_space<vmem>>, %arg5: memref<1000x128xf32, #tpu.memory_space<vmem>>, %arg6: memref<8x128xf32, #tpu.memory_space<vmem>>) attributes {dimension_semantics = [#tpu.dimension_semantics<arbitrary>], iteration_bounds = array<i64: 10>, scalar_prefetch = 0 : i64, scratch_operands = 0 : i64, tpu.core_type = #tpu.core_type<tc>, window_params = [{transform_indices = @transform_0, window_bounds = array<i64: 1000, 144>}, {transform_indices = @transform_1, window_bounds = array<i64: 1000, 144>}, {pipeline_mode = #tpu.pipeline_mode<synchronous>, transform_indices = @transform_2, window_bounds = array<i64: 8, 128>}, {pipeline_mode = #tpu.pipeline_mode<synchronous>, transform_indices = @transform_3, window_bounds = array<i64: 1, 128>}, {transform_indices = @transform_4, window_bounds = array<i64: 1000, 128>}, {pipeline_mode = #tpu.pipeline_mode<synchronous>, transform_indices = @transform_5, window_bounds = array<i64: 8, 128>}]} {
    %get3A = arith.constant 0 : index
    %get3A_0 = arith.constant 0 : index
    %get3A_1 = vector.load %arg1[%get3A, %get3A_0] : memref<1000x144xf32, #tpu.memory_space<vmem>>, vector<1000x144xf32>
    %get3A_2 = arith.constant 0 : index
    %get3A_3 = arith.constant 0 : index
    %get3A_4 = vector.load %arg2[%get3A_2, %get3A_3] : memref<1000x144xf32, #tpu.memory_space<vmem>>, vector<1000x144xf32>
    %add3A = arith.addf %get3A_1, %get3A_4 : vector<1000x144xf32>
    %slice3A = vector.extract_strided_slice %add3A {offsets = [0, 128], sizes = [1000, 8], strides = [1, 1]} : vector<1000x144xf32> to vector<1000x8xf32>
    %gt3A = arith.constant 0.000000e+00 : f32
    %gt3A_5 = vector.broadcast %gt3A : f32 to vector<1000x8xf32>
    %gt3A_6 = arith.cmpf ogt, %slice3A, %gt3A_5 : vector<1000x8xf32>
    %div3A = arith.constant 1.000000e+00 : f32
    %div3A_7 = vector.broadcast %div3A : f32 to vector<1000x8xf32>
    %div3A_8 = arith.divf %div3A_7, %slice3A : vector<1000x8xf32>
    %jit3A = arith.constant 0.000000e+00 : f32
    %broadcast_in_dim3A = vector.broadcast %jit3A : f32 to vector<1000x8xf32>
    %select_n3A = arith.select %gt3A_6, %div3A_8, %broadcast_in_dim3A : vector<1000x8xi1>, vector<1000x8xf32>
    %get3A_9 = arith.constant 0 : index
    %get3A_10 = arith.constant 0 : index
    %get3A_11 = vector.load %arg3[%get3A_9, %get3A_10] : memref<8x128xf32, #tpu.memory_space<vmem>>, vector<8x128xf32>
    %dot_general3A = arith.constant dense<0.000000e+00> : vector<1000x128xf32>
    %dot_general3A_12 = tpu.matmul %select_n3A, %get3A_11, %dot_general3A {dimension_numbers = #tpu.dot_dimension_numbers<[1], [0], [0], [1], [0, 0, 1, 1], [], []>, transpose_lhs_hint = false} : vector<1000x8xf32>, vector<8x128xf32>, vector<1000x128xf32> -> vector<1000x128xf32>
    %slice3A_13 = vector.extract_strided_slice %add3A {offsets = [0, 0], sizes = [1000, 128], strides = [1, 1]} : vector<1000x144xf32> to vector<1000x128xf32>
    %mul3A = arith.mulf %slice3A_13, %dot_general3A_12 : vector<1000x128xf32>
    %get3A_14 = arith.constant 0 : index
    %get3A_15 = arith.constant 0 : index
    %get3A_16 = vector.load %arg4[%get3A_14, %get3A_15] : memref<1x128xf32, #tpu.memory_space<vmem>>, vector<1x128xf32>
    %add3A_17 = vector.broadcast %get3A_16 : vector<1x128xf32> to vector<1000x128xf32>
    %add3A_18 = arith.addf %mul3A, %add3A_17 : vector<1000x128xf32>
    %swap3A = arith.constant 0 : index
    %swap3A_19 = arith.constant 0 : index
    %swap3A_20 = vector.load %arg5[%swap3A, %swap3A_19] : memref<1000x128xf32, #tpu.memory_space<vmem>>, vector<1000x128xf32>
    tpu.vector_store %arg5[%swap3A, %swap3A_19], %add3A_18 {strides = array<i32>} : memref<1000x128xf32, #tpu.memory_space<vmem>>, vector<1000x128xf32>,
    %reduce_sum3A = arith.constant dense<0.000000e+00> : vector<128xf32>
    %reduce_sum3A_21 = vector.multi_reduction <add>, %add3A_18, %reduce_sum3A [0] : vector<1000x128xf32> to vector<128xf32>
    %broadcast_in_dim3A_22 = vector.shape_cast %reduce_sum3A_21 : vector<128xf32> to vector<1x128xf32>
    %mul3A_23 = arith.mulf %add3A_18, %add3A_18 : vector<1000x128xf32>
    %reduce_sum3A_24 = arith.constant dense<0.000000e+00> : vector<128xf32>
    %reduce_sum3A_25 = vector.multi_reduction <add>, %mul3A_23, %reduce_sum3A_24 [0] : vector<1000x128xf32> to vector<128xf32>
    %broadcast_in_dim3A_26 = vector.shape_cast %reduce_sum3A_25 : vector<128xf32> to vector<1x128xf32>
    %broadcast_in_dim3A_27 = arith.constant 0.000000e+00 : f32
    %broadcast_in_dim3A_28 = vector.broadcast %broadcast_in_dim3A_27 : f32 to vector<6x128xf32>
    %concatenate3A = tpu.concatenate %broadcast_in_dim3A_22, %broadcast_in_dim3A_26, %broadcast_in_dim3A_28 in 0 : vector<1x128xf32>, vector<1x128xf32>, vector<6x128xf32> -> vector<8x128xf32>
    %eq3A = arith.constant 0 : i32
    %eq3A_29 = arith.cmpi eq, %arg0, %eq3A : i32
    %convert_element_type3A = arith.extui %eq3A_29 : i1 to i32
    %cond3A = arith.constant 0 : i32
    %cond3A_30 = arith.cmpi ne, %convert_element_type3A, %cond3A : i32
    scf.if %cond3A_30 {
      %swap3A_36 = arith.constant 0 : index
      %swap3A_37 = arith.constant 0 : index
      %swap3A_38 = vector.load %arg6[%swap3A_36, %swap3A_37] : memref<8x128xf32, #tpu.memory_space<vmem>>, vector<8x128xf32>
      tpu.vector_store %arg6[%swap3A_36, %swap3A_37], %concatenate3A {strides = array<i32>} : memref<8x128xf32, #tpu.memory_space<vmem>>, vector<8x128xf32>,
    } else {
    }
    %gt3A_31 = arith.constant 0 : i32
    %gt3A_32 = arith.cmpi sgt, %arg0, %gt3A_31 : i32
    %convert_element_type3A_33 = arith.extui %gt3A_32 : i1 to i32
    %cond3A_34 = arith.constant 0 : i32
    %cond3A_35 = arith.cmpi ne, %convert_element_type3A_33, %cond3A_34 : i32
    scf.if %cond3A_35 {
      %get3A_36 = arith.constant 0 : index
      %get3A_37 = arith.constant 0 : index
      %get3A_38 = vector.load %arg6[%get3A_36, %get3A_37] : memref<8x128xf32, #tpu.memory_space<vmem>>, vector<8x128xf32>
      %add3A_39 = arith.addf %get3A_38, %concatenate3A : vector<8x128xf32>
      %swap3A_40 = arith.constant 0 : index
      %swap3A_41 = arith.constant 0 : index
      %swap3A_42 = vector.load %arg6[%swap3A_40, %swap3A_41] : memref<8x128xf32, #tpu.memory_space<vmem>>, vector<8x128xf32>
      tpu.vector_store %arg6[%swap3A_40, %swap3A_41], %add3A_39 {strides = array<i32>} : memref<8x128xf32, #tpu.memory_space<vmem>>, vector<8x128xf32>,
    } else {
    }
    return
  }
  func.func @transform_0(%arg0: i32) -> (i32, i32) {
    %c0_i32 = arith.constant 0 : i32
    %c0_i32_0 = arith.constant 0 : i32
    return %arg0, %c0_i32 : i32, i32
  }
  func.func @transform_1(%arg0: i32) -> (i32, i32) {
    %add3A = arith.constant 10 : i32
    %add3A_0 = arith.addi %arg0, %add3A : i32
    %c0_i32 = arith.constant 0 : i32
    %c0_i32_1 = arith.constant 0 : i32
    return %add3A_0, %c0_i32 : i32, i32
  }
  func.func @transform_2(%arg0: i32) -> (i32, i32) {
    %c0_i32 = arith.constant 0 : i32
    %c0_i32_0 = arith.constant 0 : i32
    %c0_i32_1 = arith.constant 0 : i32
    return %c0_i32, %c0_i32_0 : i32, i32
  }
  func.func @transform_3(%arg0: i32) -> (i32, i32) {
    %c0_i32 = arith.constant 0 : i32
    %c0_i32_0 = arith.constant 0 : i32
    %c0_i32_1 = arith.constant 0 : i32
    return %c0_i32, %c0_i32_0 : i32, i32
  }
  func.func @transform_4(%arg0: i32) -> (i32, i32) {
    %c0_i32 = arith.constant 0 : i32
    %c0_i32_0 = arith.constant 0 : i32
    return %arg0, %c0_i32 : i32, i32
  }
  func.func @transform_5(%arg0: i32) -> (i32, i32) {
    %c0_i32 = arith.constant 0 : i32
    %c0_i32_0 = arith.constant 0 : i32
    %c0_i32_1 = arith.constant 0 : i32
    return %c0_i32, %c0_i32_0 : i32, i32
  }
}

module attributes {stable_mosaic.version = 14 : i64} {
  func.func @body(%arg0: i32, %arg1: memref<1000x128xf32, #tpu.memory_space<vmem>>, %arg2: memref<8x128xf32, #tpu.memory_space<vmem>>, %arg3: memref<1x128xf32, #tpu.memory_space<vmem>>, %arg4: memref<1x128xf32, #tpu.memory_space<vmem>>, %arg5: memref<1000x128xf32, #tpu.memory_space<vmem>>, %arg6: memref<128x128xf32, #tpu.memory_space<vmem>>, %arg7: memref<128x16xf32, #tpu.memory_space<vmem>>, %arg8: memref<128x16xf32, #tpu.memory_space<vmem>>, %arg9: memref<1000x128xf32, #tpu.memory_space<vmem>>, %arg10: memref<1000x144xf32, #tpu.memory_space<vmem>>, %arg11: memref<1000x16xf32, #tpu.memory_space<vmem>>) attributes {dimension_semantics = [#tpu.dimension_semantics<arbitrary>], iteration_bounds = array<i64: 10>, scalar_prefetch = 0 : i64, scratch_operands = 0 : i64, tpu.core_type = #tpu.core_type<tc>, window_params = [{transform_indices = @transform_0, window_bounds = array<i64: 1000, 128>}, {pipeline_mode = #tpu.pipeline_mode<synchronous>, transform_indices = @transform_1, window_bounds = array<i64: 8, 128>}, {pipeline_mode = #tpu.pipeline_mode<synchronous>, transform_indices = @transform_2, window_bounds = array<i64: 1, 128>}, {pipeline_mode = #tpu.pipeline_mode<synchronous>, transform_indices = @transform_3, window_bounds = array<i64: 1, 128>}, {transform_indices = @transform_4, window_bounds = array<i64: 1000, 128>}, {pipeline_mode = #tpu.pipeline_mode<synchronous>, transform_indices = @transform_5, window_bounds = array<i64: 128, 128>}, {pipeline_mode = #tpu.pipeline_mode<synchronous>, transform_indices = @transform_6, window_bounds = array<i64: 128, 16>}, {pipeline_mode = #tpu.pipeline_mode<synchronous>, transform_indices = @transform_7, window_bounds = array<i64: 128, 16>}, {transform_indices = @transform_8, window_bounds = array<i64: 1000, 128>}, {transform_indices = @transform_9, window_bounds = array<i64: 1000, 144>}, {transform_indices = @transform_10, window_bounds = array<i64: 1000, 16>}]} {
    %get3A = arith.constant 0 : index
    %get3A_0 = arith.constant 0 : index
    %get3A_1 = vector.load %arg2[%get3A, %get3A_0] : memref<8x128xf32, #tpu.memory_space<vmem>>, vector<1x128xf32>
    %mul3A = arith.constant 9.99999974E-5 : f32
    %mul3A_2 = vector.broadcast %mul3A : f32 to vector<1x128xf32>
    %mul3A_3 = arith.mulf %get3A_1, %mul3A_2 : vector<1x128xf32>
    %get3A_4 = arith.constant 1 : index
    %get3A_5 = arith.constant 0 : index
    %get3A_6 = vector.load %arg2[%get3A_4, %get3A_5] : memref<8x128xf32, #tpu.memory_space<vmem>>, vector<1x128xf32>
    %mul3A_7 = arith.constant 9.99999974E-5 : f32
    %mul3A_8 = vector.broadcast %mul3A_7 : f32 to vector<1x128xf32>
    %mul3A_9 = arith.mulf %get3A_6, %mul3A_8 : vector<1x128xf32>
    %mul3A_10 = arith.mulf %mul3A_3, %mul3A_3 : vector<1x128xf32>
    %sub3A = arith.subf %mul3A_9, %mul3A_10 : vector<1x128xf32>
    %get3A_11 = arith.constant 0 : index
    %get3A_12 = arith.constant 0 : index
    %get3A_13 = vector.load %arg1[%get3A_11, %get3A_12] : memref<1000x128xf32, #tpu.memory_space<vmem>>, vector<1000x128xf32>
    %sub3A_14 = vector.broadcast %mul3A_3 : vector<1x128xf32> to vector<1000x128xf32>
    %sub3A_15 = arith.subf %get3A_13, %sub3A_14 : vector<1000x128xf32>
    %add3A = arith.constant 9.99999974E-6 : f32
    %add3A_16 = vector.broadcast %add3A : f32 to vector<1x128xf32>
    %add3A_17 = arith.addf %sub3A, %add3A_16 : vector<1x128xf32>
    %rsqrt3A = math.rsqrt %add3A_17 : vector<1x128xf32>
    %mul3A_18 = vector.broadcast %rsqrt3A : vector<1x128xf32> to vector<1000x128xf32>
    %mul3A_19 = arith.mulf %sub3A_15, %mul3A_18 : vector<1000x128xf32>
    %get3A_20 = arith.constant 0 : index
    %get3A_21 = arith.constant 0 : index
    %get3A_22 = vector.load %arg3[%get3A_20, %get3A_21] : memref<1x128xf32, #tpu.memory_space<vmem>>, vector<1x128xf32>
    %mul3A_23 = vector.broadcast %get3A_22 : vector<1x128xf32> to vector<1000x128xf32>
    %mul3A_24 = arith.mulf %mul3A_19, %mul3A_23 : vector<1000x128xf32>
    %get3A_25 = arith.constant 0 : index
    %get3A_26 = arith.constant 0 : index
    %get3A_27 = vector.load %arg4[%get3A_25, %get3A_26] : memref<1x128xf32, #tpu.memory_space<vmem>>, vector<1x128xf32>
    %add3A_28 = vector.broadcast %get3A_27 : vector<1x128xf32> to vector<1000x128xf32>
    %add3A_29 = arith.addf %mul3A_24, %add3A_28 : vector<1000x128xf32>
    %gt3A = arith.constant 0.000000e+00 : f32
    %gt3A_30 = vector.broadcast %gt3A : f32 to vector<1000x128xf32>
    %gt3A_31 = arith.cmpf ogt, %add3A_29, %gt3A_30 : vector<1000x128xf32>
    %min3A = arith.constant 0.000000e+00 : f32
    %min3A_32 = vector.broadcast %min3A : f32 to vector<1000x128xf32>
    %min3A_33 = arith.minimumf %add3A_29, %min3A_32 : vector<1000x128xf32>
    %exp3A = math.exp %min3A_33 : vector<1000x128xf32>
    %sub3A_34 = arith.constant 1.000000e+00 : f32
    %sub3A_35 = vector.broadcast %sub3A_34 : f32 to vector<1000x128xf32>
    %sub3A_36 = arith.subf %exp3A, %sub3A_35 : vector<1000x128xf32>
    %select_n3A = arith.select %gt3A_31, %add3A_29, %sub3A_36 : vector<1000x128xi1>, vector<1000x128xf32>
    %get3A_37 = arith.constant 0 : index
    %get3A_38 = arith.constant 0 : index
    %get3A_39 = vector.load %arg5[%get3A_37, %get3A_38] : memref<1000x128xf32, #tpu.memory_space<vmem>>, vector<1000x128xf32>
    %add3A_40 = arith.addf %get3A_39, %select_n3A : vector<1000x128xf32>
    %get3A_41 = arith.constant 0 : index
    %get3A_42 = arith.constant 0 : index
    %get3A_43 = vector.load %arg6[%get3A_41, %get3A_42] : memref<128x128xf32, #tpu.memory_space<vmem>>, vector<128x128xf32>
    %dot_general3A = arith.constant dense<0.000000e+00> : vector<1000x128xf32>
    %dot_general3A_44 = tpu.matmul %add3A_40, %get3A_43, %dot_general3A {dimension_numbers = #tpu.dot_dimension_numbers<[1], [0], [0], [1], [0, 0, 1, 1], [], []>, transpose_lhs_hint = false} : vector<1000x128xf32>, vector<128x128xf32>, vector<1000x128xf32> -> vector<1000x128xf32>
    %swap3A = arith.constant 0 : index
    %swap3A_45 = arith.constant 0 : index
    %swap3A_46 = vector.load %arg9[%swap3A, %swap3A_45] : memref<1000x128xf32, #tpu.memory_space<vmem>>, vector<1000x128xf32>
    tpu.vector_store %arg9[%swap3A, %swap3A_45], %add3A_40 {strides = array<i32>} : memref<1000x128xf32, #tpu.memory_space<vmem>>, vector<1000x128xf32>,
    %get3A_47 = arith.constant 0 : index
    %get3A_48 = arith.constant 0 : index
    %get3A_49 = vector.load %arg7[%get3A_47, %get3A_48] : memref<128x16xf32, #tpu.memory_space<vmem>>, vector<128x16xf32>
    %dot_general3A_50 = arith.constant dense<0.000000e+00> : vector<1000x16xf32>
    %dot_general3A_51 = tpu.matmul %dot_general3A_44, %get3A_49, %dot_general3A_50 {dimension_numbers = #tpu.dot_dimension_numbers<[1], [0], [0], [1], [0, 0, 1, 1], [], []>, transpose_lhs_hint = false} : vector<1000x128xf32>, vector<128x16xf32>, vector<1000x16xf32> -> vector<1000x16xf32>
    %concatenate3A = tpu.concatenate %dot_general3A_44, %dot_general3A_51 in 1 : vector<1000x128xf32>, vector<1000x16xf32> -> vector<1000x144xf32>
    %swap3A_52 = arith.constant 0 : index
    %swap3A_53 = arith.constant 0 : index
    %swap3A_54 = vector.load %arg10[%swap3A_52, %swap3A_53] : memref<1000x144xf32, #tpu.memory_space<vmem>>, vector<1000x144xf32>
    tpu.vector_store %arg10[%swap3A_52, %swap3A_53], %concatenate3A {strides = array<i32>} : memref<1000x144xf32, #tpu.memory_space<vmem>>, vector<1000x144xf32>,
    %get3A_55 = arith.constant 0 : index
    %get3A_56 = arith.constant 0 : index
    %get3A_57 = vector.load %arg8[%get3A_55, %get3A_56] : memref<128x16xf32, #tpu.memory_space<vmem>>, vector<128x16xf32>
    %dot_general3A_58 = arith.constant dense<0.000000e+00> : vector<1000x16xf32>
    %dot_general3A_59 = tpu.matmul %dot_general3A_44, %get3A_57, %dot_general3A_58 {dimension_numbers = #tpu.dot_dimension_numbers<[1], [0], [0], [1], [0, 0, 1, 1], [], []>, transpose_lhs_hint = false} : vector<1000x128xf32>, vector<128x16xf32>, vector<1000x16xf32> -> vector<1000x16xf32>
    %swap3A_60 = arith.constant 0 : index
    %swap3A_61 = arith.constant 0 : index
    %swap3A_62 = vector.load %arg11[%swap3A_60, %swap3A_61] : memref<1000x16xf32, #tpu.memory_space<vmem>>, vector<1000x16xf32>
    tpu.vector_store %arg11[%swap3A_60, %swap3A_61], %dot_general3A_59 {strides = array<i32>} : memref<1000x16xf32, #tpu.memory_space<vmem>>, vector<1000x16xf32>,
    return
  }
  func.func @transform_0(%arg0: i32) -> (i32, i32) {
    %c0_i32 = arith.constant 0 : i32
    %c0_i32_0 = arith.constant 0 : i32
    return %arg0, %c0_i32 : i32, i32
  }
  func.func @transform_1(%arg0: i32) -> (i32, i32) {
    %c0_i32 = arith.constant 0 : i32
    %c0_i32_0 = arith.constant 0 : i32
    %c0_i32_1 = arith.constant 0 : i32
    return %c0_i32, %c0_i32_0 : i32, i32
  }
  func.func @transform_2(%arg0: i32) -> (i32, i32) {
    %c0_i32 = arith.constant 0 : i32
    %c0_i32_0 = arith.constant 0 : i32
    %c0_i32_1 = arith.constant 0 : i32
    return %c0_i32, %c0_i32_0 : i32, i32
  }
  func.func @transform_3(%arg0: i32) -> (i32, i32) {
    %c0_i32 = arith.constant 0 : i32
    %c0_i32_0 = arith.constant 0 : i32
    %c0_i32_1 = arith.constant 0 : i32
    return %c0_i32, %c0_i32_0 : i32, i32
  }
  func.func @transform_4(%arg0: i32) -> (i32, i32) {
    %c0_i32 = arith.constant 0 : i32
    %c0_i32_0 = arith.constant 0 : i32
    return %arg0, %c0_i32 : i32, i32
  }
  func.func @transform_5(%arg0: i32) -> (i32, i32) {
    %c0_i32 = arith.constant 0 : i32
    %c0_i32_0 = arith.constant 0 : i32
    %c0_i32_1 = arith.constant 0 : i32
    return %c0_i32, %c0_i32_0 : i32, i32
  }
  func.func @transform_6(%arg0: i32) -> (i32, i32) {
    %c0_i32 = arith.constant 0 : i32
    %c0_i32_0 = arith.constant 0 : i32
    %c0_i32_1 = arith.constant 0 : i32
    return %c0_i32, %c0_i32_0 : i32, i32
  }
  func.func @transform_7(%arg0: i32) -> (i32, i32) {
    %c0_i32 = arith.constant 0 : i32
    %c0_i32_0 = arith.constant 0 : i32
    %c0_i32_1 = arith.constant 0 : i32
    return %c0_i32, %c0_i32_0 : i32, i32
  }
  func.func @transform_8(%arg0: i32) -> (i32, i32) {
    %c0_i32 = arith.constant 0 : i32
    %c0_i32_0 = arith.constant 0 : i32
    return %arg0, %c0_i32 : i32, i32
  }
  func.func @transform_9(%arg0: i32) -> (i32, i32) {
    %c0_i32 = arith.constant 0 : i32
    %c0_i32_0 = arith.constant 0 : i32
    return %arg0, %c0_i32 : i32, i32
  }
  func.func @transform_10(%arg0: i32) -> (i32, i32) {
    %c0_i32 = arith.constant 0 : i32
    %c0_i32_0 = arith.constant 0 : i32
    return %arg0, %c0_i32 : i32, i32
  }
}

module attributes {stable_mosaic.version = 14 : i64} {
  func.func @body(%arg0: i32, %arg1: memref<1000x144xf32, #tpu.memory_space<vmem>>, %arg2: memref<1000x144xf32, #tpu.memory_space<vmem>>, %arg3: memref<8x128xf32, #tpu.memory_space<vmem>>, %arg4: memref<1x128xf32, #tpu.memory_space<vmem>>, %arg5: memref<1000x128xf32, #tpu.memory_space<vmem>>, %arg6: memref<8x128xf32, #tpu.memory_space<vmem>>) attributes {dimension_semantics = [#tpu.dimension_semantics<arbitrary>], iteration_bounds = array<i64: 10>, scalar_prefetch = 0 : i64, scratch_operands = 0 : i64, tpu.core_type = #tpu.core_type<tc>, window_params = [{transform_indices = @transform_0, window_bounds = array<i64: 1000, 144>}, {transform_indices = @transform_1, window_bounds = array<i64: 1000, 144>}, {pipeline_mode = #tpu.pipeline_mode<synchronous>, transform_indices = @transform_2, window_bounds = array<i64: 8, 128>}, {pipeline_mode = #tpu.pipeline_mode<synchronous>, transform_indices = @transform_3, window_bounds = array<i64: 1, 128>}, {transform_indices = @transform_4, window_bounds = array<i64: 1000, 128>}, {pipeline_mode = #tpu.pipeline_mode<synchronous>, transform_indices = @transform_5, window_bounds = array<i64: 8, 128>}]} {
    %get3A = arith.constant 0 : index
    %get3A_0 = arith.constant 0 : index
    %get3A_1 = vector.load %arg1[%get3A, %get3A_0] : memref<1000x144xf32, #tpu.memory_space<vmem>>, vector<1000x144xf32>
    %get3A_2 = arith.constant 0 : index
    %get3A_3 = arith.constant 0 : index
    %get3A_4 = vector.load %arg2[%get3A_2, %get3A_3] : memref<1000x144xf32, #tpu.memory_space<vmem>>, vector<1000x144xf32>
    %add3A = arith.addf %get3A_1, %get3A_4 : vector<1000x144xf32>
    %slice3A = vector.extract_strided_slice %add3A {offsets = [0, 128], sizes = [1000, 1], strides = [1, 1]} : vector<1000x144xf32> to vector<1000x1xf32>
    %gt3A = arith.constant 0.000000e+00 : f32
    %gt3A_5 = vector.broadcast %gt3A : f32 to vector<1000x1xf32>
    %gt3A_6 = arith.cmpf ogt, %slice3A, %gt3A_5 : vector<1000x1xf32>
    %div3A = arith.constant 1.000000e+00 : f32
    %div3A_7 = vector.broadcast %div3A : f32 to vector<1000x1xf32>
    %div3A_8 = arith.divf %div3A_7, %slice3A : vector<1000x1xf32>
    %jit3A = arith.constant 0.000000e+00 : f32
    %broadcast_in_dim3A = vector.broadcast %jit3A : f32 to vector<1000x1xf32>
    %select_n3A = arith.select %gt3A_6, %div3A_8, %broadcast_in_dim3A : vector<1000x1xi1>, vector<1000x1xf32>
    %slice3A_9 = vector.extract_strided_slice %add3A {offsets = [0, 0], sizes = [1000, 128], strides = [1, 1]} : vector<1000x144xf32> to vector<1000x128xf32>
    %mul3A = vector.broadcast %select_n3A : vector<1000x1xf32> to vector<1000x128xf32>
    %mul3A_10 = arith.mulf %slice3A_9, %mul3A : vector<1000x128xf32>
    %get3A_11 = arith.constant 0 : index
    %get3A_12 = arith.constant 0 : index
    %get3A_13 = vector.load %arg4[%get3A_11, %get3A_12] : memref<1x128xf32, #tpu.memory_space<vmem>>, vector<1x128xf32>
    %add3A_14 = vector.broadcast %get3A_13 : vector<1x128xf32> to vector<1000x128xf32>
    %add3A_15 = arith.addf %mul3A_10, %add3A_14 : vector<1000x128xf32>
    %swap3A = arith.constant 0 : index
    %swap3A_16 = arith.constant 0 : index
    %swap3A_17 = vector.load %arg5[%swap3A, %swap3A_16] : memref<1000x128xf32, #tpu.memory_space<vmem>>, vector<1000x128xf32>
    tpu.vector_store %arg5[%swap3A, %swap3A_16], %add3A_15 {strides = array<i32>} : memref<1000x128xf32, #tpu.memory_space<vmem>>, vector<1000x128xf32>,
    %reduce_sum3A = arith.constant dense<0.000000e+00> : vector<128xf32>
    %reduce_sum3A_18 = vector.multi_reduction <add>, %add3A_15, %reduce_sum3A [0] : vector<1000x128xf32> to vector<128xf32>
    %broadcast_in_dim3A_19 = vector.shape_cast %reduce_sum3A_18 : vector<128xf32> to vector<1x128xf32>
    %mul3A_20 = arith.mulf %add3A_15, %add3A_15 : vector<1000x128xf32>
    %reduce_sum3A_21 = arith.constant dense<0.000000e+00> : vector<128xf32>
    %reduce_sum3A_22 = vector.multi_reduction <add>, %mul3A_20, %reduce_sum3A_21 [0] : vector<1000x128xf32> to vector<128xf32>
    %broadcast_in_dim3A_23 = vector.shape_cast %reduce_sum3A_22 : vector<128xf32> to vector<1x128xf32>
    %broadcast_in_dim3A_24 = arith.constant 0.000000e+00 : f32
    %broadcast_in_dim3A_25 = vector.broadcast %broadcast_in_dim3A_24 : f32 to vector<6x128xf32>
    %concatenate3A = tpu.concatenate %broadcast_in_dim3A_19, %broadcast_in_dim3A_23, %broadcast_in_dim3A_25 in 0 : vector<1x128xf32>, vector<1x128xf32>, vector<6x128xf32> -> vector<8x128xf32>
    %eq3A = arith.constant 0 : i32
    %eq3A_26 = arith.cmpi eq, %arg0, %eq3A : i32
    %convert_element_type3A = arith.extui %eq3A_26 : i1 to i32
    %cond3A = arith.constant 0 : i32
    %cond3A_27 = arith.cmpi ne, %convert_element_type3A, %cond3A : i32
    scf.if %cond3A_27 {
      %swap3A_33 = arith.constant 0 : index
      %swap3A_34 = arith.constant 0 : index
      %swap3A_35 = vector.load %arg6[%swap3A_33, %swap3A_34] : memref<8x128xf32, #tpu.memory_space<vmem>>, vector<8x128xf32>
      tpu.vector_store %arg6[%swap3A_33, %swap3A_34], %concatenate3A {strides = array<i32>} : memref<8x128xf32, #tpu.memory_space<vmem>>, vector<8x128xf32>,
    } else {
    }
    %gt3A_28 = arith.constant 0 : i32
    %gt3A_29 = arith.cmpi sgt, %arg0, %gt3A_28 : i32
    %convert_element_type3A_30 = arith.extui %gt3A_29 : i1 to i32
    %cond3A_31 = arith.constant 0 : i32
    %cond3A_32 = arith.cmpi ne, %convert_element_type3A_30, %cond3A_31 : i32
    scf.if %cond3A_32 {
      %get3A_33 = arith.constant 0 : index
      %get3A_34 = arith.constant 0 : index
      %get3A_35 = vector.load %arg6[%get3A_33, %get3A_34] : memref<8x128xf32, #tpu.memory_space<vmem>>, vector<8x128xf32>
      %add3A_36 = arith.addf %get3A_35, %concatenate3A : vector<8x128xf32>
      %swap3A_37 = arith.constant 0 : index
      %swap3A_38 = arith.constant 0 : index
      %swap3A_39 = vector.load %arg6[%swap3A_37, %swap3A_38] : memref<8x128xf32, #tpu.memory_space<vmem>>, vector<8x128xf32>
      tpu.vector_store %arg6[%swap3A_37, %swap3A_38], %add3A_36 {strides = array<i32>} : memref<8x128xf32, #tpu.memory_space<vmem>>, vector<8x128xf32>,
    } else {
    }
    return
  }
  func.func @transform_0(%arg0: i32) -> (i32, i32) {
    %c0_i32 = arith.constant 0 : i32
    %c0_i32_0 = arith.constant 0 : i32
    return %arg0, %c0_i32 : i32, i32
  }
  func.func @transform_1(%arg0: i32) -> (i32, i32) {
    %add3A = arith.constant 10 : i32
    %add3A_0 = arith.addi %arg0, %add3A : i32
    %c0_i32 = arith.constant 0 : i32
    %c0_i32_1 = arith.constant 0 : i32
    return %add3A_0, %c0_i32 : i32, i32
  }
  func.func @transform_2(%arg0: i32) -> (i32, i32) {
    %c0_i32 = arith.constant 0 : i32
    %c0_i32_0 = arith.constant 0 : i32
    %c0_i32_1 = arith.constant 0 : i32
    return %c0_i32, %c0_i32_0 : i32, i32
  }
  func.func @transform_3(%arg0: i32) -> (i32, i32) {
    %c0_i32 = arith.constant 0 : i32
    %c0_i32_0 = arith.constant 0 : i32
    %c0_i32_1 = arith.constant 0 : i32
    return %c0_i32, %c0_i32_0 : i32, i32
  }
  func.func @transform_4(%arg0: i32) -> (i32, i32) {
    %c0_i32 = arith.constant 0 : i32
    %c0_i32_0 = arith.constant 0 : i32
    return %arg0, %c0_i32 : i32, i32
  }
  func.func @transform_5(%arg0: i32) -> (i32, i32) {
    %c0_i32 = arith.constant 0 : i32
    %c0_i32_0 = arith.constant 0 : i32
    %c0_i32_1 = arith.constant 0 : i32
    return %c0_i32, %c0_i32_0 : i32, i32
  }
}

module attributes {stable_mosaic.version = 14 : i64} {
  func.func @body(%arg0: i32, %arg1: memref<1000x128xf32, #tpu.memory_space<vmem>>, %arg2: memref<8x128xf32, #tpu.memory_space<vmem>>, %arg3: memref<1x128xf32, #tpu.memory_space<vmem>>, %arg4: memref<1x128xf32, #tpu.memory_space<vmem>>, %arg5: memref<1000x128xf32, #tpu.memory_space<vmem>>, %arg6: memref<128x128xf32, #tpu.memory_space<vmem>>, %arg7: memref<1x128xf32, #tpu.memory_space<vmem>>, %arg8: memref<1000x128xf32, #tpu.memory_space<vmem>>) attributes {dimension_semantics = [#tpu.dimension_semantics<arbitrary>], iteration_bounds = array<i64: 10>, scalar_prefetch = 0 : i64, scratch_operands = 0 : i64, tpu.core_type = #tpu.core_type<tc>, window_params = [{transform_indices = @transform_0, window_bounds = array<i64: 1000, 128>}, {pipeline_mode = #tpu.pipeline_mode<synchronous>, transform_indices = @transform_1, window_bounds = array<i64: 8, 128>}, {pipeline_mode = #tpu.pipeline_mode<synchronous>, transform_indices = @transform_2, window_bounds = array<i64: 1, 128>}, {pipeline_mode = #tpu.pipeline_mode<synchronous>, transform_indices = @transform_3, window_bounds = array<i64: 1, 128>}, {transform_indices = @transform_4, window_bounds = array<i64: 1000, 128>}, {pipeline_mode = #tpu.pipeline_mode<synchronous>, transform_indices = @transform_5, window_bounds = array<i64: 128, 128>}, {pipeline_mode = #tpu.pipeline_mode<synchronous>, transform_indices = @transform_6, window_bounds = array<i64: 1, 128>}, {transform_indices = @transform_7, window_bounds = array<i64: 1000, 128>}]} {
    %get3A = arith.constant 0 : index
    %get3A_0 = arith.constant 0 : index
    %get3A_1 = vector.load %arg2[%get3A, %get3A_0] : memref<8x128xf32, #tpu.memory_space<vmem>>, vector<1x128xf32>
    %mul3A = arith.constant 9.99999974E-5 : f32
    %mul3A_2 = vector.broadcast %mul3A : f32 to vector<1x128xf32>
    %mul3A_3 = arith.mulf %get3A_1, %mul3A_2 : vector<1x128xf32>
    %get3A_4 = arith.constant 1 : index
    %get3A_5 = arith.constant 0 : index
    %get3A_6 = vector.load %arg2[%get3A_4, %get3A_5] : memref<8x128xf32, #tpu.memory_space<vmem>>, vector<1x128xf32>
    %mul3A_7 = arith.constant 9.99999974E-5 : f32
    %mul3A_8 = vector.broadcast %mul3A_7 : f32 to vector<1x128xf32>
    %mul3A_9 = arith.mulf %get3A_6, %mul3A_8 : vector<1x128xf32>
    %mul3A_10 = arith.mulf %mul3A_3, %mul3A_3 : vector<1x128xf32>
    %sub3A = arith.subf %mul3A_9, %mul3A_10 : vector<1x128xf32>
    %get3A_11 = arith.constant 0 : index
    %get3A_12 = arith.constant 0 : index
    %get3A_13 = vector.load %arg1[%get3A_11, %get3A_12] : memref<1000x128xf32, #tpu.memory_space<vmem>>, vector<1000x128xf32>
    %sub3A_14 = vector.broadcast %mul3A_3 : vector<1x128xf32> to vector<1000x128xf32>
    %sub3A_15 = arith.subf %get3A_13, %sub3A_14 : vector<1000x128xf32>
    %add3A = arith.constant 9.99999974E-6 : f32
    %add3A_16 = vector.broadcast %add3A : f32 to vector<1x128xf32>
    %add3A_17 = arith.addf %sub3A, %add3A_16 : vector<1x128xf32>
    %rsqrt3A = math.rsqrt %add3A_17 : vector<1x128xf32>
    %mul3A_18 = vector.broadcast %rsqrt3A : vector<1x128xf32> to vector<1000x128xf32>
    %mul3A_19 = arith.mulf %sub3A_15, %mul3A_18 : vector<1000x128xf32>
    %get3A_20 = arith.constant 0 : index
    %get3A_21 = arith.constant 0 : index
    %get3A_22 = vector.load %arg3[%get3A_20, %get3A_21] : memref<1x128xf32, #tpu.memory_space<vmem>>, vector<1x128xf32>
    %mul3A_23 = vector.broadcast %get3A_22 : vector<1x128xf32> to vector<1000x128xf32>
    %mul3A_24 = arith.mulf %mul3A_19, %mul3A_23 : vector<1000x128xf32>
    %get3A_25 = arith.constant 0 : index
    %get3A_26 = arith.constant 0 : index
    %get3A_27 = vector.load %arg4[%get3A_25, %get3A_26] : memref<1x128xf32, #tpu.memory_space<vmem>>, vector<1x128xf32>
    %add3A_28 = vector.broadcast %get3A_27 : vector<1x128xf32> to vector<1000x128xf32>
    %add3A_29 = arith.addf %mul3A_24, %add3A_28 : vector<1000x128xf32>
    %gt3A = arith.constant 0.000000e+00 : f32
    %gt3A_30 = vector.broadcast %gt3A : f32 to vector<1000x128xf32>
    %gt3A_31 = arith.cmpf ogt, %add3A_29, %gt3A_30 : vector<1000x128xf32>
    %min3A = arith.constant 0.000000e+00 : f32
    %min3A_32 = vector.broadcast %min3A : f32 to vector<1000x128xf32>
    %min3A_33 = arith.minimumf %add3A_29, %min3A_32 : vector<1000x128xf32>
    %exp3A = math.exp %min3A_33 : vector<1000x128xf32>
    %sub3A_34 = arith.constant 1.000000e+00 : f32
    %sub3A_35 = vector.broadcast %sub3A_34 : f32 to vector<1000x128xf32>
    %sub3A_36 = arith.subf %exp3A, %sub3A_35 : vector<1000x128xf32>
    %select_n3A = arith.select %gt3A_31, %add3A_29, %sub3A_36 : vector<1000x128xi1>, vector<1000x128xf32>
    %get3A_37 = arith.constant 0 : index
    %get3A_38 = arith.constant 0 : index
    %get3A_39 = vector.load %arg5[%get3A_37, %get3A_38] : memref<1000x128xf32, #tpu.memory_space<vmem>>, vector<1000x128xf32>
    %add3A_40 = arith.addf %get3A_39, %select_n3A : vector<1000x128xf32>
    %get3A_41 = arith.constant 0 : index
    %get3A_42 = arith.constant 0 : index
    %get3A_43 = vector.load %arg6[%get3A_41, %get3A_42] : memref<128x128xf32, #tpu.memory_space<vmem>>, vector<128x128xf32>
    %dot_general3A = arith.constant dense<0.000000e+00> : vector<1000x128xf32>
    %dot_general3A_44 = tpu.matmul %add3A_40, %get3A_43, %dot_general3A {dimension_numbers = #tpu.dot_dimension_numbers<[1], [0], [0], [1], [0, 0, 1, 1], [], []>, transpose_lhs_hint = false} : vector<1000x128xf32>, vector<128x128xf32>, vector<1000x128xf32> -> vector<1000x128xf32>
    %get3A_45 = arith.constant 0 : index
    %get3A_46 = arith.constant 0 : index
    %get3A_47 = vector.load %arg7[%get3A_45, %get3A_46] : memref<1x128xf32, #tpu.memory_space<vmem>>, vector<1x128xf32>
    %add3A_48 = vector.broadcast %get3A_47 : vector<1x128xf32> to vector<1000x128xf32>
    %add3A_49 = arith.addf %dot_general3A_44, %add3A_48 : vector<1000x128xf32>
    %swap3A = arith.constant 0 : index
    %swap3A_50 = arith.constant 0 : index
    %swap3A_51 = vector.load %arg8[%swap3A, %swap3A_50] : memref<1000x128xf32, #tpu.memory_space<vmem>>, vector<1000x128xf32>
    tpu.vector_store %arg8[%swap3A, %swap3A_50], %add3A_49 {strides = array<i32>} : memref<1000x128xf32, #tpu.memory_space<vmem>>, vector<1000x128xf32>,
    return
  }
  func.func @transform_0(%arg0: i32) -> (i32, i32) {
    %c0_i32 = arith.constant 0 : i32
    %c0_i32_0 = arith.constant 0 : i32
    return %arg0, %c0_i32 : i32, i32
  }
  func.func @transform_1(%arg0: i32) -> (i32, i32) {
    %c0_i32 = arith.constant 0 : i32
    %c0_i32_0 = arith.constant 0 : i32
    %c0_i32_1 = arith.constant 0 : i32
    return %c0_i32, %c0_i32_0 : i32, i32
  }
  func.func @transform_2(%arg0: i32) -> (i32, i32) {
    %c0_i32 = arith.constant 0 : i32
    %c0_i32_0 = arith.constant 0 : i32
    %c0_i32_1 = arith.constant 0 : i32
    return %c0_i32, %c0_i32_0 : i32, i32
  }
  func.func @transform_3(%arg0: i32) -> (i32, i32) {
    %c0_i32 = arith.constant 0 : i32
    %c0_i32_0 = arith.constant 0 : i32
    %c0_i32_1 = arith.constant 0 : i32
    return %c0_i32, %c0_i32_0 : i32, i32
  }
  func.func @transform_4(%arg0: i32) -> (i32, i32) {
    %c0_i32 = arith.constant 0 : i32
    %c0_i32_0 = arith.constant 0 : i32
    return %arg0, %c0_i32 : i32, i32
  }
  func.func @transform_5(%arg0: i32) -> (i32, i32) {
    %c0_i32 = arith.constant 0 : i32
    %c0_i32_0 = arith.constant 0 : i32
    %c0_i32_1 = arith.constant 0 : i32
    return %c0_i32, %c0_i32_0 : i32, i32
  }
  func.func @transform_6(%arg0: i32) -> (i32, i32) {
    %c0_i32 = arith.constant 0 : i32
    %c0_i32_0 = arith.constant 0 : i32
    %c0_i32_1 = arith.constant 0 : i32
    return %c0_i32, %c0_i32_0 : i32, i32
  }
  func.func @transform_7(%arg0: i32) -> (i32, i32) {
    %c0_i32 = arith.constant 0 : i32
    %c0_i32_0 = arith.constant 0 : i32
    return %arg0, %c0_i32 : i32, i32
  }
}

</mosaic_0001>

<sc_bundles>
// kernel: kernel.12.cloned.1.call-start
scs
__scs_entry_jumppad:
0x0: {  	(pc) =	sbr.rel $0x88, $3  }
0x1: {  	(tag) =	ssettag $0x0;
	lr =	simm.s32 $0x1  }
0x2: {  	[smem:$0x3F8F] =	sst lr;
	_ =	strace $0xD0000000  }
0x3: {  	_ = 	snop  }
0x4: {  	_ = 	snop  }
0x5: {  	_ = 	snop  }
0x6: {  	_ = 	snop  }
0x7: {  	_ = 	snop  }
__scs_overlays_trampoline_lowered:
0x8: {  	[smem:$0x3F9E] =	sst s0  }
0x9: {  	[smem:$0x3F9F] =	sst s1  }
0xa: {  	[smem:$0x3FA0] =	sst s2  }
0xb: {  	[smem:$0x3FA1] =	sst s3  }
0xc: {  	[smem:$0x3FA2] =	sst s4  }
0xd: {  	[smem:$0x3FA3] =	sst s5  }
0xe: {  	[smem:$0x3FA4] =	sst s6  }
0xf: {  	[smem:$0x3FA5] =	sst s7  }
0x10: {  	[smem:$0x3FA6] =	sst s8  }
0x11: {  	[smem:$0x3FA7] =	sst s9;
	s0 =	simm.s32 @!p0 $0x0  }
0x12: {  	s1 =	sld [smem:$0x3F8D];
	s0 =	simm.s32 @p0 $0x1  }
0x13: {  	[smem:$0x3FA8] =	sst s0;
	s0 =	simm.s32 @!p1 $0x0  }
0x14: {  	s2 =	sld [smem:$0x3F8C];
	s0 =	simm.s32 @p1 $0x1  }
0x15: {  	[smem:$0x3FA9] =	sst s0;
	s0 =	simm.s32 @!p2 $0x0  }
0x16: {  	s3 =	sld [smem:$0x3FDB];
	s0 =	simm.s32 @p2 $0x1  }
0x17: {  	s4 =	simm.s32 $0x1BF5;
	[smem:$0x3FAB] =	sst s0  }
0x18: {  	s0 =	sld [smem:$0x3F8E];
	_ =	swait.ge [sflag:s4], $0x0  }
0x19: {  	s7 =	sld [smem:$0x3F8F]  }
0x1a: {  	s8 =	sadd.s32 $0xFFFFE003, lr  }
0x1b: {  	s9 =	sadd.s32 $0xFFFFFEF7, lr;
	s5 =	simm.s32 $0xFFFFFFFF;
	p2 =	slt.u32 s8, $0xFFFFF086  }
0x1c: {  	p1 =	slt.u32 s9, $0xF7A;
	s5 =	simm.s32 @!p2 $0x0  }
0x1d: {  	s5 =	simm.s32 @p1 $0x1;
	p0 =	seq.s32 s7, s2  }
0x1e: {  	s7 =	smul.u32 @!p0 $0xF7A, s2;
	p2 =	seq.s32 @!p0 s5, $0x0  }
0x1f: {  	s9 =	smul.u32 $0xF7A, s1;
	s8 =	simm.s32 @!p0 $0x1BF5;
	p2 =	por !p2, p0  }
0x20: {  	[sflag:s8] =	ssyncset.s32 @!p0 $0xFFFFF086;
	s6 =	sadd.s32 @!p0 s3, s7;
	s7 =	simm.s32 @!p0 $0x108  }
0x21: {  	s3 =	sadd.s32 s3, s9;
	s6 =	sadd.s32 @!p0 $0x88, s6;
	s7 =	simm.s32 @p2 $0x1082  }
0x22: {  	[simem:s7], [sflag:s8] =	dma.local @!p0 [hbm:s6], $0xF7A  }
0x23: {  	s9 =	sor.u32 $0xD0000000, s2;
	s6 =	simm.s32 $0x108;
	_ =	swait.ge @!p0 [sflag:s8], $0x0  }
0x24: {  	s3 =	sadd.s32 $0x88, s3;
	s6 =	simm.s32 @!p1 $0x1082;
	[sflag:s4] =	ssyncset.s32 $0xFFFFF086  }
0x25: {  	[simem:s6], [sflag:s4] =	dma.local [hbm:s3], $0xF7A  }
0x26: {  	[smem:$0x3F8F] =	sst s1;
	(tag) =	ssettag s2;
	_ =	strace s9  }
0x27: {  	s1 =	sld [smem:$0x3F9F]  }
0x28: {  	s2 =	sld [smem:$0x3FA0]  }
0x29: {  	s4 =	sld [smem:$0x3FA2]  }
0x2a: {  	p0 =	seq.s32 s5, $0x0;
	s5 =	sld [smem:$0x3FA3]  }
0x2b: {  	s6 =	sld [smem:$0x3FA4]  }
0x2c: {  	s7 =	sld [smem:$0x3FA5]  }
0x2d: {  	s3 =	simm.s32 $0x108;
	s8 =	sld [smem:$0x3FA6]  }
0x2e: {  	s3 =	simm.s32 @!p0 $0x1082;
	s9 =	sld [smem:$0x3FA7]  }
0x2f: {  	lr =	sadd.s32 s0, s3;
	s0 =	sld [smem:$0x3F9E]  }
0x30: {  	s3 =	sld [smem:$0x3FA1]  }
0x31: {  	[smem:$0x3FAA] =	sst s10  }
0x32: {  	s10 =	sld [smem:$0x3FA8];
	_ =	sdelay $0x3  }
0x33: {  	p0 =	seq.s32 s10, $0x1;
	s10 =	sld [smem:$0x3FAA];
	_ =	sdelay $0x3  }
0x34: {  	[smem:$0x3FAA] =	sst s10  }
0x35: {  	s10 =	sld [smem:$0x3FA9];
	_ =	sdelay $0x3  }
0x36: {  	p1 =	seq.s32 s10, $0x1;
	s10 =	sld [smem:$0x3FAA];
	_ =	sdelay $0x3  }
0x37: {  	[smem:$0x3FAA] =	sst s10  }
0x38: {  	s10 =	sld [smem:$0x3FAB]  }
0x39: {  	_ = 	snop;
	(pc) =	sbr.ind lr, $3  }
0x3a: {  	_ = 	snop  }
0x3b: {  	_ = 	snop  }
0x3c: {  	p2 =	seq.s32 s10, $0x1;
	s10 =	sld [smem:$0x3FAA]  }
0x3d: {  	_ =	shalt  }
0x3e: {  	_ =	shalt  }
0x3f: {  	_ =	shalt  }
0x40: {  	_ =	shalt  }
0x41: {  	_ =	shalt  }
0x42: {  	_ =	shalt  }
0x43: {  	_ =	shalt  }
0x44: {  	_ =	shalt  }
0x45: {  	_ =	shalt  }
0x46: {  	_ =	shalt  }
0x47: {  	_ =	shalt  }
0x48: {  	_ =	shalt  }
0x49: {  	_ =	shalt  }
0x4a: {  	_ =	shalt  }
0x4b: {  	_ =	shalt  }
0x4c: {  	_ =	shalt  }
0x4d: {  	_ =	shalt  }
0x4e: {  	_ =	shalt  }
0x4f: {  	_ =	shalt  }
0x50: {  	_ =	shalt  }
0x51: {  	_ =	shalt  }
0x52: {  	_ =	shalt  }
0x53: {  	_ =	shalt  }
0x54: {  	_ =	shalt  }
0x55: {  	_ =	shalt  }
0x56: {  	_ =	shalt  }
0x57: {  	_ =	shalt  }
0x58: {  	_ =	shalt  }
0x59: {  	_ =	shalt  }
0x5a: {  	_ =	shalt  }
0x5b: {  	_ =	shalt  }
0x5c: {  	_ =	shalt  }
0x5d: {  	_ =	shalt  }
0x5e: {  	_ =	shalt  }
0x5f: {  	_ =	shalt  }
0x60: {  	_ =	shalt  }
0x61: {  	_ =	shalt  }
0x62: {  	_ =	shalt  }
0x63: {  	_ =	shalt  }
0x64: {  	_ =	shalt  }
0x65: {  	_ =	shalt  }
0x66: {  	_ =	shalt  }
0x67: {  	_ =	shalt  }
0x68: {  	_ =	shalt  }
0x69: {  	_ =	shalt  }
0x6a: {  	_ =	shalt  }
0x6b: {  	_ =	shalt  }
0x6c: {  	_ =	shalt  }
0x6d: {  	_ =	shalt  }
0x6e: {  	_ =	shalt  }
0x6f: {  	_ =	shalt  }
0x70: {  	_ =	shalt  }
0x71: {  	_ =	shalt  }
0x72: {  	_ =	shalt  }
0x73: {  	_ =	shalt  }
0x74: {  	_ =	shalt  }
0x75: {  	_ =	shalt  }
0x76: {  	_ =	shalt  }
0x77: {  	_ =	shalt  }
0x78: {  	_ =	shalt  }
0x79: {  	_ =	shalt  }
0x7a: {  	_ =	shalt  }
0x7b: {  	_ =	shalt  }
0x7c: {  	_ =	shalt  }
0x7d: {  	_ =	shalt  }
0x7e: {  	_ =	shalt  }
0x7f: {  	_ =	shalt  }
0x80: {  	_ =	shalt  }
0x81: {  	_ =	shalt  }
0x82: {  	_ =	shalt  }
0x83: {  	_ =	shalt  }
0x84: {  	_ =	shalt  }
0x85: {  	_ =	shalt  }
0x86: {  	_ =	shalt  }
0x87: {  	_ =	shalt  }
.Lfunc_end0:
.L_simem_size_0:
called_computation.1_lowered:
.L_overlay_start_0:
0x88: {  	s2 =	sld [smem:$0x3FD9]  }
0x89: {  	s3 =	sld [smem:$0x3FFE];
	_ =	sdelay $0x1  }
0x8a: {  	s1 =	srdreg.scid  }
0x8b: {  	s0 =	sand.u32 $0x1, s1  }
0x8c: {  	s17 =	sshll.u32 s0, $0xA;
	s2 =	sadd.s32 s3, s2  }
0x8d: {  	s2 =	sadd.s32 s2, s17  }
0x8e: {  	[smem:$0x3FB6] =	sst s2  }
0x8f: {  	_ = 	snop  }
0x90: {  	s2 =	sld [smem:$0x3FD0];
	(tm) =	ssettm $0x1  }
0x91: {  	s18 =	sld [smem:$0x3FFB];
	_ =	sdelay $0x3  }
0x92: {  	_ =	strace s18  }
0x93: {  	s3 =	sld [smem:$0x3FFC];
	_ =	sdelay $0x3  }
0x94: {  	_ =	strace s3  }
0x95: {  	s3 =	sld [smem:$0x3FFD];
	_ =	sdelay $0x3  }
0x96: {  	_ =	strace s3  }
0x97: {  	_ =	strace $0x8FFFFFFF  }
0x98: {  	s19 =	sld [smem:$0x3FDB];
	_ =	sdelay $0x1  }
0x99: {  	s4 =	simm.s32 $_scs_section_size  }
0x9a: {  	s5 =	simm.s32 $_size__tile_overlayer_lowered;
	s6 =	simm.s32 $_tile_overlayer_lowered  }
0x9b: {  	s22 =	simm.s32 $0x1BFF;
	s21 =	sshll.u32 s6, $0x1;
	s3 =	sadd.s32 s4, s19  }
0x9c: {  	s7 =	simm.s32 $0x0;
	s20 =	sshll.u32 s5, $0x1;
	s5 =	sadd.s32 s21, s3  }
0x9d: {  	[timem:s7], [sflag:s22] =	dma.local [hbm:s5], s20  }
0x9e: {  	_ =	swait.ge [sflag:s22], s20  }
0x9f: {  	s4 =	ssub.s32 $0x0, s20;
	[sflag:s22] =	ssyncset.done $0x0  }
0xa0: {  	[sflag:s22] =	ssyncadd.s32 s4;
	_ =	sdelay $0x1  }
0xa1: {  	s23 =	simm.s32 $0x1B8B  }
0xa2: {  	_ =	swait.ge [sflag:s23], $0x1  }
0xa3: {  	[sflag:s23] =	ssyncset.done $0x0  }
0xa4: {  	s25 =	simm.s32 $0x1B8E;
	s24 =	sld [smem:$0x3FFE];
	[sflag:s23] =	ssyncadd.s32 $0xFFFFFFFF  }
0xa5: {  	s26 =	simm.s32 $execute0_lowered;
	[smem:$0x3FD2] =	sst s25  }
0xa6: {  	s5 =	sshll.u32 s26, $0x1;
	_ =	strace $0x80000049;
	[dreg:$0x1] =	wrdreg $0xFFFFFFFF  }
0xa7: {  	s28 =	simm.s32 $_size_execute0_lowered;
	s3 =	sadd.s32 s3, s5;
	[dreg:$0x0] =	wrdreg $0x0  }
0xa8: {  	s5 =	sshll.u32 s28, $0x1;
	[dreg:$0x2] =	wrdreg s3  }
0xa9: {  	[dreg:$0x3] =	wrdreg s5  }
0xaa: {  	[dreg:$0x4] =	wrdreg $0xC0  }
0xab: {  	_ =	task [dreg:s7], $0x5FFFF  }
0xac: {  	[dreg:$0x1] =	wrdreg $0xFFFFFFFF  }
0xad: {  	[dreg:$0x0] =	wrdreg $0x60  }
0xae: {  	[dreg:$0x2] =	wrdreg s24  }
0xaf: {  	[dreg:$0x3] =	wrdreg s2  }
0xb0: {  	[dreg:$0x4] =	wrdreg $0x92400  }
0xb1: {  	[dreg:$0x5] =	wrdreg $0x9  }
0xb2: {  	_ =	task.clear_ibuf [dreg:s7], $0x6FFFF;
	_ =	strace $0x90000049  }
0xb3: {  	s29 =	simm.s32 $0x9;
	_ =	strace $0x8000004B  }
0xb4: {  	_ =	swait.ge [sflag:s29], $0x1  }
0xb5: {  	[sflag:s29] =	ssyncadd.s32 $0xFFFFFFFF  }
0xb6: {  	_ =	strace $0x9000004B  }
0xb7: {  	_ =	sfence  }
0xb8: {  	s30 =	sld [smem:$0x0];
	_ =	sdelay $0x2  }
0xb9: {  	s31 =	sshll.u32 s1, $0xD;
	s1 =	sshrl.u32 s1, $0x2  }
0xba: {  	s3 =	sand.u32 $0x4000, s31;
	s1 =	sadd.s32 s1, s30  }
0xbb: {  	s0 =	sor.u32 s3, s0;
	s1 =	sshll.u32 s1, $0x11  }
0xbc: {  	s0 =	sor.u32 s1, s0  }
0xbd: {  	s0 =	sadd.s32 $0x8F2B, s0  }
0xbe: {  	[sflag:s0] =	ssyncadd.remote.s32 $0x1  }
0xbf: {  	_ =	sfence.sel $0xFFFF  }
0xc0: {  	[dreg:$0x0] =	wrdreg $0xFFFFFFFF;
	(pc) =	sbr.abs _section_cstart, $3  }
0xc1: {  	[dreg:$0x1] =	wrdreg $0xFFFFFFFF  }
0xc2: {  	_ =	task.clear_ibuf [dreg:s7], $0x2FFFF;
	_ =	strace $0x9FFFFFFF  }
0xc3: {  	(tm) =	ssettm $0x7FFFFFFF  }
tec
execute0_lowered:
.L_overlay_start_1:
0x0: {  	(tag) =	ssettag $0x1  }
0x1: {  	s24 =	stileid.u32  }
0x2: {  	s0 =	smul.u32 $0xB400, s24  }
0x3: {  	s2 =	srdreg.scid;
	s1 =	sor.u32 $0x10, s24;
	s11 =	smul.u32 $0x50, s24  }
0x4: {  	s5 =	sand.u32 $0x1, s2;
	s6 =	smul.u32 $0xB400, s1  }
0x5: {  	s8 =	rddreg [dreg:$0x0];
	s30 =	simm.s32 $0x6540;
	s7 =	smul.u32 $0x2710, s5  }
0x6: {  	s31 =	simm.s32 $0x3;
	s4 =	sor.u32 $0x20, s24;
	s1 =	smul.u32 $0x50, s1  }
0x7: {  	s2 =	rddreg [dreg:$0x1];
	s13 =	sor.u32 $0x40, s24;
	s9 =	smul.u32 $0xB400, s4  }
0x8: {  	s18 =	sor.u32 $0x50, s24;
	s20 =	sshll.u32 s24, $0x1;
	s12 =	smul.u32 $0x50, s4  }
0x9: {  	s21 =	sor.u32 $0x70, s24;
	p0 =	sgt.u32 s24, $0xC;
	s15 =	smul.u32 $0x50, s13  }
0xa: {  	s4 =	simm.s32 $0x0;
	s16 =	ssub.s32 $0x2, s5;
	s19 =	smul.u32 $0x50, s18  }
0xb: {  	s20 =	sor.u32 s5, s20;
	s23 =	smul.u32 $0x50, s21;
	s3 =	sadd.s32 s11, s7  }
0xc: {  	s5 =	sadd.s32 $0x64600, s8;
	s1 =	sadd.s32 s7, s1;
	s10 =	smul.u32 $0x12, s3  }
0xd: {  	[smem:$0x7FF] =	sst s4;
	s11 =	sor.u32 $0x30, s24;
	s1 =	smul.u32 $0x12, s1  }
0xe: {  	s17 =	sshrl.u32 s16, $0x1;
	s12 =	sadd.s32 s7, s12;
	s14 =	smul.u32 $0x50, s11  }
0xf: {  	s0 =	sshrl.u32 s0, $0x2;
	s15 =	sadd.s32 s7, s15;
	s12 =	smul.u32 $0x12, s12  }
0x10: {  	s16 =	ssub.s32 s16, s17;
	s17 =	sor.u32 $0x60, s24;
	s15 =	smul.u32 $0x12, s15  }
0x11: {  	s19 =	sadd.s32 s7, s19;
	s6 =	sshrl.u32 s6, $0x2;
	s22 =	smul.u32 $0x50, s17  }
0x12: {  	s3 =	rddreg [dreg:$0x2];
	s19 =	smul.u32 $0x12, s19;
	s14 =	sadd.s32 s7, s14  }
0x13: {  	s22 =	sadd.s32 s7, s22;
	s7 =	sadd.s32 s7, s23;
	s23 =	sadd.s32 $0x90600, s8  }
0x14: {  	_ =	strace $0x8000004A;
	s14 =	smul.u32 $0x12, s14;
	s10 =	sadd.s32 s23, s10  }
0x15: {  	s22 =	smul.u32 $0x12, s22;
	s1 =	sadd.s32 s23, s1;
	[dreg:$0x4] =	wrdreg s10  }
0x16: {  	s12 =	sadd.s32 s23, s12;
	s25 =	sadd.s32 s23, s15;
	[dreg:$0x5] =	wrdreg s1  }
0x17: {  	s26 =	sadd.s32 s23, s19;
	s19 =	smul.u32 $0xB400, s13;
	[dreg:$0x6] =	wrdreg s12  }
0x18: {  	s29 =	sadd.s32 s6, s3;
	s1 =	smul.u32 $0x12, s7;
	[dreg:$0x8] =	wrdreg s25  }
0x19: {  	s15 =	sadd.s32 $0x2800, s8;
	[dreg:$0x9] =	wrdreg s26;
	s12 =	smul.u32 $0xB400, s11  }
0x1a: {  	s25 =	sadd.s32 s0, s3;
	s26 =	smul.u32 $0xB400, s17;
	s14 =	sadd.s32 s23, s14  }
0x1b: {  	s11 =	smul.u32 $0x2710, s20;
	s10 =	sadd.s32 s23, s22;
	[dreg:$0x7] =	wrdreg s14  }
0x1c: {  	s7 =	simm.s32 $0x32A0;
	s22 =	smul.u32 $0xB400, s18;
	[dreg:$0xa] =	wrdreg s10  }
0x1d: {  	s1 =	sadd.s32 s23, s1;
	s14 =	sadd.s32 $0xC600, s8;
	s23 =	sshrl.u32 s9, $0x2  }
0x1e: {  	s9 =	smul.u32 $0xB400, s21;
	s10 =	sshrl.u32 s19, $0x2;
	s17 =	sshrl.u32 s11, $0x3  }
0x1f: {  	s28 =	sadd.s32 $0xA0, s11;
	s21 =	smax.u32 s16, $0x1;
	s8 =	simm.s32 $0x32F0  }
0x20: {  	[dreg:$0xb] =	wrdreg s1;
	s1 =	sshrl.u32 s12, $0x2;
	s18 =	sadd.s32 s23, s3  }
0x21: {  	s0 =	sshrl.u32 s22, $0x2;
	s6 =	sadd.s32 s10, s3;
	s12 =	sshrl.u32 s26, $0x2  }
0x22: {  	s19 =	sadd.s32 s14, s17;
	s20 =	sadd.s32 s15, s17;
	[dreg:$0x11] =	wrdreg s21  }
0x23: {  	s26 =	sadd.s32 $0x50, s11;
	s10 =	simm.s32 $0x6040;
	[dreg:$0xd] =	wrdreg s6  }
0x24: {  	s11 =	simm.s32 $0x1;
	s1 =	sadd.s32 s1, s3;
	[dreg:$0xf] =	wrdreg s19  }
0x25: {  	s0 =	sadd.s32 s0, s3;
	s22 =	sadd.s32 s12, s3;
	[dreg:$0x10] =	wrdreg s20  }
0x26: {  	s13 =	sshrl.u32 s9, $0x2;
	s6 =	simm.s32 $0x2DA0;
	[dreg:$0xc] =	wrdreg s1  }
0x27: {  	s9 =	simm.s32 $0x3340;
	s12 =	simm.s32 $0x2;
	[dreg:$0xe] =	wrdreg s0  }
0x28: {  	v0 =	vimm.f32 $0.0e+00;
	s23 =	sadd.s32 s13, s3;
	s1 =	simm.s32 $0x50;
	s0 =	simm.s32 $0xA0  }
.LBB2_1:
0x29: {  	s13 =	simm.s32 $0x0;
	s16 =	simm.s32 $0x240  }
.LBB2_2:
0x2a: {  	p1 =	sne.s32 s16, $0xB1C0;
	[tilespmem:s13+$0x65C0] =	vst v0  }
0x2b: {  	[tilespmem:s13+$0x6540] =	vst v0  }
0x2c: {  	[tilespmem:s13+$0x6550] =	vst v0  }
0x2d: {  	[tilespmem:s13+$0x6560] =	vst v0  }
.Ltmp0:
0x2e: {  	[tilespmem:s13+$0x6570] =	vst v0;
	(pc) =	sbr.rel @p1 .LBB2_2-.Ltmp0, $4  }
0x2f: {  	[tilespmem:s13+$0x6580] =	vst v0  }
0x30: {  	[tilespmem:s13+$0x6590] =	vst v0  }
0x31: {  	[tilespmem:s13+$0x65A0] =	vst v0  }
0x32: {  	[tilespmem:s13+$0x65B0] =	vst v0;
	s13 =	sshra.s32 s16, $0x2;
	s16 =	sadd.s32 $0x240, s16  }
0x33: {  	[tilespmem:s13+$0x65C0] =	vst v0  }
0x34: {  	[tilespmem:s13+$0x6540] =	vst v0  }
0x35: {  	[tilespmem:s13+$0x6550] =	vst v0  }
0x36: {  	[tilespmem:s13+$0x6560] =	vst v0  }
0x37: {  	[tilespmem:s13+$0x6570] =	vst v0  }
0x38: {  	[tilespmem:s13+$0x6580] =	vst v0  }
0x39: {  	[tilespmem:s13+$0x6590] =	vst v0  }
0x3a: {  	[tilespmem:s13+$0x65A0] =	vst v0  }
0x3b: {  	[tilespmem:s13+$0x65B0] =	vst v0  }
0x3c: {  	[spmem:s25] =	stream.linear.scatter [tilespmem:s30], [sflag:$0x3], $0x2D00, $0x38;
	[tilespmem:$0x1F1D0] =	vst v63  }
0x3d: {  	_ =	swait.ge [sflag:s31], $0x2D00  }
0x3e: {  	[sflag:s31] =	ssyncset.done $0x0  }
0x3f: {  	[sflag:s31] =	ssyncadd.s32 $0xFFFFD300  }
0x40: {  	[spmem:s29] =	stream.linear.scatter [tilespmem:s30], [sflag:$0x3], $0x2D00, $0x38;
	[tilespmem:$0x1F1D0] =	vst v63  }
0x41: {  	_ =	swait.ge [sflag:s31], $0x2D00  }
0x42: {  	[sflag:s31] =	ssyncset.done $0x0  }
0x43: {  	[sflag:s31] =	ssyncadd.s32 $0xFFFFD300  }
0x44: {  	[spmem:s18] =	stream.linear.scatter [tilespmem:s30], [sflag:$0x3], $0x2D00, $0x38;
	[tilespmem:$0x1F1D0] =	vst v63  }
0x45: {  	_ =	swait.ge [sflag:s31], $0x2D00  }
0x46: {  	[sflag:s31] =	ssyncset.done $0x0  }
0x47: {  	s21 =	smov.u32 s18;
	s18 =	rddreg [dreg:$0xc];
	[sflag:s31] =	ssyncadd.s32 $0xFFFFD300  }
0x48: {  	[spmem:s18] =	stream.linear.scatter [tilespmem:s30], [sflag:$0x3], $0x2D00, $0x38;
	[tilespmem:$0x1F1D0] =	vst v63  }
0x49: {  	_ =	swait.ge [sflag:s31], $0x2D00  }
0x4a: {  	[sflag:s31] =	ssyncset.done $0x0  }
0x4b: {  	s24 =	rddreg [dreg:$0xd];
	[sflag:s31] =	ssyncadd.s32 $0xFFFFD300  }
0x4c: {  	[spmem:s24] =	stream.linear.scatter [tilespmem:s30], [sflag:$0x3], $0x2D00, $0x38;
	[tilespmem:$0x1F1D0] =	vst v63  }
0x4d: {  	_ =	swait.ge [sflag:s31], $0x2D00  }
0x4e: {  	[sflag:s31] =	ssyncset.done $0x0  }
0x4f: {  	s19 =	smov.u32 s25;
	s25 =	rddreg [dreg:$0xe];
	[sflag:s31] =	ssyncadd.s32 $0xFFFFD300  }
0x50: {  	[spmem:s25] =	stream.linear.scatter [tilespmem:s30], [sflag:$0x3], $0x2D00, $0x38;
	[tilespmem:$0x1F1D0] =	vst v63  }
0x51: {  	_ =	swait.ge [sflag:s31], $0x2D00  }
0x52: {  	[sflag:s31] =	ssyncset.done $0x0  }
0x53: {  	[sflag:s31] =	ssyncadd.s32 $0xFFFFD300  }
0x54: {  	[spmem:s22] =	stream.linear.scatter [tilespmem:s30], [sflag:$0x3], $0x2D00, $0x38;
	[tilespmem:$0x1F1D0] =	vst v63  }
0x55: {  	_ =	swait.ge [sflag:s31], $0x2D00  }
0x56: {  	[sflag:s31] =	ssyncset.done $0x0  }
0x57: {  	s13 =	simm.s32 @!p0 $0x6540;
	[sflag:s31] =	ssyncadd.s32 $0xFFFFD300  }
0x58: {  	[spmem:s23] =	stream.linear.scatter @!p0 [tilespmem:s13], [sflag:$0x3], $0x2D00, $0x38;
	[tilespmem:$0x1F1D0] =	vst v63  }
0x59: {  	s13 =	simm.s32 @!p0 $0x3  }
0x5a: {  	_ =	swait.ge @!p0 [sflag:s13], $0x2D00  }
0x5b: {  	[sflag:s13] =	ssyncset.done @!p0 $0x0  }
0x5c: {  	[sflag:s13] =	ssyncadd.s32 @!p0 $0xFFFFD300  }
0x5d: {  	[bflag:$0x0] =	sbarrier.arrive $0xFFFF  }
0x5e: {  	s13 =	simm.s32 $0x0;
	s16 =	rddreg [dreg:$0xf]  }
0x5f: {  	[tilespmem:s13], [sflag:$0x3] =	stream.linear.gather [hbm4b:s16+s13], $0x50, $0x38;
	[tilespmem:$0x1F1D0] =	vst v63  }
0x60: {  	_ =	swait.ge [sflag:s31], $0x50  }
0x61: {  	[sflag:s31] =	ssyncset.done $0x0  }
0x62: {  	s20 =	smov.u32 s29;
	s29 =	rddreg [dreg:$0x10];
	[sflag:s31] =	ssyncadd.s32 $0xFFFFFFB0  }
0x63: {  	[tilespmem:s1], [sflag:$0x3] =	stream.linear.gather [hbm4b:s29+s13], $0x50, $0x38;
	[tilespmem:$0x1F1D0] =	vst v63  }
0x64: {  	_ =	swait.ge [sflag:s31], $0x50  }
0x65: {  	[sflag:s31] =	ssyncset.done $0x0  }
0x66: {  	[sflag:s31] =	ssyncadd.s32 $0xFFFFFFB0  }
0x67: {  	[tilespmem:s0], [sflag:$0x1] =	stream.indirect.gather [hbm4b:s5+s1], $0x90, s13, s1, $0xb8;
	[tilespmem:$0x1F1D0] =	vst v63  }
0x68: {  	s24 =	simm.s32 $0x0  }
0x69: {  	[tilespmem:s6], [sflag:$0x1] =	stream.indirect.gather [hbm4b:s2+s1], $0x10, s1, s1, $0xb8;
	[tilespmem:$0x1F1D0] =	vst v63  }
.LBB2_4:
0x6a: {  	s25 =	smul.u32 $0xA0, s24;
	_ =	sdelay $0x1  }
0x6b: {  	s16 =	sadd.s32 s25, s26  }
0x6c: {  	s16 =	sshrl.u32 s16, $0x3  }
0x6d: {  	s17 =	sadd.s32 s14, s16  }
0x6e: {  	[tilespmem:s7], [sflag:$0x3] =	stream.linear.gather [hbm4b:s17+s13], $0x50, $0x38;
	[tilespmem:$0x1F1D0] =	vst v63  }
0x6f: {  	_ =	swait.ge [sflag:s31], $0x50  }
0x70: {  	[sflag:s31] =	ssyncset.done $0x0  }
0x71: {  	s16 =	sadd.s32 s15, s16;
	[sflag:s31] =	ssyncadd.s32 $0xFFFFFFB0  }
0x72: {  	[tilespmem:s8], [sflag:$0x3] =	stream.linear.gather [hbm4b:s16+s13], $0x50, $0x38;
	[tilespmem:$0x1F1D0] =	vst v63  }
0x73: {  	_ =	swait.ge [sflag:s31], $0x50  }
0x74: {  	[sflag:s31] =	ssyncset.done $0x0  }
0x75: {  	[sflag:s31] =	ssyncadd.s32 $0xFFFFFFB0  }
0x76: {  	[tilespmem:s9], [sflag:$0x2] =	stream.indirect.gather [hbm4b:s5+s1], $0x90, s7, s1, $0xb8;
	[tilespmem:$0x1F1D0] =	vst v63  }
0x77: {  	_ = 	snop  }
0x78: {  	[tilespmem:s10], [sflag:$0x2] =	stream.indirect.gather [hbm4b:s2+s1], $0x10, s8, s1, $0xb8;
	[tilespmem:$0x1F1D0] =	vst v63  }
0x79: {  	_ =	swait.ge [sflag:s11], $0x2D00  }
0x7a: {  	[sflag:s11] =	ssyncset.done $0x0  }
0x7b: {  	[sflag:s11] =	ssyncadd.s32 $0xFFFFD300  }
0x7c: {  	_ =	swait.ge [sflag:s11], $0x500  }
0x7d: {  	[sflag:s11] =	ssyncset.done $0x0  }
0x7e: {  	s29 =	simm.s32 $0x0;
	[sflag:s11] =	ssyncadd.s32 $0xFFFFFB00  }
0x7f: {  	s17 =	simm.s32 $0x240;
	s16 =	simm.s32 $0x2DA0;
	v1 =	vld [tilespmem:s29+$0x120]  }
.LBB2_5:
0x80: {  	p1 =	sne.s32 s17, $0xB1C0;
	v2 =	vld [tilespmem:s16+$0x0];
	_ =	sdelay $0x4  }
0x81: {  	v1 =	vadd.f32 v2, v1;
	_ =	sdelay $0x1  }
0x82: {  	v2 =	vmul.f32 $2.000000030e-01, v1;
	_ =	sdelay $0x1  }
0x83: {  	v1 =	vmax.f32 v1, v2  }
0x84: {  	v1 =	vmul.f32 $1.442695020e+00, v1;
	_ =	sdelay $0x1  }
0x85: {  	(erf) = vpow2.f32 v1;
	_ =	sdelay $0x2  }
0x86: {  	v1 =	vld [tilespmem:s29+$0xA0]  }
0x87: {  	v2 =	vld [tilespmem:s29+$0xB0]  }
0x88: {  	v3 =	vld [tilespmem:s29+$0xC0]  }
0x89: {  	v4 =	vld [tilespmem:s29+$0xD0]  }
0x8a: {  	v5 =	vld [tilespmem:s29+$0xE0]  }
0x8b: {  	v6 =	vld [tilespmem:s29+$0xF0]  }
0x8c: {  	v7 =	vld [tilespmem:s29+$0x100];
	v8 =	vpop (erf)  }
0x8d: {  	[tilespmem:s29+$0x65C0] =	vst v8;
	v8 =	vbroadcast v8, $0x0;
	v9 =	vld [tilespmem:s29+$0x110];
	_ =	sdelay $0x1  }
0x8e: {  	v1 =	vmul.f32 v8, v1;
	v2 =	vmul.f32 v8, v2  }
0x8f: {  	v3 =	vmul.f32 v8, v3;
	v4 =	vmul.f32 v4, v8  }
0x90: {  	[tilespmem:s29+$0x6540] =	vst v1;
	v1 =	vmul.f32 v5, v8;
	v5 =	vmul.f32 v6, v8  }
0x91: {  	[tilespmem:s29+$0x6550] =	vst v2;
	v2 =	vmul.f32 v7, v8;
	v6 =	vmul.f32 v9, v8  }
0x92: {  	[tilespmem:s29+$0x6560] =	vst v3  }
.Ltmp1:
0x93: {  	[tilespmem:s29+$0x6570] =	vst v4;
	(pc) =	sbr.rel @p1 .LBB2_5-.Ltmp1, $4  }
0x94: {  	[tilespmem:s29+$0x6580] =	vst v1  }
0x95: {  	[tilespmem:s29+$0x6590] =	vst v5  }
0x96: {  	s18 =	sshra.s32 s17, $0x2;
	[tilespmem:s29+$0x65A0] =	vst v2  }
0x97: {  	s17 =	sadd.s32 $0x240, s17;
	s16 =	sadd.s32 $0x10, s16;
	v1 =	vld [tilespmem:s18+$0x120];
	[tilespmem:s29+$0x65B0] =	vst v6;
	s29 =	smov.u32 s18  }
0x98: {  	v2 =	vld [tilespmem:s16+$0x0];
	_ =	sdelay $0x4  }
0x99: {  	v1 =	vadd.f32 v2, v1;
	_ =	sdelay $0x1  }
0x9a: {  	v2 =	vmul.f32 $2.000000030e-01, v1;
	_ =	sdelay $0x1  }
0x9b: {  	v1 =	vmax.f32 v1, v2  }
0x9c: {  	v1 =	vmul.f32 $1.442695020e+00, v1;
	_ =	sdelay $0x1  }
0x9d: {  	(erf) = vpow2.f32 v1;
	_ =	sdelay $0x6  }
0x9e: {  	v1 =	vld [tilespmem:s29+$0xA0]  }
0x9f: {  	v2 =	vld [tilespmem:s29+$0xB0]  }
0xa0: {  	v3 =	vld [tilespmem:s29+$0xC0];
	v6 =	vpop (erf)  }
0xa1: {  	v4 =	vld [tilespmem:s29+$0xD0];
	v8 =	vbroadcast v6, $0x0  }
0xa2: {  	v5 =	vld [tilespmem:s29+$0xE0]  }
0xa3: {  	v7 =	vld [tilespmem:s29+$0xF0];
	v1 =	vmul.f32 v8, v1  }
0xa4: {  	v9 =	vld [tilespmem:s29+$0x100];
	[tilespmem:s29+$0x65C0] =	vst v6;
	v2 =	vmul.f32 v8, v2  }
0xa5: {  	v63 =	vld [tilespmem:s29+$0x110];
	v3 =	vmul.f32 v8, v3;
	[tilespmem:s29+$0x6540] =	vst v1  }
0xa6: {  	v1 =	vmul.f32 v4, v8;
	[tilespmem:s29+$0x6550] =	vst v2  }
0xa7: {  	v2 =	vmul.f32 v5, v8;
	[tilespmem:s29+$0x6560] =	vst v3  }
0xa8: {  	v3 =	vmul.f32 v7, v8;
	[tilespmem:s29+$0x6570] =	vst v1  }
0xa9: {  	v1 =	vmul.f32 v9, v8;
	[tilespmem:s29+$0x6580] =	vst v2  }
0xaa: {  	v2 =	vmul.f32 v63, v8;
	[tilespmem:s29+$0x6590] =	vst v3  }
0xab: {  	[tilespmem:s29+$0x65A0] =	vst v1  }
0xac: {  	[tilespmem:s29+$0x65B0] =	vst v2  }
0xad: {  	[spmem:s3] =	stream.indirect.scatter.add.f32 [tilespmem:s30], [sflag:$0x3], $0x90, s1, s1, $0xb8;
	[tilespmem:$0x1F1D0] =	vst v63  }
0xae: {  	s29 =	sadd.s32 s25, s28;
	_ =	swait.ge [sflag:s31], $0x2D00  }
0xaf: {  	s16 =	sshrl.u32 s29, $0x3;
	[sflag:s31] =	ssyncset.done $0x0  }
0xb0: {  	s18 =	simm.s32 $0x0;
	s17 =	sadd.s32 s14, s16;
	[sflag:s31] =	ssyncadd.s32 $0xFFFFD300  }
0xb1: {  	[tilespmem:s18], [sflag:$0x3] =	stream.linear.gather [hbm4b:s17+s18], $0x50, $0x38;
	[tilespmem:$0x1F1D0] =	vst v63  }
0xb2: {  	_ =	swait.ge [sflag:s31], $0x50  }
0xb3: {  	[sflag:s31] =	ssyncset.done $0x0  }
0xb4: {  	s16 =	sadd.s32 s15, s16;
	[sflag:s31] =	ssyncadd.s32 $0xFFFFFFB0  }
0xb5: {  	[tilespmem:s1], [sflag:$0x3] =	stream.linear.gather [hbm4b:s16+s18], $0x50, $0x38;
	[tilespmem:$0x1F1D0] =	vst v63  }
0xb6: {  	_ =	swait.ge [sflag:s31], $0x50  }
0xb7: {  	[sflag:s31] =	ssyncset.done $0x0  }
0xb8: {  	[sflag:s31] =	ssyncadd.s32 $0xFFFFFFB0  }
0xb9: {  	[tilespmem:s0], [sflag:$0x1] =	stream.indirect.gather [hbm4b:s5+s1], $0x90, s18, s1, $0xb8;
	[tilespmem:$0x1F1D0] =	vst v63  }
0xba: {  	_ = 	snop  }
0xbb: {  	[tilespmem:s6], [sflag:$0x1] =	stream.indirect.gather [hbm4b:s2+s1], $0x10, s1, s1, $0xb8;
	[tilespmem:$0x1F1D0] =	vst v63  }
0xbc: {  	_ =	swait.ge [sflag:s12], $0x2D00  }
0xbd: {  	[sflag:s12] =	ssyncset.done $0x0  }
0xbe: {  	[sflag:s12] =	ssyncadd.s32 $0xFFFFD300  }
0xbf: {  	_ =	swait.ge [sflag:s12], $0x500  }
0xc0: {  	[sflag:s12] =	ssyncset.done $0x0  }
0xc1: {  	s25 =	simm.s32 $0x0;
	[sflag:s12] =	ssyncadd.s32 $0xFFFFFB00  }
0xc2: {  	s17 =	simm.s32 $0x240;
	s16 =	simm.s32 $0x6040;
	v1 =	vld [tilespmem:s25+$0x33C0]  }
.LBB2_7:
0xc3: {  	p1 =	sne.s32 s17, $0xB1C0;
	v2 =	vld [tilespmem:s16+$0x0];
	_ =	sdelay $0x4  }
0xc4: {  	v1 =	vadd.f32 v2, v1;
	_ =	sdelay $0x1  }
0xc5: {  	v2 =	vmul.f32 $2.000000030e-01, v1;
	_ =	sdelay $0x1  }
0xc6: {  	v1 =	vmax.f32 v1, v2  }
0xc7: {  	v1 =	vmul.f32 $1.442695020e+00, v1;
	_ =	sdelay $0x1  }
0xc8: {  	(erf) = vpow2.f32 v1;
	_ =	sdelay $0x2  }
0xc9: {  	v1 =	vld [tilespmem:s25+$0x3340]  }
0xca: {  	v2 =	vld [tilespmem:s25+$0x3350]  }
0xcb: {  	v3 =	vld [tilespmem:s25+$0x3360]  }
0xcc: {  	v4 =	vld [tilespmem:s25+$0x3370]  }
0xcd: {  	v5 =	vld [tilespmem:s25+$0x3380]  }
0xce: {  	v6 =	vld [tilespmem:s25+$0x3390]  }
0xcf: {  	v7 =	vld [tilespmem:s25+$0x33A0];
	v8 =	vpop (erf)  }
0xd0: {  	[tilespmem:s25+$0x65C0] =	vst v8;
	v8 =	vbroadcast v8, $0x0;
	v9 =	vld [tilespmem:s25+$0x33B0];
	_ =	sdelay $0x1  }
0xd1: {  	v1 =	vmul.f32 v8, v1;
	v2 =	vmul.f32 v8, v2  }
0xd2: {  	v3 =	vmul.f32 v8, v3;
	v4 =	vmul.f32 v4, v8  }
0xd3: {  	[tilespmem:s25+$0x6540] =	vst v1;
	v1 =	vmul.f32 v5, v8;
	v5 =	vmul.f32 v6, v8  }
0xd4: {  	[tilespmem:s25+$0x6550] =	vst v2;
	v2 =	vmul.f32 v7, v8;
	v6 =	vmul.f32 v9, v8  }
0xd5: {  	[tilespmem:s25+$0x6560] =	vst v3  }
.Ltmp2:
0xd6: {  	[tilespmem:s25+$0x6570] =	vst v4;
	(pc) =	sbr.rel @p1 .LBB2_7-.Ltmp2, $4  }
0xd7: {  	[tilespmem:s25+$0x6580] =	vst v1  }
0xd8: {  	[tilespmem:s25+$0x6590] =	vst v5  }
0xd9: {  	s18 =	sshra.s32 s17, $0x2;
	[tilespmem:s25+$0x65A0] =	vst v2  }
0xda: {  	s17 =	sadd.s32 $0x240, s17;
	s16 =	sadd.s32 $0x10, s16;
	v1 =	vld [tilespmem:s18+$0x33C0];
	[tilespmem:s25+$0x65B0] =	vst v6;
	s25 =	smov.u32 s18  }
0xdb: {  	v2 =	vld [tilespmem:s16+$0x0];
	_ =	sdelay $0x4  }
0xdc: {  	v1 =	vadd.f32 v2, v1;
	_ =	sdelay $0x1  }
0xdd: {  	v2 =	vmul.f32 $2.000000030e-01, v1;
	_ =	sdelay $0x1  }
0xde: {  	v1 =	vmax.f32 v1, v2  }
0xdf: {  	v1 =	vmul.f32 $1.442695020e+00, v1;
	_ =	sdelay $0x1  }
0xe0: {  	(erf) = vpow2.f32 v1;
	_ =	sdelay $0x6  }
0xe1: {  	v1 =	vld [tilespmem:s25+$0x3340]  }
0xe2: {  	v2 =	vld [tilespmem:s25+$0x3350]  }
0xe3: {  	v3 =	vld [tilespmem:s25+$0x3360];
	v6 =	vpop (erf)  }
0xe4: {  	v4 =	vld [tilespmem:s25+$0x3370];
	v8 =	vbroadcast v6, $0x0  }
0xe5: {  	v5 =	vld [tilespmem:s25+$0x3380]  }
0xe6: {  	v7 =	vld [tilespmem:s25+$0x3390];
	v1 =	vmul.f32 v8, v1  }
0xe7: {  	v9 =	vld [tilespmem:s25+$0x33A0];
	[tilespmem:s25+$0x65C0] =	vst v6;
	v2 =	vmul.f32 v8, v2  }
0xe8: {  	v63 =	vld [tilespmem:s25+$0x33B0];
	v3 =	vmul.f32 v8, v3;
	[tilespmem:s25+$0x6540] =	vst v1  }
0xe9: {  	v1 =	vmul.f32 v4, v8;
	[tilespmem:s25+$0x6550] =	vst v2  }
0xea: {  	v2 =	vmul.f32 v5, v8;
	[tilespmem:s25+$0x6560] =	vst v3  }
0xeb: {  	v3 =	vmul.f32 v7, v8;
	[tilespmem:s25+$0x6570] =	vst v1  }
0xec: {  	v1 =	vmul.f32 v9, v8;
	[tilespmem:s25+$0x6580] =	vst v2  }
0xed: {  	s24 =	sadd.s32 $0x1, s24;
	v2 =	vmul.f32 v63, v8;
	[tilespmem:s25+$0x6590] =	vst v3  }
0xee: {  	p1 =	sne.s32 s24, $0x3E;
	[tilespmem:s25+$0x65A0] =	vst v1  }
.Ltmp3:
0xef: {  	[tilespmem:s25+$0x65B0] =	vst v2;
	(pc) =	sbr.rel @p1 .LBB2_4-.Ltmp3, $4  }
0xf0: {  	[spmem:s3] =	stream.indirect.scatter.add.f32 [tilespmem:s30], [sflag:$0x3], $0x90, s8, s1, $0xb8;
	[tilespmem:$0x1F1D0] =	vst v63  }
0xf1: {  	_ =	swait.ge [sflag:s31], $0x2D00  }
0xf2: {  	[sflag:s31] =	ssyncset.done $0x0  }
0xf3: {  	[sflag:s31] =	ssyncadd.s32 $0xFFFFD300  }
0xf4: {  	_ =	swait.ge [sflag:s11], $0x2D00  }
0xf5: {  	[sflag:s11] =	ssyncset.done $0x0  }
0xf6: {  	[sflag:s11] =	ssyncadd.s32 $0xFFFFD300  }
0xf7: {  	_ =	swait.ge [sflag:s11], $0x500  }
0xf8: {  	[sflag:s11] =	ssyncset.done $0x0  }
0xf9: {  	s13 =	simm.s32 $0x0;
	[sflag:s11] =	ssyncadd.s32 $0xFFFFFB00  }
0xfa: {  	s16 =	simm.s32 $0x2DA0;
	s17 =	simm.s32 $0x240;
	v1 =	vld [tilespmem:s13+$0x120]  }
.LBB2_10:
0xfb: {  	p1 =	sne.s32 s17, $0xB1C0;
	v2 =	vld [tilespmem:s16+$0x0];
	_ =	sdelay $0x4  }
0xfc: {  	v1 =	vadd.f32 v2, v1;
	_ =	sdelay $0x1  }
0xfd: {  	v2 =	vmul.f32 $2.000000030e-01, v1;
	_ =	sdelay $0x1  }
0xfe: {  	v1 =	vmax.f32 v1, v2  }
0xff: {  	v1 =	vmul.f32 $1.442695020e+00, v1;
	_ =	sdelay $0x1  }
0x100: {  	(erf) = vpow2.f32 v1;
	_ =	sdelay $0x2  }
0x101: {  	v1 =	vld [tilespmem:s13+$0xA0]  }
0x102: {  	v2 =	vld [tilespmem:s13+$0xB0]  }
0x103: {  	v3 =	vld [tilespmem:s13+$0xC0]  }
0x104: {  	v4 =	vld [tilespmem:s13+$0xD0]  }
0x105: {  	v5 =	vld [tilespmem:s13+$0xE0]  }
0x106: {  	v6 =	vld [tilespmem:s13+$0xF0]  }
0x107: {  	v7 =	vld [tilespmem:s13+$0x100];
	v8 =	vpop (erf)  }
0x108: {  	[tilespmem:s13+$0x65C0] =	vst v8;
	v8 =	vbroadcast v8, $0x0;
	v9 =	vld [tilespmem:s13+$0x110];
	_ =	sdelay $0x1  }
0x109: {  	v1 =	vmul.f32 v8, v1;
	v2 =	vmul.f32 v8, v2  }
0x10a: {  	v3 =	vmul.f32 v8, v3;
	v4 =	vmul.f32 v4, v8  }
0x10b: {  	[tilespmem:s13+$0x6540] =	vst v1;
	v1 =	vmul.f32 v5, v8;
	v5 =	vmul.f32 v6, v8  }
0x10c: {  	[tilespmem:s13+$0x6550] =	vst v2;
	v2 =	vmul.f32 v7, v8;
	v6 =	vmul.f32 v9, v8  }
0x10d: {  	[tilespmem:s13+$0x6560] =	vst v3  }
.Ltmp4:
0x10e: {  	[tilespmem:s13+$0x6570] =	vst v4;
	(pc) =	sbr.rel @p1 .LBB2_10-.Ltmp4, $4  }
0x10f: {  	[tilespmem:s13+$0x6580] =	vst v1  }
0x110: {  	[tilespmem:s13+$0x6590] =	vst v5  }
0x111: {  	s18 =	sshra.s32 s17, $0x2;
	[tilespmem:s13+$0x65A0] =	vst v2  }
0x112: {  	s17 =	sadd.s32 $0x240, s17;
	s16 =	sadd.s32 $0x10, s16;
	v1 =	vld [tilespmem:s18+$0x120];
	[tilespmem:s13+$0x65B0] =	vst v6;
	s13 =	smov.u32 s18  }
0x113: {  	v2 =	vld [tilespmem:s16+$0x0];
	_ =	sdelay $0x4  }
0x114: {  	v1 =	vadd.f32 v2, v1;
	_ =	sdelay $0x1  }
0x115: {  	v2 =	vmul.f32 $2.000000030e-01, v1;
	_ =	sdelay $0x1  }
0x116: {  	v1 =	vmax.f32 v1, v2  }
0x117: {  	v1 =	vmul.f32 $1.442695020e+00, v1;
	_ =	sdelay $0x1  }
0x118: {  	(erf) = vpow2.f32 v1;
	_ =	sdelay $0x6  }
0x119: {  	v1 =	vld [tilespmem:s13+$0xA0]  }
0x11a: {  	v2 =	vld [tilespmem:s13+$0xB0]  }
0x11b: {  	v3 =	vld [tilespmem:s13+$0xC0];
	v6 =	vpop (erf)  }
0x11c: {  	v4 =	vld [tilespmem:s13+$0xD0];
	v8 =	vbroadcast v6, $0x0  }
0x11d: {  	v5 =	vld [tilespmem:s13+$0xE0]  }
0x11e: {  	v7 =	vld [tilespmem:s13+$0xF0];
	v1 =	vmul.f32 v8, v1  }
0x11f: {  	v9 =	vld [tilespmem:s13+$0x100];
	[tilespmem:s13+$0x65C0] =	vst v6;
	v2 =	vmul.f32 v8, v2  }
0x120: {  	v63 =	vld [tilespmem:s13+$0x110];
	v3 =	vmul.f32 v8, v3;
	[tilespmem:s13+$0x6540] =	vst v1  }
0x121: {  	v1 =	vmul.f32 v4, v8;
	[tilespmem:s13+$0x6550] =	vst v2  }
0x122: {  	v2 =	vmul.f32 v5, v8;
	[tilespmem:s13+$0x6560] =	vst v3  }
0x123: {  	v3 =	vmul.f32 v7, v8;
	[tilespmem:s13+$0x6570] =	vst v1  }
0x124: {  	v1 =	vmul.f32 v9, v8;
	[tilespmem:s13+$0x6580] =	vst v2  }
0x125: {  	v2 =	vmul.f32 v63, v8;
	[tilespmem:s13+$0x6590] =	vst v3  }
0x126: {  	[tilespmem:s13+$0x65A0] =	vst v1  }
0x127: {  	[tilespmem:s13+$0x65B0] =	vst v2  }
0x128: {  	[spmem:s3] =	stream.indirect.scatter.add.f32 [tilespmem:s30], [sflag:$0x3], $0x90, s1, s1, $0xb8;
	[tilespmem:$0x1F1D0] =	vst v63  }
0x129: {  	_ =	swait.ge [sflag:s31], $0x2D00  }
0x12a: {  	[sflag:s31] =	ssyncset.done $0x0  }
0x12b: {  	s17 =	stileid.u32;
	[sflag:s31] =	ssyncadd.s32 $0xFFFFD300  }
0x12c: {  	s13 =	sshll.u32 s17, $0x6;
	[bflag:$0x0] =	sbarrier.arrive $0xFFFF  }
0x12d: {  	s18 =	sshrl.u32 s19, $0x3;
	s13 =	sor.u32 $0x1C03, s13;
	s17 =	rddreg [dreg:$0x4]  }
0x12e: {  	[hbm:s17], [sflag:s13] =	dma.local [spmem:s18], $0x5A0  }
0x12f: {  	_ =	swait.ge [sflag:s31], $0x5A0  }
0x130: {  	s25 =	smov.u32 s19;
	s29 =	smov.u32 s20;
	[sflag:s31] =	ssyncset.done $0x0  }
0x131: {  	s19 =	sshrl.u32 s20, $0x3;
	s20 =	rddreg [dreg:$0x5];
	[sflag:s31] =	ssyncadd.s32 $0xFFFFFA60  }
0x132: {  	[hbm:s20], [sflag:s13] =	dma.local [spmem:s19], $0x5A0  }
0x133: {  	_ =	swait.ge [sflag:s31], $0x5A0  }
0x134: {  	s18 =	smov.u32 s21;
	[sflag:s31] =	ssyncset.done $0x0  }
0x135: {  	s21 =	sshrl.u32 s21, $0x3;
	s24 =	rddreg [dreg:$0x6];
	[sflag:s31] =	ssyncadd.s32 $0xFFFFFA60  }
0x136: {  	[hbm:s24], [sflag:s13] =	dma.local [spmem:s21], $0x5A0  }
0x137: {  	_ =	swait.ge [sflag:s31], $0x5A0  }
0x138: {  	[sflag:s31] =	ssyncset.done $0x0;
	s19 =	rddreg [dreg:$0xc]  }
0x139: {  	s20 =	rddreg [dreg:$0x7];
	[sflag:s31] =	ssyncadd.s32 $0xFFFFFA60;
	s16 =	sshrl.u32 s19, $0x3  }
0x13a: {  	[hbm:s20], [sflag:s13] =	dma.local [spmem:s16], $0x5A0  }
0x13b: {  	_ =	swait.ge [sflag:s31], $0x5A0  }
0x13c: {  	[sflag:s31] =	ssyncset.done $0x0;
	s21 =	rddreg [dreg:$0xd]  }
0x13d: {  	s24 =	rddreg [dreg:$0x8];
	[sflag:s31] =	ssyncadd.s32 $0xFFFFFA60;
	s16 =	sshrl.u32 s21, $0x3  }
0x13e: {  	[hbm:s24], [sflag:s13] =	dma.local [spmem:s16], $0x5A0  }
0x13f: {  	_ =	swait.ge [sflag:s31], $0x5A0  }
0x140: {  	[sflag:s31] =	ssyncset.done $0x0;
	s17 =	rddreg [dreg:$0xe]  }
0x141: {  	s19 =	rddreg [dreg:$0x9];
	[sflag:s31] =	ssyncadd.s32 $0xFFFFFA60;
	s16 =	sshrl.u32 s17, $0x3  }
0x142: {  	[hbm:s19], [sflag:s13] =	dma.local [spmem:s16], $0x5A0  }
0x143: {  	_ =	swait.ge [sflag:s31], $0x5A0  }
0x144: {  	[sflag:s31] =	ssyncset.done $0x0  }
0x145: {  	s20 =	sshrl.u32 s22, $0x3;
	s21 =	rddreg [dreg:$0xa];
	[sflag:s31] =	ssyncadd.s32 $0xFFFFFA60  }
0x146: {  	[hbm:s21], [sflag:s13] =	dma.local [spmem:s20], $0x5A0  }
0x147: {  	_ =	swait.ge [sflag:s31], $0x5A0  }
0x148: {  	[sflag:s31] =	ssyncset.done $0x0  }
0x149: {  	s16 =	sshrl.u32 @!p0 s23, $0x3;
	s17 =	rddreg [dreg:$0xb];
	[sflag:s31] =	ssyncadd.s32 $0xFFFFFA60  }
0x14a: {  	[hbm:s17], [sflag:s13] =	dma.local @!p0 [spmem:s16], $0x5A0  }
0x14b: {  	s13 =	simm.s32 @!p0 $0x3  }
0x14c: {  	_ =	swait.ge @!p0 [sflag:s13], $0x5A0  }
0x14d: {  	s4 =	sadd.s32 $0x1, s4;
	s24 =	rddreg [dreg:$0x11]  }
0x14e: {  	p1 =	sne.s32 s4, s24  }
.Ltmp5:
0x14f: {  	_ = 	snop;
	(pc) =	sbr.rel @p1 .LBB2_1-.Ltmp5, $3  }
0x150: {  	_ =	sdelay $0x1  }
0x151: {  	[sflag:s13] =	ssyncset.done @!p0 $0x0  }
0x152: {  	[sflag:s13] =	ssyncadd.s32 @!p0 $0xFFFFFA60  }
0x153: {  	_ =	sfence.sel $0x180000  }
0x154: {  	[bflag:$0x0] =	sbarrier.arrive $0xFFFF  }
0x155: {  	_ =	strace $0x9000004A  }
0x156: {  	s0 =	stileid.u32;
	[bflag:$0x2] =	sbarrier.arrive $0xFFFF  }
0x157: {  	p0 =	sne.s32 s0, $0x0;
	s0 =	rddreg [dreg:$0x3]  }
0x158: {  	s0 =	sadd.s32 @!p0 $0x100000, s0  }
0x159: {  	[sflag:s0] =	ssyncadd.tile.s32 @!p0 $0x1;
	_ =	shalt  }
.Lfunc_end2:
_tile_overlayer_lowered:
.L_overlay_start_2:
0x15a: {  	(tag) =	ssettag $0x2  }
0x15b: {  	s0 =	rddreg [dreg:$0x0];
	s2 =	stileid.u32  }
0x15c: {  	s1 =	rddreg [dreg:$0x1];
	p0 =	sne.s32 s2, $0x0  }
0x15d: {  	s3 =	rddreg [dreg:$0x2];
	[bflag:$0x3] =	sbarrier.arrive $0xFFFF;
	s2 =	simm.s32 @!p0 $0x1C03  }
0x15e: {  	[timem:s3], [sflag:s2] =	dma.local @!p0 [hbm:s0], s1  }
0x15f: {  	s0 =	simm.s32 @!p0 $0x3  }
0x160: {  	_ =	swait.ge @!p0 [sflag:s0], s1  }
0x161: {  	s1 =	ssub.s32 @!p0 $0x0, s1;
	[sflag:s0] =	ssyncset.done @!p0 $0x0  }
0x162: {  	[sflag:s0] =	ssyncadd.s32 @!p0 s1  }
0x163: {  	[bflag:$0x3] =	sbarrier.arrive $0xFFFF  }
0x164: {  	_ =	shalt  }

// kernel: kernel.9.cloned.1.call-start
scs
__scs_entry_jumppad:
0x0: {  	(pc) =	sbr.rel $0x88, $3  }
0x1: {  	(tag) =	ssettag $0x0;
	lr =	simm.s32 $0x1  }
0x2: {  	[smem:$0x3F8F] =	sst lr;
	_ =	strace $0xD0000000  }
0x3: {  	_ = 	snop  }
0x4: {  	_ = 	snop  }
0x5: {  	_ = 	snop  }
0x6: {  	_ = 	snop  }
0x7: {  	_ = 	snop  }
__scs_overlays_trampoline_lowered:
0x8: {  	[smem:$0x3F9E] =	sst s0  }
0x9: {  	[smem:$0x3F9F] =	sst s1  }
0xa: {  	[smem:$0x3FA0] =	sst s2  }
0xb: {  	[smem:$0x3FA1] =	sst s3  }
0xc: {  	[smem:$0x3FA2] =	sst s4  }
0xd: {  	[smem:$0x3FA3] =	sst s5  }
0xe: {  	[smem:$0x3FA4] =	sst s6  }
0xf: {  	[smem:$0x3FA5] =	sst s7  }
0x10: {  	[smem:$0x3FA6] =	sst s8  }
0x11: {  	[smem:$0x3FA7] =	sst s9;
	s0 =	simm.s32 @!p0 $0x0  }
0x12: {  	s1 =	sld [smem:$0x3F8D];
	s0 =	simm.s32 @p0 $0x1  }
0x13: {  	[smem:$0x3FA8] =	sst s0;
	s0 =	simm.s32 @!p1 $0x0  }
0x14: {  	s2 =	sld [smem:$0x3F8C];
	s0 =	simm.s32 @p1 $0x1  }
0x15: {  	[smem:$0x3FA9] =	sst s0;
	s0 =	simm.s32 @!p2 $0x0  }
0x16: {  	s3 =	sld [smem:$0x3FDB];
	s0 =	simm.s32 @p2 $0x1  }
0x17: {  	s4 =	simm.s32 $0x1BF5;
	[smem:$0x3FAB] =	sst s0  }
0x18: {  	s0 =	sld [smem:$0x3F8E];
	_ =	swait.ge [sflag:s4], $0x0  }
0x19: {  	s7 =	sld [smem:$0x3F8F]  }
0x1a: {  	s8 =	sadd.s32 $0xFFFFE003, lr  }
0x1b: {  	s9 =	sadd.s32 $0xFFFFFEF7, lr;
	s5 =	simm.s32 $0xFFFFFFFF;
	p2 =	slt.u32 s8, $0xFFFFF086  }
0x1c: {  	p1 =	slt.u32 s9, $0xF7A;
	s5 =	simm.s32 @!p2 $0x0  }
0x1d: {  	s5 =	simm.s32 @p1 $0x1;
	p0 =	seq.s32 s7, s2  }
0x1e: {  	s7 =	smul.u32 @!p0 $0xF7A, s2;
	p2 =	seq.s32 @!p0 s5, $0x0  }
0x1f: {  	s9 =	smul.u32 $0xF7A, s1;
	s8 =	simm.s32 @!p0 $0x1BF5;
	p2 =	por !p2, p0  }
0x20: {  	[sflag:s8] =	ssyncset.s32 @!p0 $0xFFFFF086;
	s6 =	sadd.s32 @!p0 s3, s7;
	s7 =	simm.s32 @!p0 $0x108  }
0x21: {  	s3 =	sadd.s32 s3, s9;
	s6 =	sadd.s32 @!p0 $0x88, s6;
	s7 =	simm.s32 @p2 $0x1082  }
0x22: {  	[simem:s7], [sflag:s8] =	dma.local @!p0 [hbm:s6], $0xF7A  }
0x23: {  	s9 =	sor.u32 $0xD0000000, s2;
	s6 =	simm.s32 $0x108;
	_ =	swait.ge @!p0 [sflag:s8], $0x0  }
0x24: {  	s3 =	sadd.s32 $0x88, s3;
	s6 =	simm.s32 @!p1 $0x1082;
	[sflag:s4] =	ssyncset.s32 $0xFFFFF086  }
0x25: {  	[simem:s6], [sflag:s4] =	dma.local [hbm:s3], $0xF7A  }
0x26: {  	[smem:$0x3F8F] =	sst s1;
	(tag) =	ssettag s2;
	_ =	strace s9  }
0x27: {  	s1 =	sld [smem:$0x3F9F]  }
0x28: {  	s2 =	sld [smem:$0x3FA0]  }
0x29: {  	s4 =	sld [smem:$0x3FA2]  }
0x2a: {  	p0 =	seq.s32 s5, $0x0;
	s5 =	sld [smem:$0x3FA3]  }
0x2b: {  	s6 =	sld [smem:$0x3FA4]  }
0x2c: {  	s7 =	sld [smem:$0x3FA5]  }
0x2d: {  	s3 =	simm.s32 $0x108;
	s8 =	sld [smem:$0x3FA6]  }
0x2e: {  	s3 =	simm.s32 @!p0 $0x1082;
	s9 =	sld [smem:$0x3FA7]  }
0x2f: {  	lr =	sadd.s32 s0, s3;
	s0 =	sld [smem:$0x3F9E]  }
0x30: {  	s3 =	sld [smem:$0x3FA1]  }
0x31: {  	[smem:$0x3FAA] =	sst s10  }
0x32: {  	s10 =	sld [smem:$0x3FA8];
	_ =	sdelay $0x3  }
0x33: {  	p0 =	seq.s32 s10, $0x1;
	s10 =	sld [smem:$0x3FAA];
	_ =	sdelay $0x3  }
0x34: {  	[smem:$0x3FAA] =	sst s10  }
0x35: {  	s10 =	sld [smem:$0x3FA9];
	_ =	sdelay $0x3  }
0x36: {  	p1 =	seq.s32 s10, $0x1;
	s10 =	sld [smem:$0x3FAA];
	_ =	sdelay $0x3  }
0x37: {  	[smem:$0x3FAA] =	sst s10  }
0x38: {  	s10 =	sld [smem:$0x3FAB]  }
0x39: {  	_ = 	snop;
	(pc) =	sbr.ind lr, $3  }
0x3a: {  	_ = 	snop  }
0x3b: {  	_ = 	snop  }
0x3c: {  	p2 =	seq.s32 s10, $0x1;
	s10 =	sld [smem:$0x3FAA]  }
0x3d: {  	_ =	shalt  }
0x3e: {  	_ =	shalt  }
0x3f: {  	_ =	shalt  }
0x40: {  	_ =	shalt  }
0x41: {  	_ =	shalt  }
0x42: {  	_ =	shalt  }
0x43: {  	_ =	shalt  }
0x44: {  	_ =	shalt  }
0x45: {  	_ =	shalt  }
0x46: {  	_ =	shalt  }
0x47: {  	_ =	shalt  }
0x48: {  	_ =	shalt  }
0x49: {  	_ =	shalt  }
0x4a: {  	_ =	shalt  }
0x4b: {  	_ =	shalt  }
0x4c: {  	_ =	shalt  }
0x4d: {  	_ =	shalt  }
0x4e: {  	_ =	shalt  }
0x4f: {  	_ =	shalt  }
0x50: {  	_ =	shalt  }
0x51: {  	_ =	shalt  }
0x52: {  	_ =	shalt  }
0x53: {  	_ =	shalt  }
0x54: {  	_ =	shalt  }
0x55: {  	_ =	shalt  }
0x56: {  	_ =	shalt  }
0x57: {  	_ =	shalt  }
0x58: {  	_ =	shalt  }
0x59: {  	_ =	shalt  }
0x5a: {  	_ =	shalt  }
0x5b: {  	_ =	shalt  }
0x5c: {  	_ =	shalt  }
0x5d: {  	_ =	shalt  }
0x5e: {  	_ =	shalt  }
0x5f: {  	_ =	shalt  }
0x60: {  	_ =	shalt  }
0x61: {  	_ =	shalt  }
0x62: {  	_ =	shalt  }
0x63: {  	_ =	shalt  }
0x64: {  	_ =	shalt  }
0x65: {  	_ =	shalt  }
0x66: {  	_ =	shalt  }
0x67: {  	_ =	shalt  }
0x68: {  	_ =	shalt  }
0x69: {  	_ =	shalt  }
0x6a: {  	_ =	shalt  }
0x6b: {  	_ =	shalt  }
0x6c: {  	_ =	shalt  }
0x6d: {  	_ =	shalt  }
0x6e: {  	_ =	shalt  }
0x6f: {  	_ =	shalt  }
0x70: {  	_ =	shalt  }
0x71: {  	_ =	shalt  }
0x72: {  	_ =	shalt  }
0x73: {  	_ =	shalt  }
0x74: {  	_ =	shalt  }
0x75: {  	_ =	shalt  }
0x76: {  	_ =	shalt  }
0x77: {  	_ =	shalt  }
0x78: {  	_ =	shalt  }
0x79: {  	_ =	shalt  }
0x7a: {  	_ =	shalt  }
0x7b: {  	_ =	shalt  }
0x7c: {  	_ =	shalt  }
0x7d: {  	_ =	shalt  }
0x7e: {  	_ =	shalt  }
0x7f: {  	_ =	shalt  }
0x80: {  	_ =	shalt  }
0x81: {  	_ =	shalt  }
0x82: {  	_ =	shalt  }
0x83: {  	_ =	shalt  }
0x84: {  	_ =	shalt  }
0x85: {  	_ =	shalt  }
0x86: {  	_ =	shalt  }
0x87: {  	_ =	shalt  }
.Lfunc_end0:
.L_simem_size_0:
called_computation_lowered:
.L_overlay_start_0:
0x88: {  	s2 =	sld [smem:$0x3FD9]  }
0x89: {  	s3 =	sld [smem:$0x3FFE];
	_ =	sdelay $0x1  }
0x8a: {  	s1 =	srdreg.scid  }
0x8b: {  	s0 =	sand.u32 $0x1, s1  }
0x8c: {  	s17 =	sshll.u32 s0, $0xA;
	s2 =	sadd.s32 s3, s2  }
0x8d: {  	s2 =	sadd.s32 s2, s17  }
0x8e: {  	[smem:$0x3FB6] =	sst s2  }
0x8f: {  	_ = 	snop  }
0x90: {  	s2 =	sld [smem:$0x3FD0];
	(tm) =	ssettm $0x1  }
0x91: {  	s18 =	sld [smem:$0x3FFB];
	_ =	sdelay $0x3  }
0x92: {  	_ =	strace s18  }
0x93: {  	s3 =	sld [smem:$0x3FFC];
	_ =	sdelay $0x3  }
0x94: {  	_ =	strace s3  }
0x95: {  	s3 =	sld [smem:$0x3FFD];
	_ =	sdelay $0x3  }
0x96: {  	_ =	strace s3  }
0x97: {  	_ =	strace $0x8FFFFFFF  }
0x98: {  	s19 =	sld [smem:$0x3FDB];
	_ =	sdelay $0x1  }
0x99: {  	s4 =	simm.s32 $_scs_section_size  }
0x9a: {  	s5 =	simm.s32 $_size__tile_overlayer_lowered;
	s6 =	simm.s32 $_tile_overlayer_lowered  }
0x9b: {  	s22 =	simm.s32 $0x1BFF;
	s21 =	sshll.u32 s6, $0x1;
	s3 =	sadd.s32 s4, s19  }
0x9c: {  	s7 =	simm.s32 $0x0;
	s20 =	sshll.u32 s5, $0x1;
	s5 =	sadd.s32 s21, s3  }
0x9d: {  	[timem:s7], [sflag:s22] =	dma.local [hbm:s5], s20  }
0x9e: {  	_ =	swait.ge [sflag:s22], s20  }
0x9f: {  	s4 =	ssub.s32 $0x0, s20;
	[sflag:s22] =	ssyncset.done $0x0  }
0xa0: {  	[sflag:s22] =	ssyncadd.s32 s4;
	_ =	sdelay $0x1  }
0xa1: {  	s23 =	simm.s32 $0x1B8B  }
0xa2: {  	_ =	swait.ge [sflag:s23], $0x1  }
0xa3: {  	[sflag:s23] =	ssyncset.done $0x0  }
0xa4: {  	s25 =	simm.s32 $0x1B8E;
	s24 =	sld [smem:$0x3FFE];
	[sflag:s23] =	ssyncadd.s32 $0xFFFFFFFF  }
0xa5: {  	s26 =	simm.s32 $execute0_lowered;
	[smem:$0x3FD2] =	sst s25  }
0xa6: {  	s5 =	sshll.u32 s26, $0x1;
	_ =	strace $0x80000046;
	[dreg:$0x1] =	wrdreg $0xFFFFFFFF  }
0xa7: {  	s28 =	simm.s32 $_size_execute0_lowered;
	s3 =	sadd.s32 s3, s5;
	[dreg:$0x0] =	wrdreg $0x0  }
0xa8: {  	s5 =	sshll.u32 s28, $0x1;
	[dreg:$0x2] =	wrdreg s3  }
0xa9: {  	[dreg:$0x3] =	wrdreg s5  }
0xaa: {  	[dreg:$0x4] =	wrdreg $0xC0  }
0xab: {  	_ =	task [dreg:s7], $0x5FFFF  }
0xac: {  	[dreg:$0x1] =	wrdreg $0xFFFFFFFF  }
0xad: {  	[dreg:$0x0] =	wrdreg $0x60  }
0xae: {  	[dreg:$0x2] =	wrdreg s24  }
0xaf: {  	[dreg:$0x3] =	wrdreg s2  }
0xb0: {  	[dreg:$0x4] =	wrdreg $0x92400  }
0xb1: {  	[dreg:$0x5] =	wrdreg $0x9  }
0xb2: {  	_ =	task.clear_ibuf [dreg:s7], $0x6FFFF;
	_ =	strace $0x90000046  }
0xb3: {  	s29 =	simm.s32 $0x9;
	_ =	strace $0x80000048  }
0xb4: {  	_ =	swait.ge [sflag:s29], $0x1  }
0xb5: {  	[sflag:s29] =	ssyncadd.s32 $0xFFFFFFFF  }
0xb6: {  	_ =	strace $0x90000048  }
0xb7: {  	_ =	sfence  }
0xb8: {  	s30 =	sld [smem:$0x0];
	_ =	sdelay $0x2  }
0xb9: {  	s31 =	sshll.u32 s1, $0xD;
	s1 =	sshrl.u32 s1, $0x2  }
0xba: {  	s3 =	sand.u32 $0x4000, s31;
	s1 =	sadd.s32 s1, s30  }
0xbb: {  	s0 =	sor.u32 s3, s0;
	s1 =	sshll.u32 s1, $0x11  }
0xbc: {  	s0 =	sor.u32 s1, s0  }
0xbd: {  	s0 =	sadd.s32 $0x8F2B, s0  }
0xbe: {  	[sflag:s0] =	ssyncadd.remote.s32 $0x1  }
0xbf: {  	_ =	sfence.sel $0xFFFF  }
0xc0: {  	[dreg:$0x0] =	wrdreg $0xFFFFFFFF;
	(pc) =	sbr.abs _section_cstart, $3  }
0xc1: {  	[dreg:$0x1] =	wrdreg $0xFFFFFFFF  }
0xc2: {  	_ =	task.clear_ibuf [dreg:s7], $0x2FFFF;
	_ =	strace $0x9FFFFFFF  }
0xc3: {  	(tm) =	ssettm $0x7FFFFFFF  }
tec
execute0_lowered:
.L_overlay_start_1:
0x0: {  	(tag) =	ssettag $0x1  }
0x1: {  	s24 =	stileid.u32  }
0x2: {  	s0 =	smul.u32 $0xB400, s24  }
0x3: {  	s2 =	srdreg.scid;
	s1 =	sor.u32 $0x10, s24;
	s11 =	smul.u32 $0x50, s24  }
0x4: {  	s5 =	sand.u32 $0x1, s2;
	s6 =	smul.u32 $0xB400, s1  }
0x5: {  	s8 =	rddreg [dreg:$0x0];
	s30 =	simm.s32 $0x6540;
	s7 =	smul.u32 $0x2710, s5  }
0x6: {  	s31 =	simm.s32 $0x3;
	s4 =	sor.u32 $0x20, s24;
	s1 =	smul.u32 $0x50, s1  }
0x7: {  	s2 =	rddreg [dreg:$0x1];
	s13 =	sor.u32 $0x40, s24;
	s9 =	smul.u32 $0xB400, s4  }
0x8: {  	s18 =	sor.u32 $0x50, s24;
	s20 =	sshll.u32 s24, $0x1;
	s12 =	smul.u32 $0x50, s4  }
0x9: {  	s21 =	sor.u32 $0x70, s24;
	p0 =	sgt.u32 s24, $0xC;
	s15 =	smul.u32 $0x50, s13  }
0xa: {  	s4 =	simm.s32 $0x0;
	s16 =	ssub.s32 $0x2, s5;
	s19 =	smul.u32 $0x50, s18  }
0xb: {  	s20 =	sor.u32 s5, s20;
	s23 =	smul.u32 $0x50, s21;
	s3 =	sadd.s32 s11, s7  }
0xc: {  	s5 =	sadd.s32 $0x50A00, s8;
	s1 =	sadd.s32 s7, s1;
	s10 =	smul.u32 $0x12, s3  }
0xd: {  	[smem:$0x7FF] =	sst s4;
	s11 =	sor.u32 $0x30, s24;
	s1 =	smul.u32 $0x12, s1  }
0xe: {  	s17 =	sshrl.u32 s16, $0x1;
	s12 =	sadd.s32 s7, s12;
	s14 =	smul.u32 $0x50, s11  }
0xf: {  	s0 =	sshrl.u32 s0, $0x2;
	s15 =	sadd.s32 s7, s15;
	s12 =	smul.u32 $0x12, s12  }
0x10: {  	s16 =	ssub.s32 s16, s17;
	s17 =	sor.u32 $0x60, s24;
	s15 =	smul.u32 $0x12, s15  }
0x11: {  	s19 =	sadd.s32 s7, s19;
	s6 =	sshrl.u32 s6, $0x2;
	s22 =	smul.u32 $0x50, s17  }
0x12: {  	s3 =	rddreg [dreg:$0x2];
	s19 =	smul.u32 $0x12, s19;
	s14 =	sadd.s32 s7, s14  }
0x13: {  	s22 =	sadd.s32 s7, s22;
	s7 =	sadd.s32 s7, s23;
	s23 =	sadd.s32 $0x7CA00, s8  }
0x14: {  	_ =	strace $0x80000047;
	s14 =	smul.u32 $0x12, s14;
	s10 =	sadd.s32 s23, s10  }
0x15: {  	s22 =	smul.u32 $0x12, s22;
	s1 =	sadd.s32 s23, s1;
	[dreg:$0x4] =	wrdreg s10  }
0x16: {  	s12 =	sadd.s32 s23, s12;
	s25 =	sadd.s32 s23, s15;
	[dreg:$0x5] =	wrdreg s1  }
0x17: {  	s26 =	sadd.s32 s23, s19;
	s19 =	smul.u32 $0xB400, s13;
	[dreg:$0x6] =	wrdreg s12  }
0x18: {  	s29 =	sadd.s32 s6, s3;
	s1 =	smul.u32 $0x12, s7;
	[dreg:$0x8] =	wrdreg s25  }
0x19: {  	s15 =	sadd.s32 $0x2800, s8;
	[dreg:$0x9] =	wrdreg s26;
	s12 =	smul.u32 $0xB400, s11  }
0x1a: {  	s25 =	sadd.s32 s0, s3;
	s26 =	smul.u32 $0xB400, s17;
	s14 =	sadd.s32 s23, s14  }
0x1b: {  	s11 =	smul.u32 $0x2710, s20;
	s10 =	sadd.s32 s23, s22;
	[dreg:$0x7] =	wrdreg s14  }
0x1c: {  	s7 =	simm.s32 $0x32A0;
	s22 =	smul.u32 $0xB400, s18;
	[dreg:$0xa] =	wrdreg s10  }
0x1d: {  	s1 =	sadd.s32 s23, s1;
	s14 =	sadd.s32 $0xC600, s8;
	s23 =	sshrl.u32 s9, $0x2  }
0x1e: {  	s9 =	smul.u32 $0xB400, s21;
	s10 =	sshrl.u32 s19, $0x2;
	s17 =	sshrl.u32 s11, $0x3  }
0x1f: {  	s28 =	sadd.s32 $0xA0, s11;
	s21 =	smax.u32 s16, $0x1;
	s8 =	simm.s32 $0x32F0  }
0x20: {  	[dreg:$0xb] =	wrdreg s1;
	s1 =	sshrl.u32 s12, $0x2;
	s18 =	sadd.s32 s23, s3  }
0x21: {  	s0 =	sshrl.u32 s22, $0x2;
	s6 =	sadd.s32 s10, s3;
	s12 =	sshrl.u32 s26, $0x2  }
0x22: {  	s19 =	sadd.s32 s14, s17;
	s20 =	sadd.s32 s15, s17;
	[dreg:$0x11] =	wrdreg s21  }
0x23: {  	s26 =	sadd.s32 $0x50, s11;
	s10 =	simm.s32 $0x6040;
	[dreg:$0xd] =	wrdreg s6  }
0x24: {  	s11 =	simm.s32 $0x1;
	s1 =	sadd.s32 s1, s3;
	[dreg:$0xf] =	wrdreg s19  }
0x25: {  	s0 =	sadd.s32 s0, s3;
	s22 =	sadd.s32 s12, s3;
	[dreg:$0x10] =	wrdreg s20  }
0x26: {  	s13 =	sshrl.u32 s9, $0x2;
	s6 =	simm.s32 $0x2DA0;
	[dreg:$0xc] =	wrdreg s1  }
0x27: {  	s9 =	simm.s32 $0x3340;
	s12 =	simm.s32 $0x2;
	[dreg:$0xe] =	wrdreg s0  }
0x28: {  	v0 =	vimm.f32 $0.0e+00;
	s23 =	sadd.s32 s13, s3;
	s1 =	simm.s32 $0x50;
	s0 =	simm.s32 $0xA0  }
.LBB2_1:
0x29: {  	s13 =	simm.s32 $0x0;
	s16 =	simm.s32 $0x240  }
.LBB2_2:
0x2a: {  	p1 =	sne.s32 s16, $0xB1C0;
	[tilespmem:s13+$0x65C0] =	vst v0  }
0x2b: {  	[tilespmem:s13+$0x6540] =	vst v0  }
0x2c: {  	[tilespmem:s13+$0x6550] =	vst v0  }
0x2d: {  	[tilespmem:s13+$0x6560] =	vst v0  }
.Ltmp0:
0x2e: {  	[tilespmem:s13+$0x6570] =	vst v0;
	(pc) =	sbr.rel @p1 .LBB2_2-.Ltmp0, $4  }
0x2f: {  	[tilespmem:s13+$0x6580] =	vst v0  }
0x30: {  	[tilespmem:s13+$0x6590] =	vst v0  }
0x31: {  	[tilespmem:s13+$0x65A0] =	vst v0  }
0x32: {  	[tilespmem:s13+$0x65B0] =	vst v0;
	s13 =	sshra.s32 s16, $0x2;
	s16 =	sadd.s32 $0x240, s16  }
0x33: {  	[tilespmem:s13+$0x65C0] =	vst v0  }
0x34: {  	[tilespmem:s13+$0x6540] =	vst v0  }
0x35: {  	[tilespmem:s13+$0x6550] =	vst v0  }
0x36: {  	[tilespmem:s13+$0x6560] =	vst v0  }
0x37: {  	[tilespmem:s13+$0x6570] =	vst v0  }
0x38: {  	[tilespmem:s13+$0x6580] =	vst v0  }
0x39: {  	[tilespmem:s13+$0x6590] =	vst v0  }
0x3a: {  	[tilespmem:s13+$0x65A0] =	vst v0  }
0x3b: {  	[tilespmem:s13+$0x65B0] =	vst v0  }
0x3c: {  	[spmem:s25] =	stream.linear.scatter [tilespmem:s30], [sflag:$0x3], $0x2D00, $0x38;
	[tilespmem:$0x1F1D0] =	vst v63  }
0x3d: {  	_ =	swait.ge [sflag:s31], $0x2D00  }
0x3e: {  	[sflag:s31] =	ssyncset.done $0x0  }
0x3f: {  	[sflag:s31] =	ssyncadd.s32 $0xFFFFD300  }
0x40: {  	[spmem:s29] =	stream.linear.scatter [tilespmem:s30], [sflag:$0x3], $0x2D00, $0x38;
	[tilespmem:$0x1F1D0] =	vst v63  }
0x41: {  	_ =	swait.ge [sflag:s31], $0x2D00  }
0x42: {  	[sflag:s31] =	ssyncset.done $0x0  }
0x43: {  	[sflag:s31] =	ssyncadd.s32 $0xFFFFD300  }
0x44: {  	[spmem:s18] =	stream.linear.scatter [tilespmem:s30], [sflag:$0x3], $0x2D00, $0x38;
	[tilespmem:$0x1F1D0] =	vst v63  }
0x45: {  	_ =	swait.ge [sflag:s31], $0x2D00  }
0x46: {  	[sflag:s31] =	ssyncset.done $0x0  }
0x47: {  	s21 =	smov.u32 s18;
	s18 =	rddreg [dreg:$0xc];
	[sflag:s31] =	ssyncadd.s32 $0xFFFFD300  }
0x48: {  	[spmem:s18] =	stream.linear.scatter [tilespmem:s30], [sflag:$0x3], $0x2D00, $0x38;
	[tilespmem:$0x1F1D0] =	vst v63  }
0x49: {  	_ =	swait.ge [sflag:s31], $0x2D00  }
0x4a: {  	[sflag:s31] =	ssyncset.done $0x0  }
0x4b: {  	s24 =	rddreg [dreg:$0xd];
	[sflag:s31] =	ssyncadd.s32 $0xFFFFD300  }
0x4c: {  	[spmem:s24] =	stream.linear.scatter [tilespmem:s30], [sflag:$0x3], $0x2D00, $0x38;
	[tilespmem:$0x1F1D0] =	vst v63  }
0x4d: {  	_ =	swait.ge [sflag:s31], $0x2D00  }
0x4e: {  	[sflag:s31] =	ssyncset.done $0x0  }
0x4f: {  	s19 =	smov.u32 s25;
	s25 =	rddreg [dreg:$0xe];
	[sflag:s31] =	ssyncadd.s32 $0xFFFFD300  }
0x50: {  	[spmem:s25] =	stream.linear.scatter [tilespmem:s30], [sflag:$0x3], $0x2D00, $0x38;
	[tilespmem:$0x1F1D0] =	vst v63  }
0x51: {  	_ =	swait.ge [sflag:s31], $0x2D00  }
0x52: {  	[sflag:s31] =	ssyncset.done $0x0  }
0x53: {  	[sflag:s31] =	ssyncadd.s32 $0xFFFFD300  }
0x54: {  	[spmem:s22] =	stream.linear.scatter [tilespmem:s30], [sflag:$0x3], $0x2D00, $0x38;
	[tilespmem:$0x1F1D0] =	vst v63  }
0x55: {  	_ =	swait.ge [sflag:s31], $0x2D00  }
0x56: {  	[sflag:s31] =	ssyncset.done $0x0  }
0x57: {  	s13 =	simm.s32 @!p0 $0x6540;
	[sflag:s31] =	ssyncadd.s32 $0xFFFFD300  }
0x58: {  	[spmem:s23] =	stream.linear.scatter @!p0 [tilespmem:s13], [sflag:$0x3], $0x2D00, $0x38;
	[tilespmem:$0x1F1D0] =	vst v63  }
0x59: {  	s13 =	simm.s32 @!p0 $0x3  }
0x5a: {  	_ =	swait.ge @!p0 [sflag:s13], $0x2D00  }
0x5b: {  	[sflag:s13] =	ssyncset.done @!p0 $0x0  }
0x5c: {  	[sflag:s13] =	ssyncadd.s32 @!p0 $0xFFFFD300  }
0x5d: {  	[bflag:$0x0] =	sbarrier.arrive $0xFFFF  }
0x5e: {  	s13 =	simm.s32 $0x0;
	s16 =	rddreg [dreg:$0xf]  }
0x5f: {  	[tilespmem:s13], [sflag:$0x3] =	stream.linear.gather [hbm4b:s16+s13], $0x50, $0x38;
	[tilespmem:$0x1F1D0] =	vst v63  }
0x60: {  	_ =	swait.ge [sflag:s31], $0x50  }
0x61: {  	[sflag:s31] =	ssyncset.done $0x0  }
0x62: {  	s20 =	smov.u32 s29;
	s29 =	rddreg [dreg:$0x10];
	[sflag:s31] =	ssyncadd.s32 $0xFFFFFFB0  }
0x63: {  	[tilespmem:s1], [sflag:$0x3] =	stream.linear.gather [hbm4b:s29+s13], $0x50, $0x38;
	[tilespmem:$0x1F1D0] =	vst v63  }
0x64: {  	_ =	swait.ge [sflag:s31], $0x50  }
0x65: {  	[sflag:s31] =	ssyncset.done $0x0  }
0x66: {  	[sflag:s31] =	ssyncadd.s32 $0xFFFFFFB0  }
0x67: {  	[tilespmem:s0], [sflag:$0x1] =	stream.indirect.gather [hbm4b:s5+s1], $0x90, s13, s1, $0xb8;
	[tilespmem:$0x1F1D0] =	vst v63  }
0x68: {  	s24 =	simm.s32 $0x0  }
0x69: {  	[tilespmem:s6], [sflag:$0x1] =	stream.indirect.gather [hbm4b:s2+s1], $0x10, s1, s1, $0xb8;
	[tilespmem:$0x1F1D0] =	vst v63  }
.LBB2_4:
0x6a: {  	s25 =	smul.u32 $0xA0, s24;
	_ =	sdelay $0x1  }
0x6b: {  	s16 =	sadd.s32 s25, s26  }
0x6c: {  	s16 =	sshrl.u32 s16, $0x3  }
0x6d: {  	s17 =	sadd.s32 s14, s16  }
0x6e: {  	[tilespmem:s7], [sflag:$0x3] =	stream.linear.gather [hbm4b:s17+s13], $0x50, $0x38;
	[tilespmem:$0x1F1D0] =	vst v63  }
0x6f: {  	_ =	swait.ge [sflag:s31], $0x50  }
0x70: {  	[sflag:s31] =	ssyncset.done $0x0  }
0x71: {  	s16 =	sadd.s32 s15, s16;
	[sflag:s31] =	ssyncadd.s32 $0xFFFFFFB0  }
0x72: {  	[tilespmem:s8], [sflag:$0x3] =	stream.linear.gather [hbm4b:s16+s13], $0x50, $0x38;
	[tilespmem:$0x1F1D0] =	vst v63  }
0x73: {  	_ =	swait.ge [sflag:s31], $0x50  }
0x74: {  	[sflag:s31] =	ssyncset.done $0x0  }
0x75: {  	[sflag:s31] =	ssyncadd.s32 $0xFFFFFFB0  }
0x76: {  	[tilespmem:s9], [sflag:$0x2] =	stream.indirect.gather [hbm4b:s5+s1], $0x90, s7, s1, $0xb8;
	[tilespmem:$0x1F1D0] =	vst v63  }
0x77: {  	_ = 	snop  }
0x78: {  	[tilespmem:s10], [sflag:$0x2] =	stream.indirect.gather [hbm4b:s2+s1], $0x10, s8, s1, $0xb8;
	[tilespmem:$0x1F1D0] =	vst v63  }
0x79: {  	_ =	swait.ge [sflag:s11], $0x2D00  }
0x7a: {  	[sflag:s11] =	ssyncset.done $0x0  }
0x7b: {  	[sflag:s11] =	ssyncadd.s32 $0xFFFFD300  }
0x7c: {  	_ =	swait.ge [sflag:s11], $0x500  }
0x7d: {  	[sflag:s11] =	ssyncset.done $0x0  }
0x7e: {  	s29 =	simm.s32 $0x0;
	[sflag:s11] =	ssyncadd.s32 $0xFFFFFB00  }
0x7f: {  	s17 =	simm.s32 $0x240;
	s16 =	simm.s32 $0x2DA0;
	v1 =	vld [tilespmem:s29+$0x120]  }
.LBB2_5:
0x80: {  	p1 =	sne.s32 s17, $0xB1C0;
	v2 =	vld [tilespmem:s16+$0x0];
	_ =	sdelay $0x4  }
0x81: {  	v1 =	vadd.f32 v2, v1;
	_ =	sdelay $0x1  }
0x82: {  	v2 =	vmul.f32 $2.000000030e-01, v1;
	_ =	sdelay $0x1  }
0x83: {  	v1 =	vmax.f32 v1, v2  }
0x84: {  	v1 =	vmul.f32 $1.442695020e+00, v1;
	_ =	sdelay $0x1  }
0x85: {  	(erf) = vpow2.f32 v1;
	_ =	sdelay $0x4  }
0x86: {  	v1 =	vld [tilespmem:s29+$0xA0]  }
0x87: {  	v2 =	vld [tilespmem:s29+$0xB0]  }
0x88: {  	v3 =	vld [tilespmem:s29+$0xC0]  }
0x89: {  	v4 =	vld [tilespmem:s29+$0xD0]  }
0x8a: {  	v5 =	vld [tilespmem:s29+$0xE0];
	v6 =	vpop (erf)  }
0x8b: {  	[tilespmem:s29+$0x65C0] =	vst v6;
	v7 =	vbroadcast v6, $0x0;
	v8 =	vbroadcast v6, $0x1;
	v9 =	vld [tilespmem:s29+$0xF0]  }
0x8c: {  	v10 =	vbroadcast v6, $0x2;
	v11 =	vbroadcast v6, $0x3;
	v12 =	vld [tilespmem:s29+$0x100]  }
0x8d: {  	v1 =	vmul.f32 v7, v1;
	v2 =	vmul.f32 v8, v2;
	v7 =	vld [tilespmem:s29+$0x110]  }
0x8e: {  	v3 =	vmul.f32 v10, v3;
	v4 =	vmul.f32 v4, v11  }
0x8f: {  	v8 =	vbroadcast v6, $0x5;
	[tilespmem:s29+$0x6540] =	vst v1;
	v1 =	vbroadcast v6, $0x4  }
0x90: {  	[tilespmem:s29+$0x6550] =	vst v2;
	v2 =	vbroadcast v6, $0x6;
	v6 =	vbroadcast v6, $0x7  }
0x91: {  	[tilespmem:s29+$0x6560] =	vst v3;
	v1 =	vmul.f32 v5, v1;
	v3 =	vmul.f32 v9, v8  }
.Ltmp1:
0x92: {  	[tilespmem:s29+$0x6570] =	vst v4;
	v2 =	vmul.f32 v12, v2;
	v4 =	vmul.f32 v7, v6;
	(pc) =	sbr.rel @p1 .LBB2_5-.Ltmp1, $4  }
0x93: {  	[tilespmem:s29+$0x6580] =	vst v1  }
0x94: {  	[tilespmem:s29+$0x6590] =	vst v3  }
0x95: {  	s18 =	sshra.s32 s17, $0x2;
	[tilespmem:s29+$0x65A0] =	vst v2  }
0x96: {  	s17 =	sadd.s32 $0x240, s17;
	s16 =	sadd.s32 $0x10, s16;
	v1 =	vld [tilespmem:s18+$0x120];
	[tilespmem:s29+$0x65B0] =	vst v4;
	s29 =	smov.u32 s18  }
0x97: {  	v2 =	vld [tilespmem:s16+$0x0];
	_ =	sdelay $0x4  }
0x98: {  	v1 =	vadd.f32 v2, v1;
	_ =	sdelay $0x1  }
0x99: {  	v2 =	vmul.f32 $2.000000030e-01, v1;
	_ =	sdelay $0x1  }
0x9a: {  	v1 =	vmax.f32 v1, v2  }
0x9b: {  	v1 =	vmul.f32 $1.442695020e+00, v1;
	_ =	sdelay $0x1  }
0x9c: {  	(erf) = vpow2.f32 v1;
	_ =	sdelay $0x6  }
0x9d: {  	v1 =	vld [tilespmem:s29+$0xA0]  }
0x9e: {  	v2 =	vld [tilespmem:s29+$0xB0]  }
0x9f: {  	v3 =	vld [tilespmem:s29+$0xC0];
	v6 =	vpop (erf)  }
0xa0: {  	v4 =	vld [tilespmem:s29+$0xD0];
	v7 =	vbroadcast v6, $0x0  }
0xa1: {  	v9 =	vld [tilespmem:s29+$0xF0];
	v8 =	vbroadcast v6, $0x1  }
0xa2: {  	v5 =	vld [tilespmem:s29+$0xE0];
	v10 =	vbroadcast v6, $0x2;
	v1 =	vmul.f32 v7, v1  }
0xa3: {  	v11 =	vld [tilespmem:s29+$0x100];
	[tilespmem:s29+$0x65C0] =	vst v6;
	v60 =	vbroadcast v6, $0x3;
	v2 =	vmul.f32 v8, v2  }
0xa4: {  	v61 =	vld [tilespmem:s29+$0x110];
	v62 =	vbroadcast v6, $0x5;
	v3 =	vmul.f32 v10, v3;
	[tilespmem:s29+$0x6540] =	vst v1  }
0xa5: {  	v4 =	vmul.f32 v4, v60;
	v1 =	vbroadcast v6, $0x4;
	[tilespmem:s29+$0x6550] =	vst v2  }
0xa6: {  	v63 =	vmul.f32 v9, v62;
	v2 =	vbroadcast v6, $0x6;
	[tilespmem:s29+$0x6560] =	vst v3  }
0xa7: {  	v3 =	vbroadcast v6, $0x7;
	[tilespmem:s29+$0x6570] =	vst v4;
	v1 =	vmul.f32 v5, v1  }
0xa8: {  	[tilespmem:s29+$0x6590] =	vst v63;
	v2 =	vmul.f32 v11, v2  }
0xa9: {  	[tilespmem:s29+$0x6580] =	vst v1;
	v1 =	vmul.f32 v61, v3  }
0xaa: {  	[tilespmem:s29+$0x65A0] =	vst v2  }
0xab: {  	[tilespmem:s29+$0x65B0] =	vst v1  }
0xac: {  	[spmem:s3] =	stream.indirect.scatter.add.f32 [tilespmem:s30], [sflag:$0x3], $0x90, s1, s1, $0xb8;
	[tilespmem:$0x1F1D0] =	vst v63  }
0xad: {  	s29 =	sadd.s32 s25, s28;
	_ =	swait.ge [sflag:s31], $0x2D00  }
0xae: {  	s16 =	sshrl.u32 s29, $0x3;
	[sflag:s31] =	ssyncset.done $0x0  }
0xaf: {  	s18 =	simm.s32 $0x0;
	s17 =	sadd.s32 s14, s16;
	[sflag:s31] =	ssyncadd.s32 $0xFFFFD300  }
0xb0: {  	[tilespmem:s18], [sflag:$0x3] =	stream.linear.gather [hbm4b:s17+s18], $0x50, $0x38;
	[tilespmem:$0x1F1D0] =	vst v63  }
0xb1: {  	_ =	swait.ge [sflag:s31], $0x50  }
0xb2: {  	[sflag:s31] =	ssyncset.done $0x0  }
0xb3: {  	s16 =	sadd.s32 s15, s16;
	[sflag:s31] =	ssyncadd.s32 $0xFFFFFFB0  }
0xb4: {  	[tilespmem:s1], [sflag:$0x3] =	stream.linear.gather [hbm4b:s16+s18], $0x50, $0x38;
	[tilespmem:$0x1F1D0] =	vst v63  }
0xb5: {  	_ =	swait.ge [sflag:s31], $0x50  }
0xb6: {  	[sflag:s31] =	ssyncset.done $0x0  }
0xb7: {  	[sflag:s31] =	ssyncadd.s32 $0xFFFFFFB0  }
0xb8: {  	[tilespmem:s0], [sflag:$0x1] =	stream.indirect.gather [hbm4b:s5+s1], $0x90, s18, s1, $0xb8;
	[tilespmem:$0x1F1D0] =	vst v63  }
0xb9: {  	_ = 	snop  }
0xba: {  	[tilespmem:s6], [sflag:$0x1] =	stream.indirect.gather [hbm4b:s2+s1], $0x10, s1, s1, $0xb8;
	[tilespmem:$0x1F1D0] =	vst v63  }
0xbb: {  	_ =	swait.ge [sflag:s12], $0x2D00  }
0xbc: {  	[sflag:s12] =	ssyncset.done $0x0  }
0xbd: {  	[sflag:s12] =	ssyncadd.s32 $0xFFFFD300  }
0xbe: {  	_ =	swait.ge [sflag:s12], $0x500  }
0xbf: {  	[sflag:s12] =	ssyncset.done $0x0  }
0xc0: {  	s25 =	simm.s32 $0x0;
	[sflag:s12] =	ssyncadd.s32 $0xFFFFFB00  }
0xc1: {  	s17 =	simm.s32 $0x240;
	s16 =	simm.s32 $0x6040;
	v1 =	vld [tilespmem:s25+$0x33C0]  }
.LBB2_7:
0xc2: {  	p1 =	sne.s32 s17, $0xB1C0;
	v2 =	vld [tilespmem:s16+$0x0];
	_ =	sdelay $0x4  }
0xc3: {  	v1 =	vadd.f32 v2, v1;
	_ =	sdelay $0x1  }
0xc4: {  	v2 =	vmul.f32 $2.000000030e-01, v1;
	_ =	sdelay $0x1  }
0xc5: {  	v1 =	vmax.f32 v1, v2  }
0xc6: {  	v1 =	vmul.f32 $1.442695020e+00, v1;
	_ =	sdelay $0x1  }
0xc7: {  	(erf) = vpow2.f32 v1;
	_ =	sdelay $0x4  }
0xc8: {  	v1 =	vld [tilespmem:s25+$0x3340]  }
0xc9: {  	v2 =	vld [tilespmem:s25+$0x3350]  }
0xca: {  	v3 =	vld [tilespmem:s25+$0x3360]  }
0xcb: {  	v4 =	vld [tilespmem:s25+$0x3370]  }
0xcc: {  	v5 =	vld [tilespmem:s25+$0x3380];
	v6 =	vpop (erf)  }
0xcd: {  	[tilespmem:s25+$0x65C0] =	vst v6;
	v7 =	vbroadcast v6, $0x0;
	v8 =	vbroadcast v6, $0x1;
	v9 =	vld [tilespmem:s25+$0x3390]  }
0xce: {  	v10 =	vbroadcast v6, $0x2;
	v11 =	vbroadcast v6, $0x3;
	v12 =	vld [tilespmem:s25+$0x33A0]  }
0xcf: {  	v1 =	vmul.f32 v7, v1;
	v2 =	vmul.f32 v8, v2;
	v7 =	vld [tilespmem:s25+$0x33B0]  }
0xd0: {  	v3 =	vmul.f32 v10, v3;
	v4 =	vmul.f32 v4, v11  }
0xd1: {  	v8 =	vbroadcast v6, $0x5;
	[tilespmem:s25+$0x6540] =	vst v1;
	v1 =	vbroadcast v6, $0x4  }
0xd2: {  	[tilespmem:s25+$0x6550] =	vst v2;
	v2 =	vbroadcast v6, $0x6;
	v6 =	vbroadcast v6, $0x7  }
0xd3: {  	[tilespmem:s25+$0x6560] =	vst v3;
	v1 =	vmul.f32 v5, v1;
	v3 =	vmul.f32 v9, v8  }
.Ltmp2:
0xd4: {  	[tilespmem:s25+$0x6570] =	vst v4;
	v2 =	vmul.f32 v12, v2;
	v4 =	vmul.f32 v7, v6;
	(pc) =	sbr.rel @p1 .LBB2_7-.Ltmp2, $4  }
0xd5: {  	[tilespmem:s25+$0x6580] =	vst v1  }
0xd6: {  	[tilespmem:s25+$0x6590] =	vst v3  }
0xd7: {  	s18 =	sshra.s32 s17, $0x2;
	[tilespmem:s25+$0x65A0] =	vst v2  }
0xd8: {  	s17 =	sadd.s32 $0x240, s17;
	s16 =	sadd.s32 $0x10, s16;
	v1 =	vld [tilespmem:s18+$0x33C0];
	[tilespmem:s25+$0x65B0] =	vst v4;
	s25 =	smov.u32 s18  }
0xd9: {  	v2 =	vld [tilespmem:s16+$0x0];
	_ =	sdelay $0x4  }
0xda: {  	v1 =	vadd.f32 v2, v1;
	_ =	sdelay $0x1  }
0xdb: {  	v2 =	vmul.f32 $2.000000030e-01, v1;
	_ =	sdelay $0x1  }
0xdc: {  	v1 =	vmax.f32 v1, v2  }
0xdd: {  	v1 =	vmul.f32 $1.442695020e+00, v1;
	_ =	sdelay $0x1  }
0xde: {  	(erf) = vpow2.f32 v1;
	_ =	sdelay $0x6  }
0xdf: {  	v1 =	vld [tilespmem:s25+$0x3340]  }
0xe0: {  	v2 =	vld [tilespmem:s25+$0x3350]  }
0xe1: {  	v3 =	vld [tilespmem:s25+$0x3360];
	v6 =	vpop (erf)  }
0xe2: {  	v4 =	vld [tilespmem:s25+$0x3370];
	v7 =	vbroadcast v6, $0x0  }
0xe3: {  	v9 =	vld [tilespmem:s25+$0x3390];
	v8 =	vbroadcast v6, $0x1  }
0xe4: {  	v5 =	vld [tilespmem:s25+$0x3380];
	v10 =	vbroadcast v6, $0x2;
	v1 =	vmul.f32 v7, v1  }
0xe5: {  	v11 =	vld [tilespmem:s25+$0x33A0];
	[tilespmem:s25+$0x65C0] =	vst v6;
	v60 =	vbroadcast v6, $0x3;
	v2 =	vmul.f32 v8, v2  }
0xe6: {  	v61 =	vld [tilespmem:s25+$0x33B0];
	v62 =	vbroadcast v6, $0x5;
	v3 =	vmul.f32 v10, v3;
	[tilespmem:s25+$0x6540] =	vst v1  }
0xe7: {  	v4 =	vmul.f32 v4, v60;
	v1 =	vbroadcast v6, $0x4;
	[tilespmem:s25+$0x6550] =	vst v2  }
0xe8: {  	v63 =	vmul.f32 v9, v62;
	v2 =	vbroadcast v6, $0x6;
	[tilespmem:s25+$0x6560] =	vst v3  }
0xe9: {  	v3 =	vbroadcast v6, $0x7;
	[tilespmem:s25+$0x6570] =	vst v4;
	v1 =	vmul.f32 v5, v1  }
0xea: {  	[tilespmem:s25+$0x6590] =	vst v63;
	v2 =	vmul.f32 v11, v2  }
0xeb: {  	s24 =	sadd.s32 $0x1, s24;
	[tilespmem:s25+$0x6580] =	vst v1;
	v1 =	vmul.f32 v61, v3  }
0xec: {  	p1 =	sne.s32 s24, $0x3E;
	[tilespmem:s25+$0x65A0] =	vst v2  }
.Ltmp3:
0xed: {  	[tilespmem:s25+$0x65B0] =	vst v1;
	(pc) =	sbr.rel @p1 .LBB2_4-.Ltmp3, $4  }
0xee: {  	[spmem:s3] =	stream.indirect.scatter.add.f32 [tilespmem:s30], [sflag:$0x3], $0x90, s8, s1, $0xb8;
	[tilespmem:$0x1F1D0] =	vst v63  }
0xef: {  	_ =	swait.ge [sflag:s31], $0x2D00  }
0xf0: {  	[sflag:s31] =	ssyncset.done $0x0  }
0xf1: {  	[sflag:s31] =	ssyncadd.s32 $0xFFFFD300  }
0xf2: {  	_ =	swait.ge [sflag:s11], $0x2D00  }
0xf3: {  	[sflag:s11] =	ssyncset.done $0x0  }
0xf4: {  	[sflag:s11] =	ssyncadd.s32 $0xFFFFD300  }
0xf5: {  	_ =	swait.ge [sflag:s11], $0x500  }
0xf6: {  	[sflag:s11] =	ssyncset.done $0x0  }
0xf7: {  	s13 =	simm.s32 $0x0;
	[sflag:s11] =	ssyncadd.s32 $0xFFFFFB00  }
0xf8: {  	s16 =	simm.s32 $0x2DA0;
	s17 =	simm.s32 $0x240;
	v1 =	vld [tilespmem:s13+$0x120]  }
.LBB2_10:
0xf9: {  	p1 =	sne.s32 s17, $0xB1C0;
	v2 =	vld [tilespmem:s16+$0x0];
	_ =	sdelay $0x4  }
0xfa: {  	v1 =	vadd.f32 v2, v1;
	_ =	sdelay $0x1  }
0xfb: {  	v2 =	vmul.f32 $2.000000030e-01, v1;
	_ =	sdelay $0x1  }
0xfc: {  	v1 =	vmax.f32 v1, v2  }
0xfd: {  	v1 =	vmul.f32 $1.442695020e+00, v1;
	_ =	sdelay $0x1  }
0xfe: {  	(erf) = vpow2.f32 v1;
	_ =	sdelay $0x4  }
0xff: {  	v1 =	vld [tilespmem:s13+$0xA0]  }
0x100: {  	v2 =	vld [tilespmem:s13+$0xB0]  }
0x101: {  	v3 =	vld [tilespmem:s13+$0xC0]  }
0x102: {  	v4 =	vld [tilespmem:s13+$0xD0]  }
0x103: {  	v5 =	vld [tilespmem:s13+$0xE0];
	v6 =	vpop (erf)  }
0x104: {  	[tilespmem:s13+$0x65C0] =	vst v6;
	v7 =	vbroadcast v6, $0x0;
	v8 =	vbroadcast v6, $0x1;
	v9 =	vld [tilespmem:s13+$0xF0]  }
0x105: {  	v10 =	vbroadcast v6, $0x2;
	v11 =	vbroadcast v6, $0x3;
	v12 =	vld [tilespmem:s13+$0x100]  }
0x106: {  	v1 =	vmul.f32 v7, v1;
	v2 =	vmul.f32 v8, v2;
	v7 =	vld [tilespmem:s13+$0x110]  }
0x107: {  	v3 =	vmul.f32 v10, v3;
	v4 =	vmul.f32 v4, v11  }
0x108: {  	v8 =	vbroadcast v6, $0x5;
	[tilespmem:s13+$0x6540] =	vst v1;
	v1 =	vbroadcast v6, $0x4  }
0x109: {  	[tilespmem:s13+$0x6550] =	vst v2;
	v2 =	vbroadcast v6, $0x6;
	v6 =	vbroadcast v6, $0x7  }
0x10a: {  	[tilespmem:s13+$0x6560] =	vst v3;
	v1 =	vmul.f32 v5, v1;
	v3 =	vmul.f32 v9, v8  }
.Ltmp4:
0x10b: {  	[tilespmem:s13+$0x6570] =	vst v4;
	v2 =	vmul.f32 v12, v2;
	v4 =	vmul.f32 v7, v6;
	(pc) =	sbr.rel @p1 .LBB2_10-.Ltmp4, $4  }
0x10c: {  	[tilespmem:s13+$0x6580] =	vst v1  }
0x10d: {  	[tilespmem:s13+$0x6590] =	vst v3  }
0x10e: {  	s18 =	sshra.s32 s17, $0x2;
	[tilespmem:s13+$0x65A0] =	vst v2  }
0x10f: {  	s17 =	sadd.s32 $0x240, s17;
	s16 =	sadd.s32 $0x10, s16;
	v1 =	vld [tilespmem:s18+$0x120];
	[tilespmem:s13+$0x65B0] =	vst v4;
	s13 =	smov.u32 s18  }
0x110: {  	v2 =	vld [tilespmem:s16+$0x0];
	_ =	sdelay $0x4  }
0x111: {  	v1 =	vadd.f32 v2, v1;
	_ =	sdelay $0x1  }
0x112: {  	v2 =	vmul.f32 $2.000000030e-01, v1;
	_ =	sdelay $0x1  }
0x113: {  	v1 =	vmax.f32 v1, v2  }
0x114: {  	v1 =	vmul.f32 $1.442695020e+00, v1;
	_ =	sdelay $0x1  }
0x115: {  	(erf) = vpow2.f32 v1;
	_ =	sdelay $0x6  }
0x116: {  	v1 =	vld [tilespmem:s13+$0xA0]  }
0x117: {  	v2 =	vld [tilespmem:s13+$0xB0]  }
0x118: {  	v3 =	vld [tilespmem:s13+$0xC0];
	v6 =	vpop (erf)  }
0x119: {  	v4 =	vld [tilespmem:s13+$0xD0];
	v7 =	vbroadcast v6, $0x0  }
0x11a: {  	v9 =	vld [tilespmem:s13+$0xF0];
	v8 =	vbroadcast v6, $0x1  }
0x11b: {  	v5 =	vld [tilespmem:s13+$0xE0];
	v10 =	vbroadcast v6, $0x2;
	v1 =	vmul.f32 v7, v1  }
0x11c: {  	v11 =	vld [tilespmem:s13+$0x100];
	[tilespmem:s13+$0x65C0] =	vst v6;
	v60 =	vbroadcast v6, $0x3;
	v2 =	vmul.f32 v8, v2  }
0x11d: {  	v61 =	vld [tilespmem:s13+$0x110];
	v62 =	vbroadcast v6, $0x5;
	v3 =	vmul.f32 v10, v3;
	[tilespmem:s13+$0x6540] =	vst v1  }
0x11e: {  	v4 =	vmul.f32 v4, v60;
	v1 =	vbroadcast v6, $0x4;
	[tilespmem:s13+$0x6550] =	vst v2  }
0x11f: {  	v63 =	vmul.f32 v9, v62;
	v2 =	vbroadcast v6, $0x6;
	[tilespmem:s13+$0x6560] =	vst v3  }
0x120: {  	v3 =	vbroadcast v6, $0x7;
	[tilespmem:s13+$0x6570] =	vst v4;
	v1 =	vmul.f32 v5, v1  }
0x121: {  	[tilespmem:s13+$0x6590] =	vst v63;
	v2 =	vmul.f32 v11, v2  }
0x122: {  	[tilespmem:s13+$0x6580] =	vst v1;
	v1 =	vmul.f32 v61, v3  }
0x123: {  	[tilespmem:s13+$0x65A0] =	vst v2  }
0x124: {  	[tilespmem:s13+$0x65B0] =	vst v1  }
0x125: {  	[spmem:s3] =	stream.indirect.scatter.add.f32 [tilespmem:s30], [sflag:$0x3], $0x90, s1, s1, $0xb8;
	[tilespmem:$0x1F1D0] =	vst v63  }
0x126: {  	_ =	swait.ge [sflag:s31], $0x2D00  }
0x127: {  	[sflag:s31] =	ssyncset.done $0x0  }
0x128: {  	s17 =	stileid.u32;
	[sflag:s31] =	ssyncadd.s32 $0xFFFFD300  }
0x129: {  	s13 =	sshll.u32 s17, $0x6;
	[bflag:$0x0] =	sbarrier.arrive $0xFFFF  }
0x12a: {  	s18 =	sshrl.u32 s19, $0x3;
	s13 =	sor.u32 $0x1C03, s13;
	s17 =	rddreg [dreg:$0x4]  }
0x12b: {  	[hbm:s17], [sflag:s13] =	dma.local [spmem:s18], $0x5A0  }
0x12c: {  	_ =	swait.ge [sflag:s31], $0x5A0  }
0x12d: {  	s25 =	smov.u32 s19;
	s29 =	smov.u32 s20;
	[sflag:s31] =	ssyncset.done $0x0  }
0x12e: {  	s19 =	sshrl.u32 s20, $0x3;
	s20 =	rddreg [dreg:$0x5];
	[sflag:s31] =	ssyncadd.s32 $0xFFFFFA60  }
0x12f: {  	[hbm:s20], [sflag:s13] =	dma.local [spmem:s19], $0x5A0  }
0x130: {  	_ =	swait.ge [sflag:s31], $0x5A0  }
0x131: {  	s18 =	smov.u32 s21;
	[sflag:s31] =	ssyncset.done $0x0  }
0x132: {  	s21 =	sshrl.u32 s21, $0x3;
	s24 =	rddreg [dreg:$0x6];
	[sflag:s31] =	ssyncadd.s32 $0xFFFFFA60  }
0x133: {  	[hbm:s24], [sflag:s13] =	dma.local [spmem:s21], $0x5A0  }
0x134: {  	_ =	swait.ge [sflag:s31], $0x5A0  }
0x135: {  	[sflag:s31] =	ssyncset.done $0x0;
	s19 =	rddreg [dreg:$0xc]  }
0x136: {  	s20 =	rddreg [dreg:$0x7];
	[sflag:s31] =	ssyncadd.s32 $0xFFFFFA60;
	s16 =	sshrl.u32 s19, $0x3  }
0x137: {  	[hbm:s20], [sflag:s13] =	dma.local [spmem:s16], $0x5A0  }
0x138: {  	_ =	swait.ge [sflag:s31], $0x5A0  }
0x139: {  	[sflag:s31] =	ssyncset.done $0x0;
	s21 =	rddreg [dreg:$0xd]  }
0x13a: {  	s24 =	rddreg [dreg:$0x8];
	[sflag:s31] =	ssyncadd.s32 $0xFFFFFA60;
	s16 =	sshrl.u32 s21, $0x3  }
0x13b: {  	[hbm:s24], [sflag:s13] =	dma.local [spmem:s16], $0x5A0  }
0x13c: {  	_ =	swait.ge [sflag:s31], $0x5A0  }
0x13d: {  	[sflag:s31] =	ssyncset.done $0x0;
	s17 =	rddreg [dreg:$0xe]  }
0x13e: {  	s19 =	rddreg [dreg:$0x9];
	[sflag:s31] =	ssyncadd.s32 $0xFFFFFA60;
	s16 =	sshrl.u32 s17, $0x3  }
0x13f: {  	[hbm:s19], [sflag:s13] =	dma.local [spmem:s16], $0x5A0  }
0x140: {  	_ =	swait.ge [sflag:s31], $0x5A0  }
0x141: {  	[sflag:s31] =	ssyncset.done $0x0  }
0x142: {  	s20 =	sshrl.u32 s22, $0x3;
	s21 =	rddreg [dreg:$0xa];
	[sflag:s31] =	ssyncadd.s32 $0xFFFFFA60  }
0x143: {  	[hbm:s21], [sflag:s13] =	dma.local [spmem:s20], $0x5A0  }
0x144: {  	_ =	swait.ge [sflag:s31], $0x5A0  }
0x145: {  	[sflag:s31] =	ssyncset.done $0x0  }
0x146: {  	s16 =	sshrl.u32 @!p0 s23, $0x3;
	s17 =	rddreg [dreg:$0xb];
	[sflag:s31] =	ssyncadd.s32 $0xFFFFFA60  }
0x147: {  	[hbm:s17], [sflag:s13] =	dma.local @!p0 [spmem:s16], $0x5A0  }
0x148: {  	s13 =	simm.s32 @!p0 $0x3  }
0x149: {  	_ =	swait.ge @!p0 [sflag:s13], $0x5A0  }
0x14a: {  	s4 =	sadd.s32 $0x1, s4;
	s24 =	rddreg [dreg:$0x11]  }
0x14b: {  	p1 =	sne.s32 s4, s24  }
.Ltmp5:
0x14c: {  	_ = 	snop;
	(pc) =	sbr.rel @p1 .LBB2_1-.Ltmp5, $3  }
0x14d: {  	_ =	sdelay $0x1  }
0x14e: {  	[sflag:s13] =	ssyncset.done @!p0 $0x0  }
0x14f: {  	[sflag:s13] =	ssyncadd.s32 @!p0 $0xFFFFFA60  }
0x150: {  	_ =	sfence.sel $0x180000  }
0x151: {  	[bflag:$0x0] =	sbarrier.arrive $0xFFFF  }
0x152: {  	_ =	strace $0x90000047  }
0x153: {  	s0 =	stileid.u32;
	[bflag:$0x2] =	sbarrier.arrive $0xFFFF  }
0x154: {  	p0 =	sne.s32 s0, $0x0;
	s0 =	rddreg [dreg:$0x3]  }
0x155: {  	s0 =	sadd.s32 @!p0 $0x100000, s0  }
0x156: {  	[sflag:s0] =	ssyncadd.tile.s32 @!p0 $0x1;
	_ =	shalt  }
.Lfunc_end2:
_tile_overlayer_lowered:
.L_overlay_start_2:
0x157: {  	(tag) =	ssettag $0x2  }
0x158: {  	s0 =	rddreg [dreg:$0x0];
	s2 =	stileid.u32  }
0x159: {  	s1 =	rddreg [dreg:$0x1];
	p0 =	sne.s32 s2, $0x0  }
0x15a: {  	s3 =	rddreg [dreg:$0x2];
	[bflag:$0x3] =	sbarrier.arrive $0xFFFF;
	s2 =	simm.s32 @!p0 $0x1C03  }
0x15b: {  	[timem:s3], [sflag:s2] =	dma.local @!p0 [hbm:s0], s1  }
0x15c: {  	s0 =	simm.s32 @!p0 $0x3  }
0x15d: {  	_ =	swait.ge @!p0 [sflag:s0], s1  }
0x15e: {  	s1 =	ssub.s32 @!p0 $0x0, s1;
	[sflag:s0] =	ssyncset.done @!p0 $0x0  }
0x15f: {  	[sflag:s0] =	ssyncadd.s32 @!p0 s1  }
0x160: {  	[bflag:$0x3] =	sbarrier.arrive $0xFFFF  }
0x161: {  	_ =	shalt  }

</sc_bundles>
